<compile_context>
chip_gen: v7x
topology: tpu7x:2x2x1
jax: 0.10.2.dev20260603
libtpu: 0.0.44.dev20260713+nightly
codegen_flags: <defaults>
</compile_context>

<pallas_src>
import functools

import jax
import jax.numpy as jnp
from jax import lax
from jax.experimental import pallas as pl
from jax.experimental.pallas import tpu as pltpu
from jax.experimental.pallas import tpu_sc as plsc

_GRP = 16
_LANE = 128
_NCHUNK = 1


def _sc_gather_cols(jobs):
    D = jobs[0][1].shape[0]
    info = plsc.get_sparse_core_info()
    NC, NS = info.num_cores, info.num_subcores
    NW = NC * NS
    bws = [idx.shape[0] // NW for idx, _ in jobs]

    mesh = plsc.VectorSubcoreMesh(core_axis_name="c", subcore_axis_name="s")

    @functools.partial(
        pl.kernel,
        out_type=tuple(
            jax.ShapeDtypeStruct((idx.shape[0], D), jnp.float32)
            for idx, _ in jobs),
        mesh=mesh,
        scratch_types=(
            [pltpu.VMEM((bw + _GRP,), jnp.int32) for bw in bws]
            + [pltpu.VMEM((_GRP, D, _LANE), jnp.float32)]
            + [pltpu.VMEM((bw, D), jnp.float32) for bw in bws]
            + [pltpu.SemaphoreType.DMA] * _GRP
        ),
        compiler_params=pltpu.CompilerParams(needs_layout_passes=False),
    )
    def gather_k(*refs):
        n = len(jobs)
        idx_hbms = refs[:n]
        tab_hbms = refs[n:2 * n]
        out_hbms = refs[2 * n:3 * n]
        idx_vs = refs[3 * n:4 * n]
        ring_v = refs[4 * n]
        out_vs = refs[4 * n + 1:5 * n + 1]
        sems = refs[5 * n + 1:5 * n + 1 + _GRP]

        wid = lax.axis_index("s") * NC + lax.axis_index("c")
        iota = lax.iota(jnp.int32, 16)
        d_lo = iota
        d_hi = iota + 16

        for j in range(n):
            base = pl.multiple_of(wid * bws[j], 8)
            pltpu.sync_copy(idx_hbms[j].at[pl.ds(base, bws[j])],
                            idx_vs[j].at[pl.ds(0, bws[j])])

        def slab(tab, idx16, k):
            cb = pl.multiple_of((idx16[k] >> 7) << 7, _LANE)
            return tab.at[:, pl.ds(cb, _LANE)]

        for j in range(n):
            tab, idx_v, out_v = tab_hbms[j], idx_vs[j], out_vs[j]
            n_grp = bws[j] // _GRP

            idx0 = idx_v[pl.ds(0, _GRP)]
            for k in range(_GRP):
                pltpu.async_copy(slab(tab, idx0, k), ring_v.at[k], sems[k])

            def group(gi, _, tab=tab, idx_v=idx_v, out_v=out_v,
                      n_grp=n_grp):
                cur = idx_v[pl.ds(gi * _GRP, _GRP)]
                nxt = idx_v[pl.ds((gi + 1) * _GRP, _GRP)]
                for k in range(_GRP):
                    pltpu.make_async_copy(tab.at[:, pl.ds(0, _LANE)],
                                          ring_v.at[k], sems[k]).wait()
                    o = cur[k] & (_LANE - 1)
                    slot_v = jnp.full((16,), k, jnp.int32)
                    col_v = jnp.full((16,), o, jnp.int32)
                    g_v = jnp.full((16,), gi * _GRP + k, jnp.int32)
                    lo = plsc.load_gather(ring_v, [slot_v, d_lo, col_v])
                    hi = plsc.load_gather(ring_v, [slot_v, d_hi, col_v])
                    plsc.store_scatter(out_v, [g_v, d_lo], lo)
                    plsc.store_scatter(out_v, [g_v, d_hi], hi)

                    @pl.when(gi + 1 < n_grp)
                    def _():
                        pltpu.async_copy(slab(tab, nxt, k),
                                         ring_v.at[k], sems[k])
                return _

            lax.fori_loop(0, n_grp, group, None)

        for j in range(n):
            base = pl.multiple_of(wid * bws[j], 8)
            pltpu.sync_copy(out_vs[j],
                            out_hbms[j].at[pl.ds(base, bws[j]), :])

    args = [idx for idx, _ in jobs] + [tab for _, tab in jobs]
    return gather_k(*args)


def _tc_matmul_chunk(big, p_c, q_i, c):
    B, D = q_i.shape
    L = p_c.shape[0]
    BM = 512
    nb = L // BM

    def body(*refs):
        p_ref, q_ref, o_ref = refs[-3], refs[-2], refs[-1]
        o_ref[...] = lax.dot_general(
            p_ref[...], q_ref[...],
            dimension_numbers=(((1,), (1,)), ((), ())),
            preferred_element_type=jnp.float32,
        )

    in_specs = [
        pl.BlockSpec((BM, D), lambda i: (i, 0)),
        pl.BlockSpec((B, D), lambda i: (0, 0)),
    ]
    inputs = (p_c, q_i)
    kwargs = {}
    if big is not None:
        in_specs = [pl.BlockSpec(memory_space=pl.ANY)] + in_specs
        inputs = (big,) + inputs
        kwargs["input_output_aliases"] = {0: 0}

    def out_map(i, c=c, nb=nb):
        return (c * nb + i, 0)

    return pl.pallas_call(
        body,
        grid=(nb,),
        in_specs=in_specs,
        out_specs=pl.BlockSpec((BM, B), out_map),
        out_shape=jax.ShapeDtypeStruct((B, B), jnp.float32),
        **kwargs,
    )(*inputs)


def kernel(user_id, item_id, user_embed, item_embed):
    uid = user_id.astype(jnp.int32)
    iid = item_id.astype(jnp.int32)
    uemb_t = user_embed.T
    iemb_t = item_embed.T
    B = uid.shape[0]
    L = B // _NCHUNK

    qi, pu0 = _sc_gather_cols([(iid, iemb_t), (uid[:L], uemb_t)])
    pus = [pu0] + [
        _sc_gather_cols([(uid[c * L:(c + 1) * L], uemb_t)])[0]
        for c in range(1, _NCHUNK)
    ]

    big = None
    for c in range(_NCHUNK):
        big = _tc_matmul_chunk(big, pus[c], qi, c)
    return big

# --- scband reference (transcript-rebuilt; emitter-appended) ---
"""Pipeline reference for scband-rating-model-42786464203207 (READ-ONLY COPY).

The authoritative reference and input builder live on the scoring server;
editing this copy changes nothing except your own understanding.
"""

import jax, jax.numpy as jnp
import numpy as np

N_USERS = 1000000
N_ITEMS = 1000000
N_FACTORS = 32
BATCH = 4096


def setup_inputs(seed: int = 0) -> dict:
    key = jax.random.key(seed)
    k1, k2, k3, k4 = jax.random.split(key, 4)
    user_id = jax.random.randint(k1, (BATCH,), 0, N_USERS, dtype=jnp.int64 if jax.config.jax_enable_x64 else jnp.int32)
    item_id = jax.random.randint(k2, (BATCH,), 0, N_ITEMS, dtype=jnp.int64 if jax.config.jax_enable_x64 else jnp.int32)
    user_embed = jax.random.normal(k3, (N_USERS, N_FACTORS), dtype=jnp.float32) * 0.02
    item_embed = jax.random.normal(k4, (N_ITEMS, N_FACTORS), dtype=jnp.float32) * 0.02
    return {"user_id": user_id, "item_id": item_id, "user_embed": user_embed, "item_embed": item_embed}


def reference(user_id, item_id, user_embed, item_embed):
    # P_u = self.user_embed(user_id)
    P_u = jnp.take(user_embed, user_id, axis=0)
    # Q_i = self.item_embed(item_id)
    Q_i = jnp.take(item_embed, item_id, axis=0)
    # scores = P_u @ Q_i.T  -> (batch, batch)
    return jnp.matmul(P_u, Q_i.T)

if __name__ == "__main__":
    import jax
    _d = setup_inputs()
    print(jax.jit(kernel)(*tuple(_d.values())))

</pallas_src>

<mosaic_0001>
#map = affine_map<(d0, d1) -> (0)>
#map1 = affine_map<(d0, d1) -> (0, 0)>
module attributes {stable_mosaic.version = 14 : i64} {
  func.func @gather_k(%arg0: i32, %arg1: i32, %arg2: memref<4096xi32, #tpu.memory_space<hbm>>, %arg3: memref<4096xi32, #tpu.memory_space<hbm>>, %arg4: memref<32x1000000xf32, #tpu.memory_space<hbm>>, %arg5: memref<32x1000000xf32, #tpu.memory_space<hbm>>, %arg6: memref<4096x32xf32, #tpu.memory_space<hbm>>, %arg7: memref<4096x32xf32, #tpu.memory_space<hbm>>, %arg8: memref<144xi32, #tpu.memory_space<vmem>>, %arg9: memref<144xi32, #tpu.memory_space<vmem>>, %arg10: memref<16x32x128xf32, #tpu.memory_space<vmem>>, %arg11: memref<128x32xf32, #tpu.memory_space<vmem>>, %arg12: memref<128x32xf32, #tpu.memory_space<vmem>>, %arg13: memref<!tpu.dma_semaphore, #tpu.memory_space<semaphore_mem>>, %arg14: memref<!tpu.dma_semaphore, #tpu.memory_space<semaphore_mem>>, %arg15: memref<!tpu.dma_semaphore, #tpu.memory_space<semaphore_mem>>, %arg16: memref<!tpu.dma_semaphore, #tpu.memory_space<semaphore_mem>>, %arg17: memref<!tpu.dma_semaphore, #tpu.memory_space<semaphore_mem>>, %arg18: memref<!tpu.dma_semaphore, #tpu.memory_space<semaphore_mem>>, %arg19: memref<!tpu.dma_semaphore, #tpu.memory_space<semaphore_mem>>, %arg20: memref<!tpu.dma_semaphore, #tpu.memory_space<semaphore_mem>>, %arg21: memref<!tpu.dma_semaphore, #tpu.memory_space<semaphore_mem>>, %arg22: memref<!tpu.dma_semaphore, #tpu.memory_space<semaphore_mem>>, %arg23: memref<!tpu.dma_semaphore, #tpu.memory_space<semaphore_mem>>, %arg24: memref<!tpu.dma_semaphore, #tpu.memory_space<semaphore_mem>>, %arg25: memref<!tpu.dma_semaphore, #tpu.memory_space<semaphore_mem>>, %arg26: memref<!tpu.dma_semaphore, #tpu.memory_space<semaphore_mem>>, %arg27: memref<!tpu.dma_semaphore, #tpu.memory_space<semaphore_mem>>, %arg28: memref<!tpu.dma_semaphore, #tpu.memory_space<semaphore_mem>>) attributes {dimension_semantics = [#tpu.dimension_semantics<core_parallel>, #tpu.dimension_semantics<subcore_parallel>], iteration_bounds = array<i64: 2, 16>, scalar_prefetch = 0 : i64, scratch_operands = 21 : i64, tpu.core_type = #tpu.core_type<sc_vector_subcore>, window_params = [{transform_indices = #map}, {transform_indices = #map}, {transform_indices = #map1}, {transform_indices = #map1}, {transform_indices = #map1}, {transform_indices = #map1}]} {
    %mul3A = arith.constant 2 : i32
    %mul3A_0 = arith.muli %arg1, %mul3A : i32
    %add3A = arith.addi %mul3A_0, %arg0 : i32
    %iota3A = tpu.iota {dimensions = array<i32: 0>} : vector<16xi32>
    %add3A_1 = arith.constant 16 : i32
    %add3A_2 = vector.broadcast %add3A_1 : i32 to vector<16xi32>
    %add3A_3 = arith.addi %iota3A, %add3A_2 : vector<16xi32>
    %mul3A_4 = arith.constant 128 : i32
    %mul3A_5 = arith.muli %add3A, %mul3A_4 : i32
    %multiple_of3A = tpu.assume_multiple %mul3A_5, 8 : i32
    "tpu.region"() ({
      %run_scoped3A = tpu.sem_alloc : memref<!tpu.dma_semaphore, #tpu.memory_space<semaphore_mem>>
      %dma_start3A_662 = arith.constant 0 : i32
      %dma_start3A_663 = tpu.memref_slice %arg8[%dma_start3A_662] : memref<144xi32, #tpu.memory_space<vmem>> -> memref<128xi32, #tpu.memory_space<vmem>>
      %dma_start3A_664 = tpu.memref_slice %arg2[%multiple_of3A] : memref<4096xi32, #tpu.memory_space<hbm>> -> memref<128xi32, #tpu.memory_space<hbm>>
      %dma_start3A_665 = arith.constant 0 : i32
      %dma_start3A_666 = tpu.memref_slice %arg8[%dma_start3A_665] : memref<144xi32, #tpu.memory_space<vmem>> -> memref<128xi32, #tpu.memory_space<vmem>>
      %dma_start3A_667 = tpu.memref_slice %arg2[%multiple_of3A] : memref<4096xi32, #tpu.memory_space<hbm>> -> memref<128xi32, #tpu.memory_space<hbm>>
      tpu.enqueue_dma source(%dma_start3A_667 : memref<128xi32, #tpu.memory_space<hbm>>) target(%dma_start3A_666 : memref<128xi32, #tpu.memory_space<vmem>>) target_semaphore(%run_scoped3A : memref<!tpu.dma_semaphore, #tpu.memory_space<semaphore_mem>>)
      %dma_wait3A = arith.constant 0 : i32
      %dma_wait3A_668 = tpu.memref_slice %arg8[%dma_wait3A] : memref<144xi32, #tpu.memory_space<vmem>> -> memref<128xi32, #tpu.memory_space<vmem>>
      %dma_wait3A_669 = tpu.memref_slice %arg2[%multiple_of3A] : memref<4096xi32, #tpu.memory_space<hbm>> -> memref<128xi32, #tpu.memory_space<hbm>>
      %dma_wait3A_670 = arith.constant 0 : i32
      %dma_wait3A_671 = tpu.memref_slice %arg8[%dma_wait3A_670] : memref<144xi32, #tpu.memory_space<vmem>> -> memref<128xi32, #tpu.memory_space<vmem>>
      %dma_wait3A_672 = tpu.memref_slice %arg2[%multiple_of3A] : memref<4096xi32, #tpu.memory_space<hbm>> -> memref<128xi32, #tpu.memory_space<hbm>>
      tpu.wait_dma2 semaphore(%run_scoped3A : memref<!tpu.dma_semaphore, #tpu.memory_space<semaphore_mem>>) src(%dma_wait3A_672 : memref<128xi32, #tpu.memory_space<hbm>>) dst(%dma_wait3A_671 : memref<128xi32, #tpu.memory_space<vmem>>)
      tpu.yield
    }) : () -> ()
    %mul3A_6 = arith.constant 128 : i32
    %mul3A_7 = arith.muli %add3A, %mul3A_6 : i32
    %multiple_of3A_8 = tpu.assume_multiple %mul3A_7, 8 : i32
    "tpu.region"() ({
      %run_scoped3A = tpu.sem_alloc : memref<!tpu.dma_semaphore, #tpu.memory_space<semaphore_mem>>
      %dma_start3A_662 = arith.constant 0 : i32
      %dma_start3A_663 = tpu.memref_slice %arg9[%dma_start3A_662] : memref<144xi32, #tpu.memory_space<vmem>> -> memref<128xi32, #tpu.memory_space<vmem>>
      %dma_start3A_664 = tpu.memref_slice %arg3[%multiple_of3A_8] : memref<4096xi32, #tpu.memory_space<hbm>> -> memref<128xi32, #tpu.memory_space<hbm>>
      %dma_start3A_665 = arith.constant 0 : i32
      %dma_start3A_666 = tpu.memref_slice %arg9[%dma_start3A_665] : memref<144xi32, #tpu.memory_space<vmem>> -> memref<128xi32, #tpu.memory_space<vmem>>
      %dma_start3A_667 = tpu.memref_slice %arg3[%multiple_of3A_8] : memref<4096xi32, #tpu.memory_space<hbm>> -> memref<128xi32, #tpu.memory_space<hbm>>
      tpu.enqueue_dma source(%dma_start3A_667 : memref<128xi32, #tpu.memory_space<hbm>>) target(%dma_start3A_666 : memref<128xi32, #tpu.memory_space<vmem>>) target_semaphore(%run_scoped3A : memref<!tpu.dma_semaphore, #tpu.memory_space<semaphore_mem>>)
      %dma_wait3A = arith.constant 0 : i32
      %dma_wait3A_668 = tpu.memref_slice %arg9[%dma_wait3A] : memref<144xi32, #tpu.memory_space<vmem>> -> memref<128xi32, #tpu.memory_space<vmem>>
      %dma_wait3A_669 = tpu.memref_slice %arg3[%multiple_of3A_8] : memref<4096xi32, #tpu.memory_space<hbm>> -> memref<128xi32, #tpu.memory_space<hbm>>
      %dma_wait3A_670 = arith.constant 0 : i32
      %dma_wait3A_671 = tpu.memref_slice %arg9[%dma_wait3A_670] : memref<144xi32, #tpu.memory_space<vmem>> -> memref<128xi32, #tpu.memory_space<vmem>>
      %dma_wait3A_672 = tpu.memref_slice %arg3[%multiple_of3A_8] : memref<4096xi32, #tpu.memory_space<hbm>> -> memref<128xi32, #tpu.memory_space<hbm>>
      tpu.wait_dma2 semaphore(%run_scoped3A : memref<!tpu.dma_semaphore, #tpu.memory_space<semaphore_mem>>) src(%dma_wait3A_672 : memref<128xi32, #tpu.memory_space<hbm>>) dst(%dma_wait3A_671 : memref<128xi32, #tpu.memory_space<vmem>>)
      tpu.yield
    }) : () -> ()
    %get3A = arith.constant 0 : index
    %get3A_9 = tpu.vector_load %arg8[%get3A] {strides = array<i32>} : memref<144xi32, #tpu.memory_space<vmem>>, vector<16xi32>,
    %slice3A = vector.extract_strided_slice %get3A_9 {offsets = [0], sizes = [1], strides = [1]} : vector<16xi32> to vector<1xi32>
    %squeeze3A = vector.extract %slice3A[0] : i32 from vector<1xi32>
    %shift_right_arithmetic3A = arith.constant 7 : i32
    %shift_right_arithmetic3A_10 = arith.shrsi %squeeze3A, %shift_right_arithmetic3A : i32
    %shift_left3A = arith.constant 7 : i32
    %shift_left3A_11 = arith.shli %shift_right_arithmetic3A_10, %shift_left3A : i32
    %multiple_of3A_12 = tpu.assume_multiple %shift_left3A_11, 128 : i32
    %dma_start3A = arith.constant 0 : i32
    %dma_start3A_13 = arith.constant 0 : i32
    %dma_start3A_14 = arith.constant 0 : i32
    %dma_start3A_15 = tpu.memref_slice %arg10[%dma_start3A, %dma_start3A_13, %dma_start3A_14] : memref<16x32x128xf32, #tpu.memory_space<vmem>> -> memref<1x32x128xf32, #tpu.memory_space<vmem>>
    %dma_start3A_16 = tpu.memref_squeeze %dma_start3A_15 : memref<1x32x128xf32, #tpu.memory_space<vmem>> -> memref<32x128xf32, #tpu.memory_space<vmem>>
    %dma_start3A_17 = arith.constant 0 : i32
    %dma_start3A_18 = tpu.memref_slice %arg4[%dma_start3A_17, %multiple_of3A_12] : memref<32x1000000xf32, #tpu.memory_space<hbm>> -> memref<32x128xf32, #tpu.memory_space<hbm>>
    %dma_start3A_19 = arith.constant 0 : i32
    %dma_start3A_20 = arith.constant 0 : i32
    %dma_start3A_21 = tpu.memref_slice %arg10[%dma_start3A, %dma_start3A_19, %dma_start3A_20] : memref<16x32x128xf32, #tpu.memory_space<vmem>> -> memref<1x32x128xf32, #tpu.memory_space<vmem>>
    %dma_start3A_22 = tpu.memref_squeeze %dma_start3A_21 : memref<1x32x128xf32, #tpu.memory_space<vmem>> -> memref<32x128xf32, #tpu.memory_space<vmem>>
    %dma_start3A_23 = arith.constant 0 : i32
    %dma_start3A_24 = tpu.memref_slice %arg4[%dma_start3A_23, %multiple_of3A_12] : memref<32x1000000xf32, #tpu.memory_space<hbm>> -> memref<32x128xf32, #tpu.memory_space<hbm>>
    tpu.enqueue_dma source(%dma_start3A_24 : memref<32x128xf32, #tpu.memory_space<hbm>>) target(%dma_start3A_22 : memref<32x128xf32, #tpu.memory_space<vmem>>) target_semaphore(%arg13 : memref<!tpu.dma_semaphore, #tpu.memory_space<semaphore_mem>>)
    %slice3A_25 = vector.extract_strided_slice %get3A_9 {offsets = [1], sizes = [1], strides = [1]} : vector<16xi32> to vector<1xi32>
    %squeeze3A_26 = vector.extract %slice3A_25[0] : i32 from vector<1xi32>
    %shift_right_arithmetic3A_27 = arith.constant 7 : i32
    %shift_right_arithmetic3A_28 = arith.shrsi %squeeze3A_26, %shift_right_arithmetic3A_27 : i32
    %shift_left3A_29 = arith.constant 7 : i32
    %shift_left3A_30 = arith.shli %shift_right_arithmetic3A_28, %shift_left3A_29 : i32
    %multiple_of3A_31 = tpu.assume_multiple %shift_left3A_30, 128 : i32
    %dma_start3A_32 = arith.constant 1 : i32
    %dma_start3A_33 = arith.constant 0 : i32
    %dma_start3A_34 = arith.constant 0 : i32
    %dma_start3A_35 = tpu.memref_slice %arg10[%dma_start3A_32, %dma_start3A_33, %dma_start3A_34] : memref<16x32x128xf32, #tpu.memory_space<vmem>> -> memref<1x32x128xf32, #tpu.memory_space<vmem>>
    %dma_start3A_36 = tpu.memref_squeeze %dma_start3A_35 : memref<1x32x128xf32, #tpu.memory_space<vmem>> -> memref<32x128xf32, #tpu.memory_space<vmem>>
    %dma_start3A_37 = arith.constant 0 : i32
    %dma_start3A_38 = tpu.memref_slice %arg4[%dma_start3A_37, %multiple_of3A_31] : memref<32x1000000xf32, #tpu.memory_space<hbm>> -> memref<32x128xf32, #tpu.memory_space<hbm>>
    %dma_start3A_39 = arith.constant 0 : i32
    %dma_start3A_40 = arith.constant 0 : i32
    %dma_start3A_41 = tpu.memref_slice %arg10[%dma_start3A_32, %dma_start3A_39, %dma_start3A_40] : memref<16x32x128xf32, #tpu.memory_space<vmem>> -> memref<1x32x128xf32, #tpu.memory_space<vmem>>
    %dma_start3A_42 = tpu.memref_squeeze %dma_start3A_41 : memref<1x32x128xf32, #tpu.memory_space<vmem>> -> memref<32x128xf32, #tpu.memory_space<vmem>>
    %dma_start3A_43 = arith.constant 0 : i32
    %dma_start3A_44 = tpu.memref_slice %arg4[%dma_start3A_43, %multiple_of3A_31] : memref<32x1000000xf32, #tpu.memory_space<hbm>> -> memref<32x128xf32, #tpu.memory_space<hbm>>
    tpu.enqueue_dma source(%dma_start3A_44 : memref<32x128xf32, #tpu.memory_space<hbm>>) target(%dma_start3A_42 : memref<32x128xf32, #tpu.memory_space<vmem>>) target_semaphore(%arg14 : memref<!tpu.dma_semaphore, #tpu.memory_space<semaphore_mem>>)
    %slice3A_45 = vector.extract_strided_slice %get3A_9 {offsets = [2], sizes = [1], strides = [1]} : vector<16xi32> to vector<1xi32>
    %squeeze3A_46 = vector.extract %slice3A_45[0] : i32 from vector<1xi32>
    %shift_right_arithmetic3A_47 = arith.constant 7 : i32
    %shift_right_arithmetic3A_48 = arith.shrsi %squeeze3A_46, %shift_right_arithmetic3A_47 : i32
    %shift_left3A_49 = arith.constant 7 : i32
    %shift_left3A_50 = arith.shli %shift_right_arithmetic3A_48, %shift_left3A_49 : i32
    %multiple_of3A_51 = tpu.assume_multiple %shift_left3A_50, 128 : i32
    %dma_start3A_52 = arith.constant 2 : i32
    %dma_start3A_53 = arith.constant 0 : i32
    %dma_start3A_54 = arith.constant 0 : i32
    %dma_start3A_55 = tpu.memref_slice %arg10[%dma_start3A_52, %dma_start3A_53, %dma_start3A_54] : memref<16x32x128xf32, #tpu.memory_space<vmem>> -> memref<1x32x128xf32, #tpu.memory_space<vmem>>
    %dma_start3A_56 = tpu.memref_squeeze %dma_start3A_55 : memref<1x32x128xf32, #tpu.memory_space<vmem>> -> memref<32x128xf32, #tpu.memory_space<vmem>>
    %dma_start3A_57 = arith.constant 0 : i32
    %dma_start3A_58 = tpu.memref_slice %arg4[%dma_start3A_57, %multiple_of3A_51] : memref<32x1000000xf32, #tpu.memory_space<hbm>> -> memref<32x128xf32, #tpu.memory_space<hbm>>
    %dma_start3A_59 = arith.constant 0 : i32
    %dma_start3A_60 = arith.constant 0 : i32
    %dma_start3A_61 = tpu.memref_slice %arg10[%dma_start3A_52, %dma_start3A_59, %dma_start3A_60] : memref<16x32x128xf32, #tpu.memory_space<vmem>> -> memref<1x32x128xf32, #tpu.memory_space<vmem>>
    %dma_start3A_62 = tpu.memref_squeeze %dma_start3A_61 : memref<1x32x128xf32, #tpu.memory_space<vmem>> -> memref<32x128xf32, #tpu.memory_space<vmem>>
    %dma_start3A_63 = arith.constant 0 : i32
    %dma_start3A_64 = tpu.memref_slice %arg4[%dma_start3A_63, %multiple_of3A_51] : memref<32x1000000xf32, #tpu.memory_space<hbm>> -> memref<32x128xf32, #tpu.memory_space<hbm>>
    tpu.enqueue_dma source(%dma_start3A_64 : memref<32x128xf32, #tpu.memory_space<hbm>>) target(%dma_start3A_62 : memref<32x128xf32, #tpu.memory_space<vmem>>) target_semaphore(%arg15 : memref<!tpu.dma_semaphore, #tpu.memory_space<semaphore_mem>>)
    %slice3A_65 = vector.extract_strided_slice %get3A_9 {offsets = [3], sizes = [1], strides = [1]} : vector<16xi32> to vector<1xi32>
    %squeeze3A_66 = vector.extract %slice3A_65[0] : i32 from vector<1xi32>
    %shift_right_arithmetic3A_67 = arith.constant 7 : i32
    %shift_right_arithmetic3A_68 = arith.shrsi %squeeze3A_66, %shift_right_arithmetic3A_67 : i32
    %shift_left3A_69 = arith.constant 7 : i32
    %shift_left3A_70 = arith.shli %shift_right_arithmetic3A_68, %shift_left3A_69 : i32
    %multiple_of3A_71 = tpu.assume_multiple %shift_left3A_70, 128 : i32
    %dma_start3A_72 = arith.constant 3 : i32
    %dma_start3A_73 = arith.constant 0 : i32
    %dma_start3A_74 = arith.constant 0 : i32
    %dma_start3A_75 = tpu.memref_slice %arg10[%dma_start3A_72, %dma_start3A_73, %dma_start3A_74] : memref<16x32x128xf32, #tpu.memory_space<vmem>> -> memref<1x32x128xf32, #tpu.memory_space<vmem>>
    %dma_start3A_76 = tpu.memref_squeeze %dma_start3A_75 : memref<1x32x128xf32, #tpu.memory_space<vmem>> -> memref<32x128xf32, #tpu.memory_space<vmem>>
    %dma_start3A_77 = arith.constant 0 : i32
    %dma_start3A_78 = tpu.memref_slice %arg4[%dma_start3A_77, %multiple_of3A_71] : memref<32x1000000xf32, #tpu.memory_space<hbm>> -> memref<32x128xf32, #tpu.memory_space<hbm>>
    %dma_start3A_79 = arith.constant 0 : i32
    %dma_start3A_80 = arith.constant 0 : i32
    %dma_start3A_81 = tpu.memref_slice %arg10[%dma_start3A_72, %dma_start3A_79, %dma_start3A_80] : memref<16x32x128xf32, #tpu.memory_space<vmem>> -> memref<1x32x128xf32, #tpu.memory_space<vmem>>
    %dma_start3A_82 = tpu.memref_squeeze %dma_start3A_81 : memref<1x32x128xf32, #tpu.memory_space<vmem>> -> memref<32x128xf32, #tpu.memory_space<vmem>>
    %dma_start3A_83 = arith.constant 0 : i32
    %dma_start3A_84 = tpu.memref_slice %arg4[%dma_start3A_83, %multiple_of3A_71] : memref<32x1000000xf32, #tpu.memory_space<hbm>> -> memref<32x128xf32, #tpu.memory_space<hbm>>
    tpu.enqueue_dma source(%dma_start3A_84 : memref<32x128xf32, #tpu.memory_space<hbm>>) target(%dma_start3A_82 : memref<32x128xf32, #tpu.memory_space<vmem>>) target_semaphore(%arg16 : memref<!tpu.dma_semaphore, #tpu.memory_space<semaphore_mem>>)
    %slice3A_85 = vector.extract_strided_slice %get3A_9 {offsets = [4], sizes = [1], strides = [1]} : vector<16xi32> to vector<1xi32>
    %squeeze3A_86 = vector.extract %slice3A_85[0] : i32 from vector<1xi32>
    %shift_right_arithmetic3A_87 = arith.constant 7 : i32
    %shift_right_arithmetic3A_88 = arith.shrsi %squeeze3A_86, %shift_right_arithmetic3A_87 : i32
    %shift_left3A_89 = arith.constant 7 : i32
    %shift_left3A_90 = arith.shli %shift_right_arithmetic3A_88, %shift_left3A_89 : i32
    %multiple_of3A_91 = tpu.assume_multiple %shift_left3A_90, 128 : i32
    %dma_start3A_92 = arith.constant 4 : i32
    %dma_start3A_93 = arith.constant 0 : i32
    %dma_start3A_94 = arith.constant 0 : i32
    %dma_start3A_95 = tpu.memref_slice %arg10[%dma_start3A_92, %dma_start3A_93, %dma_start3A_94] : memref<16x32x128xf32, #tpu.memory_space<vmem>> -> memref<1x32x128xf32, #tpu.memory_space<vmem>>
    %dma_start3A_96 = tpu.memref_squeeze %dma_start3A_95 : memref<1x32x128xf32, #tpu.memory_space<vmem>> -> memref<32x128xf32, #tpu.memory_space<vmem>>
    %dma_start3A_97 = arith.constant 0 : i32
    %dma_start3A_98 = tpu.memref_slice %arg4[%dma_start3A_97, %multiple_of3A_91] : memref<32x1000000xf32, #tpu.memory_space<hbm>> -> memref<32x128xf32, #tpu.memory_space<hbm>>
    %dma_start3A_99 = arith.constant 0 : i32
    %dma_start3A_100 = arith.constant 0 : i32
    %dma_start3A_101 = tpu.memref_slice %arg10[%dma_start3A_92, %dma_start3A_99, %dma_start3A_100] : memref<16x32x128xf32, #tpu.memory_space<vmem>> -> memref<1x32x128xf32, #tpu.memory_space<vmem>>
    %dma_start3A_102 = tpu.memref_squeeze %dma_start3A_101 : memref<1x32x128xf32, #tpu.memory_space<vmem>> -> memref<32x128xf32, #tpu.memory_space<vmem>>
    %dma_start3A_103 = arith.constant 0 : i32
    %dma_start3A_104 = tpu.memref_slice %arg4[%dma_start3A_103, %multiple_of3A_91] : memref<32x1000000xf32, #tpu.memory_space<hbm>> -> memref<32x128xf32, #tpu.memory_space<hbm>>
    tpu.enqueue_dma source(%dma_start3A_104 : memref<32x128xf32, #tpu.memory_space<hbm>>) target(%dma_start3A_102 : memref<32x128xf32, #tpu.memory_space<vmem>>) target_semaphore(%arg17 : memref<!tpu.dma_semaphore, #tpu.memory_space<semaphore_mem>>)
    %slice3A_105 = vector.extract_strided_slice %get3A_9 {offsets = [5], sizes = [1], strides = [1]} : vector<16xi32> to vector<1xi32>
    %squeeze3A_106 = vector.extract %slice3A_105[0] : i32 from vector<1xi32>
    %shift_right_arithmetic3A_107 = arith.constant 7 : i32
    %shift_right_arithmetic3A_108 = arith.shrsi %squeeze3A_106, %shift_right_arithmetic3A_107 : i32
    %shift_left3A_109 = arith.constant 7 : i32
    %shift_left3A_110 = arith.shli %shift_right_arithmetic3A_108, %shift_left3A_109 : i32
    %multiple_of3A_111 = tpu.assume_multiple %shift_left3A_110, 128 : i32
    %dma_start3A_112 = arith.constant 5 : i32
    %dma_start3A_113 = arith.constant 0 : i32
    %dma_start3A_114 = arith.constant 0 : i32
    %dma_start3A_115 = tpu.memref_slice %arg10[%dma_start3A_112, %dma_start3A_113, %dma_start3A_114] : memref<16x32x128xf32, #tpu.memory_space<vmem>> -> memref<1x32x128xf32, #tpu.memory_space<vmem>>
    %dma_start3A_116 = tpu.memref_squeeze %dma_start3A_115 : memref<1x32x128xf32, #tpu.memory_space<vmem>> -> memref<32x128xf32, #tpu.memory_space<vmem>>
    %dma_start3A_117 = arith.constant 0 : i32
    %dma_start3A_118 = tpu.memref_slice %arg4[%dma_start3A_117, %multiple_of3A_111] : memref<32x1000000xf32, #tpu.memory_space<hbm>> -> memref<32x128xf32, #tpu.memory_space<hbm>>
    %dma_start3A_119 = arith.constant 0 : i32
    %dma_start3A_120 = arith.constant 0 : i32
    %dma_start3A_121 = tpu.memref_slice %arg10[%dma_start3A_112, %dma_start3A_119, %dma_start3A_120] : memref<16x32x128xf32, #tpu.memory_space<vmem>> -> memref<1x32x128xf32, #tpu.memory_space<vmem>>
    %dma_start3A_122 = tpu.memref_squeeze %dma_start3A_121 : memref<1x32x128xf32, #tpu.memory_space<vmem>> -> memref<32x128xf32, #tpu.memory_space<vmem>>
    %dma_start3A_123 = arith.constant 0 : i32
    %dma_start3A_124 = tpu.memref_slice %arg4[%dma_start3A_123, %multiple_of3A_111] : memref<32x1000000xf32, #tpu.memory_space<hbm>> -> memref<32x128xf32, #tpu.memory_space<hbm>>
    tpu.enqueue_dma source(%dma_start3A_124 : memref<32x128xf32, #tpu.memory_space<hbm>>) target(%dma_start3A_122 : memref<32x128xf32, #tpu.memory_space<vmem>>) target_semaphore(%arg18 : memref<!tpu.dma_semaphore, #tpu.memory_space<semaphore_mem>>)
    %slice3A_125 = vector.extract_strided_slice %get3A_9 {offsets = [6], sizes = [1], strides = [1]} : vector<16xi32> to vector<1xi32>
    %squeeze3A_126 = vector.extract %slice3A_125[0] : i32 from vector<1xi32>
    %shift_right_arithmetic3A_127 = arith.constant 7 : i32
    %shift_right_arithmetic3A_128 = arith.shrsi %squeeze3A_126, %shift_right_arithmetic3A_127 : i32
    %shift_left3A_129 = arith.constant 7 : i32
    %shift_left3A_130 = arith.shli %shift_right_arithmetic3A_128, %shift_left3A_129 : i32
    %multiple_of3A_131 = tpu.assume_multiple %shift_left3A_130, 128 : i32
    %dma_start3A_132 = arith.constant 6 : i32
    %dma_start3A_133 = arith.constant 0 : i32
    %dma_start3A_134 = arith.constant 0 : i32
    %dma_start3A_135 = tpu.memref_slice %arg10[%dma_start3A_132, %dma_start3A_133, %dma_start3A_134] : memref<16x32x128xf32, #tpu.memory_space<vmem>> -> memref<1x32x128xf32, #tpu.memory_space<vmem>>
    %dma_start3A_136 = tpu.memref_squeeze %dma_start3A_135 : memref<1x32x128xf32, #tpu.memory_space<vmem>> -> memref<32x128xf32, #tpu.memory_space<vmem>>
    %dma_start3A_137 = arith.constant 0 : i32
    %dma_start3A_138 = tpu.memref_slice %arg4[%dma_start3A_137, %multiple_of3A_131] : memref<32x1000000xf32, #tpu.memory_space<hbm>> -> memref<32x128xf32, #tpu.memory_space<hbm>>
    %dma_start3A_139 = arith.constant 0 : i32
    %dma_start3A_140 = arith.constant 0 : i32
    %dma_start3A_141 = tpu.memref_slice %arg10[%dma_start3A_132, %dma_start3A_139, %dma_start3A_140] : memref<16x32x128xf32, #tpu.memory_space<vmem>> -> memref<1x32x128xf32, #tpu.memory_space<vmem>>
    %dma_start3A_142 = tpu.memref_squeeze %dma_start3A_141 : memref<1x32x128xf32, #tpu.memory_space<vmem>> -> memref<32x128xf32, #tpu.memory_space<vmem>>
    %dma_start3A_143 = arith.constant 0 : i32
    %dma_start3A_144 = tpu.memref_slice %arg4[%dma_start3A_143, %multiple_of3A_131] : memref<32x1000000xf32, #tpu.memory_space<hbm>> -> memref<32x128xf32, #tpu.memory_space<hbm>>
    tpu.enqueue_dma source(%dma_start3A_144 : memref<32x128xf32, #tpu.memory_space<hbm>>) target(%dma_start3A_142 : memref<32x128xf32, #tpu.memory_space<vmem>>) target_semaphore(%arg19 : memref<!tpu.dma_semaphore, #tpu.memory_space<semaphore_mem>>)
    %slice3A_145 = vector.extract_strided_slice %get3A_9 {offsets = [7], sizes = [1], strides = [1]} : vector<16xi32> to vector<1xi32>
    %squeeze3A_146 = vector.extract %slice3A_145[0] : i32 from vector<1xi32>
    %shift_right_arithmetic3A_147 = arith.constant 7 : i32
    %shift_right_arithmetic3A_148 = arith.shrsi %squeeze3A_146, %shift_right_arithmetic3A_147 : i32
    %shift_left3A_149 = arith.constant 7 : i32
    %shift_left3A_150 = arith.shli %shift_right_arithmetic3A_148, %shift_left3A_149 : i32
    %multiple_of3A_151 = tpu.assume_multiple %shift_left3A_150, 128 : i32
    %dma_start3A_152 = arith.constant 7 : i32
    %dma_start3A_153 = arith.constant 0 : i32
    %dma_start3A_154 = arith.constant 0 : i32
    %dma_start3A_155 = tpu.memref_slice %arg10[%dma_start3A_152, %dma_start3A_153, %dma_start3A_154] : memref<16x32x128xf32, #tpu.memory_space<vmem>> -> memref<1x32x128xf32, #tpu.memory_space<vmem>>
    %dma_start3A_156 = tpu.memref_squeeze %dma_start3A_155 : memref<1x32x128xf32, #tpu.memory_space<vmem>> -> memref<32x128xf32, #tpu.memory_space<vmem>>
    %dma_start3A_157 = arith.constant 0 : i32
    %dma_start3A_158 = tpu.memref_slice %arg4[%dma_start3A_157, %multiple_of3A_151] : memref<32x1000000xf32, #tpu.memory_space<hbm>> -> memref<32x128xf32, #tpu.memory_space<hbm>>
    %dma_start3A_159 = arith.constant 0 : i32
    %dma_start3A_160 = arith.constant 0 : i32
    %dma_start3A_161 = tpu.memref_slice %arg10[%dma_start3A_152, %dma_start3A_159, %dma_start3A_160] : memref<16x32x128xf32, #tpu.memory_space<vmem>> -> memref<1x32x128xf32, #tpu.memory_space<vmem>>
    %dma_start3A_162 = tpu.memref_squeeze %dma_start3A_161 : memref<1x32x128xf32, #tpu.memory_space<vmem>> -> memref<32x128xf32, #tpu.memory_space<vmem>>
    %dma_start3A_163 = arith.constant 0 : i32
    %dma_start3A_164 = tpu.memref_slice %arg4[%dma_start3A_163, %multiple_of3A_151] : memref<32x1000000xf32, #tpu.memory_space<hbm>> -> memref<32x128xf32, #tpu.memory_space<hbm>>
    tpu.enqueue_dma source(%dma_start3A_164 : memref<32x128xf32, #tpu.memory_space<hbm>>) target(%dma_start3A_162 : memref<32x128xf32, #tpu.memory_space<vmem>>) target_semaphore(%arg20 : memref<!tpu.dma_semaphore, #tpu.memory_space<semaphore_mem>>)
    %slice3A_165 = vector.extract_strided_slice %get3A_9 {offsets = [8], sizes = [1], strides = [1]} : vector<16xi32> to vector<1xi32>
    %squeeze3A_166 = vector.extract %slice3A_165[0] : i32 from vector<1xi32>
    %shift_right_arithmetic3A_167 = arith.constant 7 : i32
    %shift_right_arithmetic3A_168 = arith.shrsi %squeeze3A_166, %shift_right_arithmetic3A_167 : i32
    %shift_left3A_169 = arith.constant 7 : i32
    %shift_left3A_170 = arith.shli %shift_right_arithmetic3A_168, %shift_left3A_169 : i32
    %multiple_of3A_171 = tpu.assume_multiple %shift_left3A_170, 128 : i32
    %dma_start3A_172 = arith.constant 8 : i32
    %dma_start3A_173 = arith.constant 0 : i32
    %dma_start3A_174 = arith.constant 0 : i32
    %dma_start3A_175 = tpu.memref_slice %arg10[%dma_start3A_172, %dma_start3A_173, %dma_start3A_174] : memref<16x32x128xf32, #tpu.memory_space<vmem>> -> memref<1x32x128xf32, #tpu.memory_space<vmem>>
    %dma_start3A_176 = tpu.memref_squeeze %dma_start3A_175 : memref<1x32x128xf32, #tpu.memory_space<vmem>> -> memref<32x128xf32, #tpu.memory_space<vmem>>
    %dma_start3A_177 = arith.constant 0 : i32
    %dma_start3A_178 = tpu.memref_slice %arg4[%dma_start3A_177, %multiple_of3A_171] : memref<32x1000000xf32, #tpu.memory_space<hbm>> -> memref<32x128xf32, #tpu.memory_space<hbm>>
    %dma_start3A_179 = arith.constant 0 : i32
    %dma_start3A_180 = arith.constant 0 : i32
    %dma_start3A_181 = tpu.memref_slice %arg10[%dma_start3A_172, %dma_start3A_179, %dma_start3A_180] : memref<16x32x128xf32, #tpu.memory_space<vmem>> -> memref<1x32x128xf32, #tpu.memory_space<vmem>>
    %dma_start3A_182 = tpu.memref_squeeze %dma_start3A_181 : memref<1x32x128xf32, #tpu.memory_space<vmem>> -> memref<32x128xf32, #tpu.memory_space<vmem>>
    %dma_start3A_183 = arith.constant 0 : i32
    %dma_start3A_184 = tpu.memref_slice %arg4[%dma_start3A_183, %multiple_of3A_171] : memref<32x1000000xf32, #tpu.memory_space<hbm>> -> memref<32x128xf32, #tpu.memory_space<hbm>>
    tpu.enqueue_dma source(%dma_start3A_184 : memref<32x128xf32, #tpu.memory_space<hbm>>) target(%dma_start3A_182 : memref<32x128xf32, #tpu.memory_space<vmem>>) target_semaphore(%arg21 : memref<!tpu.dma_semaphore, #tpu.memory_space<semaphore_mem>>)
    %slice3A_185 = vector.extract_strided_slice %get3A_9 {offsets = [9], sizes = [1], strides = [1]} : vector<16xi32> to vector<1xi32>
    %squeeze3A_186 = vector.extract %slice3A_185[0] : i32 from vector<1xi32>
    %shift_right_arithmetic3A_187 = arith.constant 7 : i32
    %shift_right_arithmetic3A_188 = arith.shrsi %squeeze3A_186, %shift_right_arithmetic3A_187 : i32
    %shift_left3A_189 = arith.constant 7 : i32
    %shift_left3A_190 = arith.shli %shift_right_arithmetic3A_188, %shift_left3A_189 : i32
    %multiple_of3A_191 = tpu.assume_multiple %shift_left3A_190, 128 : i32
    %dma_start3A_192 = arith.constant 9 : i32
    %dma_start3A_193 = arith.constant 0 : i32
    %dma_start3A_194 = arith.constant 0 : i32
    %dma_start3A_195 = tpu.memref_slice %arg10[%dma_start3A_192, %dma_start3A_193, %dma_start3A_194] : memref<16x32x128xf32, #tpu.memory_space<vmem>> -> memref<1x32x128xf32, #tpu.memory_space<vmem>>
    %dma_start3A_196 = tpu.memref_squeeze %dma_start3A_195 : memref<1x32x128xf32, #tpu.memory_space<vmem>> -> memref<32x128xf32, #tpu.memory_space<vmem>>
    %dma_start3A_197 = arith.constant 0 : i32
    %dma_start3A_198 = tpu.memref_slice %arg4[%dma_start3A_197, %multiple_of3A_191] : memref<32x1000000xf32, #tpu.memory_space<hbm>> -> memref<32x128xf32, #tpu.memory_space<hbm>>
    %dma_start3A_199 = arith.constant 0 : i32
    %dma_start3A_200 = arith.constant 0 : i32
    %dma_start3A_201 = tpu.memref_slice %arg10[%dma_start3A_192, %dma_start3A_199, %dma_start3A_200] : memref<16x32x128xf32, #tpu.memory_space<vmem>> -> memref<1x32x128xf32, #tpu.memory_space<vmem>>
    %dma_start3A_202 = tpu.memref_squeeze %dma_start3A_201 : memref<1x32x128xf32, #tpu.memory_space<vmem>> -> memref<32x128xf32, #tpu.memory_space<vmem>>
    %dma_start3A_203 = arith.constant 0 : i32
    %dma_start3A_204 = tpu.memref_slice %arg4[%dma_start3A_203, %multiple_of3A_191] : memref<32x1000000xf32, #tpu.memory_space<hbm>> -> memref<32x128xf32, #tpu.memory_space<hbm>>
    tpu.enqueue_dma source(%dma_start3A_204 : memref<32x128xf32, #tpu.memory_space<hbm>>) target(%dma_start3A_202 : memref<32x128xf32, #tpu.memory_space<vmem>>) target_semaphore(%arg22 : memref<!tpu.dma_semaphore, #tpu.memory_space<semaphore_mem>>)
    %slice3A_205 = vector.extract_strided_slice %get3A_9 {offsets = [10], sizes = [1], strides = [1]} : vector<16xi32> to vector<1xi32>
    %squeeze3A_206 = vector.extract %slice3A_205[0] : i32 from vector<1xi32>
    %shift_right_arithmetic3A_207 = arith.constant 7 : i32
    %shift_right_arithmetic3A_208 = arith.shrsi %squeeze3A_206, %shift_right_arithmetic3A_207 : i32
    %shift_left3A_209 = arith.constant 7 : i32
    %shift_left3A_210 = arith.shli %shift_right_arithmetic3A_208, %shift_left3A_209 : i32
    %multiple_of3A_211 = tpu.assume_multiple %shift_left3A_210, 128 : i32
    %dma_start3A_212 = arith.constant 10 : i32
    %dma_start3A_213 = arith.constant 0 : i32
    %dma_start3A_214 = arith.constant 0 : i32
    %dma_start3A_215 = tpu.memref_slice %arg10[%dma_start3A_212, %dma_start3A_213, %dma_start3A_214] : memref<16x32x128xf32, #tpu.memory_space<vmem>> -> memref<1x32x128xf32, #tpu.memory_space<vmem>>
    %dma_start3A_216 = tpu.memref_squeeze %dma_start3A_215 : memref<1x32x128xf32, #tpu.memory_space<vmem>> -> memref<32x128xf32, #tpu.memory_space<vmem>>
    %dma_start3A_217 = arith.constant 0 : i32
    %dma_start3A_218 = tpu.memref_slice %arg4[%dma_start3A_217, %multiple_of3A_211] : memref<32x1000000xf32, #tpu.memory_space<hbm>> -> memref<32x128xf32, #tpu.memory_space<hbm>>
    %dma_start3A_219 = arith.constant 0 : i32
    %dma_start3A_220 = arith.constant 0 : i32
    %dma_start3A_221 = tpu.memref_slice %arg10[%dma_start3A_212, %dma_start3A_219, %dma_start3A_220] : memref<16x32x128xf32, #tpu.memory_space<vmem>> -> memref<1x32x128xf32, #tpu.memory_space<vmem>>
    %dma_start3A_222 = tpu.memref_squeeze %dma_start3A_221 : memref<1x32x128xf32, #tpu.memory_space<vmem>> -> memref<32x128xf32, #tpu.memory_space<vmem>>
    %dma_start3A_223 = arith.constant 0 : i32
    %dma_start3A_224 = tpu.memref_slice %arg4[%dma_start3A_223, %multiple_of3A_211] : memref<32x1000000xf32, #tpu.memory_space<hbm>> -> memref<32x128xf32, #tpu.memory_space<hbm>>
    tpu.enqueue_dma source(%dma_start3A_224 : memref<32x128xf32, #tpu.memory_space<hbm>>) target(%dma_start3A_222 : memref<32x128xf32, #tpu.memory_space<vmem>>) target_semaphore(%arg23 : memref<!tpu.dma_semaphore, #tpu.memory_space<semaphore_mem>>)
    %slice3A_225 = vector.extract_strided_slice %get3A_9 {offsets = [11], sizes = [1], strides = [1]} : vector<16xi32> to vector<1xi32>
    %squeeze3A_226 = vector.extract %slice3A_225[0] : i32 from vector<1xi32>
    %shift_right_arithmetic3A_227 = arith.constant 7 : i32
    %shift_right_arithmetic3A_228 = arith.shrsi %squeeze3A_226, %shift_right_arithmetic3A_227 : i32
    %shift_left3A_229 = arith.constant 7 : i32
    %shift_left3A_230 = arith.shli %shift_right_arithmetic3A_228, %shift_left3A_229 : i32
    %multiple_of3A_231 = tpu.assume_multiple %shift_left3A_230, 128 : i32
    %dma_start3A_232 = arith.constant 11 : i32
    %dma_start3A_233 = arith.constant 0 : i32
    %dma_start3A_234 = arith.constant 0 : i32
    %dma_start3A_235 = tpu.memref_slice %arg10[%dma_start3A_232, %dma_start3A_233, %dma_start3A_234] : memref<16x32x128xf32, #tpu.memory_space<vmem>> -> memref<1x32x128xf32, #tpu.memory_space<vmem>>
    %dma_start3A_236 = tpu.memref_squeeze %dma_start3A_235 : memref<1x32x128xf32, #tpu.memory_space<vmem>> -> memref<32x128xf32, #tpu.memory_space<vmem>>
    %dma_start3A_237 = arith.constant 0 : i32
    %dma_start3A_238 = tpu.memref_slice %arg4[%dma_start3A_237, %multiple_of3A_231] : memref<32x1000000xf32, #tpu.memory_space<hbm>> -> memref<32x128xf32, #tpu.memory_space<hbm>>
    %dma_start3A_239 = arith.constant 0 : i32
    %dma_start3A_240 = arith.constant 0 : i32
    %dma_start3A_241 = tpu.memref_slice %arg10[%dma_start3A_232, %dma_start3A_239, %dma_start3A_240] : memref<16x32x128xf32, #tpu.memory_space<vmem>> -> memref<1x32x128xf32, #tpu.memory_space<vmem>>
    %dma_start3A_242 = tpu.memref_squeeze %dma_start3A_241 : memref<1x32x128xf32, #tpu.memory_space<vmem>> -> memref<32x128xf32, #tpu.memory_space<vmem>>
    %dma_start3A_243 = arith.constant 0 : i32
    %dma_start3A_244 = tpu.memref_slice %arg4[%dma_start3A_243, %multiple_of3A_231] : memref<32x1000000xf32, #tpu.memory_space<hbm>> -> memref<32x128xf32, #tpu.memory_space<hbm>>
    tpu.enqueue_dma source(%dma_start3A_244 : memref<32x128xf32, #tpu.memory_space<hbm>>) target(%dma_start3A_242 : memref<32x128xf32, #tpu.memory_space<vmem>>) target_semaphore(%arg24 : memref<!tpu.dma_semaphore, #tpu.memory_space<semaphore_mem>>)
    %slice3A_245 = vector.extract_strided_slice %get3A_9 {offsets = [12], sizes = [1], strides = [1]} : vector<16xi32> to vector<1xi32>
    %squeeze3A_246 = vector.extract %slice3A_245[0] : i32 from vector<1xi32>
    %shift_right_arithmetic3A_247 = arith.constant 7 : i32
    %shift_right_arithmetic3A_248 = arith.shrsi %squeeze3A_246, %shift_right_arithmetic3A_247 : i32
    %shift_left3A_249 = arith.constant 7 : i32
    %shift_left3A_250 = arith.shli %shift_right_arithmetic3A_248, %shift_left3A_249 : i32
    %multiple_of3A_251 = tpu.assume_multiple %shift_left3A_250, 128 : i32
    %dma_start3A_252 = arith.constant 12 : i32
    %dma_start3A_253 = arith.constant 0 : i32
    %dma_start3A_254 = arith.constant 0 : i32
    %dma_start3A_255 = tpu.memref_slice %arg10[%dma_start3A_252, %dma_start3A_253, %dma_start3A_254] : memref<16x32x128xf32, #tpu.memory_space<vmem>> -> memref<1x32x128xf32, #tpu.memory_space<vmem>>
    %dma_start3A_256 = tpu.memref_squeeze %dma_start3A_255 : memref<1x32x128xf32, #tpu.memory_space<vmem>> -> memref<32x128xf32, #tpu.memory_space<vmem>>
    %dma_start3A_257 = arith.constant 0 : i32
    %dma_start3A_258 = tpu.memref_slice %arg4[%dma_start3A_257, %multiple_of3A_251] : memref<32x1000000xf32, #tpu.memory_space<hbm>> -> memref<32x128xf32, #tpu.memory_space<hbm>>
    %dma_start3A_259 = arith.constant 0 : i32
    %dma_start3A_260 = arith.constant 0 : i32
    %dma_start3A_261 = tpu.memref_slice %arg10[%dma_start3A_252, %dma_start3A_259, %dma_start3A_260] : memref<16x32x128xf32, #tpu.memory_space<vmem>> -> memref<1x32x128xf32, #tpu.memory_space<vmem>>
    %dma_start3A_262 = tpu.memref_squeeze %dma_start3A_261 : memref<1x32x128xf32, #tpu.memory_space<vmem>> -> memref<32x128xf32, #tpu.memory_space<vmem>>
    %dma_start3A_263 = arith.constant 0 : i32
    %dma_start3A_264 = tpu.memref_slice %arg4[%dma_start3A_263, %multiple_of3A_251] : memref<32x1000000xf32, #tpu.memory_space<hbm>> -> memref<32x128xf32, #tpu.memory_space<hbm>>
    tpu.enqueue_dma source(%dma_start3A_264 : memref<32x128xf32, #tpu.memory_space<hbm>>) target(%dma_start3A_262 : memref<32x128xf32, #tpu.memory_space<vmem>>) target_semaphore(%arg25 : memref<!tpu.dma_semaphore, #tpu.memory_space<semaphore_mem>>)
    %slice3A_265 = vector.extract_strided_slice %get3A_9 {offsets = [13], sizes = [1], strides = [1]} : vector<16xi32> to vector<1xi32>
    %squeeze3A_266 = vector.extract %slice3A_265[0] : i32 from vector<1xi32>
    %shift_right_arithmetic3A_267 = arith.constant 7 : i32
    %shift_right_arithmetic3A_268 = arith.shrsi %squeeze3A_266, %shift_right_arithmetic3A_267 : i32
    %shift_left3A_269 = arith.constant 7 : i32
    %shift_left3A_270 = arith.shli %shift_right_arithmetic3A_268, %shift_left3A_269 : i32
    %multiple_of3A_271 = tpu.assume_multiple %shift_left3A_270, 128 : i32
    %dma_start3A_272 = arith.constant 13 : i32
    %dma_start3A_273 = arith.constant 0 : i32
    %dma_start3A_274 = arith.constant 0 : i32
    %dma_start3A_275 = tpu.memref_slice %arg10[%dma_start3A_272, %dma_start3A_273, %dma_start3A_274] : memref<16x32x128xf32, #tpu.memory_space<vmem>> -> memref<1x32x128xf32, #tpu.memory_space<vmem>>
    %dma_start3A_276 = tpu.memref_squeeze %dma_start3A_275 : memref<1x32x128xf32, #tpu.memory_space<vmem>> -> memref<32x128xf32, #tpu.memory_space<vmem>>
    %dma_start3A_277 = arith.constant 0 : i32
    %dma_start3A_278 = tpu.memref_slice %arg4[%dma_start3A_277, %multiple_of3A_271] : memref<32x1000000xf32, #tpu.memory_space<hbm>> -> memref<32x128xf32, #tpu.memory_space<hbm>>
    %dma_start3A_279 = arith.constant 0 : i32
    %dma_start3A_280 = arith.constant 0 : i32
    %dma_start3A_281 = tpu.memref_slice %arg10[%dma_start3A_272, %dma_start3A_279, %dma_start3A_280] : memref<16x32x128xf32, #tpu.memory_space<vmem>> -> memref<1x32x128xf32, #tpu.memory_space<vmem>>
    %dma_start3A_282 = tpu.memref_squeeze %dma_start3A_281 : memref<1x32x128xf32, #tpu.memory_space<vmem>> -> memref<32x128xf32, #tpu.memory_space<vmem>>
    %dma_start3A_283 = arith.constant 0 : i32
    %dma_start3A_284 = tpu.memref_slice %arg4[%dma_start3A_283, %multiple_of3A_271] : memref<32x1000000xf32, #tpu.memory_space<hbm>> -> memref<32x128xf32, #tpu.memory_space<hbm>>
    tpu.enqueue_dma source(%dma_start3A_284 : memref<32x128xf32, #tpu.memory_space<hbm>>) target(%dma_start3A_282 : memref<32x128xf32, #tpu.memory_space<vmem>>) target_semaphore(%arg26 : memref<!tpu.dma_semaphore, #tpu.memory_space<semaphore_mem>>)
    %slice3A_285 = vector.extract_strided_slice %get3A_9 {offsets = [14], sizes = [1], strides = [1]} : vector<16xi32> to vector<1xi32>
    %squeeze3A_286 = vector.extract %slice3A_285[0] : i32 from vector<1xi32>
    %shift_right_arithmetic3A_287 = arith.constant 7 : i32
    %shift_right_arithmetic3A_288 = arith.shrsi %squeeze3A_286, %shift_right_arithmetic3A_287 : i32
    %shift_left3A_289 = arith.constant 7 : i32
    %shift_left3A_290 = arith.shli %shift_right_arithmetic3A_288, %shift_left3A_289 : i32
    %multiple_of3A_291 = tpu.assume_multiple %shift_left3A_290, 128 : i32
    %dma_start3A_292 = arith.constant 14 : i32
    %dma_start3A_293 = arith.constant 0 : i32
    %dma_start3A_294 = arith.constant 0 : i32
    %dma_start3A_295 = tpu.memref_slice %arg10[%dma_start3A_292, %dma_start3A_293, %dma_start3A_294] : memref<16x32x128xf32, #tpu.memory_space<vmem>> -> memref<1x32x128xf32, #tpu.memory_space<vmem>>
    %dma_start3A_296 = tpu.memref_squeeze %dma_start3A_295 : memref<1x32x128xf32, #tpu.memory_space<vmem>> -> memref<32x128xf32, #tpu.memory_space<vmem>>
    %dma_start3A_297 = arith.constant 0 : i32
    %dma_start3A_298 = tpu.memref_slice %arg4[%dma_start3A_297, %multiple_of3A_291] : memref<32x1000000xf32, #tpu.memory_space<hbm>> -> memref<32x128xf32, #tpu.memory_space<hbm>>
    %dma_start3A_299 = arith.constant 0 : i32
    %dma_start3A_300 = arith.constant 0 : i32
    %dma_start3A_301 = tpu.memref_slice %arg10[%dma_start3A_292, %dma_start3A_299, %dma_start3A_300] : memref<16x32x128xf32, #tpu.memory_space<vmem>> -> memref<1x32x128xf32, #tpu.memory_space<vmem>>
    %dma_start3A_302 = tpu.memref_squeeze %dma_start3A_301 : memref<1x32x128xf32, #tpu.memory_space<vmem>> -> memref<32x128xf32, #tpu.memory_space<vmem>>
    %dma_start3A_303 = arith.constant 0 : i32
    %dma_start3A_304 = tpu.memref_slice %arg4[%dma_start3A_303, %multiple_of3A_291] : memref<32x1000000xf32, #tpu.memory_space<hbm>> -> memref<32x128xf32, #tpu.memory_space<hbm>>
    tpu.enqueue_dma source(%dma_start3A_304 : memref<32x128xf32, #tpu.memory_space<hbm>>) target(%dma_start3A_302 : memref<32x128xf32, #tpu.memory_space<vmem>>) target_semaphore(%arg27 : memref<!tpu.dma_semaphore, #tpu.memory_space<semaphore_mem>>)
    %slice3A_305 = vector.extract_strided_slice %get3A_9 {offsets = [15], sizes = [1], strides = [1]} : vector<16xi32> to vector<1xi32>
    %squeeze3A_306 = vector.extract %slice3A_305[0] : i32 from vector<1xi32>
    %shift_right_arithmetic3A_307 = arith.constant 7 : i32
    %shift_right_arithmetic3A_308 = arith.shrsi %squeeze3A_306, %shift_right_arithmetic3A_307 : i32
    %shift_left3A_309 = arith.constant 7 : i32
    %shift_left3A_310 = arith.shli %shift_right_arithmetic3A_308, %shift_left3A_309 : i32
    %multiple_of3A_311 = tpu.assume_multiple %shift_left3A_310, 128 : i32
    %dma_start3A_312 = arith.constant 15 : i32
    %dma_start3A_313 = arith.constant 0 : i32
    %dma_start3A_314 = arith.constant 0 : i32
    %dma_start3A_315 = tpu.memref_slice %arg10[%dma_start3A_312, %dma_start3A_313, %dma_start3A_314] : memref<16x32x128xf32, #tpu.memory_space<vmem>> -> memref<1x32x128xf32, #tpu.memory_space<vmem>>
    %dma_start3A_316 = tpu.memref_squeeze %dma_start3A_315 : memref<1x32x128xf32, #tpu.memory_space<vmem>> -> memref<32x128xf32, #tpu.memory_space<vmem>>
    %dma_start3A_317 = arith.constant 0 : i32
    %dma_start3A_318 = tpu.memref_slice %arg4[%dma_start3A_317, %multiple_of3A_311] : memref<32x1000000xf32, #tpu.memory_space<hbm>> -> memref<32x128xf32, #tpu.memory_space<hbm>>
    %dma_start3A_319 = arith.constant 0 : i32
    %dma_start3A_320 = arith.constant 0 : i32
    %dma_start3A_321 = tpu.memref_slice %arg10[%dma_start3A_312, %dma_start3A_319, %dma_start3A_320] : memref<16x32x128xf32, #tpu.memory_space<vmem>> -> memref<1x32x128xf32, #tpu.memory_space<vmem>>
    %dma_start3A_322 = tpu.memref_squeeze %dma_start3A_321 : memref<1x32x128xf32, #tpu.memory_space<vmem>> -> memref<32x128xf32, #tpu.memory_space<vmem>>
    %dma_start3A_323 = arith.constant 0 : i32
    %dma_start3A_324 = tpu.memref_slice %arg4[%dma_start3A_323, %multiple_of3A_311] : memref<32x1000000xf32, #tpu.memory_space<hbm>> -> memref<32x128xf32, #tpu.memory_space<hbm>>
    tpu.enqueue_dma source(%dma_start3A_324 : memref<32x128xf32, #tpu.memory_space<hbm>>) target(%dma_start3A_322 : memref<32x128xf32, #tpu.memory_space<vmem>>) target_semaphore(%arg28 : memref<!tpu.dma_semaphore, #tpu.memory_space<semaphore_mem>>)
    %scan3A = arith.constant 0 : i32
    %scan3A_325 = arith.constant 8 : i32
    %scan3A_326 = arith.addi %scan3A, %scan3A_325 : i32
    %scan3A_327 = arith.constant 1 : i32
    scf.for %scan3A_662 = %scan3A to %scan3A_326 step %scan3A_327  : i32 {
      %mul3A_663 = arith.constant 16 : i32
      %mul3A_664 = arith.muli %scan3A_662, %mul3A_663 : i32
      %get3A_665 = arith.index_cast %mul3A_664 : i32 to index
      %get3A_666 = tpu.vector_load %arg8[%get3A_665] {strides = array<i32>} : memref<144xi32, #tpu.memory_space<vmem>>, vector<16xi32>,
      %add3A_667 = arith.constant 1 : i32
      %add3A_668 = arith.addi %scan3A_662, %add3A_667 : i32
      %mul3A_669 = arith.constant 16 : i32
      %mul3A_670 = arith.muli %add3A_668, %mul3A_669 : i32
      %get3A_671 = arith.index_cast %mul3A_670 : i32 to index
      %get3A_672 = tpu.vector_load %arg8[%get3A_671] {strides = array<i32>} : memref<144xi32, #tpu.memory_space<vmem>>, vector<16xi32>,
      %dma_wait3A = arith.constant 0 : i32
      %dma_wait3A_673 = arith.constant 0 : i32
      %dma_wait3A_674 = arith.constant 0 : i32
      %dma_wait3A_675 = tpu.memref_slice %arg10[%dma_wait3A, %dma_wait3A_673, %dma_wait3A_674] : memref<16x32x128xf32, #tpu.memory_space<vmem>> -> memref<1x32x128xf32, #tpu.memory_space<vmem>>
      %dma_wait3A_676 = tpu.memref_squeeze %dma_wait3A_675 : memref<1x32x128xf32, #tpu.memory_space<vmem>> -> memref<32x128xf32, #tpu.memory_space<vmem>>
      %dma_wait3A_677 = arith.constant 0 : i32
      %dma_wait3A_678 = arith.constant 0 : i32
      %dma_wait3A_679 = tpu.memref_slice %arg4[%dma_wait3A_677, %dma_wait3A_678] : memref<32x1000000xf32, #tpu.memory_space<hbm>> -> memref<32x128xf32, #tpu.memory_space<hbm>>
      %dma_wait3A_680 = arith.constant 0 : i32
      %dma_wait3A_681 = arith.constant 0 : i32
      %dma_wait3A_682 = tpu.memref_slice %arg10[%dma_wait3A, %dma_wait3A_680, %dma_wait3A_681] : memref<16x32x128xf32, #tpu.memory_space<vmem>> -> memref<1x32x128xf32, #tpu.memory_space<vmem>>
      %dma_wait3A_683 = tpu.memref_squeeze %dma_wait3A_682 : memref<1x32x128xf32, #tpu.memory_space<vmem>> -> memref<32x128xf32, #tpu.memory_space<vmem>>
      %dma_wait3A_684 = arith.constant 0 : i32
      %dma_wait3A_685 = arith.constant 0 : i32
      %dma_wait3A_686 = tpu.memref_slice %arg4[%dma_wait3A_684, %dma_wait3A_685] : memref<32x1000000xf32, #tpu.memory_space<hbm>> -> memref<32x128xf32, #tpu.memory_space<hbm>>
      tpu.wait_dma2 semaphore(%arg13 : memref<!tpu.dma_semaphore, #tpu.memory_space<semaphore_mem>>) src(%dma_wait3A_686 : memref<32x128xf32, #tpu.memory_space<hbm>>) dst(%dma_wait3A_683 : memref<32x128xf32, #tpu.memory_space<vmem>>)
      %slice3A_687 = vector.extract_strided_slice %get3A_666 {offsets = [0], sizes = [1], strides = [1]} : vector<16xi32> to vector<1xi32>
      %squeeze3A_688 = vector.extract %slice3A_687[0] : i32 from vector<1xi32>
      %and3A = arith.constant 127 : i32
      %and3A_689 = arith.andi %squeeze3A_688, %and3A : i32
      %broadcast_in_dim3A = arith.constant 0 : i32
      %broadcast_in_dim3A_690 = vector.broadcast %broadcast_in_dim3A : i32 to vector<16xi32>
      %broadcast_in_dim3A_691 = vector.broadcast %and3A_689 : i32 to vector<16xi32>
      %mul3A_692 = arith.constant 16 : i32
      %mul3A_693 = arith.muli %scan3A_662, %mul3A_692 : i32
      %add3A_694 = arith.constant 0 : i32
      %add3A_695 = arith.addi %mul3A_693, %add3A_694 : i32
      %broadcast_in_dim3A_696 = vector.broadcast %add3A_695 : i32 to vector<16xi32>
      %gather3A = tpu.vector_load_idx %arg10[%broadcast_in_dim3A_690, %iota3A, %broadcast_in_dim3A_691] : memref<16x32x128xf32, #tpu.memory_space<vmem>>[vector<16xi32>, vector<16xi32>, vector<16xi32>], vector<16xf32>,
      %gather3A_697 = tpu.vector_load_idx %arg10[%broadcast_in_dim3A_690, %add3A_3, %broadcast_in_dim3A_691] : memref<16x32x128xf32, #tpu.memory_space<vmem>>[vector<16xi32>, vector<16xi32>, vector<16xi32>], vector<16xf32>,
      tpu.vector_store_idx %arg11[%broadcast_in_dim3A_696, %iota3A], %gather3A : memref<128x32xf32, #tpu.memory_space<vmem>>[vector<16xi32>, vector<16xi32>], vector<16xf32>,
      tpu.vector_store_idx %arg11[%broadcast_in_dim3A_696, %add3A_3], %gather3A_697 : memref<128x32xf32, #tpu.memory_space<vmem>>[vector<16xi32>, vector<16xi32>], vector<16xf32>,
      %add3A_698 = arith.constant 1 : i32
      %add3A_699 = arith.addi %scan3A_662, %add3A_698 : i32
      %lt3A = arith.constant 8 : i32
      %lt3A_700 = arith.cmpi slt, %add3A_699, %lt3A : i32
      %convert_element_type3A = arith.extui %lt3A_700 : i1 to i32
      %cond3A = arith.constant 0 : i32
      %cond3A_701 = arith.cmpi ne, %convert_element_type3A, %cond3A : i32
      scf.if %cond3A_701 {
        %slice3A_1242 = vector.extract_strided_slice %get3A_672 {offsets = [0], sizes = [1], strides = [1]} : vector<16xi32> to vector<1xi32>
        %squeeze3A_1243 = vector.extract %slice3A_1242[0] : i32 from vector<1xi32>
        %shift_right_arithmetic3A_1244 = arith.constant 7 : i32
        %shift_right_arithmetic3A_1245 = arith.shrsi %squeeze3A_1243, %shift_right_arithmetic3A_1244 : i32
        %shift_left3A_1246 = arith.constant 7 : i32
        %shift_left3A_1247 = arith.shli %shift_right_arithmetic3A_1245, %shift_left3A_1246 : i32
        %multiple_of3A_1248 = tpu.assume_multiple %shift_left3A_1247, 128 : i32
        %dma_start3A_1249 = arith.constant 0 : i32
        %dma_start3A_1250 = arith.constant 0 : i32
        %dma_start3A_1251 = arith.constant 0 : i32
        %dma_start3A_1252 = tpu.memref_slice %arg10[%dma_start3A_1249, %dma_start3A_1250, %dma_start3A_1251] : memref<16x32x128xf32, #tpu.memory_space<vmem>> -> memref<1x32x128xf32, #tpu.memory_space<vmem>>
        %dma_start3A_1253 = tpu.memref_squeeze %dma_start3A_1252 : memref<1x32x128xf32, #tpu.memory_space<vmem>> -> memref<32x128xf32, #tpu.memory_space<vmem>>
        %dma_start3A_1254 = arith.constant 0 : i32
        %dma_start3A_1255 = tpu.memref_slice %arg4[%dma_start3A_1254, %multiple_of3A_1248] : memref<32x1000000xf32, #tpu.memory_space<hbm>> -> memref<32x128xf32, #tpu.memory_space<hbm>>
        %dma_start3A_1256 = arith.constant 0 : i32
        %dma_start3A_1257 = arith.constant 0 : i32
        %dma_start3A_1258 = tpu.memref_slice %arg10[%dma_start3A_1249, %dma_start3A_1256, %dma_start3A_1257] : memref<16x32x128xf32, #tpu.memory_space<vmem>> -> memref<1x32x128xf32, #tpu.memory_space<vmem>>
        %dma_start3A_1259 = tpu.memref_squeeze %dma_start3A_1258 : memref<1x32x128xf32, #tpu.memory_space<vmem>> -> memref<32x128xf32, #tpu.memory_space<vmem>>
        %dma_start3A_1260 = arith.constant 0 : i32
        %dma_start3A_1261 = tpu.memref_slice %arg4[%dma_start3A_1260, %multiple_of3A_1248] : memref<32x1000000xf32, #tpu.memory_space<hbm>> -> memref<32x128xf32, #tpu.memory_space<hbm>>
        tpu.enqueue_dma source(%dma_start3A_1261 : memref<32x128xf32, #tpu.memory_space<hbm>>) target(%dma_start3A_1259 : memref<32x128xf32, #tpu.memory_space<vmem>>) target_semaphore(%arg13 : memref<!tpu.dma_semaphore, #tpu.memory_space<semaphore_mem>>)
      } else {
      }
      %dma_wait3A_702 = arith.constant 1 : i32
      %dma_wait3A_703 = arith.constant 0 : i32
      %dma_wait3A_704 = arith.constant 0 : i32
      %dma_wait3A_705 = tpu.memref_slice %arg10[%dma_wait3A_702, %dma_wait3A_703, %dma_wait3A_704] : memref<16x32x128xf32, #tpu.memory_space<vmem>> -> memref<1x32x128xf32, #tpu.memory_space<vmem>>
      %dma_wait3A_706 = tpu.memref_squeeze %dma_wait3A_705 : memref<1x32x128xf32, #tpu.memory_space<vmem>> -> memref<32x128xf32, #tpu.memory_space<vmem>>
      %dma_wait3A_707 = arith.constant 0 : i32
      %dma_wait3A_708 = arith.constant 0 : i32
      %dma_wait3A_709 = tpu.memref_slice %arg4[%dma_wait3A_707, %dma_wait3A_708] : memref<32x1000000xf32, #tpu.memory_space<hbm>> -> memref<32x128xf32, #tpu.memory_space<hbm>>
      %dma_wait3A_710 = arith.constant 0 : i32
      %dma_wait3A_711 = arith.constant 0 : i32
      %dma_wait3A_712 = tpu.memref_slice %arg10[%dma_wait3A_702, %dma_wait3A_710, %dma_wait3A_711] : memref<16x32x128xf32, #tpu.memory_space<vmem>> -> memref<1x32x128xf32, #tpu.memory_space<vmem>>
      %dma_wait3A_713 = tpu.memref_squeeze %dma_wait3A_712 : memref<1x32x128xf32, #tpu.memory_space<vmem>> -> memref<32x128xf32, #tpu.memory_space<vmem>>
      %dma_wait3A_714 = arith.constant 0 : i32
      %dma_wait3A_715 = arith.constant 0 : i32
      %dma_wait3A_716 = tpu.memref_slice %arg4[%dma_wait3A_714, %dma_wait3A_715] : memref<32x1000000xf32, #tpu.memory_space<hbm>> -> memref<32x128xf32, #tpu.memory_space<hbm>>
      tpu.wait_dma2 semaphore(%arg14 : memref<!tpu.dma_semaphore, #tpu.memory_space<semaphore_mem>>) src(%dma_wait3A_716 : memref<32x128xf32, #tpu.memory_space<hbm>>) dst(%dma_wait3A_713 : memref<32x128xf32, #tpu.memory_space<vmem>>)
      %slice3A_717 = vector.extract_strided_slice %get3A_666 {offsets = [1], sizes = [1], strides = [1]} : vector<16xi32> to vector<1xi32>
      %squeeze3A_718 = vector.extract %slice3A_717[0] : i32 from vector<1xi32>
      %and3A_719 = arith.constant 127 : i32
      %and3A_720 = arith.andi %squeeze3A_718, %and3A_719 : i32
      %broadcast_in_dim3A_721 = arith.constant 1 : i32
      %broadcast_in_dim3A_722 = vector.broadcast %broadcast_in_dim3A_721 : i32 to vector<16xi32>
      %broadcast_in_dim3A_723 = vector.broadcast %and3A_720 : i32 to vector<16xi32>
      %mul3A_724 = arith.constant 16 : i32
      %mul3A_725 = arith.muli %scan3A_662, %mul3A_724 : i32
      %add3A_726 = arith.constant 1 : i32
      %add3A_727 = arith.addi %mul3A_725, %add3A_726 : i32
      %broadcast_in_dim3A_728 = vector.broadcast %add3A_727 : i32 to vector<16xi32>
      %gather3A_729 = tpu.vector_load_idx %arg10[%broadcast_in_dim3A_722, %iota3A, %broadcast_in_dim3A_723] : memref<16x32x128xf32, #tpu.memory_space<vmem>>[vector<16xi32>, vector<16xi32>, vector<16xi32>], vector<16xf32>,
      %gather3A_730 = tpu.vector_load_idx %arg10[%broadcast_in_dim3A_722, %add3A_3, %broadcast_in_dim3A_723] : memref<16x32x128xf32, #tpu.memory_space<vmem>>[vector<16xi32>, vector<16xi32>, vector<16xi32>], vector<16xf32>,
      tpu.vector_store_idx %arg11[%broadcast_in_dim3A_728, %iota3A], %gather3A_729 : memref<128x32xf32, #tpu.memory_space<vmem>>[vector<16xi32>, vector<16xi32>], vector<16xf32>,
      tpu.vector_store_idx %arg11[%broadcast_in_dim3A_728, %add3A_3], %gather3A_730 : memref<128x32xf32, #tpu.memory_space<vmem>>[vector<16xi32>, vector<16xi32>], vector<16xf32>,
      %add3A_731 = arith.constant 1 : i32
      %add3A_732 = arith.addi %scan3A_662, %add3A_731 : i32
      %lt3A_733 = arith.constant 8 : i32
      %lt3A_734 = arith.cmpi slt, %add3A_732, %lt3A_733 : i32
      %convert_element_type3A_735 = arith.extui %lt3A_734 : i1 to i32
      %cond3A_736 = arith.constant 0 : i32
      %cond3A_737 = arith.cmpi ne, %convert_element_type3A_735, %cond3A_736 : i32
      scf.if %cond3A_737 {
        %slice3A_1242 = vector.extract_strided_slice %get3A_672 {offsets = [1], sizes = [1], strides = [1]} : vector<16xi32> to vector<1xi32>
        %squeeze3A_1243 = vector.extract %slice3A_1242[0] : i32 from vector<1xi32>
        %shift_right_arithmetic3A_1244 = arith.constant 7 : i32
        %shift_right_arithmetic3A_1245 = arith.shrsi %squeeze3A_1243, %shift_right_arithmetic3A_1244 : i32
        %shift_left3A_1246 = arith.constant 7 : i32
        %shift_left3A_1247 = arith.shli %shift_right_arithmetic3A_1245, %shift_left3A_1246 : i32
        %multiple_of3A_1248 = tpu.assume_multiple %shift_left3A_1247, 128 : i32
        %dma_start3A_1249 = arith.constant 1 : i32
        %dma_start3A_1250 = arith.constant 0 : i32
        %dma_start3A_1251 = arith.constant 0 : i32
        %dma_start3A_1252 = tpu.memref_slice %arg10[%dma_start3A_1249, %dma_start3A_1250, %dma_start3A_1251] : memref<16x32x128xf32, #tpu.memory_space<vmem>> -> memref<1x32x128xf32, #tpu.memory_space<vmem>>
        %dma_start3A_1253 = tpu.memref_squeeze %dma_start3A_1252 : memref<1x32x128xf32, #tpu.memory_space<vmem>> -> memref<32x128xf32, #tpu.memory_space<vmem>>
        %dma_start3A_1254 = arith.constant 0 : i32
        %dma_start3A_1255 = tpu.memref_slice %arg4[%dma_start3A_1254, %multiple_of3A_1248] : memref<32x1000000xf32, #tpu.memory_space<hbm>> -> memref<32x128xf32, #tpu.memory_space<hbm>>
        %dma_start3A_1256 = arith.constant 0 : i32
        %dma_start3A_1257 = arith.constant 0 : i32
        %dma_start3A_1258 = tpu.memref_slice %arg10[%dma_start3A_1249, %dma_start3A_1256, %dma_start3A_1257] : memref<16x32x128xf32, #tpu.memory_space<vmem>> -> memref<1x32x128xf32, #tpu.memory_space<vmem>>
        %dma_start3A_1259 = tpu.memref_squeeze %dma_start3A_1258 : memref<1x32x128xf32, #tpu.memory_space<vmem>> -> memref<32x128xf32, #tpu.memory_space<vmem>>
        %dma_start3A_1260 = arith.constant 0 : i32
        %dma_start3A_1261 = tpu.memref_slice %arg4[%dma_start3A_1260, %multiple_of3A_1248] : memref<32x1000000xf32, #tpu.memory_space<hbm>> -> memref<32x128xf32, #tpu.memory_space<hbm>>
        tpu.enqueue_dma source(%dma_start3A_1261 : memref<32x128xf32, #tpu.memory_space<hbm>>) target(%dma_start3A_1259 : memref<32x128xf32, #tpu.memory_space<vmem>>) target_semaphore(%arg14 : memref<!tpu.dma_semaphore, #tpu.memory_space<semaphore_mem>>)
      } else {
      }
      %dma_wait3A_738 = arith.constant 2 : i32
      %dma_wait3A_739 = arith.constant 0 : i32
      %dma_wait3A_740 = arith.constant 0 : i32
      %dma_wait3A_741 = tpu.memref_slice %arg10[%dma_wait3A_738, %dma_wait3A_739, %dma_wait3A_740] : memref<16x32x128xf32, #tpu.memory_space<vmem>> -> memref<1x32x128xf32, #tpu.memory_space<vmem>>
      %dma_wait3A_742 = tpu.memref_squeeze %dma_wait3A_741 : memref<1x32x128xf32, #tpu.memory_space<vmem>> -> memref<32x128xf32, #tpu.memory_space<vmem>>
      %dma_wait3A_743 = arith.constant 0 : i32
      %dma_wait3A_744 = arith.constant 0 : i32
      %dma_wait3A_745 = tpu.memref_slice %arg4[%dma_wait3A_743, %dma_wait3A_744] : memref<32x1000000xf32, #tpu.memory_space<hbm>> -> memref<32x128xf32, #tpu.memory_space<hbm>>
      %dma_wait3A_746 = arith.constant 0 : i32
      %dma_wait3A_747 = arith.constant 0 : i32
      %dma_wait3A_748 = tpu.memref_slice %arg10[%dma_wait3A_738, %dma_wait3A_746, %dma_wait3A_747] : memref<16x32x128xf32, #tpu.memory_space<vmem>> -> memref<1x32x128xf32, #tpu.memory_space<vmem>>
      %dma_wait3A_749 = tpu.memref_squeeze %dma_wait3A_748 : memref<1x32x128xf32, #tpu.memory_space<vmem>> -> memref<32x128xf32, #tpu.memory_space<vmem>>
      %dma_wait3A_750 = arith.constant 0 : i32
      %dma_wait3A_751 = arith.constant 0 : i32
      %dma_wait3A_752 = tpu.memref_slice %arg4[%dma_wait3A_750, %dma_wait3A_751] : memref<32x1000000xf32, #tpu.memory_space<hbm>> -> memref<32x128xf32, #tpu.memory_space<hbm>>
      tpu.wait_dma2 semaphore(%arg15 : memref<!tpu.dma_semaphore, #tpu.memory_space<semaphore_mem>>) src(%dma_wait3A_752 : memref<32x128xf32, #tpu.memory_space<hbm>>) dst(%dma_wait3A_749 : memref<32x128xf32, #tpu.memory_space<vmem>>)
      %slice3A_753 = vector.extract_strided_slice %get3A_666 {offsets = [2], sizes = [1], strides = [1]} : vector<16xi32> to vector<1xi32>
      %squeeze3A_754 = vector.extract %slice3A_753[0] : i32 from vector<1xi32>
      %and3A_755 = arith.constant 127 : i32
      %and3A_756 = arith.andi %squeeze3A_754, %and3A_755 : i32
      %broadcast_in_dim3A_757 = arith.constant 2 : i32
      %broadcast_in_dim3A_758 = vector.broadcast %broadcast_in_dim3A_757 : i32 to vector<16xi32>
      %broadcast_in_dim3A_759 = vector.broadcast %and3A_756 : i32 to vector<16xi32>
      %mul3A_760 = arith.constant 16 : i32
      %mul3A_761 = arith.muli %scan3A_662, %mul3A_760 : i32
      %add3A_762 = arith.constant 2 : i32
      %add3A_763 = arith.addi %mul3A_761, %add3A_762 : i32
      %broadcast_in_dim3A_764 = vector.broadcast %add3A_763 : i32 to vector<16xi32>
      %gather3A_765 = tpu.vector_load_idx %arg10[%broadcast_in_dim3A_758, %iota3A, %broadcast_in_dim3A_759] : memref<16x32x128xf32, #tpu.memory_space<vmem>>[vector<16xi32>, vector<16xi32>, vector<16xi32>], vector<16xf32>,
      %gather3A_766 = tpu.vector_load_idx %arg10[%broadcast_in_dim3A_758, %add3A_3, %broadcast_in_dim3A_759] : memref<16x32x128xf32, #tpu.memory_space<vmem>>[vector<16xi32>, vector<16xi32>, vector<16xi32>], vector<16xf32>,
      tpu.vector_store_idx %arg11[%broadcast_in_dim3A_764, %iota3A], %gather3A_765 : memref<128x32xf32, #tpu.memory_space<vmem>>[vector<16xi32>, vector<16xi32>], vector<16xf32>,
      tpu.vector_store_idx %arg11[%broadcast_in_dim3A_764, %add3A_3], %gather3A_766 : memref<128x32xf32, #tpu.memory_space<vmem>>[vector<16xi32>, vector<16xi32>], vector<16xf32>,
      %add3A_767 = arith.constant 1 : i32
      %add3A_768 = arith.addi %scan3A_662, %add3A_767 : i32
      %lt3A_769 = arith.constant 8 : i32
      %lt3A_770 = arith.cmpi slt, %add3A_768, %lt3A_769 : i32
      %convert_element_type3A_771 = arith.extui %lt3A_770 : i1 to i32
      %cond3A_772 = arith.constant 0 : i32
      %cond3A_773 = arith.cmpi ne, %convert_element_type3A_771, %cond3A_772 : i32
      scf.if %cond3A_773 {
        %slice3A_1242 = vector.extract_strided_slice %get3A_672 {offsets = [2], sizes = [1], strides = [1]} : vector<16xi32> to vector<1xi32>
        %squeeze3A_1243 = vector.extract %slice3A_1242[0] : i32 from vector<1xi32>
        %shift_right_arithmetic3A_1244 = arith.constant 7 : i32
        %shift_right_arithmetic3A_1245 = arith.shrsi %squeeze3A_1243, %shift_right_arithmetic3A_1244 : i32
        %shift_left3A_1246 = arith.constant 7 : i32
        %shift_left3A_1247 = arith.shli %shift_right_arithmetic3A_1245, %shift_left3A_1246 : i32
        %multiple_of3A_1248 = tpu.assume_multiple %shift_left3A_1247, 128 : i32
        %dma_start3A_1249 = arith.constant 2 : i32
        %dma_start3A_1250 = arith.constant 0 : i32
        %dma_start3A_1251 = arith.constant 0 : i32
        %dma_start3A_1252 = tpu.memref_slice %arg10[%dma_start3A_1249, %dma_start3A_1250, %dma_start3A_1251] : memref<16x32x128xf32, #tpu.memory_space<vmem>> -> memref<1x32x128xf32, #tpu.memory_space<vmem>>
        %dma_start3A_1253 = tpu.memref_squeeze %dma_start3A_1252 : memref<1x32x128xf32, #tpu.memory_space<vmem>> -> memref<32x128xf32, #tpu.memory_space<vmem>>
        %dma_start3A_1254 = arith.constant 0 : i32
        %dma_start3A_1255 = tpu.memref_slice %arg4[%dma_start3A_1254, %multiple_of3A_1248] : memref<32x1000000xf32, #tpu.memory_space<hbm>> -> memref<32x128xf32, #tpu.memory_space<hbm>>
        %dma_start3A_1256 = arith.constant 0 : i32
        %dma_start3A_1257 = arith.constant 0 : i32
        %dma_start3A_1258 = tpu.memref_slice %arg10[%dma_start3A_1249, %dma_start3A_1256, %dma_start3A_1257] : memref<16x32x128xf32, #tpu.memory_space<vmem>> -> memref<1x32x128xf32, #tpu.memory_space<vmem>>
        %dma_start3A_1259 = tpu.memref_squeeze %dma_start3A_1258 : memref<1x32x128xf32, #tpu.memory_space<vmem>> -> memref<32x128xf32, #tpu.memory_space<vmem>>
        %dma_start3A_1260 = arith.constant 0 : i32
        %dma_start3A_1261 = tpu.memref_slice %arg4[%dma_start3A_1260, %multiple_of3A_1248] : memref<32x1000000xf32, #tpu.memory_space<hbm>> -> memref<32x128xf32, #tpu.memory_space<hbm>>
        tpu.enqueue_dma source(%dma_start3A_1261 : memref<32x128xf32, #tpu.memory_space<hbm>>) target(%dma_start3A_1259 : memref<32x128xf32, #tpu.memory_space<vmem>>) target_semaphore(%arg15 : memref<!tpu.dma_semaphore, #tpu.memory_space<semaphore_mem>>)
      } else {
      }
      %dma_wait3A_774 = arith.constant 3 : i32
      %dma_wait3A_775 = arith.constant 0 : i32
      %dma_wait3A_776 = arith.constant 0 : i32
      %dma_wait3A_777 = tpu.memref_slice %arg10[%dma_wait3A_774, %dma_wait3A_775, %dma_wait3A_776] : memref<16x32x128xf32, #tpu.memory_space<vmem>> -> memref<1x32x128xf32, #tpu.memory_space<vmem>>
      %dma_wait3A_778 = tpu.memref_squeeze %dma_wait3A_777 : memref<1x32x128xf32, #tpu.memory_space<vmem>> -> memref<32x128xf32, #tpu.memory_space<vmem>>
      %dma_wait3A_779 = arith.constant 0 : i32
      %dma_wait3A_780 = arith.constant 0 : i32
      %dma_wait3A_781 = tpu.memref_slice %arg4[%dma_wait3A_779, %dma_wait3A_780] : memref<32x1000000xf32, #tpu.memory_space<hbm>> -> memref<32x128xf32, #tpu.memory_space<hbm>>
      %dma_wait3A_782 = arith.constant 0 : i32
      %dma_wait3A_783 = arith.constant 0 : i32
      %dma_wait3A_784 = tpu.memref_slice %arg10[%dma_wait3A_774, %dma_wait3A_782, %dma_wait3A_783] : memref<16x32x128xf32, #tpu.memory_space<vmem>> -> memref<1x32x128xf32, #tpu.memory_space<vmem>>
      %dma_wait3A_785 = tpu.memref_squeeze %dma_wait3A_784 : memref<1x32x128xf32, #tpu.memory_space<vmem>> -> memref<32x128xf32, #tpu.memory_space<vmem>>
      %dma_wait3A_786 = arith.constant 0 : i32
      %dma_wait3A_787 = arith.constant 0 : i32
      %dma_wait3A_788 = tpu.memref_slice %arg4[%dma_wait3A_786, %dma_wait3A_787] : memref<32x1000000xf32, #tpu.memory_space<hbm>> -> memref<32x128xf32, #tpu.memory_space<hbm>>
      tpu.wait_dma2 semaphore(%arg16 : memref<!tpu.dma_semaphore, #tpu.memory_space<semaphore_mem>>) src(%dma_wait3A_788 : memref<32x128xf32, #tpu.memory_space<hbm>>) dst(%dma_wait3A_785 : memref<32x128xf32, #tpu.memory_space<vmem>>)
      %slice3A_789 = vector.extract_strided_slice %get3A_666 {offsets = [3], sizes = [1], strides = [1]} : vector<16xi32> to vector<1xi32>
      %squeeze3A_790 = vector.extract %slice3A_789[0] : i32 from vector<1xi32>
      %and3A_791 = arith.constant 127 : i32
      %and3A_792 = arith.andi %squeeze3A_790, %and3A_791 : i32
      %broadcast_in_dim3A_793 = arith.constant 3 : i32
      %broadcast_in_dim3A_794 = vector.broadcast %broadcast_in_dim3A_793 : i32 to vector<16xi32>
      %broadcast_in_dim3A_795 = vector.broadcast %and3A_792 : i32 to vector<16xi32>
      %mul3A_796 = arith.constant 16 : i32
      %mul3A_797 = arith.muli %scan3A_662, %mul3A_796 : i32
      %add3A_798 = arith.constant 3 : i32
      %add3A_799 = arith.addi %mul3A_797, %add3A_798 : i32
      %broadcast_in_dim3A_800 = vector.broadcast %add3A_799 : i32 to vector<16xi32>
      %gather3A_801 = tpu.vector_load_idx %arg10[%broadcast_in_dim3A_794, %iota3A, %broadcast_in_dim3A_795] : memref<16x32x128xf32, #tpu.memory_space<vmem>>[vector<16xi32>, vector<16xi32>, vector<16xi32>], vector<16xf32>,
      %gather3A_802 = tpu.vector_load_idx %arg10[%broadcast_in_dim3A_794, %add3A_3, %broadcast_in_dim3A_795] : memref<16x32x128xf32, #tpu.memory_space<vmem>>[vector<16xi32>, vector<16xi32>, vector<16xi32>], vector<16xf32>,
      tpu.vector_store_idx %arg11[%broadcast_in_dim3A_800, %iota3A], %gather3A_801 : memref<128x32xf32, #tpu.memory_space<vmem>>[vector<16xi32>, vector<16xi32>], vector<16xf32>,
      tpu.vector_store_idx %arg11[%broadcast_in_dim3A_800, %add3A_3], %gather3A_802 : memref<128x32xf32, #tpu.memory_space<vmem>>[vector<16xi32>, vector<16xi32>], vector<16xf32>,
      %add3A_803 = arith.constant 1 : i32
      %add3A_804 = arith.addi %scan3A_662, %add3A_803 : i32
      %lt3A_805 = arith.constant 8 : i32
      %lt3A_806 = arith.cmpi slt, %add3A_804, %lt3A_805 : i32
      %convert_element_type3A_807 = arith.extui %lt3A_806 : i1 to i32
      %cond3A_808 = arith.constant 0 : i32
      %cond3A_809 = arith.cmpi ne, %convert_element_type3A_807, %cond3A_808 : i32
      scf.if %cond3A_809 {
        %slice3A_1242 = vector.extract_strided_slice %get3A_672 {offsets = [3], sizes = [1], strides = [1]} : vector<16xi32> to vector<1xi32>
        %squeeze3A_1243 = vector.extract %slice3A_1242[0] : i32 from vector<1xi32>
        %shift_right_arithmetic3A_1244 = arith.constant 7 : i32
        %shift_right_arithmetic3A_1245 = arith.shrsi %squeeze3A_1243, %shift_right_arithmetic3A_1244 : i32
        %shift_left3A_1246 = arith.constant 7 : i32
        %shift_left3A_1247 = arith.shli %shift_right_arithmetic3A_1245, %shift_left3A_1246 : i32
        %multiple_of3A_1248 = tpu.assume_multiple %shift_left3A_1247, 128 : i32
        %dma_start3A_1249 = arith.constant 3 : i32
        %dma_start3A_1250 = arith.constant 0 : i32
        %dma_start3A_1251 = arith.constant 0 : i32
        %dma_start3A_1252 = tpu.memref_slice %arg10[%dma_start3A_1249, %dma_start3A_1250, %dma_start3A_1251] : memref<16x32x128xf32, #tpu.memory_space<vmem>> -> memref<1x32x128xf32, #tpu.memory_space<vmem>>
        %dma_start3A_1253 = tpu.memref_squeeze %dma_start3A_1252 : memref<1x32x128xf32, #tpu.memory_space<vmem>> -> memref<32x128xf32, #tpu.memory_space<vmem>>
        %dma_start3A_1254 = arith.constant 0 : i32
        %dma_start3A_1255 = tpu.memref_slice %arg4[%dma_start3A_1254, %multiple_of3A_1248] : memref<32x1000000xf32, #tpu.memory_space<hbm>> -> memref<32x128xf32, #tpu.memory_space<hbm>>
        %dma_start3A_1256 = arith.constant 0 : i32
        %dma_start3A_1257 = arith.constant 0 : i32
        %dma_start3A_1258 = tpu.memref_slice %arg10[%dma_start3A_1249, %dma_start3A_1256, %dma_start3A_1257] : memref<16x32x128xf32, #tpu.memory_space<vmem>> -> memref<1x32x128xf32, #tpu.memory_space<vmem>>
        %dma_start3A_1259 = tpu.memref_squeeze %dma_start3A_1258 : memref<1x32x128xf32, #tpu.memory_space<vmem>> -> memref<32x128xf32, #tpu.memory_space<vmem>>
        %dma_start3A_1260 = arith.constant 0 : i32
        %dma_start3A_1261 = tpu.memref_slice %arg4[%dma_start3A_1260, %multiple_of3A_1248] : memref<32x1000000xf32, #tpu.memory_space<hbm>> -> memref<32x128xf32, #tpu.memory_space<hbm>>
        tpu.enqueue_dma source(%dma_start3A_1261 : memref<32x128xf32, #tpu.memory_space<hbm>>) target(%dma_start3A_1259 : memref<32x128xf32, #tpu.memory_space<vmem>>) target_semaphore(%arg16 : memref<!tpu.dma_semaphore, #tpu.memory_space<semaphore_mem>>)
      } else {
      }
      %dma_wait3A_810 = arith.constant 4 : i32
      %dma_wait3A_811 = arith.constant 0 : i32
      %dma_wait3A_812 = arith.constant 0 : i32
      %dma_wait3A_813 = tpu.memref_slice %arg10[%dma_wait3A_810, %dma_wait3A_811, %dma_wait3A_812] : memref<16x32x128xf32, #tpu.memory_space<vmem>> -> memref<1x32x128xf32, #tpu.memory_space<vmem>>
      %dma_wait3A_814 = tpu.memref_squeeze %dma_wait3A_813 : memref<1x32x128xf32, #tpu.memory_space<vmem>> -> memref<32x128xf32, #tpu.memory_space<vmem>>
      %dma_wait3A_815 = arith.constant 0 : i32
      %dma_wait3A_816 = arith.constant 0 : i32
      %dma_wait3A_817 = tpu.memref_slice %arg4[%dma_wait3A_815, %dma_wait3A_816] : memref<32x1000000xf32, #tpu.memory_space<hbm>> -> memref<32x128xf32, #tpu.memory_space<hbm>>
      %dma_wait3A_818 = arith.constant 0 : i32
      %dma_wait3A_819 = arith.constant 0 : i32
      %dma_wait3A_820 = tpu.memref_slice %arg10[%dma_wait3A_810, %dma_wait3A_818, %dma_wait3A_819] : memref<16x32x128xf32, #tpu.memory_space<vmem>> -> memref<1x32x128xf32, #tpu.memory_space<vmem>>
      %dma_wait3A_821 = tpu.memref_squeeze %dma_wait3A_820 : memref<1x32x128xf32, #tpu.memory_space<vmem>> -> memref<32x128xf32, #tpu.memory_space<vmem>>
      %dma_wait3A_822 = arith.constant 0 : i32
      %dma_wait3A_823 = arith.constant 0 : i32
      %dma_wait3A_824 = tpu.memref_slice %arg4[%dma_wait3A_822, %dma_wait3A_823] : memref<32x1000000xf32, #tpu.memory_space<hbm>> -> memref<32x128xf32, #tpu.memory_space<hbm>>
      tpu.wait_dma2 semaphore(%arg17 : memref<!tpu.dma_semaphore, #tpu.memory_space<semaphore_mem>>) src(%dma_wait3A_824 : memref<32x128xf32, #tpu.memory_space<hbm>>) dst(%dma_wait3A_821 : memref<32x128xf32, #tpu.memory_space<vmem>>)
      %slice3A_825 = vector.extract_strided_slice %get3A_666 {offsets = [4], sizes = [1], strides = [1]} : vector<16xi32> to vector<1xi32>
      %squeeze3A_826 = vector.extract %slice3A_825[0] : i32 from vector<1xi32>
      %and3A_827 = arith.constant 127 : i32
      %and3A_828 = arith.andi %squeeze3A_826, %and3A_827 : i32
      %broadcast_in_dim3A_829 = arith.constant 4 : i32
      %broadcast_in_dim3A_830 = vector.broadcast %broadcast_in_dim3A_829 : i32 to vector<16xi32>
      %broadcast_in_dim3A_831 = vector.broadcast %and3A_828 : i32 to vector<16xi32>
      %mul3A_832 = arith.constant 16 : i32
      %mul3A_833 = arith.muli %scan3A_662, %mul3A_832 : i32
      %add3A_834 = arith.constant 4 : i32
      %add3A_835 = arith.addi %mul3A_833, %add3A_834 : i32
      %broadcast_in_dim3A_836 = vector.broadcast %add3A_835 : i32 to vector<16xi32>
      %gather3A_837 = tpu.vector_load_idx %arg10[%broadcast_in_dim3A_830, %iota3A, %broadcast_in_dim3A_831] : memref<16x32x128xf32, #tpu.memory_space<vmem>>[vector<16xi32>, vector<16xi32>, vector<16xi32>], vector<16xf32>,
      %gather3A_838 = tpu.vector_load_idx %arg10[%broadcast_in_dim3A_830, %add3A_3, %broadcast_in_dim3A_831] : memref<16x32x128xf32, #tpu.memory_space<vmem>>[vector<16xi32>, vector<16xi32>, vector<16xi32>], vector<16xf32>,
      tpu.vector_store_idx %arg11[%broadcast_in_dim3A_836, %iota3A], %gather3A_837 : memref<128x32xf32, #tpu.memory_space<vmem>>[vector<16xi32>, vector<16xi32>], vector<16xf32>,
      tpu.vector_store_idx %arg11[%broadcast_in_dim3A_836, %add3A_3], %gather3A_838 : memref<128x32xf32, #tpu.memory_space<vmem>>[vector<16xi32>, vector<16xi32>], vector<16xf32>,
      %add3A_839 = arith.constant 1 : i32
      %add3A_840 = arith.addi %scan3A_662, %add3A_839 : i32
      %lt3A_841 = arith.constant 8 : i32
      %lt3A_842 = arith.cmpi slt, %add3A_840, %lt3A_841 : i32
      %convert_element_type3A_843 = arith.extui %lt3A_842 : i1 to i32
      %cond3A_844 = arith.constant 0 : i32
      %cond3A_845 = arith.cmpi ne, %convert_element_type3A_843, %cond3A_844 : i32
      scf.if %cond3A_845 {
        %slice3A_1242 = vector.extract_strided_slice %get3A_672 {offsets = [4], sizes = [1], strides = [1]} : vector<16xi32> to vector<1xi32>
        %squeeze3A_1243 = vector.extract %slice3A_1242[0] : i32 from vector<1xi32>
        %shift_right_arithmetic3A_1244 = arith.constant 7 : i32
        %shift_right_arithmetic3A_1245 = arith.shrsi %squeeze3A_1243, %shift_right_arithmetic3A_1244 : i32
        %shift_left3A_1246 = arith.constant 7 : i32
        %shift_left3A_1247 = arith.shli %shift_right_arithmetic3A_1245, %shift_left3A_1246 : i32
        %multiple_of3A_1248 = tpu.assume_multiple %shift_left3A_1247, 128 : i32
        %dma_start3A_1249 = arith.constant 4 : i32
        %dma_start3A_1250 = arith.constant 0 : i32
        %dma_start3A_1251 = arith.constant 0 : i32
        %dma_start3A_1252 = tpu.memref_slice %arg10[%dma_start3A_1249, %dma_start3A_1250, %dma_start3A_1251] : memref<16x32x128xf32, #tpu.memory_space<vmem>> -> memref<1x32x128xf32, #tpu.memory_space<vmem>>
        %dma_start3A_1253 = tpu.memref_squeeze %dma_start3A_1252 : memref<1x32x128xf32, #tpu.memory_space<vmem>> -> memref<32x128xf32, #tpu.memory_space<vmem>>
        %dma_start3A_1254 = arith.constant 0 : i32
        %dma_start3A_1255 = tpu.memref_slice %arg4[%dma_start3A_1254, %multiple_of3A_1248] : memref<32x1000000xf32, #tpu.memory_space<hbm>> -> memref<32x128xf32, #tpu.memory_space<hbm>>
        %dma_start3A_1256 = arith.constant 0 : i32
        %dma_start3A_1257 = arith.constant 0 : i32
        %dma_start3A_1258 = tpu.memref_slice %arg10[%dma_start3A_1249, %dma_start3A_1256, %dma_start3A_1257] : memref<16x32x128xf32, #tpu.memory_space<vmem>> -> memref<1x32x128xf32, #tpu.memory_space<vmem>>
        %dma_start3A_1259 = tpu.memref_squeeze %dma_start3A_1258 : memref<1x32x128xf32, #tpu.memory_space<vmem>> -> memref<32x128xf32, #tpu.memory_space<vmem>>
        %dma_start3A_1260 = arith.constant 0 : i32
        %dma_start3A_1261 = tpu.memref_slice %arg4[%dma_start3A_1260, %multiple_of3A_1248] : memref<32x1000000xf32, #tpu.memory_space<hbm>> -> memref<32x128xf32, #tpu.memory_space<hbm>>
        tpu.enqueue_dma source(%dma_start3A_1261 : memref<32x128xf32, #tpu.memory_space<hbm>>) target(%dma_start3A_1259 : memref<32x128xf32, #tpu.memory_space<vmem>>) target_semaphore(%arg17 : memref<!tpu.dma_semaphore, #tpu.memory_space<semaphore_mem>>)
      } else {
      }
      %dma_wait3A_846 = arith.constant 5 : i32
      %dma_wait3A_847 = arith.constant 0 : i32
      %dma_wait3A_848 = arith.constant 0 : i32
      %dma_wait3A_849 = tpu.memref_slice %arg10[%dma_wait3A_846, %dma_wait3A_847, %dma_wait3A_848] : memref<16x32x128xf32, #tpu.memory_space<vmem>> -> memref<1x32x128xf32, #tpu.memory_space<vmem>>
      %dma_wait3A_850 = tpu.memref_squeeze %dma_wait3A_849 : memref<1x32x128xf32, #tpu.memory_space<vmem>> -> memref<32x128xf32, #tpu.memory_space<vmem>>
      %dma_wait3A_851 = arith.constant 0 : i32
      %dma_wait3A_852 = arith.constant 0 : i32
      %dma_wait3A_853 = tpu.memref_slice %arg4[%dma_wait3A_851, %dma_wait3A_852] : memref<32x1000000xf32, #tpu.memory_space<hbm>> -> memref<32x128xf32, #tpu.memory_space<hbm>>
      %dma_wait3A_854 = arith.constant 0 : i32
      %dma_wait3A_855 = arith.constant 0 : i32
      %dma_wait3A_856 = tpu.memref_slice %arg10[%dma_wait3A_846, %dma_wait3A_854, %dma_wait3A_855] : memref<16x32x128xf32, #tpu.memory_space<vmem>> -> memref<1x32x128xf32, #tpu.memory_space<vmem>>
      %dma_wait3A_857 = tpu.memref_squeeze %dma_wait3A_856 : memref<1x32x128xf32, #tpu.memory_space<vmem>> -> memref<32x128xf32, #tpu.memory_space<vmem>>
      %dma_wait3A_858 = arith.constant 0 : i32
      %dma_wait3A_859 = arith.constant 0 : i32
      %dma_wait3A_860 = tpu.memref_slice %arg4[%dma_wait3A_858, %dma_wait3A_859] : memref<32x1000000xf32, #tpu.memory_space<hbm>> -> memref<32x128xf32, #tpu.memory_space<hbm>>
      tpu.wait_dma2 semaphore(%arg18 : memref<!tpu.dma_semaphore, #tpu.memory_space<semaphore_mem>>) src(%dma_wait3A_860 : memref<32x128xf32, #tpu.memory_space<hbm>>) dst(%dma_wait3A_857 : memref<32x128xf32, #tpu.memory_space<vmem>>)
      %slice3A_861 = vector.extract_strided_slice %get3A_666 {offsets = [5], sizes = [1], strides = [1]} : vector<16xi32> to vector<1xi32>
      %squeeze3A_862 = vector.extract %slice3A_861[0] : i32 from vector<1xi32>
      %and3A_863 = arith.constant 127 : i32
      %and3A_864 = arith.andi %squeeze3A_862, %and3A_863 : i32
      %broadcast_in_dim3A_865 = arith.constant 5 : i32
      %broadcast_in_dim3A_866 = vector.broadcast %broadcast_in_dim3A_865 : i32 to vector<16xi32>
      %broadcast_in_dim3A_867 = vector.broadcast %and3A_864 : i32 to vector<16xi32>
      %mul3A_868 = arith.constant 16 : i32
      %mul3A_869 = arith.muli %scan3A_662, %mul3A_868 : i32
      %add3A_870 = arith.constant 5 : i32
      %add3A_871 = arith.addi %mul3A_869, %add3A_870 : i32
      %broadcast_in_dim3A_872 = vector.broadcast %add3A_871 : i32 to vector<16xi32>
      %gather3A_873 = tpu.vector_load_idx %arg10[%broadcast_in_dim3A_866, %iota3A, %broadcast_in_dim3A_867] : memref<16x32x128xf32, #tpu.memory_space<vmem>>[vector<16xi32>, vector<16xi32>, vector<16xi32>], vector<16xf32>,
      %gather3A_874 = tpu.vector_load_idx %arg10[%broadcast_in_dim3A_866, %add3A_3, %broadcast_in_dim3A_867] : memref<16x32x128xf32, #tpu.memory_space<vmem>>[vector<16xi32>, vector<16xi32>, vector<16xi32>], vector<16xf32>,
      tpu.vector_store_idx %arg11[%broadcast_in_dim3A_872, %iota3A], %gather3A_873 : memref<128x32xf32, #tpu.memory_space<vmem>>[vector<16xi32>, vector<16xi32>], vector<16xf32>,
      tpu.vector_store_idx %arg11[%broadcast_in_dim3A_872, %add3A_3], %gather3A_874 : memref<128x32xf32, #tpu.memory_space<vmem>>[vector<16xi32>, vector<16xi32>], vector<16xf32>,
      %add3A_875 = arith.constant 1 : i32
      %add3A_876 = arith.addi %scan3A_662, %add3A_875 : i32
      %lt3A_877 = arith.constant 8 : i32
      %lt3A_878 = arith.cmpi slt, %add3A_876, %lt3A_877 : i32
      %convert_element_type3A_879 = arith.extui %lt3A_878 : i1 to i32
      %cond3A_880 = arith.constant 0 : i32
      %cond3A_881 = arith.cmpi ne, %convert_element_type3A_879, %cond3A_880 : i32
      scf.if %cond3A_881 {
        %slice3A_1242 = vector.extract_strided_slice %get3A_672 {offsets = [5], sizes = [1], strides = [1]} : vector<16xi32> to vector<1xi32>
        %squeeze3A_1243 = vector.extract %slice3A_1242[0] : i32 from vector<1xi32>
        %shift_right_arithmetic3A_1244 = arith.constant 7 : i32
        %shift_right_arithmetic3A_1245 = arith.shrsi %squeeze3A_1243, %shift_right_arithmetic3A_1244 : i32
        %shift_left3A_1246 = arith.constant 7 : i32
        %shift_left3A_1247 = arith.shli %shift_right_arithmetic3A_1245, %shift_left3A_1246 : i32
        %multiple_of3A_1248 = tpu.assume_multiple %shift_left3A_1247, 128 : i32
        %dma_start3A_1249 = arith.constant 5 : i32
        %dma_start3A_1250 = arith.constant 0 : i32
        %dma_start3A_1251 = arith.constant 0 : i32
        %dma_start3A_1252 = tpu.memref_slice %arg10[%dma_start3A_1249, %dma_start3A_1250, %dma_start3A_1251] : memref<16x32x128xf32, #tpu.memory_space<vmem>> -> memref<1x32x128xf32, #tpu.memory_space<vmem>>
        %dma_start3A_1253 = tpu.memref_squeeze %dma_start3A_1252 : memref<1x32x128xf32, #tpu.memory_space<vmem>> -> memref<32x128xf32, #tpu.memory_space<vmem>>
        %dma_start3A_1254 = arith.constant 0 : i32
        %dma_start3A_1255 = tpu.memref_slice %arg4[%dma_start3A_1254, %multiple_of3A_1248] : memref<32x1000000xf32, #tpu.memory_space<hbm>> -> memref<32x128xf32, #tpu.memory_space<hbm>>
        %dma_start3A_1256 = arith.constant 0 : i32
        %dma_start3A_1257 = arith.constant 0 : i32
        %dma_start3A_1258 = tpu.memref_slice %arg10[%dma_start3A_1249, %dma_start3A_1256, %dma_start3A_1257] : memref<16x32x128xf32, #tpu.memory_space<vmem>> -> memref<1x32x128xf32, #tpu.memory_space<vmem>>
        %dma_start3A_1259 = tpu.memref_squeeze %dma_start3A_1258 : memref<1x32x128xf32, #tpu.memory_space<vmem>> -> memref<32x128xf32, #tpu.memory_space<vmem>>
        %dma_start3A_1260 = arith.constant 0 : i32
        %dma_start3A_1261 = tpu.memref_slice %arg4[%dma_start3A_1260, %multiple_of3A_1248] : memref<32x1000000xf32, #tpu.memory_space<hbm>> -> memref<32x128xf32, #tpu.memory_space<hbm>>
        tpu.enqueue_dma source(%dma_start3A_1261 : memref<32x128xf32, #tpu.memory_space<hbm>>) target(%dma_start3A_1259 : memref<32x128xf32, #tpu.memory_space<vmem>>) target_semaphore(%arg18 : memref<!tpu.dma_semaphore, #tpu.memory_space<semaphore_mem>>)
      } else {
      }
      %dma_wait3A_882 = arith.constant 6 : i32
      %dma_wait3A_883 = arith.constant 0 : i32
      %dma_wait3A_884 = arith.constant 0 : i32
      %dma_wait3A_885 = tpu.memref_slice %arg10[%dma_wait3A_882, %dma_wait3A_883, %dma_wait3A_884] : memref<16x32x128xf32, #tpu.memory_space<vmem>> -> memref<1x32x128xf32, #tpu.memory_space<vmem>>
      %dma_wait3A_886 = tpu.memref_squeeze %dma_wait3A_885 : memref<1x32x128xf32, #tpu.memory_space<vmem>> -> memref<32x128xf32, #tpu.memory_space<vmem>>
      %dma_wait3A_887 = arith.constant 0 : i32
      %dma_wait3A_888 = arith.constant 0 : i32
      %dma_wait3A_889 = tpu.memref_slice %arg4[%dma_wait3A_887, %dma_wait3A_888] : memref<32x1000000xf32, #tpu.memory_space<hbm>> -> memref<32x128xf32, #tpu.memory_space<hbm>>
      %dma_wait3A_890 = arith.constant 0 : i32
      %dma_wait3A_891 = arith.constant 0 : i32
      %dma_wait3A_892 = tpu.memref_slice %arg10[%dma_wait3A_882, %dma_wait3A_890, %dma_wait3A_891] : memref<16x32x128xf32, #tpu.memory_space<vmem>> -> memref<1x32x128xf32, #tpu.memory_space<vmem>>
      %dma_wait3A_893 = tpu.memref_squeeze %dma_wait3A_892 : memref<1x32x128xf32, #tpu.memory_space<vmem>> -> memref<32x128xf32, #tpu.memory_space<vmem>>
      %dma_wait3A_894 = arith.constant 0 : i32
      %dma_wait3A_895 = arith.constant 0 : i32
      %dma_wait3A_896 = tpu.memref_slice %arg4[%dma_wait3A_894, %dma_wait3A_895] : memref<32x1000000xf32, #tpu.memory_space<hbm>> -> memref<32x128xf32, #tpu.memory_space<hbm>>
      tpu.wait_dma2 semaphore(%arg19 : memref<!tpu.dma_semaphore, #tpu.memory_space<semaphore_mem>>) src(%dma_wait3A_896 : memref<32x128xf32, #tpu.memory_space<hbm>>) dst(%dma_wait3A_893 : memref<32x128xf32, #tpu.memory_space<vmem>>)
      %slice3A_897 = vector.extract_strided_slice %get3A_666 {offsets = [6], sizes = [1], strides = [1]} : vector<16xi32> to vector<1xi32>
      %squeeze3A_898 = vector.extract %slice3A_897[0] : i32 from vector<1xi32>
      %and3A_899 = arith.constant 127 : i32
      %and3A_900 = arith.andi %squeeze3A_898, %and3A_899 : i32
      %broadcast_in_dim3A_901 = arith.constant 6 : i32
      %broadcast_in_dim3A_902 = vector.broadcast %broadcast_in_dim3A_901 : i32 to vector<16xi32>
      %broadcast_in_dim3A_903 = vector.broadcast %and3A_900 : i32 to vector<16xi32>
      %mul3A_904 = arith.constant 16 : i32
      %mul3A_905 = arith.muli %scan3A_662, %mul3A_904 : i32
      %add3A_906 = arith.constant 6 : i32
      %add3A_907 = arith.addi %mul3A_905, %add3A_906 : i32
      %broadcast_in_dim3A_908 = vector.broadcast %add3A_907 : i32 to vector<16xi32>
      %gather3A_909 = tpu.vector_load_idx %arg10[%broadcast_in_dim3A_902, %iota3A, %broadcast_in_dim3A_903] : memref<16x32x128xf32, #tpu.memory_space<vmem>>[vector<16xi32>, vector<16xi32>, vector<16xi32>], vector<16xf32>,
      %gather3A_910 = tpu.vector_load_idx %arg10[%broadcast_in_dim3A_902, %add3A_3, %broadcast_in_dim3A_903] : memref<16x32x128xf32, #tpu.memory_space<vmem>>[vector<16xi32>, vector<16xi32>, vector<16xi32>], vector<16xf32>,
      tpu.vector_store_idx %arg11[%broadcast_in_dim3A_908, %iota3A], %gather3A_909 : memref<128x32xf32, #tpu.memory_space<vmem>>[vector<16xi32>, vector<16xi32>], vector<16xf32>,
      tpu.vector_store_idx %arg11[%broadcast_in_dim3A_908, %add3A_3], %gather3A_910 : memref<128x32xf32, #tpu.memory_space<vmem>>[vector<16xi32>, vector<16xi32>], vector<16xf32>,
      %add3A_911 = arith.constant 1 : i32
      %add3A_912 = arith.addi %scan3A_662, %add3A_911 : i32
      %lt3A_913 = arith.constant 8 : i32
      %lt3A_914 = arith.cmpi slt, %add3A_912, %lt3A_913 : i32
      %convert_element_type3A_915 = arith.extui %lt3A_914 : i1 to i32
      %cond3A_916 = arith.constant 0 : i32
      %cond3A_917 = arith.cmpi ne, %convert_element_type3A_915, %cond3A_916 : i32
      scf.if %cond3A_917 {
        %slice3A_1242 = vector.extract_strided_slice %get3A_672 {offsets = [6], sizes = [1], strides = [1]} : vector<16xi32> to vector<1xi32>
        %squeeze3A_1243 = vector.extract %slice3A_1242[0] : i32 from vector<1xi32>
        %shift_right_arithmetic3A_1244 = arith.constant 7 : i32
        %shift_right_arithmetic3A_1245 = arith.shrsi %squeeze3A_1243, %shift_right_arithmetic3A_1244 : i32
        %shift_left3A_1246 = arith.constant 7 : i32
        %shift_left3A_1247 = arith.shli %shift_right_arithmetic3A_1245, %shift_left3A_1246 : i32
        %multiple_of3A_1248 = tpu.assume_multiple %shift_left3A_1247, 128 : i32
        %dma_start3A_1249 = arith.constant 6 : i32
        %dma_start3A_1250 = arith.constant 0 : i32
        %dma_start3A_1251 = arith.constant 0 : i32
        %dma_start3A_1252 = tpu.memref_slice %arg10[%dma_start3A_1249, %dma_start3A_1250, %dma_start3A_1251] : memref<16x32x128xf32, #tpu.memory_space<vmem>> -> memref<1x32x128xf32, #tpu.memory_space<vmem>>
        %dma_start3A_1253 = tpu.memref_squeeze %dma_start3A_1252 : memref<1x32x128xf32, #tpu.memory_space<vmem>> -> memref<32x128xf32, #tpu.memory_space<vmem>>
        %dma_start3A_1254 = arith.constant 0 : i32
        %dma_start3A_1255 = tpu.memref_slice %arg4[%dma_start3A_1254, %multiple_of3A_1248] : memref<32x1000000xf32, #tpu.memory_space<hbm>> -> memref<32x128xf32, #tpu.memory_space<hbm>>
        %dma_start3A_1256 = arith.constant 0 : i32
        %dma_start3A_1257 = arith.constant 0 : i32
        %dma_start3A_1258 = tpu.memref_slice %arg10[%dma_start3A_1249, %dma_start3A_1256, %dma_start3A_1257] : memref<16x32x128xf32, #tpu.memory_space<vmem>> -> memref<1x32x128xf32, #tpu.memory_space<vmem>>
        %dma_start3A_1259 = tpu.memref_squeeze %dma_start3A_1258 : memref<1x32x128xf32, #tpu.memory_space<vmem>> -> memref<32x128xf32, #tpu.memory_space<vmem>>
        %dma_start3A_1260 = arith.constant 0 : i32
        %dma_start3A_1261 = tpu.memref_slice %arg4[%dma_start3A_1260, %multiple_of3A_1248] : memref<32x1000000xf32, #tpu.memory_space<hbm>> -> memref<32x128xf32, #tpu.memory_space<hbm>>
        tpu.enqueue_dma source(%dma_start3A_1261 : memref<32x128xf32, #tpu.memory_space<hbm>>) target(%dma_start3A_1259 : memref<32x128xf32, #tpu.memory_space<vmem>>) target_semaphore(%arg19 : memref<!tpu.dma_semaphore, #tpu.memory_space<semaphore_mem>>)
      } else {
      }
      %dma_wait3A_918 = arith.constant 7 : i32
      %dma_wait3A_919 = arith.constant 0 : i32
      %dma_wait3A_920 = arith.constant 0 : i32
      %dma_wait3A_921 = tpu.memref_slice %arg10[%dma_wait3A_918, %dma_wait3A_919, %dma_wait3A_920] : memref<16x32x128xf32, #tpu.memory_space<vmem>> -> memref<1x32x128xf32, #tpu.memory_space<vmem>>
      %dma_wait3A_922 = tpu.memref_squeeze %dma_wait3A_921 : memref<1x32x128xf32, #tpu.memory_space<vmem>> -> memref<32x128xf32, #tpu.memory_space<vmem>>
      %dma_wait3A_923 = arith.constant 0 : i32
      %dma_wait3A_924 = arith.constant 0 : i32
      %dma_wait3A_925 = tpu.memref_slice %arg4[%dma_wait3A_923, %dma_wait3A_924] : memref<32x1000000xf32, #tpu.memory_space<hbm>> -> memref<32x128xf32, #tpu.memory_space<hbm>>
      %dma_wait3A_926 = arith.constant 0 : i32
      %dma_wait3A_927 = arith.constant 0 : i32
      %dma_wait3A_928 = tpu.memref_slice %arg10[%dma_wait3A_918, %dma_wait3A_926, %dma_wait3A_927] : memref<16x32x128xf32, #tpu.memory_space<vmem>> -> memref<1x32x128xf32, #tpu.memory_space<vmem>>
      %dma_wait3A_929 = tpu.memref_squeeze %dma_wait3A_928 : memref<1x32x128xf32, #tpu.memory_space<vmem>> -> memref<32x128xf32, #tpu.memory_space<vmem>>
      %dma_wait3A_930 = arith.constant 0 : i32
      %dma_wait3A_931 = arith.constant 0 : i32
      %dma_wait3A_932 = tpu.memref_slice %arg4[%dma_wait3A_930, %dma_wait3A_931] : memref<32x1000000xf32, #tpu.memory_space<hbm>> -> memref<32x128xf32, #tpu.memory_space<hbm>>
      tpu.wait_dma2 semaphore(%arg20 : memref<!tpu.dma_semaphore, #tpu.memory_space<semaphore_mem>>) src(%dma_wait3A_932 : memref<32x128xf32, #tpu.memory_space<hbm>>) dst(%dma_wait3A_929 : memref<32x128xf32, #tpu.memory_space<vmem>>)
      %slice3A_933 = vector.extract_strided_slice %get3A_666 {offsets = [7], sizes = [1], strides = [1]} : vector<16xi32> to vector<1xi32>
      %squeeze3A_934 = vector.extract %slice3A_933[0] : i32 from vector<1xi32>
      %and3A_935 = arith.constant 127 : i32
      %and3A_936 = arith.andi %squeeze3A_934, %and3A_935 : i32
      %broadcast_in_dim3A_937 = arith.constant 7 : i32
      %broadcast_in_dim3A_938 = vector.broadcast %broadcast_in_dim3A_937 : i32 to vector<16xi32>
      %broadcast_in_dim3A_939 = vector.broadcast %and3A_936 : i32 to vector<16xi32>
      %mul3A_940 = arith.constant 16 : i32
      %mul3A_941 = arith.muli %scan3A_662, %mul3A_940 : i32
      %add3A_942 = arith.constant 7 : i32
      %add3A_943 = arith.addi %mul3A_941, %add3A_942 : i32
      %broadcast_in_dim3A_944 = vector.broadcast %add3A_943 : i32 to vector<16xi32>
      %gather3A_945 = tpu.vector_load_idx %arg10[%broadcast_in_dim3A_938, %iota3A, %broadcast_in_dim3A_939] : memref<16x32x128xf32, #tpu.memory_space<vmem>>[vector<16xi32>, vector<16xi32>, vector<16xi32>], vector<16xf32>,
      %gather3A_946 = tpu.vector_load_idx %arg10[%broadcast_in_dim3A_938, %add3A_3, %broadcast_in_dim3A_939] : memref<16x32x128xf32, #tpu.memory_space<vmem>>[vector<16xi32>, vector<16xi32>, vector<16xi32>], vector<16xf32>,
      tpu.vector_store_idx %arg11[%broadcast_in_dim3A_944, %iota3A], %gather3A_945 : memref<128x32xf32, #tpu.memory_space<vmem>>[vector<16xi32>, vector<16xi32>], vector<16xf32>,
      tpu.vector_store_idx %arg11[%broadcast_in_dim3A_944, %add3A_3], %gather3A_946 : memref<128x32xf32, #tpu.memory_space<vmem>>[vector<16xi32>, vector<16xi32>], vector<16xf32>,
      %add3A_947 = arith.constant 1 : i32
      %add3A_948 = arith.addi %scan3A_662, %add3A_947 : i32
      %lt3A_949 = arith.constant 8 : i32
      %lt3A_950 = arith.cmpi slt, %add3A_948, %lt3A_949 : i32
      %convert_element_type3A_951 = arith.extui %lt3A_950 : i1 to i32
      %cond3A_952 = arith.constant 0 : i32
      %cond3A_953 = arith.cmpi ne, %convert_element_type3A_951, %cond3A_952 : i32
      scf.if %cond3A_953 {
        %slice3A_1242 = vector.extract_strided_slice %get3A_672 {offsets = [7], sizes = [1], strides = [1]} : vector<16xi32> to vector<1xi32>
        %squeeze3A_1243 = vector.extract %slice3A_1242[0] : i32 from vector<1xi32>
        %shift_right_arithmetic3A_1244 = arith.constant 7 : i32
        %shift_right_arithmetic3A_1245 = arith.shrsi %squeeze3A_1243, %shift_right_arithmetic3A_1244 : i32
        %shift_left3A_1246 = arith.constant 7 : i32
        %shift_left3A_1247 = arith.shli %shift_right_arithmetic3A_1245, %shift_left3A_1246 : i32
        %multiple_of3A_1248 = tpu.assume_multiple %shift_left3A_1247, 128 : i32
        %dma_start3A_1249 = arith.constant 7 : i32
        %dma_start3A_1250 = arith.constant 0 : i32
        %dma_start3A_1251 = arith.constant 0 : i32
        %dma_start3A_1252 = tpu.memref_slice %arg10[%dma_start3A_1249, %dma_start3A_1250, %dma_start3A_1251] : memref<16x32x128xf32, #tpu.memory_space<vmem>> -> memref<1x32x128xf32, #tpu.memory_space<vmem>>
        %dma_start3A_1253 = tpu.memref_squeeze %dma_start3A_1252 : memref<1x32x128xf32, #tpu.memory_space<vmem>> -> memref<32x128xf32, #tpu.memory_space<vmem>>
        %dma_start3A_1254 = arith.constant 0 : i32
        %dma_start3A_1255 = tpu.memref_slice %arg4[%dma_start3A_1254, %multiple_of3A_1248] : memref<32x1000000xf32, #tpu.memory_space<hbm>> -> memref<32x128xf32, #tpu.memory_space<hbm>>
        %dma_start3A_1256 = arith.constant 0 : i32
        %dma_start3A_1257 = arith.constant 0 : i32
        %dma_start3A_1258 = tpu.memref_slice %arg10[%dma_start3A_1249, %dma_start3A_1256, %dma_start3A_1257] : memref<16x32x128xf32, #tpu.memory_space<vmem>> -> memref<1x32x128xf32, #tpu.memory_space<vmem>>
        %dma_start3A_1259 = tpu.memref_squeeze %dma_start3A_1258 : memref<1x32x128xf32, #tpu.memory_space<vmem>> -> memref<32x128xf32, #tpu.memory_space<vmem>>
        %dma_start3A_1260 = arith.constant 0 : i32
        %dma_start3A_1261 = tpu.memref_slice %arg4[%dma_start3A_1260, %multiple_of3A_1248] : memref<32x1000000xf32, #tpu.memory_space<hbm>> -> memref<32x128xf32, #tpu.memory_space<hbm>>
        tpu.enqueue_dma source(%dma_start3A_1261 : memref<32x128xf32, #tpu.memory_space<hbm>>) target(%dma_start3A_1259 : memref<32x128xf32, #tpu.memory_space<vmem>>) target_semaphore(%arg20 : memref<!tpu.dma_semaphore, #tpu.memory_space<semaphore_mem>>)
      } else {
      }
      %dma_wait3A_954 = arith.constant 8 : i32
      %dma_wait3A_955 = arith.constant 0 : i32
      %dma_wait3A_956 = arith.constant 0 : i32
      %dma_wait3A_957 = tpu.memref_slice %arg10[%dma_wait3A_954, %dma_wait3A_955, %dma_wait3A_956] : memref<16x32x128xf32, #tpu.memory_space<vmem>> -> memref<1x32x128xf32, #tpu.memory_space<vmem>>
      %dma_wait3A_958 = tpu.memref_squeeze %dma_wait3A_957 : memref<1x32x128xf32, #tpu.memory_space<vmem>> -> memref<32x128xf32, #tpu.memory_space<vmem>>
      %dma_wait3A_959 = arith.constant 0 : i32
      %dma_wait3A_960 = arith.constant 0 : i32
      %dma_wait3A_961 = tpu.memref_slice %arg4[%dma_wait3A_959, %dma_wait3A_960] : memref<32x1000000xf32, #tpu.memory_space<hbm>> -> memref<32x128xf32, #tpu.memory_space<hbm>>
      %dma_wait3A_962 = arith.constant 0 : i32
      %dma_wait3A_963 = arith.constant 0 : i32
      %dma_wait3A_964 = tpu.memref_slice %arg10[%dma_wait3A_954, %dma_wait3A_962, %dma_wait3A_963] : memref<16x32x128xf32, #tpu.memory_space<vmem>> -> memref<1x32x128xf32, #tpu.memory_space<vmem>>
      %dma_wait3A_965 = tpu.memref_squeeze %dma_wait3A_964 : memref<1x32x128xf32, #tpu.memory_space<vmem>> -> memref<32x128xf32, #tpu.memory_space<vmem>>
      %dma_wait3A_966 = arith.constant 0 : i32
      %dma_wait3A_967 = arith.constant 0 : i32
      %dma_wait3A_968 = tpu.memref_slice %arg4[%dma_wait3A_966, %dma_wait3A_967] : memref<32x1000000xf32, #tpu.memory_space<hbm>> -> memref<32x128xf32, #tpu.memory_space<hbm>>
      tpu.wait_dma2 semaphore(%arg21 : memref<!tpu.dma_semaphore, #tpu.memory_space<semaphore_mem>>) src(%dma_wait3A_968 : memref<32x128xf32, #tpu.memory_space<hbm>>) dst(%dma_wait3A_965 : memref<32x128xf32, #tpu.memory_space<vmem>>)
      %slice3A_969 = vector.extract_strided_slice %get3A_666 {offsets = [8], sizes = [1], strides = [1]} : vector<16xi32> to vector<1xi32>
      %squeeze3A_970 = vector.extract %slice3A_969[0] : i32 from vector<1xi32>
      %and3A_971 = arith.constant 127 : i32
      %and3A_972 = arith.andi %squeeze3A_970, %and3A_971 : i32
      %broadcast_in_dim3A_973 = arith.constant 8 : i32
      %broadcast_in_dim3A_974 = vector.broadcast %broadcast_in_dim3A_973 : i32 to vector<16xi32>
      %broadcast_in_dim3A_975 = vector.broadcast %and3A_972 : i32 to vector<16xi32>
      %mul3A_976 = arith.constant 16 : i32
      %mul3A_977 = arith.muli %scan3A_662, %mul3A_976 : i32
      %add3A_978 = arith.constant 8 : i32
      %add3A_979 = arith.addi %mul3A_977, %add3A_978 : i32
      %broadcast_in_dim3A_980 = vector.broadcast %add3A_979 : i32 to vector<16xi32>
      %gather3A_981 = tpu.vector_load_idx %arg10[%broadcast_in_dim3A_974, %iota3A, %broadcast_in_dim3A_975] : memref<16x32x128xf32, #tpu.memory_space<vmem>>[vector<16xi32>, vector<16xi32>, vector<16xi32>], vector<16xf32>,
      %gather3A_982 = tpu.vector_load_idx %arg10[%broadcast_in_dim3A_974, %add3A_3, %broadcast_in_dim3A_975] : memref<16x32x128xf32, #tpu.memory_space<vmem>>[vector<16xi32>, vector<16xi32>, vector<16xi32>], vector<16xf32>,
      tpu.vector_store_idx %arg11[%broadcast_in_dim3A_980, %iota3A], %gather3A_981 : memref<128x32xf32, #tpu.memory_space<vmem>>[vector<16xi32>, vector<16xi32>], vector<16xf32>,
      tpu.vector_store_idx %arg11[%broadcast_in_dim3A_980, %add3A_3], %gather3A_982 : memref<128x32xf32, #tpu.memory_space<vmem>>[vector<16xi32>, vector<16xi32>], vector<16xf32>,
      %add3A_983 = arith.constant 1 : i32
      %add3A_984 = arith.addi %scan3A_662, %add3A_983 : i32
      %lt3A_985 = arith.constant 8 : i32
      %lt3A_986 = arith.cmpi slt, %add3A_984, %lt3A_985 : i32
      %convert_element_type3A_987 = arith.extui %lt3A_986 : i1 to i32
      %cond3A_988 = arith.constant 0 : i32
      %cond3A_989 = arith.cmpi ne, %convert_element_type3A_987, %cond3A_988 : i32
      scf.if %cond3A_989 {
        %slice3A_1242 = vector.extract_strided_slice %get3A_672 {offsets = [8], sizes = [1], strides = [1]} : vector<16xi32> to vector<1xi32>
        %squeeze3A_1243 = vector.extract %slice3A_1242[0] : i32 from vector<1xi32>
        %shift_right_arithmetic3A_1244 = arith.constant 7 : i32
        %shift_right_arithmetic3A_1245 = arith.shrsi %squeeze3A_1243, %shift_right_arithmetic3A_1244 : i32
        %shift_left3A_1246 = arith.constant 7 : i32
        %shift_left3A_1247 = arith.shli %shift_right_arithmetic3A_1245, %shift_left3A_1246 : i32
        %multiple_of3A_1248 = tpu.assume_multiple %shift_left3A_1247, 128 : i32
        %dma_start3A_1249 = arith.constant 8 : i32
        %dma_start3A_1250 = arith.constant 0 : i32
        %dma_start3A_1251 = arith.constant 0 : i32
        %dma_start3A_1252 = tpu.memref_slice %arg10[%dma_start3A_1249, %dma_start3A_1250, %dma_start3A_1251] : memref<16x32x128xf32, #tpu.memory_space<vmem>> -> memref<1x32x128xf32, #tpu.memory_space<vmem>>
        %dma_start3A_1253 = tpu.memref_squeeze %dma_start3A_1252 : memref<1x32x128xf32, #tpu.memory_space<vmem>> -> memref<32x128xf32, #tpu.memory_space<vmem>>
        %dma_start3A_1254 = arith.constant 0 : i32
        %dma_start3A_1255 = tpu.memref_slice %arg4[%dma_start3A_1254, %multiple_of3A_1248] : memref<32x1000000xf32, #tpu.memory_space<hbm>> -> memref<32x128xf32, #tpu.memory_space<hbm>>
        %dma_start3A_1256 = arith.constant 0 : i32
        %dma_start3A_1257 = arith.constant 0 : i32
        %dma_start3A_1258 = tpu.memref_slice %arg10[%dma_start3A_1249, %dma_start3A_1256, %dma_start3A_1257] : memref<16x32x128xf32, #tpu.memory_space<vmem>> -> memref<1x32x128xf32, #tpu.memory_space<vmem>>
        %dma_start3A_1259 = tpu.memref_squeeze %dma_start3A_1258 : memref<1x32x128xf32, #tpu.memory_space<vmem>> -> memref<32x128xf32, #tpu.memory_space<vmem>>
        %dma_start3A_1260 = arith.constant 0 : i32
        %dma_start3A_1261 = tpu.memref_slice %arg4[%dma_start3A_1260, %multiple_of3A_1248] : memref<32x1000000xf32, #tpu.memory_space<hbm>> -> memref<32x128xf32, #tpu.memory_space<hbm>>
        tpu.enqueue_dma source(%dma_start3A_1261 : memref<32x128xf32, #tpu.memory_space<hbm>>) target(%dma_start3A_1259 : memref<32x128xf32, #tpu.memory_space<vmem>>) target_semaphore(%arg21 : memref<!tpu.dma_semaphore, #tpu.memory_space<semaphore_mem>>)
      } else {
      }
      %dma_wait3A_990 = arith.constant 9 : i32
      %dma_wait3A_991 = arith.constant 0 : i32
      %dma_wait3A_992 = arith.constant 0 : i32
      %dma_wait3A_993 = tpu.memref_slice %arg10[%dma_wait3A_990, %dma_wait3A_991, %dma_wait3A_992] : memref<16x32x128xf32, #tpu.memory_space<vmem>> -> memref<1x32x128xf32, #tpu.memory_space<vmem>>
      %dma_wait3A_994 = tpu.memref_squeeze %dma_wait3A_993 : memref<1x32x128xf32, #tpu.memory_space<vmem>> -> memref<32x128xf32, #tpu.memory_space<vmem>>
      %dma_wait3A_995 = arith.constant 0 : i32
      %dma_wait3A_996 = arith.constant 0 : i32
      %dma_wait3A_997 = tpu.memref_slice %arg4[%dma_wait3A_995, %dma_wait3A_996] : memref<32x1000000xf32, #tpu.memory_space<hbm>> -> memref<32x128xf32, #tpu.memory_space<hbm>>
      %dma_wait3A_998 = arith.constant 0 : i32
      %dma_wait3A_999 = arith.constant 0 : i32
      %dma_wait3A_1000 = tpu.memref_slice %arg10[%dma_wait3A_990, %dma_wait3A_998, %dma_wait3A_999] : memref<16x32x128xf32, #tpu.memory_space<vmem>> -> memref<1x32x128xf32, #tpu.memory_space<vmem>>
      %dma_wait3A_1001 = tpu.memref_squeeze %dma_wait3A_1000 : memref<1x32x128xf32, #tpu.memory_space<vmem>> -> memref<32x128xf32, #tpu.memory_space<vmem>>
      %dma_wait3A_1002 = arith.constant 0 : i32
      %dma_wait3A_1003 = arith.constant 0 : i32
      %dma_wait3A_1004 = tpu.memref_slice %arg4[%dma_wait3A_1002, %dma_wait3A_1003] : memref<32x1000000xf32, #tpu.memory_space<hbm>> -> memref<32x128xf32, #tpu.memory_space<hbm>>
      tpu.wait_dma2 semaphore(%arg22 : memref<!tpu.dma_semaphore, #tpu.memory_space<semaphore_mem>>) src(%dma_wait3A_1004 : memref<32x128xf32, #tpu.memory_space<hbm>>) dst(%dma_wait3A_1001 : memref<32x128xf32, #tpu.memory_space<vmem>>)
      %slice3A_1005 = vector.extract_strided_slice %get3A_666 {offsets = [9], sizes = [1], strides = [1]} : vector<16xi32> to vector<1xi32>
      %squeeze3A_1006 = vector.extract %slice3A_1005[0] : i32 from vector<1xi32>
      %and3A_1007 = arith.constant 127 : i32
      %and3A_1008 = arith.andi %squeeze3A_1006, %and3A_1007 : i32
      %broadcast_in_dim3A_1009 = arith.constant 9 : i32
      %broadcast_in_dim3A_1010 = vector.broadcast %broadcast_in_dim3A_1009 : i32 to vector<16xi32>
      %broadcast_in_dim3A_1011 = vector.broadcast %and3A_1008 : i32 to vector<16xi32>
      %mul3A_1012 = arith.constant 16 : i32
      %mul3A_1013 = arith.muli %scan3A_662, %mul3A_1012 : i32
      %add3A_1014 = arith.constant 9 : i32
      %add3A_1015 = arith.addi %mul3A_1013, %add3A_1014 : i32
      %broadcast_in_dim3A_1016 = vector.broadcast %add3A_1015 : i32 to vector<16xi32>
      %gather3A_1017 = tpu.vector_load_idx %arg10[%broadcast_in_dim3A_1010, %iota3A, %broadcast_in_dim3A_1011] : memref<16x32x128xf32, #tpu.memory_space<vmem>>[vector<16xi32>, vector<16xi32>, vector<16xi32>], vector<16xf32>,
      %gather3A_1018 = tpu.vector_load_idx %arg10[%broadcast_in_dim3A_1010, %add3A_3, %broadcast_in_dim3A_1011] : memref<16x32x128xf32, #tpu.memory_space<vmem>>[vector<16xi32>, vector<16xi32>, vector<16xi32>], vector<16xf32>,
      tpu.vector_store_idx %arg11[%broadcast_in_dim3A_1016, %iota3A], %gather3A_1017 : memref<128x32xf32, #tpu.memory_space<vmem>>[vector<16xi32>, vector<16xi32>], vector<16xf32>,
      tpu.vector_store_idx %arg11[%broadcast_in_dim3A_1016, %add3A_3], %gather3A_1018 : memref<128x32xf32, #tpu.memory_space<vmem>>[vector<16xi32>, vector<16xi32>], vector<16xf32>,
      %add3A_1019 = arith.constant 1 : i32
      %add3A_1020 = arith.addi %scan3A_662, %add3A_1019 : i32
      %lt3A_1021 = arith.constant 8 : i32
      %lt3A_1022 = arith.cmpi slt, %add3A_1020, %lt3A_1021 : i32
      %convert_element_type3A_1023 = arith.extui %lt3A_1022 : i1 to i32
      %cond3A_1024 = arith.constant 0 : i32
      %cond3A_1025 = arith.cmpi ne, %convert_element_type3A_1023, %cond3A_1024 : i32
      scf.if %cond3A_1025 {
        %slice3A_1242 = vector.extract_strided_slice %get3A_672 {offsets = [9], sizes = [1], strides = [1]} : vector<16xi32> to vector<1xi32>
        %squeeze3A_1243 = vector.extract %slice3A_1242[0] : i32 from vector<1xi32>
        %shift_right_arithmetic3A_1244 = arith.constant 7 : i32
        %shift_right_arithmetic3A_1245 = arith.shrsi %squeeze3A_1243, %shift_right_arithmetic3A_1244 : i32
        %shift_left3A_1246 = arith.constant 7 : i32
        %shift_left3A_1247 = arith.shli %shift_right_arithmetic3A_1245, %shift_left3A_1246 : i32
        %multiple_of3A_1248 = tpu.assume_multiple %shift_left3A_1247, 128 : i32
        %dma_start3A_1249 = arith.constant 9 : i32
        %dma_start3A_1250 = arith.constant 0 : i32
        %dma_start3A_1251 = arith.constant 0 : i32
        %dma_start3A_1252 = tpu.memref_slice %arg10[%dma_start3A_1249, %dma_start3A_1250, %dma_start3A_1251] : memref<16x32x128xf32, #tpu.memory_space<vmem>> -> memref<1x32x128xf32, #tpu.memory_space<vmem>>
        %dma_start3A_1253 = tpu.memref_squeeze %dma_start3A_1252 : memref<1x32x128xf32, #tpu.memory_space<vmem>> -> memref<32x128xf32, #tpu.memory_space<vmem>>
        %dma_start3A_1254 = arith.constant 0 : i32
        %dma_start3A_1255 = tpu.memref_slice %arg4[%dma_start3A_1254, %multiple_of3A_1248] : memref<32x1000000xf32, #tpu.memory_space<hbm>> -> memref<32x128xf32, #tpu.memory_space<hbm>>
        %dma_start3A_1256 = arith.constant 0 : i32
        %dma_start3A_1257 = arith.constant 0 : i32
        %dma_start3A_1258 = tpu.memref_slice %arg10[%dma_start3A_1249, %dma_start3A_1256, %dma_start3A_1257] : memref<16x32x128xf32, #tpu.memory_space<vmem>> -> memref<1x32x128xf32, #tpu.memory_space<vmem>>
        %dma_start3A_1259 = tpu.memref_squeeze %dma_start3A_1258 : memref<1x32x128xf32, #tpu.memory_space<vmem>> -> memref<32x128xf32, #tpu.memory_space<vmem>>
        %dma_start3A_1260 = arith.constant 0 : i32
        %dma_start3A_1261 = tpu.memref_slice %arg4[%dma_start3A_1260, %multiple_of3A_1248] : memref<32x1000000xf32, #tpu.memory_space<hbm>> -> memref<32x128xf32, #tpu.memory_space<hbm>>
        tpu.enqueue_dma source(%dma_start3A_1261 : memref<32x128xf32, #tpu.memory_space<hbm>>) target(%dma_start3A_1259 : memref<32x128xf32, #tpu.memory_space<vmem>>) target_semaphore(%arg22 : memref<!tpu.dma_semaphore, #tpu.memory_space<semaphore_mem>>)
      } else {
      }
      %dma_wait3A_1026 = arith.constant 10 : i32
      %dma_wait3A_1027 = arith.constant 0 : i32
      %dma_wait3A_1028 = arith.constant 0 : i32
      %dma_wait3A_1029 = tpu.memref_slice %arg10[%dma_wait3A_1026, %dma_wait3A_1027, %dma_wait3A_1028] : memref<16x32x128xf32, #tpu.memory_space<vmem>> -> memref<1x32x128xf32, #tpu.memory_space<vmem>>
      %dma_wait3A_1030 = tpu.memref_squeeze %dma_wait3A_1029 : memref<1x32x128xf32, #tpu.memory_space<vmem>> -> memref<32x128xf32, #tpu.memory_space<vmem>>
      %dma_wait3A_1031 = arith.constant 0 : i32
      %dma_wait3A_1032 = arith.constant 0 : i32
      %dma_wait3A_1033 = tpu.memref_slice %arg4[%dma_wait3A_1031, %dma_wait3A_1032] : memref<32x1000000xf32, #tpu.memory_space<hbm>> -> memref<32x128xf32, #tpu.memory_space<hbm>>
      %dma_wait3A_1034 = arith.constant 0 : i32
      %dma_wait3A_1035 = arith.constant 0 : i32
      %dma_wait3A_1036 = tpu.memref_slice %arg10[%dma_wait3A_1026, %dma_wait3A_1034, %dma_wait3A_1035] : memref<16x32x128xf32, #tpu.memory_space<vmem>> -> memref<1x32x128xf32, #tpu.memory_space<vmem>>
      %dma_wait3A_1037 = tpu.memref_squeeze %dma_wait3A_1036 : memref<1x32x128xf32, #tpu.memory_space<vmem>> -> memref<32x128xf32, #tpu.memory_space<vmem>>
      %dma_wait3A_1038 = arith.constant 0 : i32
      %dma_wait3A_1039 = arith.constant 0 : i32
      %dma_wait3A_1040 = tpu.memref_slice %arg4[%dma_wait3A_1038, %dma_wait3A_1039] : memref<32x1000000xf32, #tpu.memory_space<hbm>> -> memref<32x128xf32, #tpu.memory_space<hbm>>
      tpu.wait_dma2 semaphore(%arg23 : memref<!tpu.dma_semaphore, #tpu.memory_space<semaphore_mem>>) src(%dma_wait3A_1040 : memref<32x128xf32, #tpu.memory_space<hbm>>) dst(%dma_wait3A_1037 : memref<32x128xf32, #tpu.memory_space<vmem>>)
      %slice3A_1041 = vector.extract_strided_slice %get3A_666 {offsets = [10], sizes = [1], strides = [1]} : vector<16xi32> to vector<1xi32>
      %squeeze3A_1042 = vector.extract %slice3A_1041[0] : i32 from vector<1xi32>
      %and3A_1043 = arith.constant 127 : i32
      %and3A_1044 = arith.andi %squeeze3A_1042, %and3A_1043 : i32
      %broadcast_in_dim3A_1045 = arith.constant 10 : i32
      %broadcast_in_dim3A_1046 = vector.broadcast %broadcast_in_dim3A_1045 : i32 to vector<16xi32>
      %broadcast_in_dim3A_1047 = vector.broadcast %and3A_1044 : i32 to vector<16xi32>
      %mul3A_1048 = arith.constant 16 : i32
      %mul3A_1049 = arith.muli %scan3A_662, %mul3A_1048 : i32
      %add3A_1050 = arith.constant 10 : i32
      %add3A_1051 = arith.addi %mul3A_1049, %add3A_1050 : i32
      %broadcast_in_dim3A_1052 = vector.broadcast %add3A_1051 : i32 to vector<16xi32>
      %gather3A_1053 = tpu.vector_load_idx %arg10[%broadcast_in_dim3A_1046, %iota3A, %broadcast_in_dim3A_1047] : memref<16x32x128xf32, #tpu.memory_space<vmem>>[vector<16xi32>, vector<16xi32>, vector<16xi32>], vector<16xf32>,
      %gather3A_1054 = tpu.vector_load_idx %arg10[%broadcast_in_dim3A_1046, %add3A_3, %broadcast_in_dim3A_1047] : memref<16x32x128xf32, #tpu.memory_space<vmem>>[vector<16xi32>, vector<16xi32>, vector<16xi32>], vector<16xf32>,
      tpu.vector_store_idx %arg11[%broadcast_in_dim3A_1052, %iota3A], %gather3A_1053 : memref<128x32xf32, #tpu.memory_space<vmem>>[vector<16xi32>, vector<16xi32>], vector<16xf32>,
      tpu.vector_store_idx %arg11[%broadcast_in_dim3A_1052, %add3A_3], %gather3A_1054 : memref<128x32xf32, #tpu.memory_space<vmem>>[vector<16xi32>, vector<16xi32>], vector<16xf32>,
      %add3A_1055 = arith.constant 1 : i32
      %add3A_1056 = arith.addi %scan3A_662, %add3A_1055 : i32
      %lt3A_1057 = arith.constant 8 : i32
      %lt3A_1058 = arith.cmpi slt, %add3A_1056, %lt3A_1057 : i32
      %convert_element_type3A_1059 = arith.extui %lt3A_1058 : i1 to i32
      %cond3A_1060 = arith.constant 0 : i32
      %cond3A_1061 = arith.cmpi ne, %convert_element_type3A_1059, %cond3A_1060 : i32
      scf.if %cond3A_1061 {
        %slice3A_1242 = vector.extract_strided_slice %get3A_672 {offsets = [10], sizes = [1], strides = [1]} : vector<16xi32> to vector<1xi32>
        %squeeze3A_1243 = vector.extract %slice3A_1242[0] : i32 from vector<1xi32>
        %shift_right_arithmetic3A_1244 = arith.constant 7 : i32
        %shift_right_arithmetic3A_1245 = arith.shrsi %squeeze3A_1243, %shift_right_arithmetic3A_1244 : i32
        %shift_left3A_1246 = arith.constant 7 : i32
        %shift_left3A_1247 = arith.shli %shift_right_arithmetic3A_1245, %shift_left3A_1246 : i32
        %multiple_of3A_1248 = tpu.assume_multiple %shift_left3A_1247, 128 : i32
        %dma_start3A_1249 = arith.constant 10 : i32
        %dma_start3A_1250 = arith.constant 0 : i32
        %dma_start3A_1251 = arith.constant 0 : i32
        %dma_start3A_1252 = tpu.memref_slice %arg10[%dma_start3A_1249, %dma_start3A_1250, %dma_start3A_1251] : memref<16x32x128xf32, #tpu.memory_space<vmem>> -> memref<1x32x128xf32, #tpu.memory_space<vmem>>
        %dma_start3A_1253 = tpu.memref_squeeze %dma_start3A_1252 : memref<1x32x128xf32, #tpu.memory_space<vmem>> -> memref<32x128xf32, #tpu.memory_space<vmem>>
        %dma_start3A_1254 = arith.constant 0 : i32
        %dma_start3A_1255 = tpu.memref_slice %arg4[%dma_start3A_1254, %multiple_of3A_1248] : memref<32x1000000xf32, #tpu.memory_space<hbm>> -> memref<32x128xf32, #tpu.memory_space<hbm>>
        %dma_start3A_1256 = arith.constant 0 : i32
        %dma_start3A_1257 = arith.constant 0 : i32
        %dma_start3A_1258 = tpu.memref_slice %arg10[%dma_start3A_1249, %dma_start3A_1256, %dma_start3A_1257] : memref<16x32x128xf32, #tpu.memory_space<vmem>> -> memref<1x32x128xf32, #tpu.memory_space<vmem>>
        %dma_start3A_1259 = tpu.memref_squeeze %dma_start3A_1258 : memref<1x32x128xf32, #tpu.memory_space<vmem>> -> memref<32x128xf32, #tpu.memory_space<vmem>>
        %dma_start3A_1260 = arith.constant 0 : i32
        %dma_start3A_1261 = tpu.memref_slice %arg4[%dma_start3A_1260, %multiple_of3A_1248] : memref<32x1000000xf32, #tpu.memory_space<hbm>> -> memref<32x128xf32, #tpu.memory_space<hbm>>
        tpu.enqueue_dma source(%dma_start3A_1261 : memref<32x128xf32, #tpu.memory_space<hbm>>) target(%dma_start3A_1259 : memref<32x128xf32, #tpu.memory_space<vmem>>) target_semaphore(%arg23 : memref<!tpu.dma_semaphore, #tpu.memory_space<semaphore_mem>>)
      } else {
      }
      %dma_wait3A_1062 = arith.constant 11 : i32
      %dma_wait3A_1063 = arith.constant 0 : i32
      %dma_wait3A_1064 = arith.constant 0 : i32
      %dma_wait3A_1065 = tpu.memref_slice %arg10[%dma_wait3A_1062, %dma_wait3A_1063, %dma_wait3A_1064] : memref<16x32x128xf32, #tpu.memory_space<vmem>> -> memref<1x32x128xf32, #tpu.memory_space<vmem>>
      %dma_wait3A_1066 = tpu.memref_squeeze %dma_wait3A_1065 : memref<1x32x128xf32, #tpu.memory_space<vmem>> -> memref<32x128xf32, #tpu.memory_space<vmem>>
      %dma_wait3A_1067 = arith.constant 0 : i32
      %dma_wait3A_1068 = arith.constant 0 : i32
      %dma_wait3A_1069 = tpu.memref_slice %arg4[%dma_wait3A_1067, %dma_wait3A_1068] : memref<32x1000000xf32, #tpu.memory_space<hbm>> -> memref<32x128xf32, #tpu.memory_space<hbm>>
      %dma_wait3A_1070 = arith.constant 0 : i32
      %dma_wait3A_1071 = arith.constant 0 : i32
      %dma_wait3A_1072 = tpu.memref_slice %arg10[%dma_wait3A_1062, %dma_wait3A_1070, %dma_wait3A_1071] : memref<16x32x128xf32, #tpu.memory_space<vmem>> -> memref<1x32x128xf32, #tpu.memory_space<vmem>>
      %dma_wait3A_1073 = tpu.memref_squeeze %dma_wait3A_1072 : memref<1x32x128xf32, #tpu.memory_space<vmem>> -> memref<32x128xf32, #tpu.memory_space<vmem>>
      %dma_wait3A_1074 = arith.constant 0 : i32
      %dma_wait3A_1075 = arith.constant 0 : i32
      %dma_wait3A_1076 = tpu.memref_slice %arg4[%dma_wait3A_1074, %dma_wait3A_1075] : memref<32x1000000xf32, #tpu.memory_space<hbm>> -> memref<32x128xf32, #tpu.memory_space<hbm>>
      tpu.wait_dma2 semaphore(%arg24 : memref<!tpu.dma_semaphore, #tpu.memory_space<semaphore_mem>>) src(%dma_wait3A_1076 : memref<32x128xf32, #tpu.memory_space<hbm>>) dst(%dma_wait3A_1073 : memref<32x128xf32, #tpu.memory_space<vmem>>)
      %slice3A_1077 = vector.extract_strided_slice %get3A_666 {offsets = [11], sizes = [1], strides = [1]} : vector<16xi32> to vector<1xi32>
      %squeeze3A_1078 = vector.extract %slice3A_1077[0] : i32 from vector<1xi32>
      %and3A_1079 = arith.constant 127 : i32
      %and3A_1080 = arith.andi %squeeze3A_1078, %and3A_1079 : i32
      %broadcast_in_dim3A_1081 = arith.constant 11 : i32
      %broadcast_in_dim3A_1082 = vector.broadcast %broadcast_in_dim3A_1081 : i32 to vector<16xi32>
      %broadcast_in_dim3A_1083 = vector.broadcast %and3A_1080 : i32 to vector<16xi32>
      %mul3A_1084 = arith.constant 16 : i32
      %mul3A_1085 = arith.muli %scan3A_662, %mul3A_1084 : i32
      %add3A_1086 = arith.constant 11 : i32
      %add3A_1087 = arith.addi %mul3A_1085, %add3A_1086 : i32
      %broadcast_in_dim3A_1088 = vector.broadcast %add3A_1087 : i32 to vector<16xi32>
      %gather3A_1089 = tpu.vector_load_idx %arg10[%broadcast_in_dim3A_1082, %iota3A, %broadcast_in_dim3A_1083] : memref<16x32x128xf32, #tpu.memory_space<vmem>>[vector<16xi32>, vector<16xi32>, vector<16xi32>], vector<16xf32>,
      %gather3A_1090 = tpu.vector_load_idx %arg10[%broadcast_in_dim3A_1082, %add3A_3, %broadcast_in_dim3A_1083] : memref<16x32x128xf32, #tpu.memory_space<vmem>>[vector<16xi32>, vector<16xi32>, vector<16xi32>], vector<16xf32>,
      tpu.vector_store_idx %arg11[%broadcast_in_dim3A_1088, %iota3A], %gather3A_1089 : memref<128x32xf32, #tpu.memory_space<vmem>>[vector<16xi32>, vector<16xi32>], vector<16xf32>,
      tpu.vector_store_idx %arg11[%broadcast_in_dim3A_1088, %add3A_3], %gather3A_1090 : memref<128x32xf32, #tpu.memory_space<vmem>>[vector<16xi32>, vector<16xi32>], vector<16xf32>,
      %add3A_1091 = arith.constant 1 : i32
      %add3A_1092 = arith.addi %scan3A_662, %add3A_1091 : i32
      %lt3A_1093 = arith.constant 8 : i32
      %lt3A_1094 = arith.cmpi slt, %add3A_1092, %lt3A_1093 : i32
      %convert_element_type3A_1095 = arith.extui %lt3A_1094 : i1 to i32
      %cond3A_1096 = arith.constant 0 : i32
      %cond3A_1097 = arith.cmpi ne, %convert_element_type3A_1095, %cond3A_1096 : i32
      scf.if %cond3A_1097 {
        %slice3A_1242 = vector.extract_strided_slice %get3A_672 {offsets = [11], sizes = [1], strides = [1]} : vector<16xi32> to vector<1xi32>
        %squeeze3A_1243 = vector.extract %slice3A_1242[0] : i32 from vector<1xi32>
        %shift_right_arithmetic3A_1244 = arith.constant 7 : i32
        %shift_right_arithmetic3A_1245 = arith.shrsi %squeeze3A_1243, %shift_right_arithmetic3A_1244 : i32
        %shift_left3A_1246 = arith.constant 7 : i32
        %shift_left3A_1247 = arith.shli %shift_right_arithmetic3A_1245, %shift_left3A_1246 : i32
        %multiple_of3A_1248 = tpu.assume_multiple %shift_left3A_1247, 128 : i32
        %dma_start3A_1249 = arith.constant 11 : i32
        %dma_start3A_1250 = arith.constant 0 : i32
        %dma_start3A_1251 = arith.constant 0 : i32
        %dma_start3A_1252 = tpu.memref_slice %arg10[%dma_start3A_1249, %dma_start3A_1250, %dma_start3A_1251] : memref<16x32x128xf32, #tpu.memory_space<vmem>> -> memref<1x32x128xf32, #tpu.memory_space<vmem>>
        %dma_start3A_1253 = tpu.memref_squeeze %dma_start3A_1252 : memref<1x32x128xf32, #tpu.memory_space<vmem>> -> memref<32x128xf32, #tpu.memory_space<vmem>>
        %dma_start3A_1254 = arith.constant 0 : i32
        %dma_start3A_1255 = tpu.memref_slice %arg4[%dma_start3A_1254, %multiple_of3A_1248] : memref<32x1000000xf32, #tpu.memory_space<hbm>> -> memref<32x128xf32, #tpu.memory_space<hbm>>
        %dma_start3A_1256 = arith.constant 0 : i32
        %dma_start3A_1257 = arith.constant 0 : i32
        %dma_start3A_1258 = tpu.memref_slice %arg10[%dma_start3A_1249, %dma_start3A_1256, %dma_start3A_1257] : memref<16x32x128xf32, #tpu.memory_space<vmem>> -> memref<1x32x128xf32, #tpu.memory_space<vmem>>
        %dma_start3A_1259 = tpu.memref_squeeze %dma_start3A_1258 : memref<1x32x128xf32, #tpu.memory_space<vmem>> -> memref<32x128xf32, #tpu.memory_space<vmem>>
        %dma_start3A_1260 = arith.constant 0 : i32
        %dma_start3A_1261 = tpu.memref_slice %arg4[%dma_start3A_1260, %multiple_of3A_1248] : memref<32x1000000xf32, #tpu.memory_space<hbm>> -> memref<32x128xf32, #tpu.memory_space<hbm>>
        tpu.enqueue_dma source(%dma_start3A_1261 : memref<32x128xf32, #tpu.memory_space<hbm>>) target(%dma_start3A_1259 : memref<32x128xf32, #tpu.memory_space<vmem>>) target_semaphore(%arg24 : memref<!tpu.dma_semaphore, #tpu.memory_space<semaphore_mem>>)
      } else {
      }
      %dma_wait3A_1098 = arith.constant 12 : i32
      %dma_wait3A_1099 = arith.constant 0 : i32
      %dma_wait3A_1100 = arith.constant 0 : i32
      %dma_wait3A_1101 = tpu.memref_slice %arg10[%dma_wait3A_1098, %dma_wait3A_1099, %dma_wait3A_1100] : memref<16x32x128xf32, #tpu.memory_space<vmem>> -> memref<1x32x128xf32, #tpu.memory_space<vmem>>
      %dma_wait3A_1102 = tpu.memref_squeeze %dma_wait3A_1101 : memref<1x32x128xf32, #tpu.memory_space<vmem>> -> memref<32x128xf32, #tpu.memory_space<vmem>>
      %dma_wait3A_1103 = arith.constant 0 : i32
      %dma_wait3A_1104 = arith.constant 0 : i32
      %dma_wait3A_1105 = tpu.memref_slice %arg4[%dma_wait3A_1103, %dma_wait3A_1104] : memref<32x1000000xf32, #tpu.memory_space<hbm>> -> memref<32x128xf32, #tpu.memory_space<hbm>>
      %dma_wait3A_1106 = arith.constant 0 : i32
      %dma_wait3A_1107 = arith.constant 0 : i32
      %dma_wait3A_1108 = tpu.memref_slice %arg10[%dma_wait3A_1098, %dma_wait3A_1106, %dma_wait3A_1107] : memref<16x32x128xf32, #tpu.memory_space<vmem>> -> memref<1x32x128xf32, #tpu.memory_space<vmem>>
      %dma_wait3A_1109 = tpu.memref_squeeze %dma_wait3A_1108 : memref<1x32x128xf32, #tpu.memory_space<vmem>> -> memref<32x128xf32, #tpu.memory_space<vmem>>
      %dma_wait3A_1110 = arith.constant 0 : i32
      %dma_wait3A_1111 = arith.constant 0 : i32
      %dma_wait3A_1112 = tpu.memref_slice %arg4[%dma_wait3A_1110, %dma_wait3A_1111] : memref<32x1000000xf32, #tpu.memory_space<hbm>> -> memref<32x128xf32, #tpu.memory_space<hbm>>
      tpu.wait_dma2 semaphore(%arg25 : memref<!tpu.dma_semaphore, #tpu.memory_space<semaphore_mem>>) src(%dma_wait3A_1112 : memref<32x128xf32, #tpu.memory_space<hbm>>) dst(%dma_wait3A_1109 : memref<32x128xf32, #tpu.memory_space<vmem>>)
      %slice3A_1113 = vector.extract_strided_slice %get3A_666 {offsets = [12], sizes = [1], strides = [1]} : vector<16xi32> to vector<1xi32>
      %squeeze3A_1114 = vector.extract %slice3A_1113[0] : i32 from vector<1xi32>
      %and3A_1115 = arith.constant 127 : i32
      %and3A_1116 = arith.andi %squeeze3A_1114, %and3A_1115 : i32
      %broadcast_in_dim3A_1117 = arith.constant 12 : i32
      %broadcast_in_dim3A_1118 = vector.broadcast %broadcast_in_dim3A_1117 : i32 to vector<16xi32>
      %broadcast_in_dim3A_1119 = vector.broadcast %and3A_1116 : i32 to vector<16xi32>
      %mul3A_1120 = arith.constant 16 : i32
      %mul3A_1121 = arith.muli %scan3A_662, %mul3A_1120 : i32
      %add3A_1122 = arith.constant 12 : i32
      %add3A_1123 = arith.addi %mul3A_1121, %add3A_1122 : i32
      %broadcast_in_dim3A_1124 = vector.broadcast %add3A_1123 : i32 to vector<16xi32>
      %gather3A_1125 = tpu.vector_load_idx %arg10[%broadcast_in_dim3A_1118, %iota3A, %broadcast_in_dim3A_1119] : memref<16x32x128xf32, #tpu.memory_space<vmem>>[vector<16xi32>, vector<16xi32>, vector<16xi32>], vector<16xf32>,
      %gather3A_1126 = tpu.vector_load_idx %arg10[%broadcast_in_dim3A_1118, %add3A_3, %broadcast_in_dim3A_1119] : memref<16x32x128xf32, #tpu.memory_space<vmem>>[vector<16xi32>, vector<16xi32>, vector<16xi32>], vector<16xf32>,
      tpu.vector_store_idx %arg11[%broadcast_in_dim3A_1124, %iota3A], %gather3A_1125 : memref<128x32xf32, #tpu.memory_space<vmem>>[vector<16xi32>, vector<16xi32>], vector<16xf32>,
      tpu.vector_store_idx %arg11[%broadcast_in_dim3A_1124, %add3A_3], %gather3A_1126 : memref<128x32xf32, #tpu.memory_space<vmem>>[vector<16xi32>, vector<16xi32>], vector<16xf32>,
      %add3A_1127 = arith.constant 1 : i32
      %add3A_1128 = arith.addi %scan3A_662, %add3A_1127 : i32
      %lt3A_1129 = arith.constant 8 : i32
      %lt3A_1130 = arith.cmpi slt, %add3A_1128, %lt3A_1129 : i32
      %convert_element_type3A_1131 = arith.extui %lt3A_1130 : i1 to i32
      %cond3A_1132 = arith.constant 0 : i32
      %cond3A_1133 = arith.cmpi ne, %convert_element_type3A_1131, %cond3A_1132 : i32
      scf.if %cond3A_1133 {
        %slice3A_1242 = vector.extract_strided_slice %get3A_672 {offsets = [12], sizes = [1], strides = [1]} : vector<16xi32> to vector<1xi32>
        %squeeze3A_1243 = vector.extract %slice3A_1242[0] : i32 from vector<1xi32>
        %shift_right_arithmetic3A_1244 = arith.constant 7 : i32
        %shift_right_arithmetic3A_1245 = arith.shrsi %squeeze3A_1243, %shift_right_arithmetic3A_1244 : i32
        %shift_left3A_1246 = arith.constant 7 : i32
        %shift_left3A_1247 = arith.shli %shift_right_arithmetic3A_1245, %shift_left3A_1246 : i32
        %multiple_of3A_1248 = tpu.assume_multiple %shift_left3A_1247, 128 : i32
        %dma_start3A_1249 = arith.constant 12 : i32
        %dma_start3A_1250 = arith.constant 0 : i32
        %dma_start3A_1251 = arith.constant 0 : i32
        %dma_start3A_1252 = tpu.memref_slice %arg10[%dma_start3A_1249, %dma_start3A_1250, %dma_start3A_1251] : memref<16x32x128xf32, #tpu.memory_space<vmem>> -> memref<1x32x128xf32, #tpu.memory_space<vmem>>
        %dma_start3A_1253 = tpu.memref_squeeze %dma_start3A_1252 : memref<1x32x128xf32, #tpu.memory_space<vmem>> -> memref<32x128xf32, #tpu.memory_space<vmem>>
        %dma_start3A_1254 = arith.constant 0 : i32
        %dma_start3A_1255 = tpu.memref_slice %arg4[%dma_start3A_1254, %multiple_of3A_1248] : memref<32x1000000xf32, #tpu.memory_space<hbm>> -> memref<32x128xf32, #tpu.memory_space<hbm>>
        %dma_start3A_1256 = arith.constant 0 : i32
        %dma_start3A_1257 = arith.constant 0 : i32
        %dma_start3A_1258 = tpu.memref_slice %arg10[%dma_start3A_1249, %dma_start3A_1256, %dma_start3A_1257] : memref<16x32x128xf32, #tpu.memory_space<vmem>> -> memref<1x32x128xf32, #tpu.memory_space<vmem>>
        %dma_start3A_1259 = tpu.memref_squeeze %dma_start3A_1258 : memref<1x32x128xf32, #tpu.memory_space<vmem>> -> memref<32x128xf32, #tpu.memory_space<vmem>>
        %dma_start3A_1260 = arith.constant 0 : i32
        %dma_start3A_1261 = tpu.memref_slice %arg4[%dma_start3A_1260, %multiple_of3A_1248] : memref<32x1000000xf32, #tpu.memory_space<hbm>> -> memref<32x128xf32, #tpu.memory_space<hbm>>
        tpu.enqueue_dma source(%dma_start3A_1261 : memref<32x128xf32, #tpu.memory_space<hbm>>) target(%dma_start3A_1259 : memref<32x128xf32, #tpu.memory_space<vmem>>) target_semaphore(%arg25 : memref<!tpu.dma_semaphore, #tpu.memory_space<semaphore_mem>>)
      } else {
      }
      %dma_wait3A_1134 = arith.constant 13 : i32
      %dma_wait3A_1135 = arith.constant 0 : i32
      %dma_wait3A_1136 = arith.constant 0 : i32
      %dma_wait3A_1137 = tpu.memref_slice %arg10[%dma_wait3A_1134, %dma_wait3A_1135, %dma_wait3A_1136] : memref<16x32x128xf32, #tpu.memory_space<vmem>> -> memref<1x32x128xf32, #tpu.memory_space<vmem>>
      %dma_wait3A_1138 = tpu.memref_squeeze %dma_wait3A_1137 : memref<1x32x128xf32, #tpu.memory_space<vmem>> -> memref<32x128xf32, #tpu.memory_space<vmem>>
      %dma_wait3A_1139 = arith.constant 0 : i32
      %dma_wait3A_1140 = arith.constant 0 : i32
      %dma_wait3A_1141 = tpu.memref_slice %arg4[%dma_wait3A_1139, %dma_wait3A_1140] : memref<32x1000000xf32, #tpu.memory_space<hbm>> -> memref<32x128xf32, #tpu.memory_space<hbm>>
      %dma_wait3A_1142 = arith.constant 0 : i32
      %dma_wait3A_1143 = arith.constant 0 : i32
      %dma_wait3A_1144 = tpu.memref_slice %arg10[%dma_wait3A_1134, %dma_wait3A_1142, %dma_wait3A_1143] : memref<16x32x128xf32, #tpu.memory_space<vmem>> -> memref<1x32x128xf32, #tpu.memory_space<vmem>>
      %dma_wait3A_1145 = tpu.memref_squeeze %dma_wait3A_1144 : memref<1x32x128xf32, #tpu.memory_space<vmem>> -> memref<32x128xf32, #tpu.memory_space<vmem>>
      %dma_wait3A_1146 = arith.constant 0 : i32
      %dma_wait3A_1147 = arith.constant 0 : i32
      %dma_wait3A_1148 = tpu.memref_slice %arg4[%dma_wait3A_1146, %dma_wait3A_1147] : memref<32x1000000xf32, #tpu.memory_space<hbm>> -> memref<32x128xf32, #tpu.memory_space<hbm>>
      tpu.wait_dma2 semaphore(%arg26 : memref<!tpu.dma_semaphore, #tpu.memory_space<semaphore_mem>>) src(%dma_wait3A_1148 : memref<32x128xf32, #tpu.memory_space<hbm>>) dst(%dma_wait3A_1145 : memref<32x128xf32, #tpu.memory_space<vmem>>)
      %slice3A_1149 = vector.extract_strided_slice %get3A_666 {offsets = [13], sizes = [1], strides = [1]} : vector<16xi32> to vector<1xi32>
      %squeeze3A_1150 = vector.extract %slice3A_1149[0] : i32 from vector<1xi32>
      %and3A_1151 = arith.constant 127 : i32
      %and3A_1152 = arith.andi %squeeze3A_1150, %and3A_1151 : i32
      %broadcast_in_dim3A_1153 = arith.constant 13 : i32
      %broadcast_in_dim3A_1154 = vector.broadcast %broadcast_in_dim3A_1153 : i32 to vector<16xi32>
      %broadcast_in_dim3A_1155 = vector.broadcast %and3A_1152 : i32 to vector<16xi32>
      %mul3A_1156 = arith.constant 16 : i32
      %mul3A_1157 = arith.muli %scan3A_662, %mul3A_1156 : i32
      %add3A_1158 = arith.constant 13 : i32
      %add3A_1159 = arith.addi %mul3A_1157, %add3A_1158 : i32
      %broadcast_in_dim3A_1160 = vector.broadcast %add3A_1159 : i32 to vector<16xi32>
      %gather3A_1161 = tpu.vector_load_idx %arg10[%broadcast_in_dim3A_1154, %iota3A, %broadcast_in_dim3A_1155] : memref<16x32x128xf32, #tpu.memory_space<vmem>>[vector<16xi32>, vector<16xi32>, vector<16xi32>], vector<16xf32>,
      %gather3A_1162 = tpu.vector_load_idx %arg10[%broadcast_in_dim3A_1154, %add3A_3, %broadcast_in_dim3A_1155] : memref<16x32x128xf32, #tpu.memory_space<vmem>>[vector<16xi32>, vector<16xi32>, vector<16xi32>], vector<16xf32>,
      tpu.vector_store_idx %arg11[%broadcast_in_dim3A_1160, %iota3A], %gather3A_1161 : memref<128x32xf32, #tpu.memory_space<vmem>>[vector<16xi32>, vector<16xi32>], vector<16xf32>,
      tpu.vector_store_idx %arg11[%broadcast_in_dim3A_1160, %add3A_3], %gather3A_1162 : memref<128x32xf32, #tpu.memory_space<vmem>>[vector<16xi32>, vector<16xi32>], vector<16xf32>,
      %add3A_1163 = arith.constant 1 : i32
      %add3A_1164 = arith.addi %scan3A_662, %add3A_1163 : i32
      %lt3A_1165 = arith.constant 8 : i32
      %lt3A_1166 = arith.cmpi slt, %add3A_1164, %lt3A_1165 : i32
      %convert_element_type3A_1167 = arith.extui %lt3A_1166 : i1 to i32
      %cond3A_1168 = arith.constant 0 : i32
      %cond3A_1169 = arith.cmpi ne, %convert_element_type3A_1167, %cond3A_1168 : i32
      scf.if %cond3A_1169 {
        %slice3A_1242 = vector.extract_strided_slice %get3A_672 {offsets = [13], sizes = [1], strides = [1]} : vector<16xi32> to vector<1xi32>
        %squeeze3A_1243 = vector.extract %slice3A_1242[0] : i32 from vector<1xi32>
        %shift_right_arithmetic3A_1244 = arith.constant 7 : i32
        %shift_right_arithmetic3A_1245 = arith.shrsi %squeeze3A_1243, %shift_right_arithmetic3A_1244 : i32
        %shift_left3A_1246 = arith.constant 7 : i32
        %shift_left3A_1247 = arith.shli %shift_right_arithmetic3A_1245, %shift_left3A_1246 : i32
        %multiple_of3A_1248 = tpu.assume_multiple %shift_left3A_1247, 128 : i32
        %dma_start3A_1249 = arith.constant 13 : i32
        %dma_start3A_1250 = arith.constant 0 : i32
        %dma_start3A_1251 = arith.constant 0 : i32
        %dma_start3A_1252 = tpu.memref_slice %arg10[%dma_start3A_1249, %dma_start3A_1250, %dma_start3A_1251] : memref<16x32x128xf32, #tpu.memory_space<vmem>> -> memref<1x32x128xf32, #tpu.memory_space<vmem>>
        %dma_start3A_1253 = tpu.memref_squeeze %dma_start3A_1252 : memref<1x32x128xf32, #tpu.memory_space<vmem>> -> memref<32x128xf32, #tpu.memory_space<vmem>>
        %dma_start3A_1254 = arith.constant 0 : i32
        %dma_start3A_1255 = tpu.memref_slice %arg4[%dma_start3A_1254, %multiple_of3A_1248] : memref<32x1000000xf32, #tpu.memory_space<hbm>> -> memref<32x128xf32, #tpu.memory_space<hbm>>
        %dma_start3A_1256 = arith.constant 0 : i32
        %dma_start3A_1257 = arith.constant 0 : i32
        %dma_start3A_1258 = tpu.memref_slice %arg10[%dma_start3A_1249, %dma_start3A_1256, %dma_start3A_1257] : memref<16x32x128xf32, #tpu.memory_space<vmem>> -> memref<1x32x128xf32, #tpu.memory_space<vmem>>
        %dma_start3A_1259 = tpu.memref_squeeze %dma_start3A_1258 : memref<1x32x128xf32, #tpu.memory_space<vmem>> -> memref<32x128xf32, #tpu.memory_space<vmem>>
        %dma_start3A_1260 = arith.constant 0 : i32
        %dma_start3A_1261 = tpu.memref_slice %arg4[%dma_start3A_1260, %multiple_of3A_1248] : memref<32x1000000xf32, #tpu.memory_space<hbm>> -> memref<32x128xf32, #tpu.memory_space<hbm>>
        tpu.enqueue_dma source(%dma_start3A_1261 : memref<32x128xf32, #tpu.memory_space<hbm>>) target(%dma_start3A_1259 : memref<32x128xf32, #tpu.memory_space<vmem>>) target_semaphore(%arg26 : memref<!tpu.dma_semaphore, #tpu.memory_space<semaphore_mem>>)
      } else {
      }
      %dma_wait3A_1170 = arith.constant 14 : i32
      %dma_wait3A_1171 = arith.constant 0 : i32
      %dma_wait3A_1172 = arith.constant 0 : i32
      %dma_wait3A_1173 = tpu.memref_slice %arg10[%dma_wait3A_1170, %dma_wait3A_1171, %dma_wait3A_1172] : memref<16x32x128xf32, #tpu.memory_space<vmem>> -> memref<1x32x128xf32, #tpu.memory_space<vmem>>
      %dma_wait3A_1174 = tpu.memref_squeeze %dma_wait3A_1173 : memref<1x32x128xf32, #tpu.memory_space<vmem>> -> memref<32x128xf32, #tpu.memory_space<vmem>>
      %dma_wait3A_1175 = arith.constant 0 : i32
      %dma_wait3A_1176 = arith.constant 0 : i32
      %dma_wait3A_1177 = tpu.memref_slice %arg4[%dma_wait3A_1175, %dma_wait3A_1176] : memref<32x1000000xf32, #tpu.memory_space<hbm>> -> memref<32x128xf32, #tpu.memory_space<hbm>>
      %dma_wait3A_1178 = arith.constant 0 : i32
      %dma_wait3A_1179 = arith.constant 0 : i32
      %dma_wait3A_1180 = tpu.memref_slice %arg10[%dma_wait3A_1170, %dma_wait3A_1178, %dma_wait3A_1179] : memref<16x32x128xf32, #tpu.memory_space<vmem>> -> memref<1x32x128xf32, #tpu.memory_space<vmem>>
      %dma_wait3A_1181 = tpu.memref_squeeze %dma_wait3A_1180 : memref<1x32x128xf32, #tpu.memory_space<vmem>> -> memref<32x128xf32, #tpu.memory_space<vmem>>
      %dma_wait3A_1182 = arith.constant 0 : i32
      %dma_wait3A_1183 = arith.constant 0 : i32
      %dma_wait3A_1184 = tpu.memref_slice %arg4[%dma_wait3A_1182, %dma_wait3A_1183] : memref<32x1000000xf32, #tpu.memory_space<hbm>> -> memref<32x128xf32, #tpu.memory_space<hbm>>
      tpu.wait_dma2 semaphore(%arg27 : memref<!tpu.dma_semaphore, #tpu.memory_space<semaphore_mem>>) src(%dma_wait3A_1184 : memref<32x128xf32, #tpu.memory_space<hbm>>) dst(%dma_wait3A_1181 : memref<32x128xf32, #tpu.memory_space<vmem>>)
      %slice3A_1185 = vector.extract_strided_slice %get3A_666 {offsets = [14], sizes = [1], strides = [1]} : vector<16xi32> to vector<1xi32>
      %squeeze3A_1186 = vector.extract %slice3A_1185[0] : i32 from vector<1xi32>
      %and3A_1187 = arith.constant 127 : i32
      %and3A_1188 = arith.andi %squeeze3A_1186, %and3A_1187 : i32
      %broadcast_in_dim3A_1189 = arith.constant 14 : i32
      %broadcast_in_dim3A_1190 = vector.broadcast %broadcast_in_dim3A_1189 : i32 to vector<16xi32>
      %broadcast_in_dim3A_1191 = vector.broadcast %and3A_1188 : i32 to vector<16xi32>
      %mul3A_1192 = arith.constant 16 : i32
      %mul3A_1193 = arith.muli %scan3A_662, %mul3A_1192 : i32
      %add3A_1194 = arith.constant 14 : i32
      %add3A_1195 = arith.addi %mul3A_1193, %add3A_1194 : i32
      %broadcast_in_dim3A_1196 = vector.broadcast %add3A_1195 : i32 to vector<16xi32>
      %gather3A_1197 = tpu.vector_load_idx %arg10[%broadcast_in_dim3A_1190, %iota3A, %broadcast_in_dim3A_1191] : memref<16x32x128xf32, #tpu.memory_space<vmem>>[vector<16xi32>, vector<16xi32>, vector<16xi32>], vector<16xf32>,
      %gather3A_1198 = tpu.vector_load_idx %arg10[%broadcast_in_dim3A_1190, %add3A_3, %broadcast_in_dim3A_1191] : memref<16x32x128xf32, #tpu.memory_space<vmem>>[vector<16xi32>, vector<16xi32>, vector<16xi32>], vector<16xf32>,
      tpu.vector_store_idx %arg11[%broadcast_in_dim3A_1196, %iota3A], %gather3A_1197 : memref<128x32xf32, #tpu.memory_space<vmem>>[vector<16xi32>, vector<16xi32>], vector<16xf32>,
      tpu.vector_store_idx %arg11[%broadcast_in_dim3A_1196, %add3A_3], %gather3A_1198 : memref<128x32xf32, #tpu.memory_space<vmem>>[vector<16xi32>, vector<16xi32>], vector<16xf32>,
      %add3A_1199 = arith.constant 1 : i32
      %add3A_1200 = arith.addi %scan3A_662, %add3A_1199 : i32
      %lt3A_1201 = arith.constant 8 : i32
      %lt3A_1202 = arith.cmpi slt, %add3A_1200, %lt3A_1201 : i32
      %convert_element_type3A_1203 = arith.extui %lt3A_1202 : i1 to i32
      %cond3A_1204 = arith.constant 0 : i32
      %cond3A_1205 = arith.cmpi ne, %convert_element_type3A_1203, %cond3A_1204 : i32
      scf.if %cond3A_1205 {
        %slice3A_1242 = vector.extract_strided_slice %get3A_672 {offsets = [14], sizes = [1], strides = [1]} : vector<16xi32> to vector<1xi32>
        %squeeze3A_1243 = vector.extract %slice3A_1242[0] : i32 from vector<1xi32>
        %shift_right_arithmetic3A_1244 = arith.constant 7 : i32
        %shift_right_arithmetic3A_1245 = arith.shrsi %squeeze3A_1243, %shift_right_arithmetic3A_1244 : i32
        %shift_left3A_1246 = arith.constant 7 : i32
        %shift_left3A_1247 = arith.shli %shift_right_arithmetic3A_1245, %shift_left3A_1246 : i32
        %multiple_of3A_1248 = tpu.assume_multiple %shift_left3A_1247, 128 : i32
        %dma_start3A_1249 = arith.constant 14 : i32
        %dma_start3A_1250 = arith.constant 0 : i32
        %dma_start3A_1251 = arith.constant 0 : i32
        %dma_start3A_1252 = tpu.memref_slice %arg10[%dma_start3A_1249, %dma_start3A_1250, %dma_start3A_1251] : memref<16x32x128xf32, #tpu.memory_space<vmem>> -> memref<1x32x128xf32, #tpu.memory_space<vmem>>
        %dma_start3A_1253 = tpu.memref_squeeze %dma_start3A_1252 : memref<1x32x128xf32, #tpu.memory_space<vmem>> -> memref<32x128xf32, #tpu.memory_space<vmem>>
        %dma_start3A_1254 = arith.constant 0 : i32
        %dma_start3A_1255 = tpu.memref_slice %arg4[%dma_start3A_1254, %multiple_of3A_1248] : memref<32x1000000xf32, #tpu.memory_space<hbm>> -> memref<32x128xf32, #tpu.memory_space<hbm>>
        %dma_start3A_1256 = arith.constant 0 : i32
        %dma_start3A_1257 = arith.constant 0 : i32
        %dma_start3A_1258 = tpu.memref_slice %arg10[%dma_start3A_1249, %dma_start3A_1256, %dma_start3A_1257] : memref<16x32x128xf32, #tpu.memory_space<vmem>> -> memref<1x32x128xf32, #tpu.memory_space<vmem>>
        %dma_start3A_1259 = tpu.memref_squeeze %dma_start3A_1258 : memref<1x32x128xf32, #tpu.memory_space<vmem>> -> memref<32x128xf32, #tpu.memory_space<vmem>>
        %dma_start3A_1260 = arith.constant 0 : i32
        %dma_start3A_1261 = tpu.memref_slice %arg4[%dma_start3A_1260, %multiple_of3A_1248] : memref<32x1000000xf32, #tpu.memory_space<hbm>> -> memref<32x128xf32, #tpu.memory_space<hbm>>
        tpu.enqueue_dma source(%dma_start3A_1261 : memref<32x128xf32, #tpu.memory_space<hbm>>) target(%dma_start3A_1259 : memref<32x128xf32, #tpu.memory_space<vmem>>) target_semaphore(%arg27 : memref<!tpu.dma_semaphore, #tpu.memory_space<semaphore_mem>>)
      } else {
      }
      %dma_wait3A_1206 = arith.constant 15 : i32
      %dma_wait3A_1207 = arith.constant 0 : i32
      %dma_wait3A_1208 = arith.constant 0 : i32
      %dma_wait3A_1209 = tpu.memref_slice %arg10[%dma_wait3A_1206, %dma_wait3A_1207, %dma_wait3A_1208] : memref<16x32x128xf32, #tpu.memory_space<vmem>> -> memref<1x32x128xf32, #tpu.memory_space<vmem>>
      %dma_wait3A_1210 = tpu.memref_squeeze %dma_wait3A_1209 : memref<1x32x128xf32, #tpu.memory_space<vmem>> -> memref<32x128xf32, #tpu.memory_space<vmem>>
      %dma_wait3A_1211 = arith.constant 0 : i32
      %dma_wait3A_1212 = arith.constant 0 : i32
      %dma_wait3A_1213 = tpu.memref_slice %arg4[%dma_wait3A_1211, %dma_wait3A_1212] : memref<32x1000000xf32, #tpu.memory_space<hbm>> -> memref<32x128xf32, #tpu.memory_space<hbm>>
      %dma_wait3A_1214 = arith.constant 0 : i32
      %dma_wait3A_1215 = arith.constant 0 : i32
      %dma_wait3A_1216 = tpu.memref_slice %arg10[%dma_wait3A_1206, %dma_wait3A_1214, %dma_wait3A_1215] : memref<16x32x128xf32, #tpu.memory_space<vmem>> -> memref<1x32x128xf32, #tpu.memory_space<vmem>>
      %dma_wait3A_1217 = tpu.memref_squeeze %dma_wait3A_1216 : memref<1x32x128xf32, #tpu.memory_space<vmem>> -> memref<32x128xf32, #tpu.memory_space<vmem>>
      %dma_wait3A_1218 = arith.constant 0 : i32
      %dma_wait3A_1219 = arith.constant 0 : i32
      %dma_wait3A_1220 = tpu.memref_slice %arg4[%dma_wait3A_1218, %dma_wait3A_1219] : memref<32x1000000xf32, #tpu.memory_space<hbm>> -> memref<32x128xf32, #tpu.memory_space<hbm>>
      tpu.wait_dma2 semaphore(%arg28 : memref<!tpu.dma_semaphore, #tpu.memory_space<semaphore_mem>>) src(%dma_wait3A_1220 : memref<32x128xf32, #tpu.memory_space<hbm>>) dst(%dma_wait3A_1217 : memref<32x128xf32, #tpu.memory_space<vmem>>)
      %slice3A_1221 = vector.extract_strided_slice %get3A_666 {offsets = [15], sizes = [1], strides = [1]} : vector<16xi32> to vector<1xi32>
      %squeeze3A_1222 = vector.extract %slice3A_1221[0] : i32 from vector<1xi32>
      %and3A_1223 = arith.constant 127 : i32
      %and3A_1224 = arith.andi %squeeze3A_1222, %and3A_1223 : i32
      %broadcast_in_dim3A_1225 = arith.constant 15 : i32
      %broadcast_in_dim3A_1226 = vector.broadcast %broadcast_in_dim3A_1225 : i32 to vector<16xi32>
      %broadcast_in_dim3A_1227 = vector.broadcast %and3A_1224 : i32 to vector<16xi32>
      %mul3A_1228 = arith.constant 16 : i32
      %mul3A_1229 = arith.muli %scan3A_662, %mul3A_1228 : i32
      %add3A_1230 = arith.constant 15 : i32
      %add3A_1231 = arith.addi %mul3A_1229, %add3A_1230 : i32
      %broadcast_in_dim3A_1232 = vector.broadcast %add3A_1231 : i32 to vector<16xi32>
      %gather3A_1233 = tpu.vector_load_idx %arg10[%broadcast_in_dim3A_1226, %iota3A, %broadcast_in_dim3A_1227] : memref<16x32x128xf32, #tpu.memory_space<vmem>>[vector<16xi32>, vector<16xi32>, vector<16xi32>], vector<16xf32>,
      %gather3A_1234 = tpu.vector_load_idx %arg10[%broadcast_in_dim3A_1226, %add3A_3, %broadcast_in_dim3A_1227] : memref<16x32x128xf32, #tpu.memory_space<vmem>>[vector<16xi32>, vector<16xi32>, vector<16xi32>], vector<16xf32>,
      tpu.vector_store_idx %arg11[%broadcast_in_dim3A_1232, %iota3A], %gather3A_1233 : memref<128x32xf32, #tpu.memory_space<vmem>>[vector<16xi32>, vector<16xi32>], vector<16xf32>,
      tpu.vector_store_idx %arg11[%broadcast_in_dim3A_1232, %add3A_3], %gather3A_1234 : memref<128x32xf32, #tpu.memory_space<vmem>>[vector<16xi32>, vector<16xi32>], vector<16xf32>,
      %add3A_1235 = arith.constant 1 : i32
      %add3A_1236 = arith.addi %scan3A_662, %add3A_1235 : i32
      %lt3A_1237 = arith.constant 8 : i32
      %lt3A_1238 = arith.cmpi slt, %add3A_1236, %lt3A_1237 : i32
      %convert_element_type3A_1239 = arith.extui %lt3A_1238 : i1 to i32
      %cond3A_1240 = arith.constant 0 : i32
      %cond3A_1241 = arith.cmpi ne, %convert_element_type3A_1239, %cond3A_1240 : i32
      scf.if %cond3A_1241 {
        %slice3A_1242 = vector.extract_strided_slice %get3A_672 {offsets = [15], sizes = [1], strides = [1]} : vector<16xi32> to vector<1xi32>
        %squeeze3A_1243 = vector.extract %slice3A_1242[0] : i32 from vector<1xi32>
        %shift_right_arithmetic3A_1244 = arith.constant 7 : i32
        %shift_right_arithmetic3A_1245 = arith.shrsi %squeeze3A_1243, %shift_right_arithmetic3A_1244 : i32
        %shift_left3A_1246 = arith.constant 7 : i32
        %shift_left3A_1247 = arith.shli %shift_right_arithmetic3A_1245, %shift_left3A_1246 : i32
        %multiple_of3A_1248 = tpu.assume_multiple %shift_left3A_1247, 128 : i32
        %dma_start3A_1249 = arith.constant 15 : i32
        %dma_start3A_1250 = arith.constant 0 : i32
        %dma_start3A_1251 = arith.constant 0 : i32
        %dma_start3A_1252 = tpu.memref_slice %arg10[%dma_start3A_1249, %dma_start3A_1250, %dma_start3A_1251] : memref<16x32x128xf32, #tpu.memory_space<vmem>> -> memref<1x32x128xf32, #tpu.memory_space<vmem>>
        %dma_start3A_1253 = tpu.memref_squeeze %dma_start3A_1252 : memref<1x32x128xf32, #tpu.memory_space<vmem>> -> memref<32x128xf32, #tpu.memory_space<vmem>>
        %dma_start3A_1254 = arith.constant 0 : i32
        %dma_start3A_1255 = tpu.memref_slice %arg4[%dma_start3A_1254, %multiple_of3A_1248] : memref<32x1000000xf32, #tpu.memory_space<hbm>> -> memref<32x128xf32, #tpu.memory_space<hbm>>
        %dma_start3A_1256 = arith.constant 0 : i32
        %dma_start3A_1257 = arith.constant 0 : i32
        %dma_start3A_1258 = tpu.memref_slice %arg10[%dma_start3A_1249, %dma_start3A_1256, %dma_start3A_1257] : memref<16x32x128xf32, #tpu.memory_space<vmem>> -> memref<1x32x128xf32, #tpu.memory_space<vmem>>
        %dma_start3A_1259 = tpu.memref_squeeze %dma_start3A_1258 : memref<1x32x128xf32, #tpu.memory_space<vmem>> -> memref<32x128xf32, #tpu.memory_space<vmem>>
        %dma_start3A_1260 = arith.constant 0 : i32
        %dma_start3A_1261 = tpu.memref_slice %arg4[%dma_start3A_1260, %multiple_of3A_1248] : memref<32x1000000xf32, #tpu.memory_space<hbm>> -> memref<32x128xf32, #tpu.memory_space<hbm>>
        tpu.enqueue_dma source(%dma_start3A_1261 : memref<32x128xf32, #tpu.memory_space<hbm>>) target(%dma_start3A_1259 : memref<32x128xf32, #tpu.memory_space<vmem>>) target_semaphore(%arg28 : memref<!tpu.dma_semaphore, #tpu.memory_space<semaphore_mem>>)
      } else {
      }
    }
    %scan3A_328 = arith.constant 8 : i32
    %get3A_329 = arith.constant 0 : index
    %get3A_330 = tpu.vector_load %arg9[%get3A_329] {strides = array<i32>} : memref<144xi32, #tpu.memory_space<vmem>>, vector<16xi32>,
    %slice3A_331 = vector.extract_strided_slice %get3A_330 {offsets = [0], sizes = [1], strides = [1]} : vector<16xi32> to vector<1xi32>
    %squeeze3A_332 = vector.extract %slice3A_331[0] : i32 from vector<1xi32>
    %shift_right_arithmetic3A_333 = arith.constant 7 : i32
    %shift_right_arithmetic3A_334 = arith.shrsi %squeeze3A_332, %shift_right_arithmetic3A_333 : i32
    %shift_left3A_335 = arith.constant 7 : i32
    %shift_left3A_336 = arith.shli %shift_right_arithmetic3A_334, %shift_left3A_335 : i32
    %multiple_of3A_337 = tpu.assume_multiple %shift_left3A_336, 128 : i32
    %dma_start3A_338 = arith.constant 0 : i32
    %dma_start3A_339 = arith.constant 0 : i32
    %dma_start3A_340 = arith.constant 0 : i32
    %dma_start3A_341 = tpu.memref_slice %arg10[%dma_start3A_338, %dma_start3A_339, %dma_start3A_340] : memref<16x32x128xf32, #tpu.memory_space<vmem>> -> memref<1x32x128xf32, #tpu.memory_space<vmem>>
    %dma_start3A_342 = tpu.memref_squeeze %dma_start3A_341 : memref<1x32x128xf32, #tpu.memory_space<vmem>> -> memref<32x128xf32, #tpu.memory_space<vmem>>
    %dma_start3A_343 = arith.constant 0 : i32
    %dma_start3A_344 = tpu.memref_slice %arg5[%dma_start3A_343, %multiple_of3A_337] : memref<32x1000000xf32, #tpu.memory_space<hbm>> -> memref<32x128xf32, #tpu.memory_space<hbm>>
    %dma_start3A_345 = arith.constant 0 : i32
    %dma_start3A_346 = arith.constant 0 : i32
    %dma_start3A_347 = tpu.memref_slice %arg10[%dma_start3A_338, %dma_start3A_345, %dma_start3A_346] : memref<16x32x128xf32, #tpu.memory_space<vmem>> -> memref<1x32x128xf32, #tpu.memory_space<vmem>>
    %dma_start3A_348 = tpu.memref_squeeze %dma_start3A_347 : memref<1x32x128xf32, #tpu.memory_space<vmem>> -> memref<32x128xf32, #tpu.memory_space<vmem>>
    %dma_start3A_349 = arith.constant 0 : i32
    %dma_start3A_350 = tpu.memref_slice %arg5[%dma_start3A_349, %multiple_of3A_337] : memref<32x1000000xf32, #tpu.memory_space<hbm>> -> memref<32x128xf32, #tpu.memory_space<hbm>>
    tpu.enqueue_dma source(%dma_start3A_350 : memref<32x128xf32, #tpu.memory_space<hbm>>) target(%dma_start3A_348 : memref<32x128xf32, #tpu.memory_space<vmem>>) target_semaphore(%arg13 : memref<!tpu.dma_semaphore, #tpu.memory_space<semaphore_mem>>)
    %slice3A_351 = vector.extract_strided_slice %get3A_330 {offsets = [1], sizes = [1], strides = [1]} : vector<16xi32> to vector<1xi32>
    %squeeze3A_352 = vector.extract %slice3A_351[0] : i32 from vector<1xi32>
    %shift_right_arithmetic3A_353 = arith.constant 7 : i32
    %shift_right_arithmetic3A_354 = arith.shrsi %squeeze3A_352, %shift_right_arithmetic3A_353 : i32
    %shift_left3A_355 = arith.constant 7 : i32
    %shift_left3A_356 = arith.shli %shift_right_arithmetic3A_354, %shift_left3A_355 : i32
    %multiple_of3A_357 = tpu.assume_multiple %shift_left3A_356, 128 : i32
    %dma_start3A_358 = arith.constant 1 : i32
    %dma_start3A_359 = arith.constant 0 : i32
    %dma_start3A_360 = arith.constant 0 : i32
    %dma_start3A_361 = tpu.memref_slice %arg10[%dma_start3A_358, %dma_start3A_359, %dma_start3A_360] : memref<16x32x128xf32, #tpu.memory_space<vmem>> -> memref<1x32x128xf32, #tpu.memory_space<vmem>>
    %dma_start3A_362 = tpu.memref_squeeze %dma_start3A_361 : memref<1x32x128xf32, #tpu.memory_space<vmem>> -> memref<32x128xf32, #tpu.memory_space<vmem>>
    %dma_start3A_363 = arith.constant 0 : i32
    %dma_start3A_364 = tpu.memref_slice %arg5[%dma_start3A_363, %multiple_of3A_357] : memref<32x1000000xf32, #tpu.memory_space<hbm>> -> memref<32x128xf32, #tpu.memory_space<hbm>>
    %dma_start3A_365 = arith.constant 0 : i32
    %dma_start3A_366 = arith.constant 0 : i32
    %dma_start3A_367 = tpu.memref_slice %arg10[%dma_start3A_358, %dma_start3A_365, %dma_start3A_366] : memref<16x32x128xf32, #tpu.memory_space<vmem>> -> memref<1x32x128xf32, #tpu.memory_space<vmem>>
    %dma_start3A_368 = tpu.memref_squeeze %dma_start3A_367 : memref<1x32x128xf32, #tpu.memory_space<vmem>> -> memref<32x128xf32, #tpu.memory_space<vmem>>
    %dma_start3A_369 = arith.constant 0 : i32
    %dma_start3A_370 = tpu.memref_slice %arg5[%dma_start3A_369, %multiple_of3A_357] : memref<32x1000000xf32, #tpu.memory_space<hbm>> -> memref<32x128xf32, #tpu.memory_space<hbm>>
    tpu.enqueue_dma source(%dma_start3A_370 : memref<32x128xf32, #tpu.memory_space<hbm>>) target(%dma_start3A_368 : memref<32x128xf32, #tpu.memory_space<vmem>>) target_semaphore(%arg14 : memref<!tpu.dma_semaphore, #tpu.memory_space<semaphore_mem>>)
    %slice3A_371 = vector.extract_strided_slice %get3A_330 {offsets = [2], sizes = [1], strides = [1]} : vector<16xi32> to vector<1xi32>
    %squeeze3A_372 = vector.extract %slice3A_371[0] : i32 from vector<1xi32>
    %shift_right_arithmetic3A_373 = arith.constant 7 : i32
    %shift_right_arithmetic3A_374 = arith.shrsi %squeeze3A_372, %shift_right_arithmetic3A_373 : i32
    %shift_left3A_375 = arith.constant 7 : i32
    %shift_left3A_376 = arith.shli %shift_right_arithmetic3A_374, %shift_left3A_375 : i32
    %multiple_of3A_377 = tpu.assume_multiple %shift_left3A_376, 128 : i32
    %dma_start3A_378 = arith.constant 2 : i32
    %dma_start3A_379 = arith.constant 0 : i32
    %dma_start3A_380 = arith.constant 0 : i32
    %dma_start3A_381 = tpu.memref_slice %arg10[%dma_start3A_378, %dma_start3A_379, %dma_start3A_380] : memref<16x32x128xf32, #tpu.memory_space<vmem>> -> memref<1x32x128xf32, #tpu.memory_space<vmem>>
    %dma_start3A_382 = tpu.memref_squeeze %dma_start3A_381 : memref<1x32x128xf32, #tpu.memory_space<vmem>> -> memref<32x128xf32, #tpu.memory_space<vmem>>
    %dma_start3A_383 = arith.constant 0 : i32
    %dma_start3A_384 = tpu.memref_slice %arg5[%dma_start3A_383, %multiple_of3A_377] : memref<32x1000000xf32, #tpu.memory_space<hbm>> -> memref<32x128xf32, #tpu.memory_space<hbm>>
    %dma_start3A_385 = arith.constant 0 : i32
    %dma_start3A_386 = arith.constant 0 : i32
    %dma_start3A_387 = tpu.memref_slice %arg10[%dma_start3A_378, %dma_start3A_385, %dma_start3A_386] : memref<16x32x128xf32, #tpu.memory_space<vmem>> -> memref<1x32x128xf32, #tpu.memory_space<vmem>>
    %dma_start3A_388 = tpu.memref_squeeze %dma_start3A_387 : memref<1x32x128xf32, #tpu.memory_space<vmem>> -> memref<32x128xf32, #tpu.memory_space<vmem>>
    %dma_start3A_389 = arith.constant 0 : i32
    %dma_start3A_390 = tpu.memref_slice %arg5[%dma_start3A_389, %multiple_of3A_377] : memref<32x1000000xf32, #tpu.memory_space<hbm>> -> memref<32x128xf32, #tpu.memory_space<hbm>>
    tpu.enqueue_dma source(%dma_start3A_390 : memref<32x128xf32, #tpu.memory_space<hbm>>) target(%dma_start3A_388 : memref<32x128xf32, #tpu.memory_space<vmem>>) target_semaphore(%arg15 : memref<!tpu.dma_semaphore, #tpu.memory_space<semaphore_mem>>)
    %slice3A_391 = vector.extract_strided_slice %get3A_330 {offsets = [3], sizes = [1], strides = [1]} : vector<16xi32> to vector<1xi32>
    %squeeze3A_392 = vector.extract %slice3A_391[0] : i32 from vector<1xi32>
    %shift_right_arithmetic3A_393 = arith.constant 7 : i32
    %shift_right_arithmetic3A_394 = arith.shrsi %squeeze3A_392, %shift_right_arithmetic3A_393 : i32
    %shift_left3A_395 = arith.constant 7 : i32
    %shift_left3A_396 = arith.shli %shift_right_arithmetic3A_394, %shift_left3A_395 : i32
    %multiple_of3A_397 = tpu.assume_multiple %shift_left3A_396, 128 : i32
    %dma_start3A_398 = arith.constant 3 : i32
    %dma_start3A_399 = arith.constant 0 : i32
    %dma_start3A_400 = arith.constant 0 : i32
    %dma_start3A_401 = tpu.memref_slice %arg10[%dma_start3A_398, %dma_start3A_399, %dma_start3A_400] : memref<16x32x128xf32, #tpu.memory_space<vmem>> -> memref<1x32x128xf32, #tpu.memory_space<vmem>>
    %dma_start3A_402 = tpu.memref_squeeze %dma_start3A_401 : memref<1x32x128xf32, #tpu.memory_space<vmem>> -> memref<32x128xf32, #tpu.memory_space<vmem>>
    %dma_start3A_403 = arith.constant 0 : i32
    %dma_start3A_404 = tpu.memref_slice %arg5[%dma_start3A_403, %multiple_of3A_397] : memref<32x1000000xf32, #tpu.memory_space<hbm>> -> memref<32x128xf32, #tpu.memory_space<hbm>>
    %dma_start3A_405 = arith.constant 0 : i32
    %dma_start3A_406 = arith.constant 0 : i32
    %dma_start3A_407 = tpu.memref_slice %arg10[%dma_start3A_398, %dma_start3A_405, %dma_start3A_406] : memref<16x32x128xf32, #tpu.memory_space<vmem>> -> memref<1x32x128xf32, #tpu.memory_space<vmem>>
    %dma_start3A_408 = tpu.memref_squeeze %dma_start3A_407 : memref<1x32x128xf32, #tpu.memory_space<vmem>> -> memref<32x128xf32, #tpu.memory_space<vmem>>
    %dma_start3A_409 = arith.constant 0 : i32
    %dma_start3A_410 = tpu.memref_slice %arg5[%dma_start3A_409, %multiple_of3A_397] : memref<32x1000000xf32, #tpu.memory_space<hbm>> -> memref<32x128xf32, #tpu.memory_space<hbm>>
    tpu.enqueue_dma source(%dma_start3A_410 : memref<32x128xf32, #tpu.memory_space<hbm>>) target(%dma_start3A_408 : memref<32x128xf32, #tpu.memory_space<vmem>>) target_semaphore(%arg16 : memref<!tpu.dma_semaphore, #tpu.memory_space<semaphore_mem>>)
    %slice3A_411 = vector.extract_strided_slice %get3A_330 {offsets = [4], sizes = [1], strides = [1]} : vector<16xi32> to vector<1xi32>
    %squeeze3A_412 = vector.extract %slice3A_411[0] : i32 from vector<1xi32>
    %shift_right_arithmetic3A_413 = arith.constant 7 : i32
    %shift_right_arithmetic3A_414 = arith.shrsi %squeeze3A_412, %shift_right_arithmetic3A_413 : i32
    %shift_left3A_415 = arith.constant 7 : i32
    %shift_left3A_416 = arith.shli %shift_right_arithmetic3A_414, %shift_left3A_415 : i32
    %multiple_of3A_417 = tpu.assume_multiple %shift_left3A_416, 128 : i32
    %dma_start3A_418 = arith.constant 4 : i32
    %dma_start3A_419 = arith.constant 0 : i32
    %dma_start3A_420 = arith.constant 0 : i32
    %dma_start3A_421 = tpu.memref_slice %arg10[%dma_start3A_418, %dma_start3A_419, %dma_start3A_420] : memref<16x32x128xf32, #tpu.memory_space<vmem>> -> memref<1x32x128xf32, #tpu.memory_space<vmem>>
    %dma_start3A_422 = tpu.memref_squeeze %dma_start3A_421 : memref<1x32x128xf32, #tpu.memory_space<vmem>> -> memref<32x128xf32, #tpu.memory_space<vmem>>
    %dma_start3A_423 = arith.constant 0 : i32
    %dma_start3A_424 = tpu.memref_slice %arg5[%dma_start3A_423, %multiple_of3A_417] : memref<32x1000000xf32, #tpu.memory_space<hbm>> -> memref<32x128xf32, #tpu.memory_space<hbm>>
    %dma_start3A_425 = arith.constant 0 : i32
    %dma_start3A_426 = arith.constant 0 : i32
    %dma_start3A_427 = tpu.memref_slice %arg10[%dma_start3A_418, %dma_start3A_425, %dma_start3A_426] : memref<16x32x128xf32, #tpu.memory_space<vmem>> -> memref<1x32x128xf32, #tpu.memory_space<vmem>>
    %dma_start3A_428 = tpu.memref_squeeze %dma_start3A_427 : memref<1x32x128xf32, #tpu.memory_space<vmem>> -> memref<32x128xf32, #tpu.memory_space<vmem>>
    %dma_start3A_429 = arith.constant 0 : i32
    %dma_start3A_430 = tpu.memref_slice %arg5[%dma_start3A_429, %multiple_of3A_417] : memref<32x1000000xf32, #tpu.memory_space<hbm>> -> memref<32x128xf32, #tpu.memory_space<hbm>>
    tpu.enqueue_dma source(%dma_start3A_430 : memref<32x128xf32, #tpu.memory_space<hbm>>) target(%dma_start3A_428 : memref<32x128xf32, #tpu.memory_space<vmem>>) target_semaphore(%arg17 : memref<!tpu.dma_semaphore, #tpu.memory_space<semaphore_mem>>)
    %slice3A_431 = vector.extract_strided_slice %get3A_330 {offsets = [5], sizes = [1], strides = [1]} : vector<16xi32> to vector<1xi32>
    %squeeze3A_432 = vector.extract %slice3A_431[0] : i32 from vector<1xi32>
    %shift_right_arithmetic3A_433 = arith.constant 7 : i32
    %shift_right_arithmetic3A_434 = arith.shrsi %squeeze3A_432, %shift_right_arithmetic3A_433 : i32
    %shift_left3A_435 = arith.constant 7 : i32
    %shift_left3A_436 = arith.shli %shift_right_arithmetic3A_434, %shift_left3A_435 : i32
    %multiple_of3A_437 = tpu.assume_multiple %shift_left3A_436, 128 : i32
    %dma_start3A_438 = arith.constant 5 : i32
    %dma_start3A_439 = arith.constant 0 : i32
    %dma_start3A_440 = arith.constant 0 : i32
    %dma_start3A_441 = tpu.memref_slice %arg10[%dma_start3A_438, %dma_start3A_439, %dma_start3A_440] : memref<16x32x128xf32, #tpu.memory_space<vmem>> -> memref<1x32x128xf32, #tpu.memory_space<vmem>>
    %dma_start3A_442 = tpu.memref_squeeze %dma_start3A_441 : memref<1x32x128xf32, #tpu.memory_space<vmem>> -> memref<32x128xf32, #tpu.memory_space<vmem>>
    %dma_start3A_443 = arith.constant 0 : i32
    %dma_start3A_444 = tpu.memref_slice %arg5[%dma_start3A_443, %multiple_of3A_437] : memref<32x1000000xf32, #tpu.memory_space<hbm>> -> memref<32x128xf32, #tpu.memory_space<hbm>>
    %dma_start3A_445 = arith.constant 0 : i32
    %dma_start3A_446 = arith.constant 0 : i32
    %dma_start3A_447 = tpu.memref_slice %arg10[%dma_start3A_438, %dma_start3A_445, %dma_start3A_446] : memref<16x32x128xf32, #tpu.memory_space<vmem>> -> memref<1x32x128xf32, #tpu.memory_space<vmem>>
    %dma_start3A_448 = tpu.memref_squeeze %dma_start3A_447 : memref<1x32x128xf32, #tpu.memory_space<vmem>> -> memref<32x128xf32, #tpu.memory_space<vmem>>
    %dma_start3A_449 = arith.constant 0 : i32
    %dma_start3A_450 = tpu.memref_slice %arg5[%dma_start3A_449, %multiple_of3A_437] : memref<32x1000000xf32, #tpu.memory_space<hbm>> -> memref<32x128xf32, #tpu.memory_space<hbm>>
    tpu.enqueue_dma source(%dma_start3A_450 : memref<32x128xf32, #tpu.memory_space<hbm>>) target(%dma_start3A_448 : memref<32x128xf32, #tpu.memory_space<vmem>>) target_semaphore(%arg18 : memref<!tpu.dma_semaphore, #tpu.memory_space<semaphore_mem>>)
    %slice3A_451 = vector.extract_strided_slice %get3A_330 {offsets = [6], sizes = [1], strides = [1]} : vector<16xi32> to vector<1xi32>
    %squeeze3A_452 = vector.extract %slice3A_451[0] : i32 from vector<1xi32>
    %shift_right_arithmetic3A_453 = arith.constant 7 : i32
    %shift_right_arithmetic3A_454 = arith.shrsi %squeeze3A_452, %shift_right_arithmetic3A_453 : i32
    %shift_left3A_455 = arith.constant 7 : i32
    %shift_left3A_456 = arith.shli %shift_right_arithmetic3A_454, %shift_left3A_455 : i32
    %multiple_of3A_457 = tpu.assume_multiple %shift_left3A_456, 128 : i32
    %dma_start3A_458 = arith.constant 6 : i32
    %dma_start3A_459 = arith.constant 0 : i32
    %dma_start3A_460 = arith.constant 0 : i32
    %dma_start3A_461 = tpu.memref_slice %arg10[%dma_start3A_458, %dma_start3A_459, %dma_start3A_460] : memref<16x32x128xf32, #tpu.memory_space<vmem>> -> memref<1x32x128xf32, #tpu.memory_space<vmem>>
    %dma_start3A_462 = tpu.memref_squeeze %dma_start3A_461 : memref<1x32x128xf32, #tpu.memory_space<vmem>> -> memref<32x128xf32, #tpu.memory_space<vmem>>
    %dma_start3A_463 = arith.constant 0 : i32
    %dma_start3A_464 = tpu.memref_slice %arg5[%dma_start3A_463, %multiple_of3A_457] : memref<32x1000000xf32, #tpu.memory_space<hbm>> -> memref<32x128xf32, #tpu.memory_space<hbm>>
    %dma_start3A_465 = arith.constant 0 : i32
    %dma_start3A_466 = arith.constant 0 : i32
    %dma_start3A_467 = tpu.memref_slice %arg10[%dma_start3A_458, %dma_start3A_465, %dma_start3A_466] : memref<16x32x128xf32, #tpu.memory_space<vmem>> -> memref<1x32x128xf32, #tpu.memory_space<vmem>>
    %dma_start3A_468 = tpu.memref_squeeze %dma_start3A_467 : memref<1x32x128xf32, #tpu.memory_space<vmem>> -> memref<32x128xf32, #tpu.memory_space<vmem>>
    %dma_start3A_469 = arith.constant 0 : i32
    %dma_start3A_470 = tpu.memref_slice %arg5[%dma_start3A_469, %multiple_of3A_457] : memref<32x1000000xf32, #tpu.memory_space<hbm>> -> memref<32x128xf32, #tpu.memory_space<hbm>>
    tpu.enqueue_dma source(%dma_start3A_470 : memref<32x128xf32, #tpu.memory_space<hbm>>) target(%dma_start3A_468 : memref<32x128xf32, #tpu.memory_space<vmem>>) target_semaphore(%arg19 : memref<!tpu.dma_semaphore, #tpu.memory_space<semaphore_mem>>)
    %slice3A_471 = vector.extract_strided_slice %get3A_330 {offsets = [7], sizes = [1], strides = [1]} : vector<16xi32> to vector<1xi32>
    %squeeze3A_472 = vector.extract %slice3A_471[0] : i32 from vector<1xi32>
    %shift_right_arithmetic3A_473 = arith.constant 7 : i32
    %shift_right_arithmetic3A_474 = arith.shrsi %squeeze3A_472, %shift_right_arithmetic3A_473 : i32
    %shift_left3A_475 = arith.constant 7 : i32
    %shift_left3A_476 = arith.shli %shift_right_arithmetic3A_474, %shift_left3A_475 : i32
    %multiple_of3A_477 = tpu.assume_multiple %shift_left3A_476, 128 : i32
    %dma_start3A_478 = arith.constant 7 : i32
    %dma_start3A_479 = arith.constant 0 : i32
    %dma_start3A_480 = arith.constant 0 : i32
    %dma_start3A_481 = tpu.memref_slice %arg10[%dma_start3A_478, %dma_start3A_479, %dma_start3A_480] : memref<16x32x128xf32, #tpu.memory_space<vmem>> -> memref<1x32x128xf32, #tpu.memory_space<vmem>>
    %dma_start3A_482 = tpu.memref_squeeze %dma_start3A_481 : memref<1x32x128xf32, #tpu.memory_space<vmem>> -> memref<32x128xf32, #tpu.memory_space<vmem>>
    %dma_start3A_483 = arith.constant 0 : i32
    %dma_start3A_484 = tpu.memref_slice %arg5[%dma_start3A_483, %multiple_of3A_477] : memref<32x1000000xf32, #tpu.memory_space<hbm>> -> memref<32x128xf32, #tpu.memory_space<hbm>>
    %dma_start3A_485 = arith.constant 0 : i32
    %dma_start3A_486 = arith.constant 0 : i32
    %dma_start3A_487 = tpu.memref_slice %arg10[%dma_start3A_478, %dma_start3A_485, %dma_start3A_486] : memref<16x32x128xf32, #tpu.memory_space<vmem>> -> memref<1x32x128xf32, #tpu.memory_space<vmem>>
    %dma_start3A_488 = tpu.memref_squeeze %dma_start3A_487 : memref<1x32x128xf32, #tpu.memory_space<vmem>> -> memref<32x128xf32, #tpu.memory_space<vmem>>
    %dma_start3A_489 = arith.constant 0 : i32
    %dma_start3A_490 = tpu.memref_slice %arg5[%dma_start3A_489, %multiple_of3A_477] : memref<32x1000000xf32, #tpu.memory_space<hbm>> -> memref<32x128xf32, #tpu.memory_space<hbm>>
    tpu.enqueue_dma source(%dma_start3A_490 : memref<32x128xf32, #tpu.memory_space<hbm>>) target(%dma_start3A_488 : memref<32x128xf32, #tpu.memory_space<vmem>>) target_semaphore(%arg20 : memref<!tpu.dma_semaphore, #tpu.memory_space<semaphore_mem>>)
    %slice3A_491 = vector.extract_strided_slice %get3A_330 {offsets = [8], sizes = [1], strides = [1]} : vector<16xi32> to vector<1xi32>
    %squeeze3A_492 = vector.extract %slice3A_491[0] : i32 from vector<1xi32>
    %shift_right_arithmetic3A_493 = arith.constant 7 : i32
    %shift_right_arithmetic3A_494 = arith.shrsi %squeeze3A_492, %shift_right_arithmetic3A_493 : i32
    %shift_left3A_495 = arith.constant 7 : i32
    %shift_left3A_496 = arith.shli %shift_right_arithmetic3A_494, %shift_left3A_495 : i32
    %multiple_of3A_497 = tpu.assume_multiple %shift_left3A_496, 128 : i32
    %dma_start3A_498 = arith.constant 8 : i32
    %dma_start3A_499 = arith.constant 0 : i32
    %dma_start3A_500 = arith.constant 0 : i32
    %dma_start3A_501 = tpu.memref_slice %arg10[%dma_start3A_498, %dma_start3A_499, %dma_start3A_500] : memref<16x32x128xf32, #tpu.memory_space<vmem>> -> memref<1x32x128xf32, #tpu.memory_space<vmem>>
    %dma_start3A_502 = tpu.memref_squeeze %dma_start3A_501 : memref<1x32x128xf32, #tpu.memory_space<vmem>> -> memref<32x128xf32, #tpu.memory_space<vmem>>
    %dma_start3A_503 = arith.constant 0 : i32
    %dma_start3A_504 = tpu.memref_slice %arg5[%dma_start3A_503, %multiple_of3A_497] : memref<32x1000000xf32, #tpu.memory_space<hbm>> -> memref<32x128xf32, #tpu.memory_space<hbm>>
    %dma_start3A_505 = arith.constant 0 : i32
    %dma_start3A_506 = arith.constant 0 : i32
    %dma_start3A_507 = tpu.memref_slice %arg10[%dma_start3A_498, %dma_start3A_505, %dma_start3A_506] : memref<16x32x128xf32, #tpu.memory_space<vmem>> -> memref<1x32x128xf32, #tpu.memory_space<vmem>>
    %dma_start3A_508 = tpu.memref_squeeze %dma_start3A_507 : memref<1x32x128xf32, #tpu.memory_space<vmem>> -> memref<32x128xf32, #tpu.memory_space<vmem>>
    %dma_start3A_509 = arith.constant 0 : i32
    %dma_start3A_510 = tpu.memref_slice %arg5[%dma_start3A_509, %multiple_of3A_497] : memref<32x1000000xf32, #tpu.memory_space<hbm>> -> memref<32x128xf32, #tpu.memory_space<hbm>>
    tpu.enqueue_dma source(%dma_start3A_510 : memref<32x128xf32, #tpu.memory_space<hbm>>) target(%dma_start3A_508 : memref<32x128xf32, #tpu.memory_space<vmem>>) target_semaphore(%arg21 : memref<!tpu.dma_semaphore, #tpu.memory_space<semaphore_mem>>)
    %slice3A_511 = vector.extract_strided_slice %get3A_330 {offsets = [9], sizes = [1], strides = [1]} : vector<16xi32> to vector<1xi32>
    %squeeze3A_512 = vector.extract %slice3A_511[0] : i32 from vector<1xi32>
    %shift_right_arithmetic3A_513 = arith.constant 7 : i32
    %shift_right_arithmetic3A_514 = arith.shrsi %squeeze3A_512, %shift_right_arithmetic3A_513 : i32
    %shift_left3A_515 = arith.constant 7 : i32
    %shift_left3A_516 = arith.shli %shift_right_arithmetic3A_514, %shift_left3A_515 : i32
    %multiple_of3A_517 = tpu.assume_multiple %shift_left3A_516, 128 : i32
    %dma_start3A_518 = arith.constant 9 : i32
    %dma_start3A_519 = arith.constant 0 : i32
    %dma_start3A_520 = arith.constant 0 : i32
    %dma_start3A_521 = tpu.memref_slice %arg10[%dma_start3A_518, %dma_start3A_519, %dma_start3A_520] : memref<16x32x128xf32, #tpu.memory_space<vmem>> -> memref<1x32x128xf32, #tpu.memory_space<vmem>>
    %dma_start3A_522 = tpu.memref_squeeze %dma_start3A_521 : memref<1x32x128xf32, #tpu.memory_space<vmem>> -> memref<32x128xf32, #tpu.memory_space<vmem>>
    %dma_start3A_523 = arith.constant 0 : i32
    %dma_start3A_524 = tpu.memref_slice %arg5[%dma_start3A_523, %multiple_of3A_517] : memref<32x1000000xf32, #tpu.memory_space<hbm>> -> memref<32x128xf32, #tpu.memory_space<hbm>>
    %dma_start3A_525 = arith.constant 0 : i32
    %dma_start3A_526 = arith.constant 0 : i32
    %dma_start3A_527 = tpu.memref_slice %arg10[%dma_start3A_518, %dma_start3A_525, %dma_start3A_526] : memref<16x32x128xf32, #tpu.memory_space<vmem>> -> memref<1x32x128xf32, #tpu.memory_space<vmem>>
    %dma_start3A_528 = tpu.memref_squeeze %dma_start3A_527 : memref<1x32x128xf32, #tpu.memory_space<vmem>> -> memref<32x128xf32, #tpu.memory_space<vmem>>
    %dma_start3A_529 = arith.constant 0 : i32
    %dma_start3A_530 = tpu.memref_slice %arg5[%dma_start3A_529, %multiple_of3A_517] : memref<32x1000000xf32, #tpu.memory_space<hbm>> -> memref<32x128xf32, #tpu.memory_space<hbm>>
    tpu.enqueue_dma source(%dma_start3A_530 : memref<32x128xf32, #tpu.memory_space<hbm>>) target(%dma_start3A_528 : memref<32x128xf32, #tpu.memory_space<vmem>>) target_semaphore(%arg22 : memref<!tpu.dma_semaphore, #tpu.memory_space<semaphore_mem>>)
    %slice3A_531 = vector.extract_strided_slice %get3A_330 {offsets = [10], sizes = [1], strides = [1]} : vector<16xi32> to vector<1xi32>
    %squeeze3A_532 = vector.extract %slice3A_531[0] : i32 from vector<1xi32>
    %shift_right_arithmetic3A_533 = arith.constant 7 : i32
    %shift_right_arithmetic3A_534 = arith.shrsi %squeeze3A_532, %shift_right_arithmetic3A_533 : i32
    %shift_left3A_535 = arith.constant 7 : i32
    %shift_left3A_536 = arith.shli %shift_right_arithmetic3A_534, %shift_left3A_535 : i32
    %multiple_of3A_537 = tpu.assume_multiple %shift_left3A_536, 128 : i32
    %dma_start3A_538 = arith.constant 10 : i32
    %dma_start3A_539 = arith.constant 0 : i32
    %dma_start3A_540 = arith.constant 0 : i32
    %dma_start3A_541 = tpu.memref_slice %arg10[%dma_start3A_538, %dma_start3A_539, %dma_start3A_540] : memref<16x32x128xf32, #tpu.memory_space<vmem>> -> memref<1x32x128xf32, #tpu.memory_space<vmem>>
    %dma_start3A_542 = tpu.memref_squeeze %dma_start3A_541 : memref<1x32x128xf32, #tpu.memory_space<vmem>> -> memref<32x128xf32, #tpu.memory_space<vmem>>
    %dma_start3A_543 = arith.constant 0 : i32
    %dma_start3A_544 = tpu.memref_slice %arg5[%dma_start3A_543, %multiple_of3A_537] : memref<32x1000000xf32, #tpu.memory_space<hbm>> -> memref<32x128xf32, #tpu.memory_space<hbm>>
    %dma_start3A_545 = arith.constant 0 : i32
    %dma_start3A_546 = arith.constant 0 : i32
    %dma_start3A_547 = tpu.memref_slice %arg10[%dma_start3A_538, %dma_start3A_545, %dma_start3A_546] : memref<16x32x128xf32, #tpu.memory_space<vmem>> -> memref<1x32x128xf32, #tpu.memory_space<vmem>>
    %dma_start3A_548 = tpu.memref_squeeze %dma_start3A_547 : memref<1x32x128xf32, #tpu.memory_space<vmem>> -> memref<32x128xf32, #tpu.memory_space<vmem>>
    %dma_start3A_549 = arith.constant 0 : i32
    %dma_start3A_550 = tpu.memref_slice %arg5[%dma_start3A_549, %multiple_of3A_537] : memref<32x1000000xf32, #tpu.memory_space<hbm>> -> memref<32x128xf32, #tpu.memory_space<hbm>>
    tpu.enqueue_dma source(%dma_start3A_550 : memref<32x128xf32, #tpu.memory_space<hbm>>) target(%dma_start3A_548 : memref<32x128xf32, #tpu.memory_space<vmem>>) target_semaphore(%arg23 : memref<!tpu.dma_semaphore, #tpu.memory_space<semaphore_mem>>)
    %slice3A_551 = vector.extract_strided_slice %get3A_330 {offsets = [11], sizes = [1], strides = [1]} : vector<16xi32> to vector<1xi32>
    %squeeze3A_552 = vector.extract %slice3A_551[0] : i32 from vector<1xi32>
    %shift_right_arithmetic3A_553 = arith.constant 7 : i32
    %shift_right_arithmetic3A_554 = arith.shrsi %squeeze3A_552, %shift_right_arithmetic3A_553 : i32
    %shift_left3A_555 = arith.constant 7 : i32
    %shift_left3A_556 = arith.shli %shift_right_arithmetic3A_554, %shift_left3A_555 : i32
    %multiple_of3A_557 = tpu.assume_multiple %shift_left3A_556, 128 : i32
    %dma_start3A_558 = arith.constant 11 : i32
    %dma_start3A_559 = arith.constant 0 : i32
    %dma_start3A_560 = arith.constant 0 : i32
    %dma_start3A_561 = tpu.memref_slice %arg10[%dma_start3A_558, %dma_start3A_559, %dma_start3A_560] : memref<16x32x128xf32, #tpu.memory_space<vmem>> -> memref<1x32x128xf32, #tpu.memory_space<vmem>>
    %dma_start3A_562 = tpu.memref_squeeze %dma_start3A_561 : memref<1x32x128xf32, #tpu.memory_space<vmem>> -> memref<32x128xf32, #tpu.memory_space<vmem>>
    %dma_start3A_563 = arith.constant 0 : i32
    %dma_start3A_564 = tpu.memref_slice %arg5[%dma_start3A_563, %multiple_of3A_557] : memref<32x1000000xf32, #tpu.memory_space<hbm>> -> memref<32x128xf32, #tpu.memory_space<hbm>>
    %dma_start3A_565 = arith.constant 0 : i32
    %dma_start3A_566 = arith.constant 0 : i32
    %dma_start3A_567 = tpu.memref_slice %arg10[%dma_start3A_558, %dma_start3A_565, %dma_start3A_566] : memref<16x32x128xf32, #tpu.memory_space<vmem>> -> memref<1x32x128xf32, #tpu.memory_space<vmem>>
    %dma_start3A_568 = tpu.memref_squeeze %dma_start3A_567 : memref<1x32x128xf32, #tpu.memory_space<vmem>> -> memref<32x128xf32, #tpu.memory_space<vmem>>
    %dma_start3A_569 = arith.constant 0 : i32
    %dma_start3A_570 = tpu.memref_slice %arg5[%dma_start3A_569, %multiple_of3A_557] : memref<32x1000000xf32, #tpu.memory_space<hbm>> -> memref<32x128xf32, #tpu.memory_space<hbm>>
    tpu.enqueue_dma source(%dma_start3A_570 : memref<32x128xf32, #tpu.memory_space<hbm>>) target(%dma_start3A_568 : memref<32x128xf32, #tpu.memory_space<vmem>>) target_semaphore(%arg24 : memref<!tpu.dma_semaphore, #tpu.memory_space<semaphore_mem>>)
    %slice3A_571 = vector.extract_strided_slice %get3A_330 {offsets = [12], sizes = [1], strides = [1]} : vector<16xi32> to vector<1xi32>
    %squeeze3A_572 = vector.extract %slice3A_571[0] : i32 from vector<1xi32>
    %shift_right_arithmetic3A_573 = arith.constant 7 : i32
    %shift_right_arithmetic3A_574 = arith.shrsi %squeeze3A_572, %shift_right_arithmetic3A_573 : i32
    %shift_left3A_575 = arith.constant 7 : i32
    %shift_left3A_576 = arith.shli %shift_right_arithmetic3A_574, %shift_left3A_575 : i32
    %multiple_of3A_577 = tpu.assume_multiple %shift_left3A_576, 128 : i32
    %dma_start3A_578 = arith.constant 12 : i32
    %dma_start3A_579 = arith.constant 0 : i32
    %dma_start3A_580 = arith.constant 0 : i32
    %dma_start3A_581 = tpu.memref_slice %arg10[%dma_start3A_578, %dma_start3A_579, %dma_start3A_580] : memref<16x32x128xf32, #tpu.memory_space<vmem>> -> memref<1x32x128xf32, #tpu.memory_space<vmem>>
    %dma_start3A_582 = tpu.memref_squeeze %dma_start3A_581 : memref<1x32x128xf32, #tpu.memory_space<vmem>> -> memref<32x128xf32, #tpu.memory_space<vmem>>
    %dma_start3A_583 = arith.constant 0 : i32
    %dma_start3A_584 = tpu.memref_slice %arg5[%dma_start3A_583, %multiple_of3A_577] : memref<32x1000000xf32, #tpu.memory_space<hbm>> -> memref<32x128xf32, #tpu.memory_space<hbm>>
    %dma_start3A_585 = arith.constant 0 : i32
    %dma_start3A_586 = arith.constant 0 : i32
    %dma_start3A_587 = tpu.memref_slice %arg10[%dma_start3A_578, %dma_start3A_585, %dma_start3A_586] : memref<16x32x128xf32, #tpu.memory_space<vmem>> -> memref<1x32x128xf32, #tpu.memory_space<vmem>>
    %dma_start3A_588 = tpu.memref_squeeze %dma_start3A_587 : memref<1x32x128xf32, #tpu.memory_space<vmem>> -> memref<32x128xf32, #tpu.memory_space<vmem>>
    %dma_start3A_589 = arith.constant 0 : i32
    %dma_start3A_590 = tpu.memref_slice %arg5[%dma_start3A_589, %multiple_of3A_577] : memref<32x1000000xf32, #tpu.memory_space<hbm>> -> memref<32x128xf32, #tpu.memory_space<hbm>>
    tpu.enqueue_dma source(%dma_start3A_590 : memref<32x128xf32, #tpu.memory_space<hbm>>) target(%dma_start3A_588 : memref<32x128xf32, #tpu.memory_space<vmem>>) target_semaphore(%arg25 : memref<!tpu.dma_semaphore, #tpu.memory_space<semaphore_mem>>)
    %slice3A_591 = vector.extract_strided_slice %get3A_330 {offsets = [13], sizes = [1], strides = [1]} : vector<16xi32> to vector<1xi32>
    %squeeze3A_592 = vector.extract %slice3A_591[0] : i32 from vector<1xi32>
    %shift_right_arithmetic3A_593 = arith.constant 7 : i32
    %shift_right_arithmetic3A_594 = arith.shrsi %squeeze3A_592, %shift_right_arithmetic3A_593 : i32
    %shift_left3A_595 = arith.constant 7 : i32
    %shift_left3A_596 = arith.shli %shift_right_arithmetic3A_594, %shift_left3A_595 : i32
    %multiple_of3A_597 = tpu.assume_multiple %shift_left3A_596, 128 : i32
    %dma_start3A_598 = arith.constant 13 : i32
    %dma_start3A_599 = arith.constant 0 : i32
    %dma_start3A_600 = arith.constant 0 : i32
    %dma_start3A_601 = tpu.memref_slice %arg10[%dma_start3A_598, %dma_start3A_599, %dma_start3A_600] : memref<16x32x128xf32, #tpu.memory_space<vmem>> -> memref<1x32x128xf32, #tpu.memory_space<vmem>>
    %dma_start3A_602 = tpu.memref_squeeze %dma_start3A_601 : memref<1x32x128xf32, #tpu.memory_space<vmem>> -> memref<32x128xf32, #tpu.memory_space<vmem>>
    %dma_start3A_603 = arith.constant 0 : i32
    %dma_start3A_604 = tpu.memref_slice %arg5[%dma_start3A_603, %multiple_of3A_597] : memref<32x1000000xf32, #tpu.memory_space<hbm>> -> memref<32x128xf32, #tpu.memory_space<hbm>>
    %dma_start3A_605 = arith.constant 0 : i32
    %dma_start3A_606 = arith.constant 0 : i32
    %dma_start3A_607 = tpu.memref_slice %arg10[%dma_start3A_598, %dma_start3A_605, %dma_start3A_606] : memref<16x32x128xf32, #tpu.memory_space<vmem>> -> memref<1x32x128xf32, #tpu.memory_space<vmem>>
    %dma_start3A_608 = tpu.memref_squeeze %dma_start3A_607 : memref<1x32x128xf32, #tpu.memory_space<vmem>> -> memref<32x128xf32, #tpu.memory_space<vmem>>
    %dma_start3A_609 = arith.constant 0 : i32
    %dma_start3A_610 = tpu.memref_slice %arg5[%dma_start3A_609, %multiple_of3A_597] : memref<32x1000000xf32, #tpu.memory_space<hbm>> -> memref<32x128xf32, #tpu.memory_space<hbm>>
    tpu.enqueue_dma source(%dma_start3A_610 : memref<32x128xf32, #tpu.memory_space<hbm>>) target(%dma_start3A_608 : memref<32x128xf32, #tpu.memory_space<vmem>>) target_semaphore(%arg26 : memref<!tpu.dma_semaphore, #tpu.memory_space<semaphore_mem>>)
    %slice3A_611 = vector.extract_strided_slice %get3A_330 {offsets = [14], sizes = [1], strides = [1]} : vector<16xi32> to vector<1xi32>
    %squeeze3A_612 = vector.extract %slice3A_611[0] : i32 from vector<1xi32>
    %shift_right_arithmetic3A_613 = arith.constant 7 : i32
    %shift_right_arithmetic3A_614 = arith.shrsi %squeeze3A_612, %shift_right_arithmetic3A_613 : i32
    %shift_left3A_615 = arith.constant 7 : i32
    %shift_left3A_616 = arith.shli %shift_right_arithmetic3A_614, %shift_left3A_615 : i32
    %multiple_of3A_617 = tpu.assume_multiple %shift_left3A_616, 128 : i32
    %dma_start3A_618 = arith.constant 14 : i32
    %dma_start3A_619 = arith.constant 0 : i32
    %dma_start3A_620 = arith.constant 0 : i32
    %dma_start3A_621 = tpu.memref_slice %arg10[%dma_start3A_618, %dma_start3A_619, %dma_start3A_620] : memref<16x32x128xf32, #tpu.memory_space<vmem>> -> memref<1x32x128xf32, #tpu.memory_space<vmem>>
    %dma_start3A_622 = tpu.memref_squeeze %dma_start3A_621 : memref<1x32x128xf32, #tpu.memory_space<vmem>> -> memref<32x128xf32, #tpu.memory_space<vmem>>
    %dma_start3A_623 = arith.constant 0 : i32
    %dma_start3A_624 = tpu.memref_slice %arg5[%dma_start3A_623, %multiple_of3A_617] : memref<32x1000000xf32, #tpu.memory_space<hbm>> -> memref<32x128xf32, #tpu.memory_space<hbm>>
    %dma_start3A_625 = arith.constant 0 : i32
    %dma_start3A_626 = arith.constant 0 : i32
    %dma_start3A_627 = tpu.memref_slice %arg10[%dma_start3A_618, %dma_start3A_625, %dma_start3A_626] : memref<16x32x128xf32, #tpu.memory_space<vmem>> -> memref<1x32x128xf32, #tpu.memory_space<vmem>>
    %dma_start3A_628 = tpu.memref_squeeze %dma_start3A_627 : memref<1x32x128xf32, #tpu.memory_space<vmem>> -> memref<32x128xf32, #tpu.memory_space<vmem>>
    %dma_start3A_629 = arith.constant 0 : i32
    %dma_start3A_630 = tpu.memref_slice %arg5[%dma_start3A_629, %multiple_of3A_617] : memref<32x1000000xf32, #tpu.memory_space<hbm>> -> memref<32x128xf32, #tpu.memory_space<hbm>>
    tpu.enqueue_dma source(%dma_start3A_630 : memref<32x128xf32, #tpu.memory_space<hbm>>) target(%dma_start3A_628 : memref<32x128xf32, #tpu.memory_space<vmem>>) target_semaphore(%arg27 : memref<!tpu.dma_semaphore, #tpu.memory_space<semaphore_mem>>)
    %slice3A_631 = vector.extract_strided_slice %get3A_330 {offsets = [15], sizes = [1], strides = [1]} : vector<16xi32> to vector<1xi32>
    %squeeze3A_632 = vector.extract %slice3A_631[0] : i32 from vector<1xi32>
    %shift_right_arithmetic3A_633 = arith.constant 7 : i32
    %shift_right_arithmetic3A_634 = arith.shrsi %squeeze3A_632, %shift_right_arithmetic3A_633 : i32
    %shift_left3A_635 = arith.constant 7 : i32
    %shift_left3A_636 = arith.shli %shift_right_arithmetic3A_634, %shift_left3A_635 : i32
    %multiple_of3A_637 = tpu.assume_multiple %shift_left3A_636, 128 : i32
    %dma_start3A_638 = arith.constant 15 : i32
    %dma_start3A_639 = arith.constant 0 : i32
    %dma_start3A_640 = arith.constant 0 : i32
    %dma_start3A_641 = tpu.memref_slice %arg10[%dma_start3A_638, %dma_start3A_639, %dma_start3A_640] : memref<16x32x128xf32, #tpu.memory_space<vmem>> -> memref<1x32x128xf32, #tpu.memory_space<vmem>>
    %dma_start3A_642 = tpu.memref_squeeze %dma_start3A_641 : memref<1x32x128xf32, #tpu.memory_space<vmem>> -> memref<32x128xf32, #tpu.memory_space<vmem>>
    %dma_start3A_643 = arith.constant 0 : i32
    %dma_start3A_644 = tpu.memref_slice %arg5[%dma_start3A_643, %multiple_of3A_637] : memref<32x1000000xf32, #tpu.memory_space<hbm>> -> memref<32x128xf32, #tpu.memory_space<hbm>>
    %dma_start3A_645 = arith.constant 0 : i32
    %dma_start3A_646 = arith.constant 0 : i32
    %dma_start3A_647 = tpu.memref_slice %arg10[%dma_start3A_638, %dma_start3A_645, %dma_start3A_646] : memref<16x32x128xf32, #tpu.memory_space<vmem>> -> memref<1x32x128xf32, #tpu.memory_space<vmem>>
    %dma_start3A_648 = tpu.memref_squeeze %dma_start3A_647 : memref<1x32x128xf32, #tpu.memory_space<vmem>> -> memref<32x128xf32, #tpu.memory_space<vmem>>
    %dma_start3A_649 = arith.constant 0 : i32
    %dma_start3A_650 = tpu.memref_slice %arg5[%dma_start3A_649, %multiple_of3A_637] : memref<32x1000000xf32, #tpu.memory_space<hbm>> -> memref<32x128xf32, #tpu.memory_space<hbm>>
    tpu.enqueue_dma source(%dma_start3A_650 : memref<32x128xf32, #tpu.memory_space<hbm>>) target(%dma_start3A_648 : memref<32x128xf32, #tpu.memory_space<vmem>>) target_semaphore(%arg28 : memref<!tpu.dma_semaphore, #tpu.memory_space<semaphore_mem>>)
    %scan3A_651 = arith.constant 0 : i32
    %scan3A_652 = arith.constant 8 : i32
    %scan3A_653 = arith.addi %scan3A_651, %scan3A_652 : i32
    %scan3A_654 = arith.constant 1 : i32
    scf.for %scan3A_662 = %scan3A_651 to %scan3A_653 step %scan3A_654  : i32 {
      %mul3A_663 = arith.constant 16 : i32
      %mul3A_664 = arith.muli %scan3A_662, %mul3A_663 : i32
      %get3A_665 = arith.index_cast %mul3A_664 : i32 to index
      %get3A_666 = tpu.vector_load %arg9[%get3A_665] {strides = array<i32>} : memref<144xi32, #tpu.memory_space<vmem>>, vector<16xi32>,
      %add3A_667 = arith.constant 1 : i32
      %add3A_668 = arith.addi %scan3A_662, %add3A_667 : i32
      %mul3A_669 = arith.constant 16 : i32
      %mul3A_670 = arith.muli %add3A_668, %mul3A_669 : i32
      %get3A_671 = arith.index_cast %mul3A_670 : i32 to index
      %get3A_672 = tpu.vector_load %arg9[%get3A_671] {strides = array<i32>} : memref<144xi32, #tpu.memory_space<vmem>>, vector<16xi32>,
      %dma_wait3A = arith.constant 0 : i32
      %dma_wait3A_673 = arith.constant 0 : i32
      %dma_wait3A_674 = arith.constant 0 : i32
      %dma_wait3A_675 = tpu.memref_slice %arg10[%dma_wait3A, %dma_wait3A_673, %dma_wait3A_674] : memref<16x32x128xf32, #tpu.memory_space<vmem>> -> memref<1x32x128xf32, #tpu.memory_space<vmem>>
      %dma_wait3A_676 = tpu.memref_squeeze %dma_wait3A_675 : memref<1x32x128xf32, #tpu.memory_space<vmem>> -> memref<32x128xf32, #tpu.memory_space<vmem>>
      %dma_wait3A_677 = arith.constant 0 : i32
      %dma_wait3A_678 = arith.constant 0 : i32
      %dma_wait3A_679 = tpu.memref_slice %arg5[%dma_wait3A_677, %dma_wait3A_678] : memref<32x1000000xf32, #tpu.memory_space<hbm>> -> memref<32x128xf32, #tpu.memory_space<hbm>>
      %dma_wait3A_680 = arith.constant 0 : i32
      %dma_wait3A_681 = arith.constant 0 : i32
      %dma_wait3A_682 = tpu.memref_slice %arg10[%dma_wait3A, %dma_wait3A_680, %dma_wait3A_681] : memref<16x32x128xf32, #tpu.memory_space<vmem>> -> memref<1x32x128xf32, #tpu.memory_space<vmem>>
      %dma_wait3A_683 = tpu.memref_squeeze %dma_wait3A_682 : memref<1x32x128xf32, #tpu.memory_space<vmem>> -> memref<32x128xf32, #tpu.memory_space<vmem>>
      %dma_wait3A_684 = arith.constant 0 : i32
      %dma_wait3A_685 = arith.constant 0 : i32
      %dma_wait3A_686 = tpu.memref_slice %arg5[%dma_wait3A_684, %dma_wait3A_685] : memref<32x1000000xf32, #tpu.memory_space<hbm>> -> memref<32x128xf32, #tpu.memory_space<hbm>>
      tpu.wait_dma2 semaphore(%arg13 : memref<!tpu.dma_semaphore, #tpu.memory_space<semaphore_mem>>) src(%dma_wait3A_686 : memref<32x128xf32, #tpu.memory_space<hbm>>) dst(%dma_wait3A_683 : memref<32x128xf32, #tpu.memory_space<vmem>>)
      %slice3A_687 = vector.extract_strided_slice %get3A_666 {offsets = [0], sizes = [1], strides = [1]} : vector<16xi32> to vector<1xi32>
      %squeeze3A_688 = vector.extract %slice3A_687[0] : i32 from vector<1xi32>
      %and3A = arith.constant 127 : i32
      %and3A_689 = arith.andi %squeeze3A_688, %and3A : i32
      %broadcast_in_dim3A = arith.constant 0 : i32
      %broadcast_in_dim3A_690 = vector.broadcast %broadcast_in_dim3A : i32 to vector<16xi32>
      %broadcast_in_dim3A_691 = vector.broadcast %and3A_689 : i32 to vector<16xi32>
      %mul3A_692 = arith.constant 16 : i32
      %mul3A_693 = arith.muli %scan3A_662, %mul3A_692 : i32
      %add3A_694 = arith.constant 0 : i32
      %add3A_695 = arith.addi %mul3A_693, %add3A_694 : i32
      %broadcast_in_dim3A_696 = vector.broadcast %add3A_695 : i32 to vector<16xi32>
      %gather3A = tpu.vector_load_idx %arg10[%broadcast_in_dim3A_690, %iota3A, %broadcast_in_dim3A_691] : memref<16x32x128xf32, #tpu.memory_space<vmem>>[vector<16xi32>, vector<16xi32>, vector<16xi32>], vector<16xf32>,
      %gather3A_697 = tpu.vector_load_idx %arg10[%broadcast_in_dim3A_690, %add3A_3, %broadcast_in_dim3A_691] : memref<16x32x128xf32, #tpu.memory_space<vmem>>[vector<16xi32>, vector<16xi32>, vector<16xi32>], vector<16xf32>,
      tpu.vector_store_idx %arg12[%broadcast_in_dim3A_696, %iota3A], %gather3A : memref<128x32xf32, #tpu.memory_space<vmem>>[vector<16xi32>, vector<16xi32>], vector<16xf32>,
      tpu.vector_store_idx %arg12[%broadcast_in_dim3A_696, %add3A_3], %gather3A_697 : memref<128x32xf32, #tpu.memory_space<vmem>>[vector<16xi32>, vector<16xi32>], vector<16xf32>,
      %add3A_698 = arith.constant 1 : i32
      %add3A_699 = arith.addi %scan3A_662, %add3A_698 : i32
      %lt3A = arith.constant 8 : i32
      %lt3A_700 = arith.cmpi slt, %add3A_699, %lt3A : i32
      %convert_element_type3A = arith.extui %lt3A_700 : i1 to i32
      %cond3A = arith.constant 0 : i32
      %cond3A_701 = arith.cmpi ne, %convert_element_type3A, %cond3A : i32
      scf.if %cond3A_701 {
        %slice3A_1242 = vector.extract_strided_slice %get3A_672 {offsets = [0], sizes = [1], strides = [1]} : vector<16xi32> to vector<1xi32>
        %squeeze3A_1243 = vector.extract %slice3A_1242[0] : i32 from vector<1xi32>
        %shift_right_arithmetic3A_1244 = arith.constant 7 : i32
        %shift_right_arithmetic3A_1245 = arith.shrsi %squeeze3A_1243, %shift_right_arithmetic3A_1244 : i32
        %shift_left3A_1246 = arith.constant 7 : i32
        %shift_left3A_1247 = arith.shli %shift_right_arithmetic3A_1245, %shift_left3A_1246 : i32
        %multiple_of3A_1248 = tpu.assume_multiple %shift_left3A_1247, 128 : i32
        %dma_start3A_1249 = arith.constant 0 : i32
        %dma_start3A_1250 = arith.constant 0 : i32
        %dma_start3A_1251 = arith.constant 0 : i32
        %dma_start3A_1252 = tpu.memref_slice %arg10[%dma_start3A_1249, %dma_start3A_1250, %dma_start3A_1251] : memref<16x32x128xf32, #tpu.memory_space<vmem>> -> memref<1x32x128xf32, #tpu.memory_space<vmem>>
        %dma_start3A_1253 = tpu.memref_squeeze %dma_start3A_1252 : memref<1x32x128xf32, #tpu.memory_space<vmem>> -> memref<32x128xf32, #tpu.memory_space<vmem>>
        %dma_start3A_1254 = arith.constant 0 : i32
        %dma_start3A_1255 = tpu.memref_slice %arg5[%dma_start3A_1254, %multiple_of3A_1248] : memref<32x1000000xf32, #tpu.memory_space<hbm>> -> memref<32x128xf32, #tpu.memory_space<hbm>>
        %dma_start3A_1256 = arith.constant 0 : i32
        %dma_start3A_1257 = arith.constant 0 : i32
        %dma_start3A_1258 = tpu.memref_slice %arg10[%dma_start3A_1249, %dma_start3A_1256, %dma_start3A_1257] : memref<16x32x128xf32, #tpu.memory_space<vmem>> -> memref<1x32x128xf32, #tpu.memory_space<vmem>>
        %dma_start3A_1259 = tpu.memref_squeeze %dma_start3A_1258 : memref<1x32x128xf32, #tpu.memory_space<vmem>> -> memref<32x128xf32, #tpu.memory_space<vmem>>
        %dma_start3A_1260 = arith.constant 0 : i32
        %dma_start3A_1261 = tpu.memref_slice %arg5[%dma_start3A_1260, %multiple_of3A_1248] : memref<32x1000000xf32, #tpu.memory_space<hbm>> -> memref<32x128xf32, #tpu.memory_space<hbm>>
        tpu.enqueue_dma source(%dma_start3A_1261 : memref<32x128xf32, #tpu.memory_space<hbm>>) target(%dma_start3A_1259 : memref<32x128xf32, #tpu.memory_space<vmem>>) target_semaphore(%arg13 : memref<!tpu.dma_semaphore, #tpu.memory_space<semaphore_mem>>)
      } else {
      }
      %dma_wait3A_702 = arith.constant 1 : i32
      %dma_wait3A_703 = arith.constant 0 : i32
      %dma_wait3A_704 = arith.constant 0 : i32
      %dma_wait3A_705 = tpu.memref_slice %arg10[%dma_wait3A_702, %dma_wait3A_703, %dma_wait3A_704] : memref<16x32x128xf32, #tpu.memory_space<vmem>> -> memref<1x32x128xf32, #tpu.memory_space<vmem>>
      %dma_wait3A_706 = tpu.memref_squeeze %dma_wait3A_705 : memref<1x32x128xf32, #tpu.memory_space<vmem>> -> memref<32x128xf32, #tpu.memory_space<vmem>>
      %dma_wait3A_707 = arith.constant 0 : i32
      %dma_wait3A_708 = arith.constant 0 : i32
      %dma_wait3A_709 = tpu.memref_slice %arg5[%dma_wait3A_707, %dma_wait3A_708] : memref<32x1000000xf32, #tpu.memory_space<hbm>> -> memref<32x128xf32, #tpu.memory_space<hbm>>
      %dma_wait3A_710 = arith.constant 0 : i32
      %dma_wait3A_711 = arith.constant 0 : i32
      %dma_wait3A_712 = tpu.memref_slice %arg10[%dma_wait3A_702, %dma_wait3A_710, %dma_wait3A_711] : memref<16x32x128xf32, #tpu.memory_space<vmem>> -> memref<1x32x128xf32, #tpu.memory_space<vmem>>
      %dma_wait3A_713 = tpu.memref_squeeze %dma_wait3A_712 : memref<1x32x128xf32, #tpu.memory_space<vmem>> -> memref<32x128xf32, #tpu.memory_space<vmem>>
      %dma_wait3A_714 = arith.constant 0 : i32
      %dma_wait3A_715 = arith.constant 0 : i32
      %dma_wait3A_716 = tpu.memref_slice %arg5[%dma_wait3A_714, %dma_wait3A_715] : memref<32x1000000xf32, #tpu.memory_space<hbm>> -> memref<32x128xf32, #tpu.memory_space<hbm>>
      tpu.wait_dma2 semaphore(%arg14 : memref<!tpu.dma_semaphore, #tpu.memory_space<semaphore_mem>>) src(%dma_wait3A_716 : memref<32x128xf32, #tpu.memory_space<hbm>>) dst(%dma_wait3A_713 : memref<32x128xf32, #tpu.memory_space<vmem>>)
      %slice3A_717 = vector.extract_strided_slice %get3A_666 {offsets = [1], sizes = [1], strides = [1]} : vector<16xi32> to vector<1xi32>
      %squeeze3A_718 = vector.extract %slice3A_717[0] : i32 from vector<1xi32>
      %and3A_719 = arith.constant 127 : i32
      %and3A_720 = arith.andi %squeeze3A_718, %and3A_719 : i32
      %broadcast_in_dim3A_721 = arith.constant 1 : i32
      %broadcast_in_dim3A_722 = vector.broadcast %broadcast_in_dim3A_721 : i32 to vector<16xi32>
      %broadcast_in_dim3A_723 = vector.broadcast %and3A_720 : i32 to vector<16xi32>
      %mul3A_724 = arith.constant 16 : i32
      %mul3A_725 = arith.muli %scan3A_662, %mul3A_724 : i32
      %add3A_726 = arith.constant 1 : i32
      %add3A_727 = arith.addi %mul3A_725, %add3A_726 : i32
      %broadcast_in_dim3A_728 = vector.broadcast %add3A_727 : i32 to vector<16xi32>
      %gather3A_729 = tpu.vector_load_idx %arg10[%broadcast_in_dim3A_722, %iota3A, %broadcast_in_dim3A_723] : memref<16x32x128xf32, #tpu.memory_space<vmem>>[vector<16xi32>, vector<16xi32>, vector<16xi32>], vector<16xf32>,
      %gather3A_730 = tpu.vector_load_idx %arg10[%broadcast_in_dim3A_722, %add3A_3, %broadcast_in_dim3A_723] : memref<16x32x128xf32, #tpu.memory_space<vmem>>[vector<16xi32>, vector<16xi32>, vector<16xi32>], vector<16xf32>,
      tpu.vector_store_idx %arg12[%broadcast_in_dim3A_728, %iota3A], %gather3A_729 : memref<128x32xf32, #tpu.memory_space<vmem>>[vector<16xi32>, vector<16xi32>], vector<16xf32>,
      tpu.vector_store_idx %arg12[%broadcast_in_dim3A_728, %add3A_3], %gather3A_730 : memref<128x32xf32, #tpu.memory_space<vmem>>[vector<16xi32>, vector<16xi32>], vector<16xf32>,
      %add3A_731 = arith.constant 1 : i32
      %add3A_732 = arith.addi %scan3A_662, %add3A_731 : i32
      %lt3A_733 = arith.constant 8 : i32
      %lt3A_734 = arith.cmpi slt, %add3A_732, %lt3A_733 : i32
      %convert_element_type3A_735 = arith.extui %lt3A_734 : i1 to i32
      %cond3A_736 = arith.constant 0 : i32
      %cond3A_737 = arith.cmpi ne, %convert_element_type3A_735, %cond3A_736 : i32
      scf.if %cond3A_737 {
        %slice3A_1242 = vector.extract_strided_slice %get3A_672 {offsets = [1], sizes = [1], strides = [1]} : vector<16xi32> to vector<1xi32>
        %squeeze3A_1243 = vector.extract %slice3A_1242[0] : i32 from vector<1xi32>
        %shift_right_arithmetic3A_1244 = arith.constant 7 : i32
        %shift_right_arithmetic3A_1245 = arith.shrsi %squeeze3A_1243, %shift_right_arithmetic3A_1244 : i32
        %shift_left3A_1246 = arith.constant 7 : i32
        %shift_left3A_1247 = arith.shli %shift_right_arithmetic3A_1245, %shift_left3A_1246 : i32
        %multiple_of3A_1248 = tpu.assume_multiple %shift_left3A_1247, 128 : i32
        %dma_start3A_1249 = arith.constant 1 : i32
        %dma_start3A_1250 = arith.constant 0 : i32
        %dma_start3A_1251 = arith.constant 0 : i32
        %dma_start3A_1252 = tpu.memref_slice %arg10[%dma_start3A_1249, %dma_start3A_1250, %dma_start3A_1251] : memref<16x32x128xf32, #tpu.memory_space<vmem>> -> memref<1x32x128xf32, #tpu.memory_space<vmem>>
        %dma_start3A_1253 = tpu.memref_squeeze %dma_start3A_1252 : memref<1x32x128xf32, #tpu.memory_space<vmem>> -> memref<32x128xf32, #tpu.memory_space<vmem>>
        %dma_start3A_1254 = arith.constant 0 : i32
        %dma_start3A_1255 = tpu.memref_slice %arg5[%dma_start3A_1254, %multiple_of3A_1248] : memref<32x1000000xf32, #tpu.memory_space<hbm>> -> memref<32x128xf32, #tpu.memory_space<hbm>>
        %dma_start3A_1256 = arith.constant 0 : i32
        %dma_start3A_1257 = arith.constant 0 : i32
        %dma_start3A_1258 = tpu.memref_slice %arg10[%dma_start3A_1249, %dma_start3A_1256, %dma_start3A_1257] : memref<16x32x128xf32, #tpu.memory_space<vmem>> -> memref<1x32x128xf32, #tpu.memory_space<vmem>>
        %dma_start3A_1259 = tpu.memref_squeeze %dma_start3A_1258 : memref<1x32x128xf32, #tpu.memory_space<vmem>> -> memref<32x128xf32, #tpu.memory_space<vmem>>
        %dma_start3A_1260 = arith.constant 0 : i32
        %dma_start3A_1261 = tpu.memref_slice %arg5[%dma_start3A_1260, %multiple_of3A_1248] : memref<32x1000000xf32, #tpu.memory_space<hbm>> -> memref<32x128xf32, #tpu.memory_space<hbm>>
        tpu.enqueue_dma source(%dma_start3A_1261 : memref<32x128xf32, #tpu.memory_space<hbm>>) target(%dma_start3A_1259 : memref<32x128xf32, #tpu.memory_space<vmem>>) target_semaphore(%arg14 : memref<!tpu.dma_semaphore, #tpu.memory_space<semaphore_mem>>)
      } else {
      }
      %dma_wait3A_738 = arith.constant 2 : i32
      %dma_wait3A_739 = arith.constant 0 : i32
      %dma_wait3A_740 = arith.constant 0 : i32
      %dma_wait3A_741 = tpu.memref_slice %arg10[%dma_wait3A_738, %dma_wait3A_739, %dma_wait3A_740] : memref<16x32x128xf32, #tpu.memory_space<vmem>> -> memref<1x32x128xf32, #tpu.memory_space<vmem>>
      %dma_wait3A_742 = tpu.memref_squeeze %dma_wait3A_741 : memref<1x32x128xf32, #tpu.memory_space<vmem>> -> memref<32x128xf32, #tpu.memory_space<vmem>>
      %dma_wait3A_743 = arith.constant 0 : i32
      %dma_wait3A_744 = arith.constant 0 : i32
      %dma_wait3A_745 = tpu.memref_slice %arg5[%dma_wait3A_743, %dma_wait3A_744] : memref<32x1000000xf32, #tpu.memory_space<hbm>> -> memref<32x128xf32, #tpu.memory_space<hbm>>
      %dma_wait3A_746 = arith.constant 0 : i32
      %dma_wait3A_747 = arith.constant 0 : i32
      %dma_wait3A_748 = tpu.memref_slice %arg10[%dma_wait3A_738, %dma_wait3A_746, %dma_wait3A_747] : memref<16x32x128xf32, #tpu.memory_space<vmem>> -> memref<1x32x128xf32, #tpu.memory_space<vmem>>
      %dma_wait3A_749 = tpu.memref_squeeze %dma_wait3A_748 : memref<1x32x128xf32, #tpu.memory_space<vmem>> -> memref<32x128xf32, #tpu.memory_space<vmem>>
      %dma_wait3A_750 = arith.constant 0 : i32
      %dma_wait3A_751 = arith.constant 0 : i32
      %dma_wait3A_752 = tpu.memref_slice %arg5[%dma_wait3A_750, %dma_wait3A_751] : memref<32x1000000xf32, #tpu.memory_space<hbm>> -> memref<32x128xf32, #tpu.memory_space<hbm>>
      tpu.wait_dma2 semaphore(%arg15 : memref<!tpu.dma_semaphore, #tpu.memory_space<semaphore_mem>>) src(%dma_wait3A_752 : memref<32x128xf32, #tpu.memory_space<hbm>>) dst(%dma_wait3A_749 : memref<32x128xf32, #tpu.memory_space<vmem>>)
      %slice3A_753 = vector.extract_strided_slice %get3A_666 {offsets = [2], sizes = [1], strides = [1]} : vector<16xi32> to vector<1xi32>
      %squeeze3A_754 = vector.extract %slice3A_753[0] : i32 from vector<1xi32>
      %and3A_755 = arith.constant 127 : i32
      %and3A_756 = arith.andi %squeeze3A_754, %and3A_755 : i32
      %broadcast_in_dim3A_757 = arith.constant 2 : i32
      %broadcast_in_dim3A_758 = vector.broadcast %broadcast_in_dim3A_757 : i32 to vector<16xi32>
      %broadcast_in_dim3A_759 = vector.broadcast %and3A_756 : i32 to vector<16xi32>
      %mul3A_760 = arith.constant 16 : i32
      %mul3A_761 = arith.muli %scan3A_662, %mul3A_760 : i32
      %add3A_762 = arith.constant 2 : i32
      %add3A_763 = arith.addi %mul3A_761, %add3A_762 : i32
      %broadcast_in_dim3A_764 = vector.broadcast %add3A_763 : i32 to vector<16xi32>
      %gather3A_765 = tpu.vector_load_idx %arg10[%broadcast_in_dim3A_758, %iota3A, %broadcast_in_dim3A_759] : memref<16x32x128xf32, #tpu.memory_space<vmem>>[vector<16xi32>, vector<16xi32>, vector<16xi32>], vector<16xf32>,
      %gather3A_766 = tpu.vector_load_idx %arg10[%broadcast_in_dim3A_758, %add3A_3, %broadcast_in_dim3A_759] : memref<16x32x128xf32, #tpu.memory_space<vmem>>[vector<16xi32>, vector<16xi32>, vector<16xi32>], vector<16xf32>,
      tpu.vector_store_idx %arg12[%broadcast_in_dim3A_764, %iota3A], %gather3A_765 : memref<128x32xf32, #tpu.memory_space<vmem>>[vector<16xi32>, vector<16xi32>], vector<16xf32>,
      tpu.vector_store_idx %arg12[%broadcast_in_dim3A_764, %add3A_3], %gather3A_766 : memref<128x32xf32, #tpu.memory_space<vmem>>[vector<16xi32>, vector<16xi32>], vector<16xf32>,
      %add3A_767 = arith.constant 1 : i32
      %add3A_768 = arith.addi %scan3A_662, %add3A_767 : i32
      %lt3A_769 = arith.constant 8 : i32
      %lt3A_770 = arith.cmpi slt, %add3A_768, %lt3A_769 : i32
      %convert_element_type3A_771 = arith.extui %lt3A_770 : i1 to i32
      %cond3A_772 = arith.constant 0 : i32
      %cond3A_773 = arith.cmpi ne, %convert_element_type3A_771, %cond3A_772 : i32
      scf.if %cond3A_773 {
        %slice3A_1242 = vector.extract_strided_slice %get3A_672 {offsets = [2], sizes = [1], strides = [1]} : vector<16xi32> to vector<1xi32>
        %squeeze3A_1243 = vector.extract %slice3A_1242[0] : i32 from vector<1xi32>
        %shift_right_arithmetic3A_1244 = arith.constant 7 : i32
        %shift_right_arithmetic3A_1245 = arith.shrsi %squeeze3A_1243, %shift_right_arithmetic3A_1244 : i32
        %shift_left3A_1246 = arith.constant 7 : i32
        %shift_left3A_1247 = arith.shli %shift_right_arithmetic3A_1245, %shift_left3A_1246 : i32
        %multiple_of3A_1248 = tpu.assume_multiple %shift_left3A_1247, 128 : i32
        %dma_start3A_1249 = arith.constant 2 : i32
        %dma_start3A_1250 = arith.constant 0 : i32
        %dma_start3A_1251 = arith.constant 0 : i32
        %dma_start3A_1252 = tpu.memref_slice %arg10[%dma_start3A_1249, %dma_start3A_1250, %dma_start3A_1251] : memref<16x32x128xf32, #tpu.memory_space<vmem>> -> memref<1x32x128xf32, #tpu.memory_space<vmem>>
        %dma_start3A_1253 = tpu.memref_squeeze %dma_start3A_1252 : memref<1x32x128xf32, #tpu.memory_space<vmem>> -> memref<32x128xf32, #tpu.memory_space<vmem>>
        %dma_start3A_1254 = arith.constant 0 : i32
        %dma_start3A_1255 = tpu.memref_slice %arg5[%dma_start3A_1254, %multiple_of3A_1248] : memref<32x1000000xf32, #tpu.memory_space<hbm>> -> memref<32x128xf32, #tpu.memory_space<hbm>>
        %dma_start3A_1256 = arith.constant 0 : i32
        %dma_start3A_1257 = arith.constant 0 : i32
        %dma_start3A_1258 = tpu.memref_slice %arg10[%dma_start3A_1249, %dma_start3A_1256, %dma_start3A_1257] : memref<16x32x128xf32, #tpu.memory_space<vmem>> -> memref<1x32x128xf32, #tpu.memory_space<vmem>>
        %dma_start3A_1259 = tpu.memref_squeeze %dma_start3A_1258 : memref<1x32x128xf32, #tpu.memory_space<vmem>> -> memref<32x128xf32, #tpu.memory_space<vmem>>
        %dma_start3A_1260 = arith.constant 0 : i32
        %dma_start3A_1261 = tpu.memref_slice %arg5[%dma_start3A_1260, %multiple_of3A_1248] : memref<32x1000000xf32, #tpu.memory_space<hbm>> -> memref<32x128xf32, #tpu.memory_space<hbm>>
        tpu.enqueue_dma source(%dma_start3A_1261 : memref<32x128xf32, #tpu.memory_space<hbm>>) target(%dma_start3A_1259 : memref<32x128xf32, #tpu.memory_space<vmem>>) target_semaphore(%arg15 : memref<!tpu.dma_semaphore, #tpu.memory_space<semaphore_mem>>)
      } else {
      }
      %dma_wait3A_774 = arith.constant 3 : i32
      %dma_wait3A_775 = arith.constant 0 : i32
      %dma_wait3A_776 = arith.constant 0 : i32
      %dma_wait3A_777 = tpu.memref_slice %arg10[%dma_wait3A_774, %dma_wait3A_775, %dma_wait3A_776] : memref<16x32x128xf32, #tpu.memory_space<vmem>> -> memref<1x32x128xf32, #tpu.memory_space<vmem>>
      %dma_wait3A_778 = tpu.memref_squeeze %dma_wait3A_777 : memref<1x32x128xf32, #tpu.memory_space<vmem>> -> memref<32x128xf32, #tpu.memory_space<vmem>>
      %dma_wait3A_779 = arith.constant 0 : i32
      %dma_wait3A_780 = arith.constant 0 : i32
      %dma_wait3A_781 = tpu.memref_slice %arg5[%dma_wait3A_779, %dma_wait3A_780] : memref<32x1000000xf32, #tpu.memory_space<hbm>> -> memref<32x128xf32, #tpu.memory_space<hbm>>
      %dma_wait3A_782 = arith.constant 0 : i32
      %dma_wait3A_783 = arith.constant 0 : i32
      %dma_wait3A_784 = tpu.memref_slice %arg10[%dma_wait3A_774, %dma_wait3A_782, %dma_wait3A_783] : memref<16x32x128xf32, #tpu.memory_space<vmem>> -> memref<1x32x128xf32, #tpu.memory_space<vmem>>
      %dma_wait3A_785 = tpu.memref_squeeze %dma_wait3A_784 : memref<1x32x128xf32, #tpu.memory_space<vmem>> -> memref<32x128xf32, #tpu.memory_space<vmem>>
      %dma_wait3A_786 = arith.constant 0 : i32
      %dma_wait3A_787 = arith.constant 0 : i32
      %dma_wait3A_788 = tpu.memref_slice %arg5[%dma_wait3A_786, %dma_wait3A_787] : memref<32x1000000xf32, #tpu.memory_space<hbm>> -> memref<32x128xf32, #tpu.memory_space<hbm>>
      tpu.wait_dma2 semaphore(%arg16 : memref<!tpu.dma_semaphore, #tpu.memory_space<semaphore_mem>>) src(%dma_wait3A_788 : memref<32x128xf32, #tpu.memory_space<hbm>>) dst(%dma_wait3A_785 : memref<32x128xf32, #tpu.memory_space<vmem>>)
      %slice3A_789 = vector.extract_strided_slice %get3A_666 {offsets = [3], sizes = [1], strides = [1]} : vector<16xi32> to vector<1xi32>
      %squeeze3A_790 = vector.extract %slice3A_789[0] : i32 from vector<1xi32>
      %and3A_791 = arith.constant 127 : i32
      %and3A_792 = arith.andi %squeeze3A_790, %and3A_791 : i32
      %broadcast_in_dim3A_793 = arith.constant 3 : i32
      %broadcast_in_dim3A_794 = vector.broadcast %broadcast_in_dim3A_793 : i32 to vector<16xi32>
      %broadcast_in_dim3A_795 = vector.broadcast %and3A_792 : i32 to vector<16xi32>
      %mul3A_796 = arith.constant 16 : i32
      %mul3A_797 = arith.muli %scan3A_662, %mul3A_796 : i32
      %add3A_798 = arith.constant 3 : i32
      %add3A_799 = arith.addi %mul3A_797, %add3A_798 : i32
      %broadcast_in_dim3A_800 = vector.broadcast %add3A_799 : i32 to vector<16xi32>
      %gather3A_801 = tpu.vector_load_idx %arg10[%broadcast_in_dim3A_794, %iota3A, %broadcast_in_dim3A_795] : memref<16x32x128xf32, #tpu.memory_space<vmem>>[vector<16xi32>, vector<16xi32>, vector<16xi32>], vector<16xf32>,
      %gather3A_802 = tpu.vector_load_idx %arg10[%broadcast_in_dim3A_794, %add3A_3, %broadcast_in_dim3A_795] : memref<16x32x128xf32, #tpu.memory_space<vmem>>[vector<16xi32>, vector<16xi32>, vector<16xi32>], vector<16xf32>,
      tpu.vector_store_idx %arg12[%broadcast_in_dim3A_800, %iota3A], %gather3A_801 : memref<128x32xf32, #tpu.memory_space<vmem>>[vector<16xi32>, vector<16xi32>], vector<16xf32>,
      tpu.vector_store_idx %arg12[%broadcast_in_dim3A_800, %add3A_3], %gather3A_802 : memref<128x32xf32, #tpu.memory_space<vmem>>[vector<16xi32>, vector<16xi32>], vector<16xf32>,
      %add3A_803 = arith.constant 1 : i32
      %add3A_804 = arith.addi %scan3A_662, %add3A_803 : i32
      %lt3A_805 = arith.constant 8 : i32
      %lt3A_806 = arith.cmpi slt, %add3A_804, %lt3A_805 : i32
      %convert_element_type3A_807 = arith.extui %lt3A_806 : i1 to i32
      %cond3A_808 = arith.constant 0 : i32
      %cond3A_809 = arith.cmpi ne, %convert_element_type3A_807, %cond3A_808 : i32
      scf.if %cond3A_809 {
        %slice3A_1242 = vector.extract_strided_slice %get3A_672 {offsets = [3], sizes = [1], strides = [1]} : vector<16xi32> to vector<1xi32>
        %squeeze3A_1243 = vector.extract %slice3A_1242[0] : i32 from vector<1xi32>
        %shift_right_arithmetic3A_1244 = arith.constant 7 : i32
        %shift_right_arithmetic3A_1245 = arith.shrsi %squeeze3A_1243, %shift_right_arithmetic3A_1244 : i32
        %shift_left3A_1246 = arith.constant 7 : i32
        %shift_left3A_1247 = arith.shli %shift_right_arithmetic3A_1245, %shift_left3A_1246 : i32
        %multiple_of3A_1248 = tpu.assume_multiple %shift_left3A_1247, 128 : i32
        %dma_start3A_1249 = arith.constant 3 : i32
        %dma_start3A_1250 = arith.constant 0 : i32
        %dma_start3A_1251 = arith.constant 0 : i32
        %dma_start3A_1252 = tpu.memref_slice %arg10[%dma_start3A_1249, %dma_start3A_1250, %dma_start3A_1251] : memref<16x32x128xf32, #tpu.memory_space<vmem>> -> memref<1x32x128xf32, #tpu.memory_space<vmem>>
        %dma_start3A_1253 = tpu.memref_squeeze %dma_start3A_1252 : memref<1x32x128xf32, #tpu.memory_space<vmem>> -> memref<32x128xf32, #tpu.memory_space<vmem>>
        %dma_start3A_1254 = arith.constant 0 : i32
        %dma_start3A_1255 = tpu.memref_slice %arg5[%dma_start3A_1254, %multiple_of3A_1248] : memref<32x1000000xf32, #tpu.memory_space<hbm>> -> memref<32x128xf32, #tpu.memory_space<hbm>>
        %dma_start3A_1256 = arith.constant 0 : i32
        %dma_start3A_1257 = arith.constant 0 : i32
        %dma_start3A_1258 = tpu.memref_slice %arg10[%dma_start3A_1249, %dma_start3A_1256, %dma_start3A_1257] : memref<16x32x128xf32, #tpu.memory_space<vmem>> -> memref<1x32x128xf32, #tpu.memory_space<vmem>>
        %dma_start3A_1259 = tpu.memref_squeeze %dma_start3A_1258 : memref<1x32x128xf32, #tpu.memory_space<vmem>> -> memref<32x128xf32, #tpu.memory_space<vmem>>
        %dma_start3A_1260 = arith.constant 0 : i32
        %dma_start3A_1261 = tpu.memref_slice %arg5[%dma_start3A_1260, %multiple_of3A_1248] : memref<32x1000000xf32, #tpu.memory_space<hbm>> -> memref<32x128xf32, #tpu.memory_space<hbm>>
        tpu.enqueue_dma source(%dma_start3A_1261 : memref<32x128xf32, #tpu.memory_space<hbm>>) target(%dma_start3A_1259 : memref<32x128xf32, #tpu.memory_space<vmem>>) target_semaphore(%arg16 : memref<!tpu.dma_semaphore, #tpu.memory_space<semaphore_mem>>)
      } else {
      }
      %dma_wait3A_810 = arith.constant 4 : i32
      %dma_wait3A_811 = arith.constant 0 : i32
      %dma_wait3A_812 = arith.constant 0 : i32
      %dma_wait3A_813 = tpu.memref_slice %arg10[%dma_wait3A_810, %dma_wait3A_811, %dma_wait3A_812] : memref<16x32x128xf32, #tpu.memory_space<vmem>> -> memref<1x32x128xf32, #tpu.memory_space<vmem>>
      %dma_wait3A_814 = tpu.memref_squeeze %dma_wait3A_813 : memref<1x32x128xf32, #tpu.memory_space<vmem>> -> memref<32x128xf32, #tpu.memory_space<vmem>>
      %dma_wait3A_815 = arith.constant 0 : i32
      %dma_wait3A_816 = arith.constant 0 : i32
      %dma_wait3A_817 = tpu.memref_slice %arg5[%dma_wait3A_815, %dma_wait3A_816] : memref<32x1000000xf32, #tpu.memory_space<hbm>> -> memref<32x128xf32, #tpu.memory_space<hbm>>
      %dma_wait3A_818 = arith.constant 0 : i32
      %dma_wait3A_819 = arith.constant 0 : i32
      %dma_wait3A_820 = tpu.memref_slice %arg10[%dma_wait3A_810, %dma_wait3A_818, %dma_wait3A_819] : memref<16x32x128xf32, #tpu.memory_space<vmem>> -> memref<1x32x128xf32, #tpu.memory_space<vmem>>
      %dma_wait3A_821 = tpu.memref_squeeze %dma_wait3A_820 : memref<1x32x128xf32, #tpu.memory_space<vmem>> -> memref<32x128xf32, #tpu.memory_space<vmem>>
      %dma_wait3A_822 = arith.constant 0 : i32
      %dma_wait3A_823 = arith.constant 0 : i32
      %dma_wait3A_824 = tpu.memref_slice %arg5[%dma_wait3A_822, %dma_wait3A_823] : memref<32x1000000xf32, #tpu.memory_space<hbm>> -> memref<32x128xf32, #tpu.memory_space<hbm>>
      tpu.wait_dma2 semaphore(%arg17 : memref<!tpu.dma_semaphore, #tpu.memory_space<semaphore_mem>>) src(%dma_wait3A_824 : memref<32x128xf32, #tpu.memory_space<hbm>>) dst(%dma_wait3A_821 : memref<32x128xf32, #tpu.memory_space<vmem>>)
      %slice3A_825 = vector.extract_strided_slice %get3A_666 {offsets = [4], sizes = [1], strides = [1]} : vector<16xi32> to vector<1xi32>
      %squeeze3A_826 = vector.extract %slice3A_825[0] : i32 from vector<1xi32>
      %and3A_827 = arith.constant 127 : i32
      %and3A_828 = arith.andi %squeeze3A_826, %and3A_827 : i32
      %broadcast_in_dim3A_829 = arith.constant 4 : i32
      %broadcast_in_dim3A_830 = vector.broadcast %broadcast_in_dim3A_829 : i32 to vector<16xi32>
      %broadcast_in_dim3A_831 = vector.broadcast %and3A_828 : i32 to vector<16xi32>
      %mul3A_832 = arith.constant 16 : i32
      %mul3A_833 = arith.muli %scan3A_662, %mul3A_832 : i32
      %add3A_834 = arith.constant 4 : i32
      %add3A_835 = arith.addi %mul3A_833, %add3A_834 : i32
      %broadcast_in_dim3A_836 = vector.broadcast %add3A_835 : i32 to vector<16xi32>
      %gather3A_837 = tpu.vector_load_idx %arg10[%broadcast_in_dim3A_830, %iota3A, %broadcast_in_dim3A_831] : memref<16x32x128xf32, #tpu.memory_space<vmem>>[vector<16xi32>, vector<16xi32>, vector<16xi32>], vector<16xf32>,
      %gather3A_838 = tpu.vector_load_idx %arg10[%broadcast_in_dim3A_830, %add3A_3, %broadcast_in_dim3A_831] : memref<16x32x128xf32, #tpu.memory_space<vmem>>[vector<16xi32>, vector<16xi32>, vector<16xi32>], vector<16xf32>,
      tpu.vector_store_idx %arg12[%broadcast_in_dim3A_836, %iota3A], %gather3A_837 : memref<128x32xf32, #tpu.memory_space<vmem>>[vector<16xi32>, vector<16xi32>], vector<16xf32>,
      tpu.vector_store_idx %arg12[%broadcast_in_dim3A_836, %add3A_3], %gather3A_838 : memref<128x32xf32, #tpu.memory_space<vmem>>[vector<16xi32>, vector<16xi32>], vector<16xf32>,
      %add3A_839 = arith.constant 1 : i32
      %add3A_840 = arith.addi %scan3A_662, %add3A_839 : i32
      %lt3A_841 = arith.constant 8 : i32
      %lt3A_842 = arith.cmpi slt, %add3A_840, %lt3A_841 : i32
      %convert_element_type3A_843 = arith.extui %lt3A_842 : i1 to i32
      %cond3A_844 = arith.constant 0 : i32
      %cond3A_845 = arith.cmpi ne, %convert_element_type3A_843, %cond3A_844 : i32
      scf.if %cond3A_845 {
        %slice3A_1242 = vector.extract_strided_slice %get3A_672 {offsets = [4], sizes = [1], strides = [1]} : vector<16xi32> to vector<1xi32>
        %squeeze3A_1243 = vector.extract %slice3A_1242[0] : i32 from vector<1xi32>
        %shift_right_arithmetic3A_1244 = arith.constant 7 : i32
        %shift_right_arithmetic3A_1245 = arith.shrsi %squeeze3A_1243, %shift_right_arithmetic3A_1244 : i32
        %shift_left3A_1246 = arith.constant 7 : i32
        %shift_left3A_1247 = arith.shli %shift_right_arithmetic3A_1245, %shift_left3A_1246 : i32
        %multiple_of3A_1248 = tpu.assume_multiple %shift_left3A_1247, 128 : i32
        %dma_start3A_1249 = arith.constant 4 : i32
        %dma_start3A_1250 = arith.constant 0 : i32
        %dma_start3A_1251 = arith.constant 0 : i32
        %dma_start3A_1252 = tpu.memref_slice %arg10[%dma_start3A_1249, %dma_start3A_1250, %dma_start3A_1251] : memref<16x32x128xf32, #tpu.memory_space<vmem>> -> memref<1x32x128xf32, #tpu.memory_space<vmem>>
        %dma_start3A_1253 = tpu.memref_squeeze %dma_start3A_1252 : memref<1x32x128xf32, #tpu.memory_space<vmem>> -> memref<32x128xf32, #tpu.memory_space<vmem>>
        %dma_start3A_1254 = arith.constant 0 : i32
        %dma_start3A_1255 = tpu.memref_slice %arg5[%dma_start3A_1254, %multiple_of3A_1248] : memref<32x1000000xf32, #tpu.memory_space<hbm>> -> memref<32x128xf32, #tpu.memory_space<hbm>>
        %dma_start3A_1256 = arith.constant 0 : i32
        %dma_start3A_1257 = arith.constant 0 : i32
        %dma_start3A_1258 = tpu.memref_slice %arg10[%dma_start3A_1249, %dma_start3A_1256, %dma_start3A_1257] : memref<16x32x128xf32, #tpu.memory_space<vmem>> -> memref<1x32x128xf32, #tpu.memory_space<vmem>>
        %dma_start3A_1259 = tpu.memref_squeeze %dma_start3A_1258 : memref<1x32x128xf32, #tpu.memory_space<vmem>> -> memref<32x128xf32, #tpu.memory_space<vmem>>
        %dma_start3A_1260 = arith.constant 0 : i32
        %dma_start3A_1261 = tpu.memref_slice %arg5[%dma_start3A_1260, %multiple_of3A_1248] : memref<32x1000000xf32, #tpu.memory_space<hbm>> -> memref<32x128xf32, #tpu.memory_space<hbm>>
        tpu.enqueue_dma source(%dma_start3A_1261 : memref<32x128xf32, #tpu.memory_space<hbm>>) target(%dma_start3A_1259 : memref<32x128xf32, #tpu.memory_space<vmem>>) target_semaphore(%arg17 : memref<!tpu.dma_semaphore, #tpu.memory_space<semaphore_mem>>)
      } else {
      }
      %dma_wait3A_846 = arith.constant 5 : i32
      %dma_wait3A_847 = arith.constant 0 : i32
      %dma_wait3A_848 = arith.constant 0 : i32
      %dma_wait3A_849 = tpu.memref_slice %arg10[%dma_wait3A_846, %dma_wait3A_847, %dma_wait3A_848] : memref<16x32x128xf32, #tpu.memory_space<vmem>> -> memref<1x32x128xf32, #tpu.memory_space<vmem>>
      %dma_wait3A_850 = tpu.memref_squeeze %dma_wait3A_849 : memref<1x32x128xf32, #tpu.memory_space<vmem>> -> memref<32x128xf32, #tpu.memory_space<vmem>>
      %dma_wait3A_851 = arith.constant 0 : i32
      %dma_wait3A_852 = arith.constant 0 : i32
      %dma_wait3A_853 = tpu.memref_slice %arg5[%dma_wait3A_851, %dma_wait3A_852] : memref<32x1000000xf32, #tpu.memory_space<hbm>> -> memref<32x128xf32, #tpu.memory_space<hbm>>
      %dma_wait3A_854 = arith.constant 0 : i32
      %dma_wait3A_855 = arith.constant 0 : i32
      %dma_wait3A_856 = tpu.memref_slice %arg10[%dma_wait3A_846, %dma_wait3A_854, %dma_wait3A_855] : memref<16x32x128xf32, #tpu.memory_space<vmem>> -> memref<1x32x128xf32, #tpu.memory_space<vmem>>
      %dma_wait3A_857 = tpu.memref_squeeze %dma_wait3A_856 : memref<1x32x128xf32, #tpu.memory_space<vmem>> -> memref<32x128xf32, #tpu.memory_space<vmem>>
      %dma_wait3A_858 = arith.constant 0 : i32
      %dma_wait3A_859 = arith.constant 0 : i32
      %dma_wait3A_860 = tpu.memref_slice %arg5[%dma_wait3A_858, %dma_wait3A_859] : memref<32x1000000xf32, #tpu.memory_space<hbm>> -> memref<32x128xf32, #tpu.memory_space<hbm>>
      tpu.wait_dma2 semaphore(%arg18 : memref<!tpu.dma_semaphore, #tpu.memory_space<semaphore_mem>>) src(%dma_wait3A_860 : memref<32x128xf32, #tpu.memory_space<hbm>>) dst(%dma_wait3A_857 : memref<32x128xf32, #tpu.memory_space<vmem>>)
      %slice3A_861 = vector.extract_strided_slice %get3A_666 {offsets = [5], sizes = [1], strides = [1]} : vector<16xi32> to vector<1xi32>
      %squeeze3A_862 = vector.extract %slice3A_861[0] : i32 from vector<1xi32>
      %and3A_863 = arith.constant 127 : i32
      %and3A_864 = arith.andi %squeeze3A_862, %and3A_863 : i32
      %broadcast_in_dim3A_865 = arith.constant 5 : i32
      %broadcast_in_dim3A_866 = vector.broadcast %broadcast_in_dim3A_865 : i32 to vector<16xi32>
      %broadcast_in_dim3A_867 = vector.broadcast %and3A_864 : i32 to vector<16xi32>
      %mul3A_868 = arith.constant 16 : i32
      %mul3A_869 = arith.muli %scan3A_662, %mul3A_868 : i32
      %add3A_870 = arith.constant 5 : i32
      %add3A_871 = arith.addi %mul3A_869, %add3A_870 : i32
      %broadcast_in_dim3A_872 = vector.broadcast %add3A_871 : i32 to vector<16xi32>
      %gather3A_873 = tpu.vector_load_idx %arg10[%broadcast_in_dim3A_866, %iota3A, %broadcast_in_dim3A_867] : memref<16x32x128xf32, #tpu.memory_space<vmem>>[vector<16xi32>, vector<16xi32>, vector<16xi32>], vector<16xf32>,
      %gather3A_874 = tpu.vector_load_idx %arg10[%broadcast_in_dim3A_866, %add3A_3, %broadcast_in_dim3A_867] : memref<16x32x128xf32, #tpu.memory_space<vmem>>[vector<16xi32>, vector<16xi32>, vector<16xi32>], vector<16xf32>,
      tpu.vector_store_idx %arg12[%broadcast_in_dim3A_872, %iota3A], %gather3A_873 : memref<128x32xf32, #tpu.memory_space<vmem>>[vector<16xi32>, vector<16xi32>], vector<16xf32>,
      tpu.vector_store_idx %arg12[%broadcast_in_dim3A_872, %add3A_3], %gather3A_874 : memref<128x32xf32, #tpu.memory_space<vmem>>[vector<16xi32>, vector<16xi32>], vector<16xf32>,
      %add3A_875 = arith.constant 1 : i32
      %add3A_876 = arith.addi %scan3A_662, %add3A_875 : i32
      %lt3A_877 = arith.constant 8 : i32
      %lt3A_878 = arith.cmpi slt, %add3A_876, %lt3A_877 : i32
      %convert_element_type3A_879 = arith.extui %lt3A_878 : i1 to i32
      %cond3A_880 = arith.constant 0 : i32
      %cond3A_881 = arith.cmpi ne, %convert_element_type3A_879, %cond3A_880 : i32
      scf.if %cond3A_881 {
        %slice3A_1242 = vector.extract_strided_slice %get3A_672 {offsets = [5], sizes = [1], strides = [1]} : vector<16xi32> to vector<1xi32>
        %squeeze3A_1243 = vector.extract %slice3A_1242[0] : i32 from vector<1xi32>
        %shift_right_arithmetic3A_1244 = arith.constant 7 : i32
        %shift_right_arithmetic3A_1245 = arith.shrsi %squeeze3A_1243, %shift_right_arithmetic3A_1244 : i32
        %shift_left3A_1246 = arith.constant 7 : i32
        %shift_left3A_1247 = arith.shli %shift_right_arithmetic3A_1245, %shift_left3A_1246 : i32
        %multiple_of3A_1248 = tpu.assume_multiple %shift_left3A_1247, 128 : i32
        %dma_start3A_1249 = arith.constant 5 : i32
        %dma_start3A_1250 = arith.constant 0 : i32
        %dma_start3A_1251 = arith.constant 0 : i32
        %dma_start3A_1252 = tpu.memref_slice %arg10[%dma_start3A_1249, %dma_start3A_1250, %dma_start3A_1251] : memref<16x32x128xf32, #tpu.memory_space<vmem>> -> memref<1x32x128xf32, #tpu.memory_space<vmem>>
        %dma_start3A_1253 = tpu.memref_squeeze %dma_start3A_1252 : memref<1x32x128xf32, #tpu.memory_space<vmem>> -> memref<32x128xf32, #tpu.memory_space<vmem>>
        %dma_start3A_1254 = arith.constant 0 : i32
        %dma_start3A_1255 = tpu.memref_slice %arg5[%dma_start3A_1254, %multiple_of3A_1248] : memref<32x1000000xf32, #tpu.memory_space<hbm>> -> memref<32x128xf32, #tpu.memory_space<hbm>>
        %dma_start3A_1256 = arith.constant 0 : i32
        %dma_start3A_1257 = arith.constant 0 : i32
        %dma_start3A_1258 = tpu.memref_slice %arg10[%dma_start3A_1249, %dma_start3A_1256, %dma_start3A_1257] : memref<16x32x128xf32, #tpu.memory_space<vmem>> -> memref<1x32x128xf32, #tpu.memory_space<vmem>>
        %dma_start3A_1259 = tpu.memref_squeeze %dma_start3A_1258 : memref<1x32x128xf32, #tpu.memory_space<vmem>> -> memref<32x128xf32, #tpu.memory_space<vmem>>
        %dma_start3A_1260 = arith.constant 0 : i32
        %dma_start3A_1261 = tpu.memref_slice %arg5[%dma_start3A_1260, %multiple_of3A_1248] : memref<32x1000000xf32, #tpu.memory_space<hbm>> -> memref<32x128xf32, #tpu.memory_space<hbm>>
        tpu.enqueue_dma source(%dma_start3A_1261 : memref<32x128xf32, #tpu.memory_space<hbm>>) target(%dma_start3A_1259 : memref<32x128xf32, #tpu.memory_space<vmem>>) target_semaphore(%arg18 : memref<!tpu.dma_semaphore, #tpu.memory_space<semaphore_mem>>)
      } else {
      }
      %dma_wait3A_882 = arith.constant 6 : i32
      %dma_wait3A_883 = arith.constant 0 : i32
      %dma_wait3A_884 = arith.constant 0 : i32
      %dma_wait3A_885 = tpu.memref_slice %arg10[%dma_wait3A_882, %dma_wait3A_883, %dma_wait3A_884] : memref<16x32x128xf32, #tpu.memory_space<vmem>> -> memref<1x32x128xf32, #tpu.memory_space<vmem>>
      %dma_wait3A_886 = tpu.memref_squeeze %dma_wait3A_885 : memref<1x32x128xf32, #tpu.memory_space<vmem>> -> memref<32x128xf32, #tpu.memory_space<vmem>>
      %dma_wait3A_887 = arith.constant 0 : i32
      %dma_wait3A_888 = arith.constant 0 : i32
      %dma_wait3A_889 = tpu.memref_slice %arg5[%dma_wait3A_887, %dma_wait3A_888] : memref<32x1000000xf32, #tpu.memory_space<hbm>> -> memref<32x128xf32, #tpu.memory_space<hbm>>
      %dma_wait3A_890 = arith.constant 0 : i32
      %dma_wait3A_891 = arith.constant 0 : i32
      %dma_wait3A_892 = tpu.memref_slice %arg10[%dma_wait3A_882, %dma_wait3A_890, %dma_wait3A_891] : memref<16x32x128xf32, #tpu.memory_space<vmem>> -> memref<1x32x128xf32, #tpu.memory_space<vmem>>
      %dma_wait3A_893 = tpu.memref_squeeze %dma_wait3A_892 : memref<1x32x128xf32, #tpu.memory_space<vmem>> -> memref<32x128xf32, #tpu.memory_space<vmem>>
      %dma_wait3A_894 = arith.constant 0 : i32
      %dma_wait3A_895 = arith.constant 0 : i32
      %dma_wait3A_896 = tpu.memref_slice %arg5[%dma_wait3A_894, %dma_wait3A_895] : memref<32x1000000xf32, #tpu.memory_space<hbm>> -> memref<32x128xf32, #tpu.memory_space<hbm>>
      tpu.wait_dma2 semaphore(%arg19 : memref<!tpu.dma_semaphore, #tpu.memory_space<semaphore_mem>>) src(%dma_wait3A_896 : memref<32x128xf32, #tpu.memory_space<hbm>>) dst(%dma_wait3A_893 : memref<32x128xf32, #tpu.memory_space<vmem>>)
      %slice3A_897 = vector.extract_strided_slice %get3A_666 {offsets = [6], sizes = [1], strides = [1]} : vector<16xi32> to vector<1xi32>
      %squeeze3A_898 = vector.extract %slice3A_897[0] : i32 from vector<1xi32>
      %and3A_899 = arith.constant 127 : i32
      %and3A_900 = arith.andi %squeeze3A_898, %and3A_899 : i32
      %broadcast_in_dim3A_901 = arith.constant 6 : i32
      %broadcast_in_dim3A_902 = vector.broadcast %broadcast_in_dim3A_901 : i32 to vector<16xi32>
      %broadcast_in_dim3A_903 = vector.broadcast %and3A_900 : i32 to vector<16xi32>
      %mul3A_904 = arith.constant 16 : i32
      %mul3A_905 = arith.muli %scan3A_662, %mul3A_904 : i32
      %add3A_906 = arith.constant 6 : i32
      %add3A_907 = arith.addi %mul3A_905, %add3A_906 : i32
      %broadcast_in_dim3A_908 = vector.broadcast %add3A_907 : i32 to vector<16xi32>
      %gather3A_909 = tpu.vector_load_idx %arg10[%broadcast_in_dim3A_902, %iota3A, %broadcast_in_dim3A_903] : memref<16x32x128xf32, #tpu.memory_space<vmem>>[vector<16xi32>, vector<16xi32>, vector<16xi32>], vector<16xf32>,
      %gather3A_910 = tpu.vector_load_idx %arg10[%broadcast_in_dim3A_902, %add3A_3, %broadcast_in_dim3A_903] : memref<16x32x128xf32, #tpu.memory_space<vmem>>[vector<16xi32>, vector<16xi32>, vector<16xi32>], vector<16xf32>,
      tpu.vector_store_idx %arg12[%broadcast_in_dim3A_908, %iota3A], %gather3A_909 : memref<128x32xf32, #tpu.memory_space<vmem>>[vector<16xi32>, vector<16xi32>], vector<16xf32>,
      tpu.vector_store_idx %arg12[%broadcast_in_dim3A_908, %add3A_3], %gather3A_910 : memref<128x32xf32, #tpu.memory_space<vmem>>[vector<16xi32>, vector<16xi32>], vector<16xf32>,
      %add3A_911 = arith.constant 1 : i32
      %add3A_912 = arith.addi %scan3A_662, %add3A_911 : i32
      %lt3A_913 = arith.constant 8 : i32
      %lt3A_914 = arith.cmpi slt, %add3A_912, %lt3A_913 : i32
      %convert_element_type3A_915 = arith.extui %lt3A_914 : i1 to i32
      %cond3A_916 = arith.constant 0 : i32
      %cond3A_917 = arith.cmpi ne, %convert_element_type3A_915, %cond3A_916 : i32
      scf.if %cond3A_917 {
        %slice3A_1242 = vector.extract_strided_slice %get3A_672 {offsets = [6], sizes = [1], strides = [1]} : vector<16xi32> to vector<1xi32>
        %squeeze3A_1243 = vector.extract %slice3A_1242[0] : i32 from vector<1xi32>
        %shift_right_arithmetic3A_1244 = arith.constant 7 : i32
        %shift_right_arithmetic3A_1245 = arith.shrsi %squeeze3A_1243, %shift_right_arithmetic3A_1244 : i32
        %shift_left3A_1246 = arith.constant 7 : i32
        %shift_left3A_1247 = arith.shli %shift_right_arithmetic3A_1245, %shift_left3A_1246 : i32
        %multiple_of3A_1248 = tpu.assume_multiple %shift_left3A_1247, 128 : i32
        %dma_start3A_1249 = arith.constant 6 : i32
        %dma_start3A_1250 = arith.constant 0 : i32
        %dma_start3A_1251 = arith.constant 0 : i32
        %dma_start3A_1252 = tpu.memref_slice %arg10[%dma_start3A_1249, %dma_start3A_1250, %dma_start3A_1251] : memref<16x32x128xf32, #tpu.memory_space<vmem>> -> memref<1x32x128xf32, #tpu.memory_space<vmem>>
        %dma_start3A_1253 = tpu.memref_squeeze %dma_start3A_1252 : memref<1x32x128xf32, #tpu.memory_space<vmem>> -> memref<32x128xf32, #tpu.memory_space<vmem>>
        %dma_start3A_1254 = arith.constant 0 : i32
        %dma_start3A_1255 = tpu.memref_slice %arg5[%dma_start3A_1254, %multiple_of3A_1248] : memref<32x1000000xf32, #tpu.memory_space<hbm>> -> memref<32x128xf32, #tpu.memory_space<hbm>>
        %dma_start3A_1256 = arith.constant 0 : i32
        %dma_start3A_1257 = arith.constant 0 : i32
        %dma_start3A_1258 = tpu.memref_slice %arg10[%dma_start3A_1249, %dma_start3A_1256, %dma_start3A_1257] : memref<16x32x128xf32, #tpu.memory_space<vmem>> -> memref<1x32x128xf32, #tpu.memory_space<vmem>>
        %dma_start3A_1259 = tpu.memref_squeeze %dma_start3A_1258 : memref<1x32x128xf32, #tpu.memory_space<vmem>> -> memref<32x128xf32, #tpu.memory_space<vmem>>
        %dma_start3A_1260 = arith.constant 0 : i32
        %dma_start3A_1261 = tpu.memref_slice %arg5[%dma_start3A_1260, %multiple_of3A_1248] : memref<32x1000000xf32, #tpu.memory_space<hbm>> -> memref<32x128xf32, #tpu.memory_space<hbm>>
        tpu.enqueue_dma source(%dma_start3A_1261 : memref<32x128xf32, #tpu.memory_space<hbm>>) target(%dma_start3A_1259 : memref<32x128xf32, #tpu.memory_space<vmem>>) target_semaphore(%arg19 : memref<!tpu.dma_semaphore, #tpu.memory_space<semaphore_mem>>)
      } else {
      }
      %dma_wait3A_918 = arith.constant 7 : i32
      %dma_wait3A_919 = arith.constant 0 : i32
      %dma_wait3A_920 = arith.constant 0 : i32
      %dma_wait3A_921 = tpu.memref_slice %arg10[%dma_wait3A_918, %dma_wait3A_919, %dma_wait3A_920] : memref<16x32x128xf32, #tpu.memory_space<vmem>> -> memref<1x32x128xf32, #tpu.memory_space<vmem>>
      %dma_wait3A_922 = tpu.memref_squeeze %dma_wait3A_921 : memref<1x32x128xf32, #tpu.memory_space<vmem>> -> memref<32x128xf32, #tpu.memory_space<vmem>>
      %dma_wait3A_923 = arith.constant 0 : i32
      %dma_wait3A_924 = arith.constant 0 : i32
      %dma_wait3A_925 = tpu.memref_slice %arg5[%dma_wait3A_923, %dma_wait3A_924] : memref<32x1000000xf32, #tpu.memory_space<hbm>> -> memref<32x128xf32, #tpu.memory_space<hbm>>
      %dma_wait3A_926 = arith.constant 0 : i32
      %dma_wait3A_927 = arith.constant 0 : i32
      %dma_wait3A_928 = tpu.memref_slice %arg10[%dma_wait3A_918, %dma_wait3A_926, %dma_wait3A_927] : memref<16x32x128xf32, #tpu.memory_space<vmem>> -> memref<1x32x128xf32, #tpu.memory_space<vmem>>
      %dma_wait3A_929 = tpu.memref_squeeze %dma_wait3A_928 : memref<1x32x128xf32, #tpu.memory_space<vmem>> -> memref<32x128xf32, #tpu.memory_space<vmem>>
      %dma_wait3A_930 = arith.constant 0 : i32
      %dma_wait3A_931 = arith.constant 0 : i32
      %dma_wait3A_932 = tpu.memref_slice %arg5[%dma_wait3A_930, %dma_wait3A_931] : memref<32x1000000xf32, #tpu.memory_space<hbm>> -> memref<32x128xf32, #tpu.memory_space<hbm>>
      tpu.wait_dma2 semaphore(%arg20 : memref<!tpu.dma_semaphore, #tpu.memory_space<semaphore_mem>>) src(%dma_wait3A_932 : memref<32x128xf32, #tpu.memory_space<hbm>>) dst(%dma_wait3A_929 : memref<32x128xf32, #tpu.memory_space<vmem>>)
      %slice3A_933 = vector.extract_strided_slice %get3A_666 {offsets = [7], sizes = [1], strides = [1]} : vector<16xi32> to vector<1xi32>
      %squeeze3A_934 = vector.extract %slice3A_933[0] : i32 from vector<1xi32>
      %and3A_935 = arith.constant 127 : i32
      %and3A_936 = arith.andi %squeeze3A_934, %and3A_935 : i32
      %broadcast_in_dim3A_937 = arith.constant 7 : i32
      %broadcast_in_dim3A_938 = vector.broadcast %broadcast_in_dim3A_937 : i32 to vector<16xi32>
      %broadcast_in_dim3A_939 = vector.broadcast %and3A_936 : i32 to vector<16xi32>
      %mul3A_940 = arith.constant 16 : i32
      %mul3A_941 = arith.muli %scan3A_662, %mul3A_940 : i32
      %add3A_942 = arith.constant 7 : i32
      %add3A_943 = arith.addi %mul3A_941, %add3A_942 : i32
      %broadcast_in_dim3A_944 = vector.broadcast %add3A_943 : i32 to vector<16xi32>
      %gather3A_945 = tpu.vector_load_idx %arg10[%broadcast_in_dim3A_938, %iota3A, %broadcast_in_dim3A_939] : memref<16x32x128xf32, #tpu.memory_space<vmem>>[vector<16xi32>, vector<16xi32>, vector<16xi32>], vector<16xf32>,
      %gather3A_946 = tpu.vector_load_idx %arg10[%broadcast_in_dim3A_938, %add3A_3, %broadcast_in_dim3A_939] : memref<16x32x128xf32, #tpu.memory_space<vmem>>[vector<16xi32>, vector<16xi32>, vector<16xi32>], vector<16xf32>,
      tpu.vector_store_idx %arg12[%broadcast_in_dim3A_944, %iota3A], %gather3A_945 : memref<128x32xf32, #tpu.memory_space<vmem>>[vector<16xi32>, vector<16xi32>], vector<16xf32>,
      tpu.vector_store_idx %arg12[%broadcast_in_dim3A_944, %add3A_3], %gather3A_946 : memref<128x32xf32, #tpu.memory_space<vmem>>[vector<16xi32>, vector<16xi32>], vector<16xf32>,
      %add3A_947 = arith.constant 1 : i32
      %add3A_948 = arith.addi %scan3A_662, %add3A_947 : i32
      %lt3A_949 = arith.constant 8 : i32
      %lt3A_950 = arith.cmpi slt, %add3A_948, %lt3A_949 : i32
      %convert_element_type3A_951 = arith.extui %lt3A_950 : i1 to i32
      %cond3A_952 = arith.constant 0 : i32
      %cond3A_953 = arith.cmpi ne, %convert_element_type3A_951, %cond3A_952 : i32
      scf.if %cond3A_953 {
        %slice3A_1242 = vector.extract_strided_slice %get3A_672 {offsets = [7], sizes = [1], strides = [1]} : vector<16xi32> to vector<1xi32>
        %squeeze3A_1243 = vector.extract %slice3A_1242[0] : i32 from vector<1xi32>
        %shift_right_arithmetic3A_1244 = arith.constant 7 : i32
        %shift_right_arithmetic3A_1245 = arith.shrsi %squeeze3A_1243, %shift_right_arithmetic3A_1244 : i32
        %shift_left3A_1246 = arith.constant 7 : i32
        %shift_left3A_1247 = arith.shli %shift_right_arithmetic3A_1245, %shift_left3A_1246 : i32
        %multiple_of3A_1248 = tpu.assume_multiple %shift_left3A_1247, 128 : i32
        %dma_start3A_1249 = arith.constant 7 : i32
        %dma_start3A_1250 = arith.constant 0 : i32
        %dma_start3A_1251 = arith.constant 0 : i32
        %dma_start3A_1252 = tpu.memref_slice %arg10[%dma_start3A_1249, %dma_start3A_1250, %dma_start3A_1251] : memref<16x32x128xf32, #tpu.memory_space<vmem>> -> memref<1x32x128xf32, #tpu.memory_space<vmem>>
        %dma_start3A_1253 = tpu.memref_squeeze %dma_start3A_1252 : memref<1x32x128xf32, #tpu.memory_space<vmem>> -> memref<32x128xf32, #tpu.memory_space<vmem>>
        %dma_start3A_1254 = arith.constant 0 : i32
        %dma_start3A_1255 = tpu.memref_slice %arg5[%dma_start3A_1254, %multiple_of3A_1248] : memref<32x1000000xf32, #tpu.memory_space<hbm>> -> memref<32x128xf32, #tpu.memory_space<hbm>>
        %dma_start3A_1256 = arith.constant 0 : i32
        %dma_start3A_1257 = arith.constant 0 : i32
        %dma_start3A_1258 = tpu.memref_slice %arg10[%dma_start3A_1249, %dma_start3A_1256, %dma_start3A_1257] : memref<16x32x128xf32, #tpu.memory_space<vmem>> -> memref<1x32x128xf32, #tpu.memory_space<vmem>>
        %dma_start3A_1259 = tpu.memref_squeeze %dma_start3A_1258 : memref<1x32x128xf32, #tpu.memory_space<vmem>> -> memref<32x128xf32, #tpu.memory_space<vmem>>
        %dma_start3A_1260 = arith.constant 0 : i32
        %dma_start3A_1261 = tpu.memref_slice %arg5[%dma_start3A_1260, %multiple_of3A_1248] : memref<32x1000000xf32, #tpu.memory_space<hbm>> -> memref<32x128xf32, #tpu.memory_space<hbm>>
        tpu.enqueue_dma source(%dma_start3A_1261 : memref<32x128xf32, #tpu.memory_space<hbm>>) target(%dma_start3A_1259 : memref<32x128xf32, #tpu.memory_space<vmem>>) target_semaphore(%arg20 : memref<!tpu.dma_semaphore, #tpu.memory_space<semaphore_mem>>)
      } else {
      }
      %dma_wait3A_954 = arith.constant 8 : i32
      %dma_wait3A_955 = arith.constant 0 : i32
      %dma_wait3A_956 = arith.constant 0 : i32
      %dma_wait3A_957 = tpu.memref_slice %arg10[%dma_wait3A_954, %dma_wait3A_955, %dma_wait3A_956] : memref<16x32x128xf32, #tpu.memory_space<vmem>> -> memref<1x32x128xf32, #tpu.memory_space<vmem>>
      %dma_wait3A_958 = tpu.memref_squeeze %dma_wait3A_957 : memref<1x32x128xf32, #tpu.memory_space<vmem>> -> memref<32x128xf32, #tpu.memory_space<vmem>>
      %dma_wait3A_959 = arith.constant 0 : i32
      %dma_wait3A_960 = arith.constant 0 : i32
      %dma_wait3A_961 = tpu.memref_slice %arg5[%dma_wait3A_959, %dma_wait3A_960] : memref<32x1000000xf32, #tpu.memory_space<hbm>> -> memref<32x128xf32, #tpu.memory_space<hbm>>
      %dma_wait3A_962 = arith.constant 0 : i32
      %dma_wait3A_963 = arith.constant 0 : i32
      %dma_wait3A_964 = tpu.memref_slice %arg10[%dma_wait3A_954, %dma_wait3A_962, %dma_wait3A_963] : memref<16x32x128xf32, #tpu.memory_space<vmem>> -> memref<1x32x128xf32, #tpu.memory_space<vmem>>
      %dma_wait3A_965 = tpu.memref_squeeze %dma_wait3A_964 : memref<1x32x128xf32, #tpu.memory_space<vmem>> -> memref<32x128xf32, #tpu.memory_space<vmem>>
      %dma_wait3A_966 = arith.constant 0 : i32
      %dma_wait3A_967 = arith.constant 0 : i32
      %dma_wait3A_968 = tpu.memref_slice %arg5[%dma_wait3A_966, %dma_wait3A_967] : memref<32x1000000xf32, #tpu.memory_space<hbm>> -> memref<32x128xf32, #tpu.memory_space<hbm>>
      tpu.wait_dma2 semaphore(%arg21 : memref<!tpu.dma_semaphore, #tpu.memory_space<semaphore_mem>>) src(%dma_wait3A_968 : memref<32x128xf32, #tpu.memory_space<hbm>>) dst(%dma_wait3A_965 : memref<32x128xf32, #tpu.memory_space<vmem>>)
      %slice3A_969 = vector.extract_strided_slice %get3A_666 {offsets = [8], sizes = [1], strides = [1]} : vector<16xi32> to vector<1xi32>
      %squeeze3A_970 = vector.extract %slice3A_969[0] : i32 from vector<1xi32>
      %and3A_971 = arith.constant 127 : i32
      %and3A_972 = arith.andi %squeeze3A_970, %and3A_971 : i32
      %broadcast_in_dim3A_973 = arith.constant 8 : i32
      %broadcast_in_dim3A_974 = vector.broadcast %broadcast_in_dim3A_973 : i32 to vector<16xi32>
      %broadcast_in_dim3A_975 = vector.broadcast %and3A_972 : i32 to vector<16xi32>
      %mul3A_976 = arith.constant 16 : i32
      %mul3A_977 = arith.muli %scan3A_662, %mul3A_976 : i32
      %add3A_978 = arith.constant 8 : i32
      %add3A_979 = arith.addi %mul3A_977, %add3A_978 : i32
      %broadcast_in_dim3A_980 = vector.broadcast %add3A_979 : i32 to vector<16xi32>
      %gather3A_981 = tpu.vector_load_idx %arg10[%broadcast_in_dim3A_974, %iota3A, %broadcast_in_dim3A_975] : memref<16x32x128xf32, #tpu.memory_space<vmem>>[vector<16xi32>, vector<16xi32>, vector<16xi32>], vector<16xf32>,
      %gather3A_982 = tpu.vector_load_idx %arg10[%broadcast_in_dim3A_974, %add3A_3, %broadcast_in_dim3A_975] : memref<16x32x128xf32, #tpu.memory_space<vmem>>[vector<16xi32>, vector<16xi32>, vector<16xi32>], vector<16xf32>,
      tpu.vector_store_idx %arg12[%broadcast_in_dim3A_980, %iota3A], %gather3A_981 : memref<128x32xf32, #tpu.memory_space<vmem>>[vector<16xi32>, vector<16xi32>], vector<16xf32>,
      tpu.vector_store_idx %arg12[%broadcast_in_dim3A_980, %add3A_3], %gather3A_982 : memref<128x32xf32, #tpu.memory_space<vmem>>[vector<16xi32>, vector<16xi32>], vector<16xf32>,
      %add3A_983 = arith.constant 1 : i32
      %add3A_984 = arith.addi %scan3A_662, %add3A_983 : i32
      %lt3A_985 = arith.constant 8 : i32
      %lt3A_986 = arith.cmpi slt, %add3A_984, %lt3A_985 : i32
      %convert_element_type3A_987 = arith.extui %lt3A_986 : i1 to i32
      %cond3A_988 = arith.constant 0 : i32
      %cond3A_989 = arith.cmpi ne, %convert_element_type3A_987, %cond3A_988 : i32
      scf.if %cond3A_989 {
        %slice3A_1242 = vector.extract_strided_slice %get3A_672 {offsets = [8], sizes = [1], strides = [1]} : vector<16xi32> to vector<1xi32>
        %squeeze3A_1243 = vector.extract %slice3A_1242[0] : i32 from vector<1xi32>
        %shift_right_arithmetic3A_1244 = arith.constant 7 : i32
        %shift_right_arithmetic3A_1245 = arith.shrsi %squeeze3A_1243, %shift_right_arithmetic3A_1244 : i32
        %shift_left3A_1246 = arith.constant 7 : i32
        %shift_left3A_1247 = arith.shli %shift_right_arithmetic3A_1245, %shift_left3A_1246 : i32
        %multiple_of3A_1248 = tpu.assume_multiple %shift_left3A_1247, 128 : i32
        %dma_start3A_1249 = arith.constant 8 : i32
        %dma_start3A_1250 = arith.constant 0 : i32
        %dma_start3A_1251 = arith.constant 0 : i32
        %dma_start3A_1252 = tpu.memref_slice %arg10[%dma_start3A_1249, %dma_start3A_1250, %dma_start3A_1251] : memref<16x32x128xf32, #tpu.memory_space<vmem>> -> memref<1x32x128xf32, #tpu.memory_space<vmem>>
        %dma_start3A_1253 = tpu.memref_squeeze %dma_start3A_1252 : memref<1x32x128xf32, #tpu.memory_space<vmem>> -> memref<32x128xf32, #tpu.memory_space<vmem>>
        %dma_start3A_1254 = arith.constant 0 : i32
        %dma_start3A_1255 = tpu.memref_slice %arg5[%dma_start3A_1254, %multiple_of3A_1248] : memref<32x1000000xf32, #tpu.memory_space<hbm>> -> memref<32x128xf32, #tpu.memory_space<hbm>>
        %dma_start3A_1256 = arith.constant 0 : i32
        %dma_start3A_1257 = arith.constant 0 : i32
        %dma_start3A_1258 = tpu.memref_slice %arg10[%dma_start3A_1249, %dma_start3A_1256, %dma_start3A_1257] : memref<16x32x128xf32, #tpu.memory_space<vmem>> -> memref<1x32x128xf32, #tpu.memory_space<vmem>>
        %dma_start3A_1259 = tpu.memref_squeeze %dma_start3A_1258 : memref<1x32x128xf32, #tpu.memory_space<vmem>> -> memref<32x128xf32, #tpu.memory_space<vmem>>
        %dma_start3A_1260 = arith.constant 0 : i32
        %dma_start3A_1261 = tpu.memref_slice %arg5[%dma_start3A_1260, %multiple_of3A_1248] : memref<32x1000000xf32, #tpu.memory_space<hbm>> -> memref<32x128xf32, #tpu.memory_space<hbm>>
        tpu.enqueue_dma source(%dma_start3A_1261 : memref<32x128xf32, #tpu.memory_space<hbm>>) target(%dma_start3A_1259 : memref<32x128xf32, #tpu.memory_space<vmem>>) target_semaphore(%arg21 : memref<!tpu.dma_semaphore, #tpu.memory_space<semaphore_mem>>)
      } else {
      }
      %dma_wait3A_990 = arith.constant 9 : i32
      %dma_wait3A_991 = arith.constant 0 : i32
      %dma_wait3A_992 = arith.constant 0 : i32
      %dma_wait3A_993 = tpu.memref_slice %arg10[%dma_wait3A_990, %dma_wait3A_991, %dma_wait3A_992] : memref<16x32x128xf32, #tpu.memory_space<vmem>> -> memref<1x32x128xf32, #tpu.memory_space<vmem>>
      %dma_wait3A_994 = tpu.memref_squeeze %dma_wait3A_993 : memref<1x32x128xf32, #tpu.memory_space<vmem>> -> memref<32x128xf32, #tpu.memory_space<vmem>>
      %dma_wait3A_995 = arith.constant 0 : i32
      %dma_wait3A_996 = arith.constant 0 : i32
      %dma_wait3A_997 = tpu.memref_slice %arg5[%dma_wait3A_995, %dma_wait3A_996] : memref<32x1000000xf32, #tpu.memory_space<hbm>> -> memref<32x128xf32, #tpu.memory_space<hbm>>
      %dma_wait3A_998 = arith.constant 0 : i32
      %dma_wait3A_999 = arith.constant 0 : i32
      %dma_wait3A_1000 = tpu.memref_slice %arg10[%dma_wait3A_990, %dma_wait3A_998, %dma_wait3A_999] : memref<16x32x128xf32, #tpu.memory_space<vmem>> -> memref<1x32x128xf32, #tpu.memory_space<vmem>>
      %dma_wait3A_1001 = tpu.memref_squeeze %dma_wait3A_1000 : memref<1x32x128xf32, #tpu.memory_space<vmem>> -> memref<32x128xf32, #tpu.memory_space<vmem>>
      %dma_wait3A_1002 = arith.constant 0 : i32
      %dma_wait3A_1003 = arith.constant 0 : i32
      %dma_wait3A_1004 = tpu.memref_slice %arg5[%dma_wait3A_1002, %dma_wait3A_1003] : memref<32x1000000xf32, #tpu.memory_space<hbm>> -> memref<32x128xf32, #tpu.memory_space<hbm>>
      tpu.wait_dma2 semaphore(%arg22 : memref<!tpu.dma_semaphore, #tpu.memory_space<semaphore_mem>>) src(%dma_wait3A_1004 : memref<32x128xf32, #tpu.memory_space<hbm>>) dst(%dma_wait3A_1001 : memref<32x128xf32, #tpu.memory_space<vmem>>)
      %slice3A_1005 = vector.extract_strided_slice %get3A_666 {offsets = [9], sizes = [1], strides = [1]} : vector<16xi32> to vector<1xi32>
      %squeeze3A_1006 = vector.extract %slice3A_1005[0] : i32 from vector<1xi32>
      %and3A_1007 = arith.constant 127 : i32
      %and3A_1008 = arith.andi %squeeze3A_1006, %and3A_1007 : i32
      %broadcast_in_dim3A_1009 = arith.constant 9 : i32
      %broadcast_in_dim3A_1010 = vector.broadcast %broadcast_in_dim3A_1009 : i32 to vector<16xi32>
      %broadcast_in_dim3A_1011 = vector.broadcast %and3A_1008 : i32 to vector<16xi32>
      %mul3A_1012 = arith.constant 16 : i32
      %mul3A_1013 = arith.muli %scan3A_662, %mul3A_1012 : i32
      %add3A_1014 = arith.constant 9 : i32
      %add3A_1015 = arith.addi %mul3A_1013, %add3A_1014 : i32
      %broadcast_in_dim3A_1016 = vector.broadcast %add3A_1015 : i32 to vector<16xi32>
      %gather3A_1017 = tpu.vector_load_idx %arg10[%broadcast_in_dim3A_1010, %iota3A, %broadcast_in_dim3A_1011] : memref<16x32x128xf32, #tpu.memory_space<vmem>>[vector<16xi32>, vector<16xi32>, vector<16xi32>], vector<16xf32>,
      %gather3A_1018 = tpu.vector_load_idx %arg10[%broadcast_in_dim3A_1010, %add3A_3, %broadcast_in_dim3A_1011] : memref<16x32x128xf32, #tpu.memory_space<vmem>>[vector<16xi32>, vector<16xi32>, vector<16xi32>], vector<16xf32>,
      tpu.vector_store_idx %arg12[%broadcast_in_dim3A_1016, %iota3A], %gather3A_1017 : memref<128x32xf32, #tpu.memory_space<vmem>>[vector<16xi32>, vector<16xi32>], vector<16xf32>,
      tpu.vector_store_idx %arg12[%broadcast_in_dim3A_1016, %add3A_3], %gather3A_1018 : memref<128x32xf32, #tpu.memory_space<vmem>>[vector<16xi32>, vector<16xi32>], vector<16xf32>,
      %add3A_1019 = arith.constant 1 : i32
      %add3A_1020 = arith.addi %scan3A_662, %add3A_1019 : i32
      %lt3A_1021 = arith.constant 8 : i32
      %lt3A_1022 = arith.cmpi slt, %add3A_1020, %lt3A_1021 : i32
      %convert_element_type3A_1023 = arith.extui %lt3A_1022 : i1 to i32
      %cond3A_1024 = arith.constant 0 : i32
      %cond3A_1025 = arith.cmpi ne, %convert_element_type3A_1023, %cond3A_1024 : i32
      scf.if %cond3A_1025 {
        %slice3A_1242 = vector.extract_strided_slice %get3A_672 {offsets = [9], sizes = [1], strides = [1]} : vector<16xi32> to vector<1xi32>
        %squeeze3A_1243 = vector.extract %slice3A_1242[0] : i32 from vector<1xi32>
        %shift_right_arithmetic3A_1244 = arith.constant 7 : i32
        %shift_right_arithmetic3A_1245 = arith.shrsi %squeeze3A_1243, %shift_right_arithmetic3A_1244 : i32
        %shift_left3A_1246 = arith.constant 7 : i32
        %shift_left3A_1247 = arith.shli %shift_right_arithmetic3A_1245, %shift_left3A_1246 : i32
        %multiple_of3A_1248 = tpu.assume_multiple %shift_left3A_1247, 128 : i32
        %dma_start3A_1249 = arith.constant 9 : i32
        %dma_start3A_1250 = arith.constant 0 : i32
        %dma_start3A_1251 = arith.constant 0 : i32
        %dma_start3A_1252 = tpu.memref_slice %arg10[%dma_start3A_1249, %dma_start3A_1250, %dma_start3A_1251] : memref<16x32x128xf32, #tpu.memory_space<vmem>> -> memref<1x32x128xf32, #tpu.memory_space<vmem>>
        %dma_start3A_1253 = tpu.memref_squeeze %dma_start3A_1252 : memref<1x32x128xf32, #tpu.memory_space<vmem>> -> memref<32x128xf32, #tpu.memory_space<vmem>>
        %dma_start3A_1254 = arith.constant 0 : i32
        %dma_start3A_1255 = tpu.memref_slice %arg5[%dma_start3A_1254, %multiple_of3A_1248] : memref<32x1000000xf32, #tpu.memory_space<hbm>> -> memref<32x128xf32, #tpu.memory_space<hbm>>
        %dma_start3A_1256 = arith.constant 0 : i32
        %dma_start3A_1257 = arith.constant 0 : i32
        %dma_start3A_1258 = tpu.memref_slice %arg10[%dma_start3A_1249, %dma_start3A_1256, %dma_start3A_1257] : memref<16x32x128xf32, #tpu.memory_space<vmem>> -> memref<1x32x128xf32, #tpu.memory_space<vmem>>
        %dma_start3A_1259 = tpu.memref_squeeze %dma_start3A_1258 : memref<1x32x128xf32, #tpu.memory_space<vmem>> -> memref<32x128xf32, #tpu.memory_space<vmem>>
        %dma_start3A_1260 = arith.constant 0 : i32
        %dma_start3A_1261 = tpu.memref_slice %arg5[%dma_start3A_1260, %multiple_of3A_1248] : memref<32x1000000xf32, #tpu.memory_space<hbm>> -> memref<32x128xf32, #tpu.memory_space<hbm>>
        tpu.enqueue_dma source(%dma_start3A_1261 : memref<32x128xf32, #tpu.memory_space<hbm>>) target(%dma_start3A_1259 : memref<32x128xf32, #tpu.memory_space<vmem>>) target_semaphore(%arg22 : memref<!tpu.dma_semaphore, #tpu.memory_space<semaphore_mem>>)
      } else {
      }
      %dma_wait3A_1026 = arith.constant 10 : i32
      %dma_wait3A_1027 = arith.constant 0 : i32
      %dma_wait3A_1028 = arith.constant 0 : i32
      %dma_wait3A_1029 = tpu.memref_slice %arg10[%dma_wait3A_1026, %dma_wait3A_1027, %dma_wait3A_1028] : memref<16x32x128xf32, #tpu.memory_space<vmem>> -> memref<1x32x128xf32, #tpu.memory_space<vmem>>
      %dma_wait3A_1030 = tpu.memref_squeeze %dma_wait3A_1029 : memref<1x32x128xf32, #tpu.memory_space<vmem>> -> memref<32x128xf32, #tpu.memory_space<vmem>>
      %dma_wait3A_1031 = arith.constant 0 : i32
      %dma_wait3A_1032 = arith.constant 0 : i32
      %dma_wait3A_1033 = tpu.memref_slice %arg5[%dma_wait3A_1031, %dma_wait3A_1032] : memref<32x1000000xf32, #tpu.memory_space<hbm>> -> memref<32x128xf32, #tpu.memory_space<hbm>>
      %dma_wait3A_1034 = arith.constant 0 : i32
      %dma_wait3A_1035 = arith.constant 0 : i32
      %dma_wait3A_1036 = tpu.memref_slice %arg10[%dma_wait3A_1026, %dma_wait3A_1034, %dma_wait3A_1035] : memref<16x32x128xf32, #tpu.memory_space<vmem>> -> memref<1x32x128xf32, #tpu.memory_space<vmem>>
      %dma_wait3A_1037 = tpu.memref_squeeze %dma_wait3A_1036 : memref<1x32x128xf32, #tpu.memory_space<vmem>> -> memref<32x128xf32, #tpu.memory_space<vmem>>
      %dma_wait3A_1038 = arith.constant 0 : i32
      %dma_wait3A_1039 = arith.constant 0 : i32
      %dma_wait3A_1040 = tpu.memref_slice %arg5[%dma_wait3A_1038, %dma_wait3A_1039] : memref<32x1000000xf32, #tpu.memory_space<hbm>> -> memref<32x128xf32, #tpu.memory_space<hbm>>
      tpu.wait_dma2 semaphore(%arg23 : memref<!tpu.dma_semaphore, #tpu.memory_space<semaphore_mem>>) src(%dma_wait3A_1040 : memref<32x128xf32, #tpu.memory_space<hbm>>) dst(%dma_wait3A_1037 : memref<32x128xf32, #tpu.memory_space<vmem>>)
      %slice3A_1041 = vector.extract_strided_slice %get3A_666 {offsets = [10], sizes = [1], strides = [1]} : vector<16xi32> to vector<1xi32>
      %squeeze3A_1042 = vector.extract %slice3A_1041[0] : i32 from vector<1xi32>
      %and3A_1043 = arith.constant 127 : i32
      %and3A_1044 = arith.andi %squeeze3A_1042, %and3A_1043 : i32
      %broadcast_in_dim3A_1045 = arith.constant 10 : i32
      %broadcast_in_dim3A_1046 = vector.broadcast %broadcast_in_dim3A_1045 : i32 to vector<16xi32>
      %broadcast_in_dim3A_1047 = vector.broadcast %and3A_1044 : i32 to vector<16xi32>
      %mul3A_1048 = arith.constant 16 : i32
      %mul3A_1049 = arith.muli %scan3A_662, %mul3A_1048 : i32
      %add3A_1050 = arith.constant 10 : i32
      %add3A_1051 = arith.addi %mul3A_1049, %add3A_1050 : i32
      %broadcast_in_dim3A_1052 = vector.broadcast %add3A_1051 : i32 to vector<16xi32>
      %gather3A_1053 = tpu.vector_load_idx %arg10[%broadcast_in_dim3A_1046, %iota3A, %broadcast_in_dim3A_1047] : memref<16x32x128xf32, #tpu.memory_space<vmem>>[vector<16xi32>, vector<16xi32>, vector<16xi32>], vector<16xf32>,
      %gather3A_1054 = tpu.vector_load_idx %arg10[%broadcast_in_dim3A_1046, %add3A_3, %broadcast_in_dim3A_1047] : memref<16x32x128xf32, #tpu.memory_space<vmem>>[vector<16xi32>, vector<16xi32>, vector<16xi32>], vector<16xf32>,
      tpu.vector_store_idx %arg12[%broadcast_in_dim3A_1052, %iota3A], %gather3A_1053 : memref<128x32xf32, #tpu.memory_space<vmem>>[vector<16xi32>, vector<16xi32>], vector<16xf32>,
      tpu.vector_store_idx %arg12[%broadcast_in_dim3A_1052, %add3A_3], %gather3A_1054 : memref<128x32xf32, #tpu.memory_space<vmem>>[vector<16xi32>, vector<16xi32>], vector<16xf32>,
      %add3A_1055 = arith.constant 1 : i32
      %add3A_1056 = arith.addi %scan3A_662, %add3A_1055 : i32
      %lt3A_1057 = arith.constant 8 : i32
      %lt3A_1058 = arith.cmpi slt, %add3A_1056, %lt3A_1057 : i32
      %convert_element_type3A_1059 = arith.extui %lt3A_1058 : i1 to i32
      %cond3A_1060 = arith.constant 0 : i32
      %cond3A_1061 = arith.cmpi ne, %convert_element_type3A_1059, %cond3A_1060 : i32
      scf.if %cond3A_1061 {
        %slice3A_1242 = vector.extract_strided_slice %get3A_672 {offsets = [10], sizes = [1], strides = [1]} : vector<16xi32> to vector<1xi32>
        %squeeze3A_1243 = vector.extract %slice3A_1242[0] : i32 from vector<1xi32>
        %shift_right_arithmetic3A_1244 = arith.constant 7 : i32
        %shift_right_arithmetic3A_1245 = arith.shrsi %squeeze3A_1243, %shift_right_arithmetic3A_1244 : i32
        %shift_left3A_1246 = arith.constant 7 : i32
        %shift_left3A_1247 = arith.shli %shift_right_arithmetic3A_1245, %shift_left3A_1246 : i32
        %multiple_of3A_1248 = tpu.assume_multiple %shift_left3A_1247, 128 : i32
        %dma_start3A_1249 = arith.constant 10 : i32
        %dma_start3A_1250 = arith.constant 0 : i32
        %dma_start3A_1251 = arith.constant 0 : i32
        %dma_start3A_1252 = tpu.memref_slice %arg10[%dma_start3A_1249, %dma_start3A_1250, %dma_start3A_1251] : memref<16x32x128xf32, #tpu.memory_space<vmem>> -> memref<1x32x128xf32, #tpu.memory_space<vmem>>
        %dma_start3A_1253 = tpu.memref_squeeze %dma_start3A_1252 : memref<1x32x128xf32, #tpu.memory_space<vmem>> -> memref<32x128xf32, #tpu.memory_space<vmem>>
        %dma_start3A_1254 = arith.constant 0 : i32
        %dma_start3A_1255 = tpu.memref_slice %arg5[%dma_start3A_1254, %multiple_of3A_1248] : memref<32x1000000xf32, #tpu.memory_space<hbm>> -> memref<32x128xf32, #tpu.memory_space<hbm>>
        %dma_start3A_1256 = arith.constant 0 : i32
        %dma_start3A_1257 = arith.constant 0 : i32
        %dma_start3A_1258 = tpu.memref_slice %arg10[%dma_start3A_1249, %dma_start3A_1256, %dma_start3A_1257] : memref<16x32x128xf32, #tpu.memory_space<vmem>> -> memref<1x32x128xf32, #tpu.memory_space<vmem>>
        %dma_start3A_1259 = tpu.memref_squeeze %dma_start3A_1258 : memref<1x32x128xf32, #tpu.memory_space<vmem>> -> memref<32x128xf32, #tpu.memory_space<vmem>>
        %dma_start3A_1260 = arith.constant 0 : i32
        %dma_start3A_1261 = tpu.memref_slice %arg5[%dma_start3A_1260, %multiple_of3A_1248] : memref<32x1000000xf32, #tpu.memory_space<hbm>> -> memref<32x128xf32, #tpu.memory_space<hbm>>
        tpu.enqueue_dma source(%dma_start3A_1261 : memref<32x128xf32, #tpu.memory_space<hbm>>) target(%dma_start3A_1259 : memref<32x128xf32, #tpu.memory_space<vmem>>) target_semaphore(%arg23 : memref<!tpu.dma_semaphore, #tpu.memory_space<semaphore_mem>>)
      } else {
      }
      %dma_wait3A_1062 = arith.constant 11 : i32
      %dma_wait3A_1063 = arith.constant 0 : i32
      %dma_wait3A_1064 = arith.constant 0 : i32
      %dma_wait3A_1065 = tpu.memref_slice %arg10[%dma_wait3A_1062, %dma_wait3A_1063, %dma_wait3A_1064] : memref<16x32x128xf32, #tpu.memory_space<vmem>> -> memref<1x32x128xf32, #tpu.memory_space<vmem>>
      %dma_wait3A_1066 = tpu.memref_squeeze %dma_wait3A_1065 : memref<1x32x128xf32, #tpu.memory_space<vmem>> -> memref<32x128xf32, #tpu.memory_space<vmem>>
      %dma_wait3A_1067 = arith.constant 0 : i32
      %dma_wait3A_1068 = arith.constant 0 : i32
      %dma_wait3A_1069 = tpu.memref_slice %arg5[%dma_wait3A_1067, %dma_wait3A_1068] : memref<32x1000000xf32, #tpu.memory_space<hbm>> -> memref<32x128xf32, #tpu.memory_space<hbm>>
      %dma_wait3A_1070 = arith.constant 0 : i32
      %dma_wait3A_1071 = arith.constant 0 : i32
      %dma_wait3A_1072 = tpu.memref_slice %arg10[%dma_wait3A_1062, %dma_wait3A_1070, %dma_wait3A_1071] : memref<16x32x128xf32, #tpu.memory_space<vmem>> -> memref<1x32x128xf32, #tpu.memory_space<vmem>>
      %dma_wait3A_1073 = tpu.memref_squeeze %dma_wait3A_1072 : memref<1x32x128xf32, #tpu.memory_space<vmem>> -> memref<32x128xf32, #tpu.memory_space<vmem>>
      %dma_wait3A_1074 = arith.constant 0 : i32
      %dma_wait3A_1075 = arith.constant 0 : i32
      %dma_wait3A_1076 = tpu.memref_slice %arg5[%dma_wait3A_1074, %dma_wait3A_1075] : memref<32x1000000xf32, #tpu.memory_space<hbm>> -> memref<32x128xf32, #tpu.memory_space<hbm>>
      tpu.wait_dma2 semaphore(%arg24 : memref<!tpu.dma_semaphore, #tpu.memory_space<semaphore_mem>>) src(%dma_wait3A_1076 : memref<32x128xf32, #tpu.memory_space<hbm>>) dst(%dma_wait3A_1073 : memref<32x128xf32, #tpu.memory_space<vmem>>)
      %slice3A_1077 = vector.extract_strided_slice %get3A_666 {offsets = [11], sizes = [1], strides = [1]} : vector<16xi32> to vector<1xi32>
      %squeeze3A_1078 = vector.extract %slice3A_1077[0] : i32 from vector<1xi32>
      %and3A_1079 = arith.constant 127 : i32
      %and3A_1080 = arith.andi %squeeze3A_1078, %and3A_1079 : i32
      %broadcast_in_dim3A_1081 = arith.constant 11 : i32
      %broadcast_in_dim3A_1082 = vector.broadcast %broadcast_in_dim3A_1081 : i32 to vector<16xi32>
      %broadcast_in_dim3A_1083 = vector.broadcast %and3A_1080 : i32 to vector<16xi32>
      %mul3A_1084 = arith.constant 16 : i32
      %mul3A_1085 = arith.muli %scan3A_662, %mul3A_1084 : i32
      %add3A_1086 = arith.constant 11 : i32
      %add3A_1087 = arith.addi %mul3A_1085, %add3A_1086 : i32
      %broadcast_in_dim3A_1088 = vector.broadcast %add3A_1087 : i32 to vector<16xi32>
      %gather3A_1089 = tpu.vector_load_idx %arg10[%broadcast_in_dim3A_1082, %iota3A, %broadcast_in_dim3A_1083] : memref<16x32x128xf32, #tpu.memory_space<vmem>>[vector<16xi32>, vector<16xi32>, vector<16xi32>], vector<16xf32>,
      %gather3A_1090 = tpu.vector_load_idx %arg10[%broadcast_in_dim3A_1082, %add3A_3, %broadcast_in_dim3A_1083] : memref<16x32x128xf32, #tpu.memory_space<vmem>>[vector<16xi32>, vector<16xi32>, vector<16xi32>], vector<16xf32>,
      tpu.vector_store_idx %arg12[%broadcast_in_dim3A_1088, %iota3A], %gather3A_1089 : memref<128x32xf32, #tpu.memory_space<vmem>>[vector<16xi32>, vector<16xi32>], vector<16xf32>,
      tpu.vector_store_idx %arg12[%broadcast_in_dim3A_1088, %add3A_3], %gather3A_1090 : memref<128x32xf32, #tpu.memory_space<vmem>>[vector<16xi32>, vector<16xi32>], vector<16xf32>,
      %add3A_1091 = arith.constant 1 : i32
      %add3A_1092 = arith.addi %scan3A_662, %add3A_1091 : i32
      %lt3A_1093 = arith.constant 8 : i32
      %lt3A_1094 = arith.cmpi slt, %add3A_1092, %lt3A_1093 : i32
      %convert_element_type3A_1095 = arith.extui %lt3A_1094 : i1 to i32
      %cond3A_1096 = arith.constant 0 : i32
      %cond3A_1097 = arith.cmpi ne, %convert_element_type3A_1095, %cond3A_1096 : i32
      scf.if %cond3A_1097 {
        %slice3A_1242 = vector.extract_strided_slice %get3A_672 {offsets = [11], sizes = [1], strides = [1]} : vector<16xi32> to vector<1xi32>
        %squeeze3A_1243 = vector.extract %slice3A_1242[0] : i32 from vector<1xi32>
        %shift_right_arithmetic3A_1244 = arith.constant 7 : i32
        %shift_right_arithmetic3A_1245 = arith.shrsi %squeeze3A_1243, %shift_right_arithmetic3A_1244 : i32
        %shift_left3A_1246 = arith.constant 7 : i32
        %shift_left3A_1247 = arith.shli %shift_right_arithmetic3A_1245, %shift_left3A_1246 : i32
        %multiple_of3A_1248 = tpu.assume_multiple %shift_left3A_1247, 128 : i32
        %dma_start3A_1249 = arith.constant 11 : i32
        %dma_start3A_1250 = arith.constant 0 : i32
        %dma_start3A_1251 = arith.constant 0 : i32
        %dma_start3A_1252 = tpu.memref_slice %arg10[%dma_start3A_1249, %dma_start3A_1250, %dma_start3A_1251] : memref<16x32x128xf32, #tpu.memory_space<vmem>> -> memref<1x32x128xf32, #tpu.memory_space<vmem>>
        %dma_start3A_1253 = tpu.memref_squeeze %dma_start3A_1252 : memref<1x32x128xf32, #tpu.memory_space<vmem>> -> memref<32x128xf32, #tpu.memory_space<vmem>>
        %dma_start3A_1254 = arith.constant 0 : i32
        %dma_start3A_1255 = tpu.memref_slice %arg5[%dma_start3A_1254, %multiple_of3A_1248] : memref<32x1000000xf32, #tpu.memory_space<hbm>> -> memref<32x128xf32, #tpu.memory_space<hbm>>
        %dma_start3A_1256 = arith.constant 0 : i32
        %dma_start3A_1257 = arith.constant 0 : i32
        %dma_start3A_1258 = tpu.memref_slice %arg10[%dma_start3A_1249, %dma_start3A_1256, %dma_start3A_1257] : memref<16x32x128xf32, #tpu.memory_space<vmem>> -> memref<1x32x128xf32, #tpu.memory_space<vmem>>
        %dma_start3A_1259 = tpu.memref_squeeze %dma_start3A_1258 : memref<1x32x128xf32, #tpu.memory_space<vmem>> -> memref<32x128xf32, #tpu.memory_space<vmem>>
        %dma_start3A_1260 = arith.constant 0 : i32
        %dma_start3A_1261 = tpu.memref_slice %arg5[%dma_start3A_1260, %multiple_of3A_1248] : memref<32x1000000xf32, #tpu.memory_space<hbm>> -> memref<32x128xf32, #tpu.memory_space<hbm>>
        tpu.enqueue_dma source(%dma_start3A_1261 : memref<32x128xf32, #tpu.memory_space<hbm>>) target(%dma_start3A_1259 : memref<32x128xf32, #tpu.memory_space<vmem>>) target_semaphore(%arg24 : memref<!tpu.dma_semaphore, #tpu.memory_space<semaphore_mem>>)
      } else {
      }
      %dma_wait3A_1098 = arith.constant 12 : i32
      %dma_wait3A_1099 = arith.constant 0 : i32
      %dma_wait3A_1100 = arith.constant 0 : i32
      %dma_wait3A_1101 = tpu.memref_slice %arg10[%dma_wait3A_1098, %dma_wait3A_1099, %dma_wait3A_1100] : memref<16x32x128xf32, #tpu.memory_space<vmem>> -> memref<1x32x128xf32, #tpu.memory_space<vmem>>
      %dma_wait3A_1102 = tpu.memref_squeeze %dma_wait3A_1101 : memref<1x32x128xf32, #tpu.memory_space<vmem>> -> memref<32x128xf32, #tpu.memory_space<vmem>>
      %dma_wait3A_1103 = arith.constant 0 : i32
      %dma_wait3A_1104 = arith.constant 0 : i32
      %dma_wait3A_1105 = tpu.memref_slice %arg5[%dma_wait3A_1103, %dma_wait3A_1104] : memref<32x1000000xf32, #tpu.memory_space<hbm>> -> memref<32x128xf32, #tpu.memory_space<hbm>>
      %dma_wait3A_1106 = arith.constant 0 : i32
      %dma_wait3A_1107 = arith.constant 0 : i32
      %dma_wait3A_1108 = tpu.memref_slice %arg10[%dma_wait3A_1098, %dma_wait3A_1106, %dma_wait3A_1107] : memref<16x32x128xf32, #tpu.memory_space<vmem>> -> memref<1x32x128xf32, #tpu.memory_space<vmem>>
      %dma_wait3A_1109 = tpu.memref_squeeze %dma_wait3A_1108 : memref<1x32x128xf32, #tpu.memory_space<vmem>> -> memref<32x128xf32, #tpu.memory_space<vmem>>
      %dma_wait3A_1110 = arith.constant 0 : i32
      %dma_wait3A_1111 = arith.constant 0 : i32
      %dma_wait3A_1112 = tpu.memref_slice %arg5[%dma_wait3A_1110, %dma_wait3A_1111] : memref<32x1000000xf32, #tpu.memory_space<hbm>> -> memref<32x128xf32, #tpu.memory_space<hbm>>
      tpu.wait_dma2 semaphore(%arg25 : memref<!tpu.dma_semaphore, #tpu.memory_space<semaphore_mem>>) src(%dma_wait3A_1112 : memref<32x128xf32, #tpu.memory_space<hbm>>) dst(%dma_wait3A_1109 : memref<32x128xf32, #tpu.memory_space<vmem>>)
      %slice3A_1113 = vector.extract_strided_slice %get3A_666 {offsets = [12], sizes = [1], strides = [1]} : vector<16xi32> to vector<1xi32>
      %squeeze3A_1114 = vector.extract %slice3A_1113[0] : i32 from vector<1xi32>
      %and3A_1115 = arith.constant 127 : i32
      %and3A_1116 = arith.andi %squeeze3A_1114, %and3A_1115 : i32
      %broadcast_in_dim3A_1117 = arith.constant 12 : i32
      %broadcast_in_dim3A_1118 = vector.broadcast %broadcast_in_dim3A_1117 : i32 to vector<16xi32>
      %broadcast_in_dim3A_1119 = vector.broadcast %and3A_1116 : i32 to vector<16xi32>
      %mul3A_1120 = arith.constant 16 : i32
      %mul3A_1121 = arith.muli %scan3A_662, %mul3A_1120 : i32
      %add3A_1122 = arith.constant 12 : i32
      %add3A_1123 = arith.addi %mul3A_1121, %add3A_1122 : i32
      %broadcast_in_dim3A_1124 = vector.broadcast %add3A_1123 : i32 to vector<16xi32>
      %gather3A_1125 = tpu.vector_load_idx %arg10[%broadcast_in_dim3A_1118, %iota3A, %broadcast_in_dim3A_1119] : memref<16x32x128xf32, #tpu.memory_space<vmem>>[vector<16xi32>, vector<16xi32>, vector<16xi32>], vector<16xf32>,
      %gather3A_1126 = tpu.vector_load_idx %arg10[%broadcast_in_dim3A_1118, %add3A_3, %broadcast_in_dim3A_1119] : memref<16x32x128xf32, #tpu.memory_space<vmem>>[vector<16xi32>, vector<16xi32>, vector<16xi32>], vector<16xf32>,
      tpu.vector_store_idx %arg12[%broadcast_in_dim3A_1124, %iota3A], %gather3A_1125 : memref<128x32xf32, #tpu.memory_space<vmem>>[vector<16xi32>, vector<16xi32>], vector<16xf32>,
      tpu.vector_store_idx %arg12[%broadcast_in_dim3A_1124, %add3A_3], %gather3A_1126 : memref<128x32xf32, #tpu.memory_space<vmem>>[vector<16xi32>, vector<16xi32>], vector<16xf32>,
      %add3A_1127 = arith.constant 1 : i32
      %add3A_1128 = arith.addi %scan3A_662, %add3A_1127 : i32
      %lt3A_1129 = arith.constant 8 : i32
      %lt3A_1130 = arith.cmpi slt, %add3A_1128, %lt3A_1129 : i32
      %convert_element_type3A_1131 = arith.extui %lt3A_1130 : i1 to i32
      %cond3A_1132 = arith.constant 0 : i32
      %cond3A_1133 = arith.cmpi ne, %convert_element_type3A_1131, %cond3A_1132 : i32
      scf.if %cond3A_1133 {
        %slice3A_1242 = vector.extract_strided_slice %get3A_672 {offsets = [12], sizes = [1], strides = [1]} : vector<16xi32> to vector<1xi32>
        %squeeze3A_1243 = vector.extract %slice3A_1242[0] : i32 from vector<1xi32>
        %shift_right_arithmetic3A_1244 = arith.constant 7 : i32
        %shift_right_arithmetic3A_1245 = arith.shrsi %squeeze3A_1243, %shift_right_arithmetic3A_1244 : i32
        %shift_left3A_1246 = arith.constant 7 : i32
        %shift_left3A_1247 = arith.shli %shift_right_arithmetic3A_1245, %shift_left3A_1246 : i32
        %multiple_of3A_1248 = tpu.assume_multiple %shift_left3A_1247, 128 : i32
        %dma_start3A_1249 = arith.constant 12 : i32
        %dma_start3A_1250 = arith.constant 0 : i32
        %dma_start3A_1251 = arith.constant 0 : i32
        %dma_start3A_1252 = tpu.memref_slice %arg10[%dma_start3A_1249, %dma_start3A_1250, %dma_start3A_1251] : memref<16x32x128xf32, #tpu.memory_space<vmem>> -> memref<1x32x128xf32, #tpu.memory_space<vmem>>
        %dma_start3A_1253 = tpu.memref_squeeze %dma_start3A_1252 : memref<1x32x128xf32, #tpu.memory_space<vmem>> -> memref<32x128xf32, #tpu.memory_space<vmem>>
        %dma_start3A_1254 = arith.constant 0 : i32
        %dma_start3A_1255 = tpu.memref_slice %arg5[%dma_start3A_1254, %multiple_of3A_1248] : memref<32x1000000xf32, #tpu.memory_space<hbm>> -> memref<32x128xf32, #tpu.memory_space<hbm>>
        %dma_start3A_1256 = arith.constant 0 : i32
        %dma_start3A_1257 = arith.constant 0 : i32
        %dma_start3A_1258 = tpu.memref_slice %arg10[%dma_start3A_1249, %dma_start3A_1256, %dma_start3A_1257] : memref<16x32x128xf32, #tpu.memory_space<vmem>> -> memref<1x32x128xf32, #tpu.memory_space<vmem>>
        %dma_start3A_1259 = tpu.memref_squeeze %dma_start3A_1258 : memref<1x32x128xf32, #tpu.memory_space<vmem>> -> memref<32x128xf32, #tpu.memory_space<vmem>>
        %dma_start3A_1260 = arith.constant 0 : i32
        %dma_start3A_1261 = tpu.memref_slice %arg5[%dma_start3A_1260, %multiple_of3A_1248] : memref<32x1000000xf32, #tpu.memory_space<hbm>> -> memref<32x128xf32, #tpu.memory_space<hbm>>
        tpu.enqueue_dma source(%dma_start3A_1261 : memref<32x128xf32, #tpu.memory_space<hbm>>) target(%dma_start3A_1259 : memref<32x128xf32, #tpu.memory_space<vmem>>) target_semaphore(%arg25 : memref<!tpu.dma_semaphore, #tpu.memory_space<semaphore_mem>>)
      } else {
      }
      %dma_wait3A_1134 = arith.constant 13 : i32
      %dma_wait3A_1135 = arith.constant 0 : i32
      %dma_wait3A_1136 = arith.constant 0 : i32
      %dma_wait3A_1137 = tpu.memref_slice %arg10[%dma_wait3A_1134, %dma_wait3A_1135, %dma_wait3A_1136] : memref<16x32x128xf32, #tpu.memory_space<vmem>> -> memref<1x32x128xf32, #tpu.memory_space<vmem>>
      %dma_wait3A_1138 = tpu.memref_squeeze %dma_wait3A_1137 : memref<1x32x128xf32, #tpu.memory_space<vmem>> -> memref<32x128xf32, #tpu.memory_space<vmem>>
      %dma_wait3A_1139 = arith.constant 0 : i32
      %dma_wait3A_1140 = arith.constant 0 : i32
      %dma_wait3A_1141 = tpu.memref_slice %arg5[%dma_wait3A_1139, %dma_wait3A_1140] : memref<32x1000000xf32, #tpu.memory_space<hbm>> -> memref<32x128xf32, #tpu.memory_space<hbm>>
      %dma_wait3A_1142 = arith.constant 0 : i32
      %dma_wait3A_1143 = arith.constant 0 : i32
      %dma_wait3A_1144 = tpu.memref_slice %arg10[%dma_wait3A_1134, %dma_wait3A_1142, %dma_wait3A_1143] : memref<16x32x128xf32, #tpu.memory_space<vmem>> -> memref<1x32x128xf32, #tpu.memory_space<vmem>>
      %dma_wait3A_1145 = tpu.memref_squeeze %dma_wait3A_1144 : memref<1x32x128xf32, #tpu.memory_space<vmem>> -> memref<32x128xf32, #tpu.memory_space<vmem>>
      %dma_wait3A_1146 = arith.constant 0 : i32
      %dma_wait3A_1147 = arith.constant 0 : i32
      %dma_wait3A_1148 = tpu.memref_slice %arg5[%dma_wait3A_1146, %dma_wait3A_1147] : memref<32x1000000xf32, #tpu.memory_space<hbm>> -> memref<32x128xf32, #tpu.memory_space<hbm>>
      tpu.wait_dma2 semaphore(%arg26 : memref<!tpu.dma_semaphore, #tpu.memory_space<semaphore_mem>>) src(%dma_wait3A_1148 : memref<32x128xf32, #tpu.memory_space<hbm>>) dst(%dma_wait3A_1145 : memref<32x128xf32, #tpu.memory_space<vmem>>)
      %slice3A_1149 = vector.extract_strided_slice %get3A_666 {offsets = [13], sizes = [1], strides = [1]} : vector<16xi32> to vector<1xi32>
      %squeeze3A_1150 = vector.extract %slice3A_1149[0] : i32 from vector<1xi32>
      %and3A_1151 = arith.constant 127 : i32
      %and3A_1152 = arith.andi %squeeze3A_1150, %and3A_1151 : i32
      %broadcast_in_dim3A_1153 = arith.constant 13 : i32
      %broadcast_in_dim3A_1154 = vector.broadcast %broadcast_in_dim3A_1153 : i32 to vector<16xi32>
      %broadcast_in_dim3A_1155 = vector.broadcast %and3A_1152 : i32 to vector<16xi32>
      %mul3A_1156 = arith.constant 16 : i32
      %mul3A_1157 = arith.muli %scan3A_662, %mul3A_1156 : i32
      %add3A_1158 = arith.constant 13 : i32
      %add3A_1159 = arith.addi %mul3A_1157, %add3A_1158 : i32
      %broadcast_in_dim3A_1160 = vector.broadcast %add3A_1159 : i32 to vector<16xi32>
      %gather3A_1161 = tpu.vector_load_idx %arg10[%broadcast_in_dim3A_1154, %iota3A, %broadcast_in_dim3A_1155] : memref<16x32x128xf32, #tpu.memory_space<vmem>>[vector<16xi32>, vector<16xi32>, vector<16xi32>], vector<16xf32>,
      %gather3A_1162 = tpu.vector_load_idx %arg10[%broadcast_in_dim3A_1154, %add3A_3, %broadcast_in_dim3A_1155] : memref<16x32x128xf32, #tpu.memory_space<vmem>>[vector<16xi32>, vector<16xi32>, vector<16xi32>], vector<16xf32>,
      tpu.vector_store_idx %arg12[%broadcast_in_dim3A_1160, %iota3A], %gather3A_1161 : memref<128x32xf32, #tpu.memory_space<vmem>>[vector<16xi32>, vector<16xi32>], vector<16xf32>,
      tpu.vector_store_idx %arg12[%broadcast_in_dim3A_1160, %add3A_3], %gather3A_1162 : memref<128x32xf32, #tpu.memory_space<vmem>>[vector<16xi32>, vector<16xi32>], vector<16xf32>,
      %add3A_1163 = arith.constant 1 : i32
      %add3A_1164 = arith.addi %scan3A_662, %add3A_1163 : i32
      %lt3A_1165 = arith.constant 8 : i32
      %lt3A_1166 = arith.cmpi slt, %add3A_1164, %lt3A_1165 : i32
      %convert_element_type3A_1167 = arith.extui %lt3A_1166 : i1 to i32
      %cond3A_1168 = arith.constant 0 : i32
      %cond3A_1169 = arith.cmpi ne, %convert_element_type3A_1167, %cond3A_1168 : i32
      scf.if %cond3A_1169 {
        %slice3A_1242 = vector.extract_strided_slice %get3A_672 {offsets = [13], sizes = [1], strides = [1]} : vector<16xi32> to vector<1xi32>
        %squeeze3A_1243 = vector.extract %slice3A_1242[0] : i32 from vector<1xi32>
        %shift_right_arithmetic3A_1244 = arith.constant 7 : i32
        %shift_right_arithmetic3A_1245 = arith.shrsi %squeeze3A_1243, %shift_right_arithmetic3A_1244 : i32
        %shift_left3A_1246 = arith.constant 7 : i32
        %shift_left3A_1247 = arith.shli %shift_right_arithmetic3A_1245, %shift_left3A_1246 : i32
        %multiple_of3A_1248 = tpu.assume_multiple %shift_left3A_1247, 128 : i32
        %dma_start3A_1249 = arith.constant 13 : i32
        %dma_start3A_1250 = arith.constant 0 : i32
        %dma_start3A_1251 = arith.constant 0 : i32
        %dma_start3A_1252 = tpu.memref_slice %arg10[%dma_start3A_1249, %dma_start3A_1250, %dma_start3A_1251] : memref<16x32x128xf32, #tpu.memory_space<vmem>> -> memref<1x32x128xf32, #tpu.memory_space<vmem>>
        %dma_start3A_1253 = tpu.memref_squeeze %dma_start3A_1252 : memref<1x32x128xf32, #tpu.memory_space<vmem>> -> memref<32x128xf32, #tpu.memory_space<vmem>>
        %dma_start3A_1254 = arith.constant 0 : i32
        %dma_start3A_1255 = tpu.memref_slice %arg5[%dma_start3A_1254, %multiple_of3A_1248] : memref<32x1000000xf32, #tpu.memory_space<hbm>> -> memref<32x128xf32, #tpu.memory_space<hbm>>
        %dma_start3A_1256 = arith.constant 0 : i32
        %dma_start3A_1257 = arith.constant 0 : i32
        %dma_start3A_1258 = tpu.memref_slice %arg10[%dma_start3A_1249, %dma_start3A_1256, %dma_start3A_1257] : memref<16x32x128xf32, #tpu.memory_space<vmem>> -> memref<1x32x128xf32, #tpu.memory_space<vmem>>
        %dma_start3A_1259 = tpu.memref_squeeze %dma_start3A_1258 : memref<1x32x128xf32, #tpu.memory_space<vmem>> -> memref<32x128xf32, #tpu.memory_space<vmem>>
        %dma_start3A_1260 = arith.constant 0 : i32
        %dma_start3A_1261 = tpu.memref_slice %arg5[%dma_start3A_1260, %multiple_of3A_1248] : memref<32x1000000xf32, #tpu.memory_space<hbm>> -> memref<32x128xf32, #tpu.memory_space<hbm>>
        tpu.enqueue_dma source(%dma_start3A_1261 : memref<32x128xf32, #tpu.memory_space<hbm>>) target(%dma_start3A_1259 : memref<32x128xf32, #tpu.memory_space<vmem>>) target_semaphore(%arg26 : memref<!tpu.dma_semaphore, #tpu.memory_space<semaphore_mem>>)
      } else {
      }
      %dma_wait3A_1170 = arith.constant 14 : i32
      %dma_wait3A_1171 = arith.constant 0 : i32
      %dma_wait3A_1172 = arith.constant 0 : i32
      %dma_wait3A_1173 = tpu.memref_slice %arg10[%dma_wait3A_1170, %dma_wait3A_1171, %dma_wait3A_1172] : memref<16x32x128xf32, #tpu.memory_space<vmem>> -> memref<1x32x128xf32, #tpu.memory_space<vmem>>
      %dma_wait3A_1174 = tpu.memref_squeeze %dma_wait3A_1173 : memref<1x32x128xf32, #tpu.memory_space<vmem>> -> memref<32x128xf32, #tpu.memory_space<vmem>>
      %dma_wait3A_1175 = arith.constant 0 : i32
      %dma_wait3A_1176 = arith.constant 0 : i32
      %dma_wait3A_1177 = tpu.memref_slice %arg5[%dma_wait3A_1175, %dma_wait3A_1176] : memref<32x1000000xf32, #tpu.memory_space<hbm>> -> memref<32x128xf32, #tpu.memory_space<hbm>>
      %dma_wait3A_1178 = arith.constant 0 : i32
      %dma_wait3A_1179 = arith.constant 0 : i32
      %dma_wait3A_1180 = tpu.memref_slice %arg10[%dma_wait3A_1170, %dma_wait3A_1178, %dma_wait3A_1179] : memref<16x32x128xf32, #tpu.memory_space<vmem>> -> memref<1x32x128xf32, #tpu.memory_space<vmem>>
      %dma_wait3A_1181 = tpu.memref_squeeze %dma_wait3A_1180 : memref<1x32x128xf32, #tpu.memory_space<vmem>> -> memref<32x128xf32, #tpu.memory_space<vmem>>
      %dma_wait3A_1182 = arith.constant 0 : i32
      %dma_wait3A_1183 = arith.constant 0 : i32
      %dma_wait3A_1184 = tpu.memref_slice %arg5[%dma_wait3A_1182, %dma_wait3A_1183] : memref<32x1000000xf32, #tpu.memory_space<hbm>> -> memref<32x128xf32, #tpu.memory_space<hbm>>
      tpu.wait_dma2 semaphore(%arg27 : memref<!tpu.dma_semaphore, #tpu.memory_space<semaphore_mem>>) src(%dma_wait3A_1184 : memref<32x128xf32, #tpu.memory_space<hbm>>) dst(%dma_wait3A_1181 : memref<32x128xf32, #tpu.memory_space<vmem>>)
      %slice3A_1185 = vector.extract_strided_slice %get3A_666 {offsets = [14], sizes = [1], strides = [1]} : vector<16xi32> to vector<1xi32>
      %squeeze3A_1186 = vector.extract %slice3A_1185[0] : i32 from vector<1xi32>
      %and3A_1187 = arith.constant 127 : i32
      %and3A_1188 = arith.andi %squeeze3A_1186, %and3A_1187 : i32
      %broadcast_in_dim3A_1189 = arith.constant 14 : i32
      %broadcast_in_dim3A_1190 = vector.broadcast %broadcast_in_dim3A_1189 : i32 to vector<16xi32>
      %broadcast_in_dim3A_1191 = vector.broadcast %and3A_1188 : i32 to vector<16xi32>
      %mul3A_1192 = arith.constant 16 : i32
      %mul3A_1193 = arith.muli %scan3A_662, %mul3A_1192 : i32
      %add3A_1194 = arith.constant 14 : i32
      %add3A_1195 = arith.addi %mul3A_1193, %add3A_1194 : i32
      %broadcast_in_dim3A_1196 = vector.broadcast %add3A_1195 : i32 to vector<16xi32>
      %gather3A_1197 = tpu.vector_load_idx %arg10[%broadcast_in_dim3A_1190, %iota3A, %broadcast_in_dim3A_1191] : memref<16x32x128xf32, #tpu.memory_space<vmem>>[vector<16xi32>, vector<16xi32>, vector<16xi32>], vector<16xf32>,
      %gather3A_1198 = tpu.vector_load_idx %arg10[%broadcast_in_dim3A_1190, %add3A_3, %broadcast_in_dim3A_1191] : memref<16x32x128xf32, #tpu.memory_space<vmem>>[vector<16xi32>, vector<16xi32>, vector<16xi32>], vector<16xf32>,
      tpu.vector_store_idx %arg12[%broadcast_in_dim3A_1196, %iota3A], %gather3A_1197 : memref<128x32xf32, #tpu.memory_space<vmem>>[vector<16xi32>, vector<16xi32>], vector<16xf32>,
      tpu.vector_store_idx %arg12[%broadcast_in_dim3A_1196, %add3A_3], %gather3A_1198 : memref<128x32xf32, #tpu.memory_space<vmem>>[vector<16xi32>, vector<16xi32>], vector<16xf32>,
      %add3A_1199 = arith.constant 1 : i32
      %add3A_1200 = arith.addi %scan3A_662, %add3A_1199 : i32
      %lt3A_1201 = arith.constant 8 : i32
      %lt3A_1202 = arith.cmpi slt, %add3A_1200, %lt3A_1201 : i32
      %convert_element_type3A_1203 = arith.extui %lt3A_1202 : i1 to i32
      %cond3A_1204 = arith.constant 0 : i32
      %cond3A_1205 = arith.cmpi ne, %convert_element_type3A_1203, %cond3A_1204 : i32
      scf.if %cond3A_1205 {
        %slice3A_1242 = vector.extract_strided_slice %get3A_672 {offsets = [14], sizes = [1], strides = [1]} : vector<16xi32> to vector<1xi32>
        %squeeze3A_1243 = vector.extract %slice3A_1242[0] : i32 from vector<1xi32>
        %shift_right_arithmetic3A_1244 = arith.constant 7 : i32
        %shift_right_arithmetic3A_1245 = arith.shrsi %squeeze3A_1243, %shift_right_arithmetic3A_1244 : i32
        %shift_left3A_1246 = arith.constant 7 : i32
        %shift_left3A_1247 = arith.shli %shift_right_arithmetic3A_1245, %shift_left3A_1246 : i32
        %multiple_of3A_1248 = tpu.assume_multiple %shift_left3A_1247, 128 : i32
        %dma_start3A_1249 = arith.constant 14 : i32
        %dma_start3A_1250 = arith.constant 0 : i32
        %dma_start3A_1251 = arith.constant 0 : i32
        %dma_start3A_1252 = tpu.memref_slice %arg10[%dma_start3A_1249, %dma_start3A_1250, %dma_start3A_1251] : memref<16x32x128xf32, #tpu.memory_space<vmem>> -> memref<1x32x128xf32, #tpu.memory_space<vmem>>
        %dma_start3A_1253 = tpu.memref_squeeze %dma_start3A_1252 : memref<1x32x128xf32, #tpu.memory_space<vmem>> -> memref<32x128xf32, #tpu.memory_space<vmem>>
        %dma_start3A_1254 = arith.constant 0 : i32
        %dma_start3A_1255 = tpu.memref_slice %arg5[%dma_start3A_1254, %multiple_of3A_1248] : memref<32x1000000xf32, #tpu.memory_space<hbm>> -> memref<32x128xf32, #tpu.memory_space<hbm>>
        %dma_start3A_1256 = arith.constant 0 : i32
        %dma_start3A_1257 = arith.constant 0 : i32
        %dma_start3A_1258 = tpu.memref_slice %arg10[%dma_start3A_1249, %dma_start3A_1256, %dma_start3A_1257] : memref<16x32x128xf32, #tpu.memory_space<vmem>> -> memref<1x32x128xf32, #tpu.memory_space<vmem>>
        %dma_start3A_1259 = tpu.memref_squeeze %dma_start3A_1258 : memref<1x32x128xf32, #tpu.memory_space<vmem>> -> memref<32x128xf32, #tpu.memory_space<vmem>>
        %dma_start3A_1260 = arith.constant 0 : i32
        %dma_start3A_1261 = tpu.memref_slice %arg5[%dma_start3A_1260, %multiple_of3A_1248] : memref<32x1000000xf32, #tpu.memory_space<hbm>> -> memref<32x128xf32, #tpu.memory_space<hbm>>
        tpu.enqueue_dma source(%dma_start3A_1261 : memref<32x128xf32, #tpu.memory_space<hbm>>) target(%dma_start3A_1259 : memref<32x128xf32, #tpu.memory_space<vmem>>) target_semaphore(%arg27 : memref<!tpu.dma_semaphore, #tpu.memory_space<semaphore_mem>>)
      } else {
      }
      %dma_wait3A_1206 = arith.constant 15 : i32
      %dma_wait3A_1207 = arith.constant 0 : i32
      %dma_wait3A_1208 = arith.constant 0 : i32
      %dma_wait3A_1209 = tpu.memref_slice %arg10[%dma_wait3A_1206, %dma_wait3A_1207, %dma_wait3A_1208] : memref<16x32x128xf32, #tpu.memory_space<vmem>> -> memref<1x32x128xf32, #tpu.memory_space<vmem>>
      %dma_wait3A_1210 = tpu.memref_squeeze %dma_wait3A_1209 : memref<1x32x128xf32, #tpu.memory_space<vmem>> -> memref<32x128xf32, #tpu.memory_space<vmem>>
      %dma_wait3A_1211 = arith.constant 0 : i32
      %dma_wait3A_1212 = arith.constant 0 : i32
      %dma_wait3A_1213 = tpu.memref_slice %arg5[%dma_wait3A_1211, %dma_wait3A_1212] : memref<32x1000000xf32, #tpu.memory_space<hbm>> -> memref<32x128xf32, #tpu.memory_space<hbm>>
      %dma_wait3A_1214 = arith.constant 0 : i32
      %dma_wait3A_1215 = arith.constant 0 : i32
      %dma_wait3A_1216 = tpu.memref_slice %arg10[%dma_wait3A_1206, %dma_wait3A_1214, %dma_wait3A_1215] : memref<16x32x128xf32, #tpu.memory_space<vmem>> -> memref<1x32x128xf32, #tpu.memory_space<vmem>>
      %dma_wait3A_1217 = tpu.memref_squeeze %dma_wait3A_1216 : memref<1x32x128xf32, #tpu.memory_space<vmem>> -> memref<32x128xf32, #tpu.memory_space<vmem>>
      %dma_wait3A_1218 = arith.constant 0 : i32
      %dma_wait3A_1219 = arith.constant 0 : i32
      %dma_wait3A_1220 = tpu.memref_slice %arg5[%dma_wait3A_1218, %dma_wait3A_1219] : memref<32x1000000xf32, #tpu.memory_space<hbm>> -> memref<32x128xf32, #tpu.memory_space<hbm>>
      tpu.wait_dma2 semaphore(%arg28 : memref<!tpu.dma_semaphore, #tpu.memory_space<semaphore_mem>>) src(%dma_wait3A_1220 : memref<32x128xf32, #tpu.memory_space<hbm>>) dst(%dma_wait3A_1217 : memref<32x128xf32, #tpu.memory_space<vmem>>)
      %slice3A_1221 = vector.extract_strided_slice %get3A_666 {offsets = [15], sizes = [1], strides = [1]} : vector<16xi32> to vector<1xi32>
      %squeeze3A_1222 = vector.extract %slice3A_1221[0] : i32 from vector<1xi32>
      %and3A_1223 = arith.constant 127 : i32
      %and3A_1224 = arith.andi %squeeze3A_1222, %and3A_1223 : i32
      %broadcast_in_dim3A_1225 = arith.constant 15 : i32
      %broadcast_in_dim3A_1226 = vector.broadcast %broadcast_in_dim3A_1225 : i32 to vector<16xi32>
      %broadcast_in_dim3A_1227 = vector.broadcast %and3A_1224 : i32 to vector<16xi32>
      %mul3A_1228 = arith.constant 16 : i32
      %mul3A_1229 = arith.muli %scan3A_662, %mul3A_1228 : i32
      %add3A_1230 = arith.constant 15 : i32
      %add3A_1231 = arith.addi %mul3A_1229, %add3A_1230 : i32
      %broadcast_in_dim3A_1232 = vector.broadcast %add3A_1231 : i32 to vector<16xi32>
      %gather3A_1233 = tpu.vector_load_idx %arg10[%broadcast_in_dim3A_1226, %iota3A, %broadcast_in_dim3A_1227] : memref<16x32x128xf32, #tpu.memory_space<vmem>>[vector<16xi32>, vector<16xi32>, vector<16xi32>], vector<16xf32>,
      %gather3A_1234 = tpu.vector_load_idx %arg10[%broadcast_in_dim3A_1226, %add3A_3, %broadcast_in_dim3A_1227] : memref<16x32x128xf32, #tpu.memory_space<vmem>>[vector<16xi32>, vector<16xi32>, vector<16xi32>], vector<16xf32>,
      tpu.vector_store_idx %arg12[%broadcast_in_dim3A_1232, %iota3A], %gather3A_1233 : memref<128x32xf32, #tpu.memory_space<vmem>>[vector<16xi32>, vector<16xi32>], vector<16xf32>,
      tpu.vector_store_idx %arg12[%broadcast_in_dim3A_1232, %add3A_3], %gather3A_1234 : memref<128x32xf32, #tpu.memory_space<vmem>>[vector<16xi32>, vector<16xi32>], vector<16xf32>,
      %add3A_1235 = arith.constant 1 : i32
      %add3A_1236 = arith.addi %scan3A_662, %add3A_1235 : i32
      %lt3A_1237 = arith.constant 8 : i32
      %lt3A_1238 = arith.cmpi slt, %add3A_1236, %lt3A_1237 : i32
      %convert_element_type3A_1239 = arith.extui %lt3A_1238 : i1 to i32
      %cond3A_1240 = arith.constant 0 : i32
      %cond3A_1241 = arith.cmpi ne, %convert_element_type3A_1239, %cond3A_1240 : i32
      scf.if %cond3A_1241 {
        %slice3A_1242 = vector.extract_strided_slice %get3A_672 {offsets = [15], sizes = [1], strides = [1]} : vector<16xi32> to vector<1xi32>
        %squeeze3A_1243 = vector.extract %slice3A_1242[0] : i32 from vector<1xi32>
        %shift_right_arithmetic3A_1244 = arith.constant 7 : i32
        %shift_right_arithmetic3A_1245 = arith.shrsi %squeeze3A_1243, %shift_right_arithmetic3A_1244 : i32
        %shift_left3A_1246 = arith.constant 7 : i32
        %shift_left3A_1247 = arith.shli %shift_right_arithmetic3A_1245, %shift_left3A_1246 : i32
        %multiple_of3A_1248 = tpu.assume_multiple %shift_left3A_1247, 128 : i32
        %dma_start3A_1249 = arith.constant 15 : i32
        %dma_start3A_1250 = arith.constant 0 : i32
        %dma_start3A_1251 = arith.constant 0 : i32
        %dma_start3A_1252 = tpu.memref_slice %arg10[%dma_start3A_1249, %dma_start3A_1250, %dma_start3A_1251] : memref<16x32x128xf32, #tpu.memory_space<vmem>> -> memref<1x32x128xf32, #tpu.memory_space<vmem>>
        %dma_start3A_1253 = tpu.memref_squeeze %dma_start3A_1252 : memref<1x32x128xf32, #tpu.memory_space<vmem>> -> memref<32x128xf32, #tpu.memory_space<vmem>>
        %dma_start3A_1254 = arith.constant 0 : i32
        %dma_start3A_1255 = tpu.memref_slice %arg5[%dma_start3A_1254, %multiple_of3A_1248] : memref<32x1000000xf32, #tpu.memory_space<hbm>> -> memref<32x128xf32, #tpu.memory_space<hbm>>
        %dma_start3A_1256 = arith.constant 0 : i32
        %dma_start3A_1257 = arith.constant 0 : i32
        %dma_start3A_1258 = tpu.memref_slice %arg10[%dma_start3A_1249, %dma_start3A_1256, %dma_start3A_1257] : memref<16x32x128xf32, #tpu.memory_space<vmem>> -> memref<1x32x128xf32, #tpu.memory_space<vmem>>
        %dma_start3A_1259 = tpu.memref_squeeze %dma_start3A_1258 : memref<1x32x128xf32, #tpu.memory_space<vmem>> -> memref<32x128xf32, #tpu.memory_space<vmem>>
        %dma_start3A_1260 = arith.constant 0 : i32
        %dma_start3A_1261 = tpu.memref_slice %arg5[%dma_start3A_1260, %multiple_of3A_1248] : memref<32x1000000xf32, #tpu.memory_space<hbm>> -> memref<32x128xf32, #tpu.memory_space<hbm>>
        tpu.enqueue_dma source(%dma_start3A_1261 : memref<32x128xf32, #tpu.memory_space<hbm>>) target(%dma_start3A_1259 : memref<32x128xf32, #tpu.memory_space<vmem>>) target_semaphore(%arg28 : memref<!tpu.dma_semaphore, #tpu.memory_space<semaphore_mem>>)
      } else {
      }
    }
    %scan3A_655 = arith.constant 8 : i32
    %mul3A_656 = arith.constant 128 : i32
    %mul3A_657 = arith.muli %add3A, %mul3A_656 : i32
    %multiple_of3A_658 = tpu.assume_multiple %mul3A_657, 8 : i32
    "tpu.region"() ({
      %run_scoped3A = tpu.sem_alloc : memref<!tpu.dma_semaphore, #tpu.memory_space<semaphore_mem>>
      %dma_start3A_662 = arith.constant 0 : i32
      %dma_start3A_663 = tpu.memref_slice %arg6[%multiple_of3A_658, %dma_start3A_662] : memref<4096x32xf32, #tpu.memory_space<hbm>> -> memref<128x32xf32, #tpu.memory_space<hbm>>
      %dma_start3A_664 = arith.constant 0 : i32
      %dma_start3A_665 = tpu.memref_slice %arg6[%multiple_of3A_658, %dma_start3A_664] : memref<4096x32xf32, #tpu.memory_space<hbm>> -> memref<128x32xf32, #tpu.memory_space<hbm>>
      tpu.enqueue_dma source(%arg11 : memref<128x32xf32, #tpu.memory_space<vmem>>) target(%dma_start3A_665 : memref<128x32xf32, #tpu.memory_space<hbm>>) target_semaphore(%run_scoped3A : memref<!tpu.dma_semaphore, #tpu.memory_space<semaphore_mem>>)
      %dma_wait3A = arith.constant 0 : i32
      %dma_wait3A_666 = tpu.memref_slice %arg6[%multiple_of3A_658, %dma_wait3A] : memref<4096x32xf32, #tpu.memory_space<hbm>> -> memref<128x32xf32, #tpu.memory_space<hbm>>
      %dma_wait3A_667 = arith.constant 0 : i32
      %dma_wait3A_668 = tpu.memref_slice %arg6[%multiple_of3A_658, %dma_wait3A_667] : memref<4096x32xf32, #tpu.memory_space<hbm>> -> memref<128x32xf32, #tpu.memory_space<hbm>>
      tpu.wait_dma2 semaphore(%run_scoped3A : memref<!tpu.dma_semaphore, #tpu.memory_space<semaphore_mem>>) src(%arg11 : memref<128x32xf32, #tpu.memory_space<vmem>>) dst(%dma_wait3A_668 : memref<128x32xf32, #tpu.memory_space<hbm>>)
      tpu.yield
    }) : () -> ()
    %mul3A_659 = arith.constant 128 : i32
    %mul3A_660 = arith.muli %add3A, %mul3A_659 : i32
    %multiple_of3A_661 = tpu.assume_multiple %mul3A_660, 8 : i32
    "tpu.region"() ({
      %run_scoped3A = tpu.sem_alloc : memref<!tpu.dma_semaphore, #tpu.memory_space<semaphore_mem>>
      %dma_start3A_662 = arith.constant 0 : i32
      %dma_start3A_663 = tpu.memref_slice %arg7[%multiple_of3A_661, %dma_start3A_662] : memref<4096x32xf32, #tpu.memory_space<hbm>> -> memref<128x32xf32, #tpu.memory_space<hbm>>
      %dma_start3A_664 = arith.constant 0 : i32
      %dma_start3A_665 = tpu.memref_slice %arg7[%multiple_of3A_661, %dma_start3A_664] : memref<4096x32xf32, #tpu.memory_space<hbm>> -> memref<128x32xf32, #tpu.memory_space<hbm>>
      tpu.enqueue_dma source(%arg12 : memref<128x32xf32, #tpu.memory_space<vmem>>) target(%dma_start3A_665 : memref<128x32xf32, #tpu.memory_space<hbm>>) target_semaphore(%run_scoped3A : memref<!tpu.dma_semaphore, #tpu.memory_space<semaphore_mem>>)
      %dma_wait3A = arith.constant 0 : i32
      %dma_wait3A_666 = tpu.memref_slice %arg7[%multiple_of3A_661, %dma_wait3A] : memref<4096x32xf32, #tpu.memory_space<hbm>> -> memref<128x32xf32, #tpu.memory_space<hbm>>
      %dma_wait3A_667 = arith.constant 0 : i32
      %dma_wait3A_668 = tpu.memref_slice %arg7[%multiple_of3A_661, %dma_wait3A_667] : memref<4096x32xf32, #tpu.memory_space<hbm>> -> memref<128x32xf32, #tpu.memory_space<hbm>>
      tpu.wait_dma2 semaphore(%run_scoped3A : memref<!tpu.dma_semaphore, #tpu.memory_space<semaphore_mem>>) src(%arg12 : memref<128x32xf32, #tpu.memory_space<vmem>>) dst(%dma_wait3A_668 : memref<128x32xf32, #tpu.memory_space<hbm>>)
      tpu.yield
    }) : () -> ()
    return
  }
}

module attributes {stable_mosaic.version = 14 : i64} {
  func.func @body(%arg0: i32, %arg1: memref<512x32xf32, #tpu.memory_space<vmem>>, %arg2: memref<4096x32xf32, #tpu.memory_space<vmem>>, %arg3: memref<512x4096xf32, #tpu.memory_space<vmem>>) attributes {dimension_semantics = [#tpu.dimension_semantics<arbitrary>], iteration_bounds = array<i64: 8>, scalar_prefetch = 0 : i64, scratch_operands = 0 : i64, tpu.core_type = #tpu.core_type<tc>, window_params = [{transform_indices = @transform_0, window_bounds = array<i64: 512, 32>}, {pipeline_mode = #tpu.pipeline_mode<synchronous>, transform_indices = @transform_1, window_bounds = array<i64: 4096, 32>}, {transform_indices = @transform_2, window_bounds = array<i64: 512, 4096>}]} {
    %get3A = arith.constant 0 : index
    %get3A_0 = arith.constant 0 : index
    %get3A_1 = vector.load %arg1[%get3A, %get3A_0] : memref<512x32xf32, #tpu.memory_space<vmem>>, vector<512x32xf32>
    %get3A_2 = arith.constant 0 : index
    %get3A_3 = arith.constant 0 : index
    %get3A_4 = vector.load %arg2[%get3A_2, %get3A_3] : memref<4096x32xf32, #tpu.memory_space<vmem>>, vector<4096x32xf32>
    %dot_general3A = arith.constant dense<0.000000e+00> : vector<512x4096xf32>
    %dot_general3A_5 = tpu.matmul %get3A_1, %get3A_4, %dot_general3A {dimension_numbers = #tpu.dot_dimension_numbers<[1], [1], [0], [0], [0, 0, 1, 0], [], []>, transpose_lhs_hint = false} : vector<512x32xf32>, vector<4096x32xf32>, vector<512x4096xf32> -> vector<512x4096xf32>
    %swap3A = arith.constant 0 : index
    %swap3A_6 = arith.constant 0 : index
    %swap3A_7 = vector.load %arg3[%swap3A, %swap3A_6] : memref<512x4096xf32, #tpu.memory_space<vmem>>, vector<512x4096xf32>
    tpu.vector_store %arg3[%swap3A, %swap3A_6], %dot_general3A_5 {strides = array<i32>} : memref<512x4096xf32, #tpu.memory_space<vmem>>, vector<512x4096xf32>,
    return
  }
  func.func @transform_0(%arg0: i32) -> (i32, i32) {
    %c0_i32 = arith.constant 0 : i32
    %c0_i32_0 = arith.constant 0 : i32
    return %arg0, %c0_i32 : i32, i32
  }
  func.func @transform_1(%arg0: i32) -> (i32, i32) {
    %c0_i32 = arith.constant 0 : i32
    %c0_i32_0 = arith.constant 0 : i32
    %c0_i32_1 = arith.constant 0 : i32
    return %c0_i32, %c0_i32_0 : i32, i32
  }
  func.func @transform_2(%arg0: i32) -> (i32, i32) {
    %add3A = arith.constant 0 : i32
    %add3A_0 = arith.addi %add3A, %arg0 : i32
    %c0_i32 = arith.constant 0 : i32
    %c0_i32_1 = arith.constant 0 : i32
    return %add3A_0, %c0_i32 : i32, i32
  }
}

</mosaic_0001>

<sc_bundles>
// kernel: kernel.4.cloned.1.call-start
scs
__scs_entry_jumppad:
0x0: {  	(pc) =	sbr.rel $0x88, $3  }
0x1: {  	(tag) =	ssettag $0x0;
	lr =	simm.s32 $0x1  }
0x2: {  	[smem:$0x3F9D] =	sst lr;
	_ =	strace $0xD0000000  }
0x3: {  	_ = 	snop  }
0x4: {  	_ = 	snop  }
0x5: {  	_ = 	snop  }
0x6: {  	_ = 	snop  }
0x7: {  	_ = 	snop  }
__scs_overlays_trampoline_lowered:
0x8: {  	[smem:$0x3FAC] =	sst s0  }
0x9: {  	[smem:$0x3FAD] =	sst s1  }
0xa: {  	[smem:$0x3FAE] =	sst s2  }
0xb: {  	[smem:$0x3FAF] =	sst s3  }
0xc: {  	[smem:$0x3FB0] =	sst s4  }
0xd: {  	[smem:$0x3FB1] =	sst s5  }
0xe: {  	[smem:$0x3FB2] =	sst s6  }
0xf: {  	[smem:$0x3FB3] =	sst s7  }
0x10: {  	[smem:$0x3FB4] =	sst s8  }
0x11: {  	[smem:$0x3FB5] =	sst s9;
	s0 =	simm.s32 @!p0 $0x0  }
0x12: {  	s1 =	sld [smem:$0x3F9B];
	s0 =	simm.s32 @p0 $0x1  }
0x13: {  	[smem:$0x3FB6] =	sst s0;
	s0 =	simm.s32 @!p1 $0x0  }
0x14: {  	s2 =	sld [smem:$0x3F9A];
	s0 =	simm.s32 @p1 $0x1  }
0x15: {  	[smem:$0x3FB7] =	sst s0;
	s0 =	simm.s32 @!p2 $0x0  }
0x16: {  	s3 =	sld [smem:$0x3FDB];
	s0 =	simm.s32 @p2 $0x1  }
0x17: {  	s4 =	simm.s32 $0x1BF5;
	[smem:$0x3FB9] =	sst s0  }
0x18: {  	s0 =	sld [smem:$0x3F9C];
	_ =	swait.ge [sflag:s4], $0x0  }
0x19: {  	s7 =	sld [smem:$0x3F9D]  }
0x1a: {  	s8 =	sadd.s32 $0xFFFFE003, lr  }
0x1b: {  	s9 =	sadd.s32 $0xFFFFFEF7, lr;
	s5 =	simm.s32 $0xFFFFFFFF;
	p2 =	slt.u32 s8, $0xFFFFF086  }
0x1c: {  	p1 =	slt.u32 s9, $0xF7A;
	s5 =	simm.s32 @!p2 $0x0  }
0x1d: {  	s5 =	simm.s32 @p1 $0x1;
	p0 =	seq.s32 s7, s2  }
0x1e: {  	s7 =	smul.u32 @!p0 $0xF7A, s2;
	p2 =	seq.s32 @!p0 s5, $0x0  }
0x1f: {  	s9 =	smul.u32 $0xF7A, s1;
	s8 =	simm.s32 @!p0 $0x1BF5;
	p2 =	por !p2, p0  }
0x20: {  	[sflag:s8] =	ssyncset.s32 @!p0 $0xFFFFF086;
	s6 =	sadd.s32 @!p0 s3, s7;
	s7 =	simm.s32 @!p0 $0x108  }
0x21: {  	s3 =	sadd.s32 s3, s9;
	s6 =	sadd.s32 @!p0 $0x88, s6;
	s7 =	simm.s32 @p2 $0x1082  }
0x22: {  	[simem:s7], [sflag:s8] =	dma.local @!p0 [hbm:s6], $0xF7A  }
0x23: {  	s9 =	sor.u32 $0xD0000000, s2;
	s6 =	simm.s32 $0x108;
	_ =	swait.ge @!p0 [sflag:s8], $0x0  }
0x24: {  	s3 =	sadd.s32 $0x88, s3;
	s6 =	simm.s32 @!p1 $0x1082;
	[sflag:s4] =	ssyncset.s32 $0xFFFFF086  }
0x25: {  	[simem:s6], [sflag:s4] =	dma.local [hbm:s3], $0xF7A  }
0x26: {  	[smem:$0x3F9D] =	sst s1;
	(tag) =	ssettag s2;
	_ =	strace s9  }
0x27: {  	s1 =	sld [smem:$0x3FAD]  }
0x28: {  	s2 =	sld [smem:$0x3FAE]  }
0x29: {  	s4 =	sld [smem:$0x3FB0]  }
0x2a: {  	p0 =	seq.s32 s5, $0x0;
	s5 =	sld [smem:$0x3FB1]  }
0x2b: {  	s6 =	sld [smem:$0x3FB2]  }
0x2c: {  	s7 =	sld [smem:$0x3FB3]  }
0x2d: {  	s3 =	simm.s32 $0x108;
	s8 =	sld [smem:$0x3FB4]  }
0x2e: {  	s3 =	simm.s32 @!p0 $0x1082;
	s9 =	sld [smem:$0x3FB5]  }
0x2f: {  	lr =	sadd.s32 s0, s3;
	s0 =	sld [smem:$0x3FAC]  }
0x30: {  	s3 =	sld [smem:$0x3FAF]  }
0x31: {  	[smem:$0x3FB8] =	sst s10  }
0x32: {  	s10 =	sld [smem:$0x3FB6];
	_ =	sdelay $0x3  }
0x33: {  	p0 =	seq.s32 s10, $0x1;
	s10 =	sld [smem:$0x3FB8];
	_ =	sdelay $0x3  }
0x34: {  	[smem:$0x3FB8] =	sst s10  }
0x35: {  	s10 =	sld [smem:$0x3FB7];
	_ =	sdelay $0x3  }
0x36: {  	p1 =	seq.s32 s10, $0x1;
	s10 =	sld [smem:$0x3FB8];
	_ =	sdelay $0x3  }
0x37: {  	[smem:$0x3FB8] =	sst s10  }
0x38: {  	s10 =	sld [smem:$0x3FB9]  }
0x39: {  	_ = 	snop;
	(pc) =	sbr.ind lr, $3  }
0x3a: {  	_ = 	snop  }
0x3b: {  	_ = 	snop  }
0x3c: {  	p2 =	seq.s32 s10, $0x1;
	s10 =	sld [smem:$0x3FB8]  }
0x3d: {  	_ =	shalt  }
0x3e: {  	_ =	shalt  }
0x3f: {  	_ =	shalt  }
0x40: {  	_ =	shalt  }
0x41: {  	_ =	shalt  }
0x42: {  	_ =	shalt  }
0x43: {  	_ =	shalt  }
0x44: {  	_ =	shalt  }
0x45: {  	_ =	shalt  }
0x46: {  	_ =	shalt  }
0x47: {  	_ =	shalt  }
0x48: {  	_ =	shalt  }
0x49: {  	_ =	shalt  }
0x4a: {  	_ =	shalt  }
0x4b: {  	_ =	shalt  }
0x4c: {  	_ =	shalt  }
0x4d: {  	_ =	shalt  }
0x4e: {  	_ =	shalt  }
0x4f: {  	_ =	shalt  }
0x50: {  	_ =	shalt  }
0x51: {  	_ =	shalt  }
0x52: {  	_ =	shalt  }
0x53: {  	_ =	shalt  }
0x54: {  	_ =	shalt  }
0x55: {  	_ =	shalt  }
0x56: {  	_ =	shalt  }
0x57: {  	_ =	shalt  }
0x58: {  	_ =	shalt  }
0x59: {  	_ =	shalt  }
0x5a: {  	_ =	shalt  }
0x5b: {  	_ =	shalt  }
0x5c: {  	_ =	shalt  }
0x5d: {  	_ =	shalt  }
0x5e: {  	_ =	shalt  }
0x5f: {  	_ =	shalt  }
0x60: {  	_ =	shalt  }
0x61: {  	_ =	shalt  }
0x62: {  	_ =	shalt  }
0x63: {  	_ =	shalt  }
0x64: {  	_ =	shalt  }
0x65: {  	_ =	shalt  }
0x66: {  	_ =	shalt  }
0x67: {  	_ =	shalt  }
0x68: {  	_ =	shalt  }
0x69: {  	_ =	shalt  }
0x6a: {  	_ =	shalt  }
0x6b: {  	_ =	shalt  }
0x6c: {  	_ =	shalt  }
0x6d: {  	_ =	shalt  }
0x6e: {  	_ =	shalt  }
0x6f: {  	_ =	shalt  }
0x70: {  	_ =	shalt  }
0x71: {  	_ =	shalt  }
0x72: {  	_ =	shalt  }
0x73: {  	_ =	shalt  }
0x74: {  	_ =	shalt  }
0x75: {  	_ =	shalt  }
0x76: {  	_ =	shalt  }
0x77: {  	_ =	shalt  }
0x78: {  	_ =	shalt  }
0x79: {  	_ =	shalt  }
0x7a: {  	_ =	shalt  }
0x7b: {  	_ =	shalt  }
0x7c: {  	_ =	shalt  }
0x7d: {  	_ =	shalt  }
0x7e: {  	_ =	shalt  }
0x7f: {  	_ =	shalt  }
0x80: {  	_ =	shalt  }
0x81: {  	_ =	shalt  }
0x82: {  	_ =	shalt  }
0x83: {  	_ =	shalt  }
0x84: {  	_ =	shalt  }
0x85: {  	_ =	shalt  }
0x86: {  	_ =	shalt  }
0x87: {  	_ =	shalt  }
.Lfunc_end0:
.L_simem_size_0:
called_computation_lowered:
.L_overlay_start_0:
0x88: {  	s2 =	sld [smem:$0x3FD9]  }
0x89: {  	s3 =	sld [smem:$0x3FFE];
	_ =	sdelay $0x1  }
0x8a: {  	s1 =	srdreg.scid  }
0x8b: {  	s0 =	sand.u32 $0x1, s1  }
0x8c: {  	s17 =	sshll.u32 s0, $0xA;
	s2 =	sadd.s32 s3, s2  }
0x8d: {  	s2 =	sadd.s32 s2, s17  }
0x8e: {  	[smem:$0x3FC4] =	sst s2  }
0x8f: {  	_ = 	snop  }
0x90: {  	s2 =	sld [smem:$0x3FC9]  }
0x91: {  	s18 =	sld [smem:$0x3FC8]  }
0x92: {  	s4 =	sld [smem:$0x3FC7]  }
0x93: {  	s5 =	sld [smem:$0x3FC6]  }
0x94: {  	s6 =	sld [smem:$0x3FD0];
	(tm) =	ssettm $0x1  }
0x95: {  	s7 =	sld [smem:$0x3FFB];
	_ =	sdelay $0x3  }
0x96: {  	_ =	strace s7  }
0x97: {  	s7 =	sld [smem:$0x3FFC];
	_ =	sdelay $0x3  }
0x98: {  	_ =	strace s7  }
0x99: {  	s7 =	sld [smem:$0x3FFD];
	_ =	sdelay $0x3  }
0x9a: {  	_ =	strace s7  }
0x9b: {  	_ =	strace $0x8FFFFFFF  }
0x9c: {  	s19 =	sld [smem:$0x3FDB];
	_ =	sdelay $0x1  }
0x9d: {  	s8 =	simm.s32 $_scs_section_size  }
0x9e: {  	s9 =	simm.s32 $_size__tile_overlayer_lowered;
	s10 =	simm.s32 $_tile_overlayer_lowered  }
0x9f: {  	s22 =	simm.s32 $0x1BFF;
	s21 =	sshll.u32 s10, $0x1;
	s7 =	sadd.s32 s8, s19  }
0xa0: {  	s11 =	simm.s32 $0x0;
	s20 =	sshll.u32 s9, $0x1;
	s9 =	sadd.s32 s21, s7  }
0xa1: {  	[timem:s11], [sflag:s22] =	dma.local [hbm:s9], s20  }
0xa2: {  	_ =	swait.ge [sflag:s22], s20  }
0xa3: {  	s8 =	ssub.s32 $0x0, s20;
	[sflag:s22] =	ssyncset.done $0x0  }
0xa4: {  	[sflag:s22] =	ssyncadd.s32 s8;
	_ =	sdelay $0x1  }
0xa5: {  	s23 =	simm.s32 $0x1B8B  }
0xa6: {  	_ =	swait.ge [sflag:s23], $0x1  }
0xa7: {  	[sflag:s23] =	ssyncset.done $0x0  }
0xa8: {  	s25 =	simm.s32 $0x1B8E;
	s24 =	sld [smem:$0x3FFE];
	[sflag:s23] =	ssyncadd.s32 $0xFFFFFFFF  }
0xa9: {  	s26 =	simm.s32 $execute0_lowered;
	[smem:$0x3FD2] =	sst s25  }
0xaa: {  	s9 =	sshll.u32 s26, $0x1;
	_ =	strace $0x80000046;
	[dreg:$0x1] =	wrdreg $0xFFFFFFFF  }
0xab: {  	s28 =	simm.s32 $_size_execute0_lowered;
	s7 =	sadd.s32 s7, s9;
	[dreg:$0x0] =	wrdreg $0x0  }
0xac: {  	s9 =	sshll.u32 s28, $0x1;
	[dreg:$0x2] =	wrdreg s7  }
0xad: {  	[dreg:$0x3] =	wrdreg s9  }
0xae: {  	[dreg:$0x4] =	wrdreg $0xC0  }
0xaf: {  	_ =	task [dreg:s11], $0x5FFFF  }
0xb0: {  	[dreg:$0x1] =	wrdreg $0xFFFFFFFF  }
0xb1: {  	[dreg:$0x0] =	wrdreg $0x60  }
0xb2: {  	[dreg:$0x2] =	wrdreg s18  }
0xb3: {  	[dreg:$0x3] =	wrdreg s2  }
0xb4: {  	[dreg:$0x4] =	wrdreg s5  }
0xb5: {  	[dreg:$0x5] =	wrdreg s4  }
0xb6: {  	[dreg:$0x6] =	wrdreg s6  }
0xb7: {  	[dreg:$0x7] =	wrdreg s24  }
0xb8: {  	[dreg:$0x8] =	wrdreg $0x9  }
0xb9: {  	_ =	task.clear_ibuf [dreg:s11], $0x9FFFF;
	_ =	strace $0x90000046  }
0xba: {  	s29 =	simm.s32 $0x9;
	_ =	strace $0x80000048  }
0xbb: {  	_ =	swait.ge [sflag:s29], $0x1  }
0xbc: {  	[sflag:s29] =	ssyncadd.s32 $0xFFFFFFFF  }
0xbd: {  	_ =	strace $0x90000048  }
0xbe: {  	_ =	sfence  }
0xbf: {  	s30 =	sld [smem:$0x0];
	_ =	sdelay $0x2  }
0xc0: {  	s31 =	sshll.u32 s1, $0xD;
	s1 =	sshrl.u32 s1, $0x2  }
0xc1: {  	s3 =	sand.u32 $0x4000, s31;
	s1 =	sadd.s32 s1, s30  }
0xc2: {  	s0 =	sor.u32 s3, s0;
	s1 =	sshll.u32 s1, $0x11  }
0xc3: {  	s0 =	sor.u32 s1, s0  }
0xc4: {  	s0 =	sadd.s32 $0x8F2B, s0  }
0xc5: {  	[sflag:s0] =	ssyncadd.remote.s32 $0x1  }
0xc6: {  	_ =	sfence.sel $0xFFFF  }
0xc7: {  	[dreg:$0x0] =	wrdreg $0xFFFFFFFF;
	(pc) =	sbr.abs _section_cstart, $3  }
0xc8: {  	[dreg:$0x1] =	wrdreg $0xFFFFFFFF  }
0xc9: {  	_ =	task.clear_ibuf [dreg:s11], $0x2FFFF;
	_ =	strace $0x9FFFFFFF  }
0xca: {  	(tm) =	ssettm $0x7FFFFFFF  }
0xcb: {  	_ =	shalt  }
tec
execute0_lowered:
.L_overlay_start_1:
0x0: {  	(tag) =	ssettag $0x1  }
0x1: {  	s0 =	rddreg [dreg:$0x0]  }
0x2: {  	s3 =	rddreg [dreg:$0x1]  }
0x3: {  	s1 =	rddreg [dreg:$0x2]  }
0x4: {  	s2 =	rddreg [dreg:$0x3]  }
0x5: {  	s5 =	rddreg [dreg:$0x4]  }
0x6: {  	s6 =	rddreg [dreg:$0x5]  }
0x7: {  	s4 =	srdreg.scid;
	s8 =	stileid.u32;
	s25 =	simm.s32 $0x11  }
0x8: {  	s12 =	simm.s32 $0x400;
	s13 =	simm.s32 $0x7A1400;
	s14 =	simm.s32 $0x200  }
0x9: {  	v0 =	vlaneseq.u32;
	s31 =	simm.s32 $0x1;
	s11 =	simm.s32 $0x3;
	s15 =	simm.s32 $0x4  }
0xa: {  	s16 =	simm.s32 $0x5;
	s17 =	simm.s32 $0x6;
	s18 =	simm.s32 $0x8;
	v1 =	vmul.u32 $0x80, v0  }
0xb: {  	s19 =	simm.s32 $0xC;
	s20 =	simm.s32 $0xE;
	s21 =	simm.s32 $0xF  }
0xc: {  	s22 =	simm.s32 $0x10;
	s23 =	simm.s32 $0x14200;
	s24 =	simm.s32 $0x0;
	v3 =	vor.u32 $0x10, v0;
	v2 =	vor.u32 $0x800, v1  }
0xd: {  	s7 =	sand.u32 $0x1, s4;
	s4 =	simm.s32 $0x0;
	s8 =	sshll.u32 s8, $0x8;
	v4 =	vor.u32 $0x1000, v1;
	v5 =	vor.u32 $0x1800, v1;
	v6 =	vor.u32 $0x2000, v1  }
0xe: {  	s9 =	sshll.u32 s7, $0x7;
	[smem:$0x7FF] =	sst s4;
	s7 =	ssub.s32 $0x2, s7;
	v7 =	vor.u32 $0x2800, v1;
	v8 =	vor.u32 $0x3000, v1;
	v9 =	vor.u32 $0x3800, v1  }
0xf: {  	s8 =	sor.u32 s9, s8;
	_ =	strace $0x80000047;
	s10 =	sshrl.u32 s7, $0x1;
	v10 =	vor.u32 $0x4000, v1;
	v11 =	vor.u32 $0x4800, v1;
	v12 =	vor.u32 $0x5000, v1  }
0x10: {  	v13 =	vor.u32 $0x5800, v1;
	v14 =	vor.u32 $0x6000, v1;
	v15 =	vor.u32 $0x6800, v1;
	s9 =	sshll.u32 s8, $0x4;
	s8 =	sshrl.u32 s8, $0x3;
	s7 =	ssub.s32 s7, s10  }
0x11: {  	v16 =	vor.u32 $0x7000, v1;
	v17 =	vor.u32 $0x7800, v1;
	v18 =	vor.u32 $0x8000, v1;
	s6 =	sadd.s32 s9, s6;
	s0 =	sadd.s32 s0, s8;
	s26 =	sadd.s32 s3, s8  }
0x12: {  	v19 =	vor.u32 $0x8800, v1;
	v20 =	vor.u32 $0x9000, v1;
	v21 =	vor.u32 $0x9800, v1;
	s28 =	sadd.s32 s5, s9;
	s30 =	smax.u32 s7, $0x1;
	[dreg:$0x7] =	wrdreg s0  }
0x13: {  	v22 =	vor.u32 $0xA000, v1;
	v23 =	vor.u32 $0xA800, v1;
	v24 =	vor.u32 $0xB000, v1;
	s3 =	simm.s32 $0x2;
	s5 =	simm.s32 $0x7;
	[dreg:$0x8] =	wrdreg s26  }
0x14: {  	v25 =	vor.u32 $0xB800, v1;
	v26 =	vor.u32 $0xC000, v1;
	v27 =	vor.u32 $0xC800, v1;
	s7 =	simm.s32 $0xA;
	s8 =	simm.s32 $0xB;
	[dreg:$0x9] =	wrdreg s28  }
0x15: {  	v28 =	vor.u32 $0xD000, v1;
	v29 =	vor.u32 $0xD800, v1;
	v30 =	vor.u32 $0xE000, v1;
	s9 =	simm.s32 $0xD;
	s29 =	sadd.s32 $0xC00, s6;
	[dreg:$0xb] =	wrdreg s30  }
0x16: {  	v31 =	vor.u32 $0xE800, v1;
	v32 =	vor.u32 $0xF000, v1;
	v33 =	vor.u32 $0xF800, v1;
	s0 =	simm.s32 $0x10200;
	s6 =	simm.s32 $0x9;
	[dreg:$0xa] =	wrdreg s29  }
.LBB2_1:
0x17: {  	s10 =	rddreg [dreg:$0x7]  }
0x18: {  	[tilespmem:s4], [sflag:$0x11] =	stream.linear.gather [hbm4b:s10+s4], $0x80, $0x38;
	[tilespmem:$0x18200] =	vst v63  }
0x19: {  	_ =	swait.ge [sflag:s25], $0x80  }
0x1a: {  	[sflag:s25] =	ssyncset.done $0x0  }
0x1b: {  	s26 =	simm.s32 $0x100;
	s30 =	rddreg [dreg:$0x8];
	[sflag:s25] =	ssyncadd.s32 $0xFFFFFF80  }
0x1c: {  	[tilespmem:s26], [sflag:$0x11] =	stream.linear.gather [hbm4b:s30+s4], $0x80, $0x38;
	[tilespmem:$0x18200] =	vst v63  }
0x1d: {  	_ =	swait.ge [sflag:s25], $0x80  }
0x1e: {  	[sflag:s25] =	ssyncset.done $0x0  }
0x1f: {  	[sflag:s25] =	ssyncadd.s32 $0xFFFFFF80  }
0x20: {  	v34 =	vld [tilespmem:$0x0];
	_ =	sdelay $0x4  }
0x21: {  	(v2sf) =	vpush v34, $0x0  }
0x22: {  	(v2sf) =	vpush v34, $0x1;
	_ =	sdelay $0x5  }
0x23: {  	(v2sf) =	vpush v34, $0x2;
	_ =	sdelay $0x1  }
0x24: {  	(v2sf) =	vpush v34, $0x3;
	_ =	sdelay $0x5  }
0x25: {  	s28 =	spop (v2sf);
	(v2sf) =	vpush v34, $0x4  }
0x26: {  	s29 =	spop (v2sf);
	(v2sf) =	vpush v34, $0x5;
	_ =	sdelay $0x4  }
0x27: {  	s25 =	sand.u32 $0xFFFFF80, s28  }
0x28: {  	s25 =	sadd.s32 s1, s25;
	s4 =	spop (v2sf);
	(v2sf) =	vpush v34, $0x6  }
0x29: {  	[tilespmem:s14], [sflag:$0x1] =	stream.strided.gather [hbm4b:s25+s12], $0x1000, s13, s12, $0x38;
	[tilespmem:$0x18200] =	vst v63  }
0x2a: {  	s25 =	sand.u32 $0xFFFFF80, s29;
	s26 =	spop (v2sf);
	(v2sf) =	vpush v34, $0x7  }
0x2b: {  	s30 =	simm.s32 $0x1200;
	s25 =	sadd.s32 s1, s25  }
0x2c: {  	[tilespmem:s30], [sflag:$0x2] =	stream.strided.gather [hbm4b:s25+s12], $0x1000, s13, s12, $0x38;
	[tilespmem:$0x18200] =	vst v63  }
0x2d: {  	s25 =	sand.u32 $0xFFFFF80, s4  }
0x2e: {  	s10 =	simm.s32 $0x2200;
	s25 =	sadd.s32 s1, s25  }
0x2f: {  	[tilespmem:s10], [sflag:$0x3] =	stream.strided.gather [hbm4b:s25+s12], $0x1000, s13, s12, $0x38;
	[tilespmem:$0x18200] =	vst v63  }
0x30: {  	s25 =	sand.u32 $0xFFFFF80, s26;
	s29 =	spop (v2sf);
	(v2sf) =	vpush v34, $0x8  }
0x31: {  	s28 =	simm.s32 $0x3200;
	s25 =	sadd.s32 s1, s25;
	s4 =	spop (v2sf);
	(v2sf) =	vpush v34, $0x9  }
0x32: {  	[tilespmem:s28], [sflag:$0x4] =	stream.strided.gather [hbm4b:s25+s12], $0x1000, s13, s12, $0x38;
	[tilespmem:$0x18200] =	vst v63  }
0x33: {  	s25 =	sand.u32 $0xFFFFF80, s29;
	(v2sf) =	vpush v34, $0xA  }
0x34: {  	s30 =	simm.s32 $0x4200;
	s25 =	sadd.s32 s1, s25  }
0x35: {  	[tilespmem:s30], [sflag:$0x5] =	stream.strided.gather [hbm4b:s25+s12], $0x1000, s13, s12, $0x38;
	[tilespmem:$0x18200] =	vst v63  }
0x36: {  	s25 =	sand.u32 $0xFFFFF80, s4  }
0x37: {  	s10 =	simm.s32 $0x5200;
	s26 =	spop (v2sf);
	s25 =	sadd.s32 s1, s25  }
0x38: {  	(v2sf) =	vpush v34, $0xB;
	[tilespmem:s10], [sflag:$0x6] =	stream.strided.gather [hbm4b:s25+s12], $0x1000, s13, s12, $0x38;
	[tilespmem:$0x18200] =	vst v63  }
0x39: {  	s29 =	spop (v2sf);
	(v2sf) =	vpush v34, $0xC;
	s25 =	sand.u32 $0xFFFFF80, s26  }
0x3a: {  	s28 =	simm.s32 $0x6200;
	s25 =	sadd.s32 s1, s25  }
0x3b: {  	[tilespmem:s28], [sflag:$0x7] =	stream.strided.gather [hbm4b:s25+s12], $0x1000, s13, s12, $0x38;
	[tilespmem:$0x18200] =	vst v63  }
0x3c: {  	s25 =	sand.u32 $0xFFFFF80, s29  }
0x3d: {  	s30 =	simm.s32 $0x7200;
	s25 =	sadd.s32 s1, s25  }
0x3e: {  	[tilespmem:s30], [sflag:$0x8] =	stream.strided.gather [hbm4b:s25+s12], $0x1000, s13, s12, $0x38;
	[tilespmem:$0x18200] =	vst v63  }
0x3f: {  	s4 =	spop (v2sf);
	(v2sf) =	vpush v34, $0xD  }
0x40: {  	s26 =	spop (v2sf);
	(v2sf) =	vpush v34, $0xE  }
0x41: {  	s25 =	sand.u32 $0xFFFFF80, s4  }
0x42: {  	s10 =	simm.s32 $0x8200;
	s25 =	sadd.s32 s1, s25;
	s29 =	spop (v2sf)  }
0x43: {  	(v2sf) =	vpush v34, $0xF;
	[tilespmem:s10], [sflag:$0x9] =	stream.strided.gather [hbm4b:s25+s12], $0x1000, s13, s12, $0x38;
	[tilespmem:$0x18200] =	vst v63  }
0x44: {  	s25 =	sand.u32 $0xFFFFF80, s26  }
0x45: {  	s28 =	simm.s32 $0x9200;
	s25 =	sadd.s32 s1, s25  }
0x46: {  	[tilespmem:s28], [sflag:$0xA] =	stream.strided.gather [hbm4b:s25+s12], $0x1000, s13, s12, $0x38;
	[tilespmem:$0x18200] =	vst v63  }
0x47: {  	s30 =	spop (v2sf);
	s10 =	simm.s32 $0xA200;
	s25 =	sand.u32 $0xFFFFF80, s29  }
0x48: {  	s28 =	sand.u32 $0xFFFFF80, s30;
	s29 =	spop (v2sf);
	s25 =	sadd.s32 s1, s25  }
0x49: {  	[tilespmem:s10], [sflag:$0xB] =	stream.strided.gather [hbm4b:s25+s12], $0x1000, s13, s12, $0x38;
	[tilespmem:$0x18200] =	vst v63  }
0x4a: {  	s30 =	simm.s32 $0xB200;
	s4 =	sand.u32 $0xFFFFF80, s29;
	s25 =	sadd.s32 s1, s28  }
0x4b: {  	[tilespmem:s30], [sflag:$0xC] =	stream.strided.gather [hbm4b:s25+s12], $0x1000, s13, s12, $0x38;
	[tilespmem:$0x18200] =	vst v63  }
0x4c: {  	s28 =	simm.s32 $0xC200;
	s25 =	sadd.s32 s1, s4  }
0x4d: {  	[tilespmem:s28], [sflag:$0xD] =	stream.strided.gather [hbm4b:s25+s12], $0x1000, s13, s12, $0x38;
	[tilespmem:$0x18200] =	vst v63  }
0x4e: {  	s10 =	spop (v2sf)  }
0x4f: {  	s29 =	sand.u32 $0xFFFFF80, s10;
	s30 =	spop (v2sf)  }
0x50: {  	s10 =	simm.s32 $0xD200;
	s25 =	sadd.s32 s1, s29;
	s26 =	sand.u32 $0xFFFFF80, s30  }
0x51: {  	[tilespmem:s10], [sflag:$0xE] =	stream.strided.gather [hbm4b:s25+s12], $0x1000, s13, s12, $0x38;
	[tilespmem:$0x18200] =	vst v63  }
0x52: {  	s28 =	simm.s32 $0xE200;
	s29 =	spop (v2sf);
	s25 =	sadd.s32 s1, s26  }
0x53: {  	[tilespmem:s28], [sflag:$0xF] =	stream.strided.gather [hbm4b:s25+s12], $0x1000, s13, s12, $0x38;
	[tilespmem:$0x18200] =	vst v63  }
0x54: {  	s25 =	sand.u32 $0xFFFFF80, s29  }
0x55: {  	s30 =	simm.s32 $0xF200;
	s25 =	sadd.s32 s1, s25  }
0x56: {  	[tilespmem:s30], [sflag:$0x10] =	stream.strided.gather [hbm4b:s25+s12], $0x1000, s13, s12, $0x38;
	[tilespmem:$0x18200] =	vst v63  }
0x57: {  	s26 =	simm.s32 $0xF;
	s25 =	simm.s32 $0x10  }
.LBB2_2:
0x58: {  	v34 =	vld [tilespmem:s25+$0xFFFFFFF0];
	_ =	sdelay $0x3  }
0x59: {  	v35 =	vld [tilespmem:s25+$0x0];
	_ =	swait.ge [sflag:s31], $0x1000  }
0x5a: {  	(v2sf) =	vpush v34, $0x0;
	_ =	sdelay $0x9  }
0x5b: {  	p0 =	seq.s32 s26, $0x7F  }
0x5c: {  	(v2sf) =	vpush @!p0 v35, $0x0;
	_ =	sdelay $0x3  }
0x5d: {  	s28 =	spop (v2sf)  }
0x5e: {  	s28 =	sand.u32 $0x7F, s28  }
0x5f: {  	v36 =	vor.u32 s28, v1  }
0x60: {  	v37 =	vor.u32 s28, v2;
	_ =	sdelay $0x1  }
0x61: {  	[sflag:s31] =	ssyncset.done $0x0;
	s28 =	sshll.u32 s26, $0x7  }
0x62: {  	[sflag:s31] =	ssyncadd.s32 $0xFFFFF000;
	s29 =	sadd.s32 $0xFFFFF880, s28  }
0x63: {  	v38 =	vor.u32 s29, v0;
	v36 =	vld.idx.msk [tilespmem:v36+s14+$0x0], $0xffff  }
0x64: {  	v39 =	vor.u32 s29, v3;
	v37 =	vld.idx.msk [tilespmem:v37+s14+$0x0], $0xffff;
	_ =	sdelay $0x2  }
0x65: {  	s29 =	spop @!p0 (v2sf)  }
0x66: {  	s30 =	simm.s32 @!p0 $0x7A1400;
	s29 =	sand.u32 @!p0 $0xFFFFF80, s29;
	[tilespmem:v38+s0+$0x0] =	vst.idx.msk $0xffff, v36  }
0x67: {  	s10 =	simm.s32 @!p0 $0x200;
	s4 =	sadd.s32 @!p0 s1, s29;
	s29 =	simm.s32 @!p0 $0x400;
	[tilespmem:v39+s0+$0x0] =	vst.idx.msk $0xffff, v37  }
0x68: {  	[tilespmem:s10], [sflag:$0x1] =	stream.strided.gather @!p0 [hbm4b:s4+s29], $0x1000, s30, s29, $0x38;
	[tilespmem:$0x18200] =	vst v63  }
0x69: {  	_ =	swait.ge [sflag:s3], $0x1000  }
0x6a: {  	(v2sf) =	vpush v34, $0x1;
	_ =	sdelay $0xa  }
0x6b: {  	(v2sf) =	vpush @!p0 v35, $0x1;
	_ =	sdelay $0x3  }
0x6c: {  	s10 =	spop (v2sf)  }
0x6d: {  	s4 =	sand.u32 $0x7F, s10  }
0x6e: {  	v52 =	vor.u32 s4, v4  }
0x6f: {  	v53 =	vor.u32 s4, v5;
	_ =	sdelay $0x1  }
0x70: {  	[sflag:s3] =	ssyncset.done $0x0  }
0x71: {  	[sflag:s3] =	ssyncadd.s32 $0xFFFFF000;
	s10 =	sadd.s32 $0xFFFFF900, s28  }
0x72: {  	v54 =	vor.u32 s10, v0;
	v36 =	vld.idx.msk [tilespmem:v52+s14+$0x0], $0xffff  }
0x73: {  	v55 =	vor.u32 s10, v3;
	v37 =	vld.idx.msk [tilespmem:v53+s14+$0x0], $0xffff;
	_ =	sdelay $0x2  }
0x74: {  	s4 =	spop @!p0 (v2sf)  }
0x75: {  	s4 =	sand.u32 @!p0 $0xFFFFF80, s4;
	[tilespmem:v54+s0+$0x0] =	vst.idx.msk $0xffff, v36  }
0x76: {  	s10 =	simm.s32 @!p0 $0x1200;
	s4 =	sadd.s32 @!p0 s1, s4;
	[tilespmem:v55+s0+$0x0] =	vst.idx.msk $0xffff, v37  }
0x77: {  	[tilespmem:s10], [sflag:$0x2] =	stream.strided.gather @!p0 [hbm4b:s4+s29], $0x1000, s30, s29, $0x38;
	[tilespmem:$0x18200] =	vst v63  }
0x78: {  	_ =	swait.ge [sflag:s11], $0x1000  }
0x79: {  	(v2sf) =	vpush v34, $0x2;
	_ =	sdelay $0xa  }
0x7a: {  	(v2sf) =	vpush @!p0 v35, $0x2;
	_ =	sdelay $0x3  }
0x7b: {  	s10 =	spop (v2sf)  }
0x7c: {  	s4 =	sand.u32 $0x7F, s10  }
0x7d: {  	v56 =	vor.u32 s4, v6  }
0x7e: {  	v57 =	vor.u32 s4, v7;
	_ =	sdelay $0x1  }
0x7f: {  	[sflag:s11] =	ssyncset.done $0x0  }
0x80: {  	[sflag:s11] =	ssyncadd.s32 $0xFFFFF000;
	s10 =	sadd.s32 $0xFFFFF980, s28  }
0x81: {  	v58 =	vor.u32 s10, v0;
	v36 =	vld.idx.msk [tilespmem:v56+s14+$0x0], $0xffff  }
0x82: {  	v59 =	vor.u32 s10, v3;
	v37 =	vld.idx.msk [tilespmem:v57+s14+$0x0], $0xffff;
	_ =	sdelay $0x2  }
0x83: {  	s4 =	spop @!p0 (v2sf)  }
0x84: {  	s4 =	sand.u32 @!p0 $0xFFFFF80, s4;
	[tilespmem:v58+s0+$0x0] =	vst.idx.msk $0xffff, v36  }
0x85: {  	s10 =	simm.s32 @!p0 $0x2200;
	s4 =	sadd.s32 @!p0 s1, s4;
	[tilespmem:v59+s0+$0x0] =	vst.idx.msk $0xffff, v37  }
0x86: {  	[tilespmem:s10], [sflag:$0x3] =	stream.strided.gather @!p0 [hbm4b:s4+s29], $0x1000, s30, s29, $0x38;
	[tilespmem:$0x18200] =	vst v63  }
0x87: {  	_ =	swait.ge [sflag:s15], $0x1000  }
0x88: {  	(v2sf) =	vpush v34, $0x3;
	_ =	sdelay $0xa  }
0x89: {  	(v2sf) =	vpush @!p0 v35, $0x3;
	_ =	sdelay $0x3  }
0x8a: {  	s10 =	spop (v2sf)  }
0x8b: {  	s4 =	sand.u32 $0x7F, s10  }
0x8c: {  	v60 =	vor.u32 s4, v8  }
0x8d: {  	v61 =	vor.u32 s4, v9;
	_ =	sdelay $0x1  }
0x8e: {  	[sflag:s15] =	ssyncset.done $0x0  }
0x8f: {  	[sflag:s15] =	ssyncadd.s32 $0xFFFFF000;
	s10 =	sadd.s32 $0xFFFFFA00, s28  }
0x90: {  	v62 =	vor.u32 s10, v0;
	v36 =	vld.idx.msk [tilespmem:v60+s14+$0x0], $0xffff  }
0x91: {  	v63 =	vor.u32 s10, v3;
	v37 =	vld.idx.msk [tilespmem:v61+s14+$0x0], $0xffff;
	_ =	sdelay $0x2  }
0x92: {  	s4 =	spop @!p0 (v2sf)  }
0x93: {  	s4 =	sand.u32 @!p0 $0xFFFFF80, s4;
	[tilespmem:v62+s0+$0x0] =	vst.idx.msk $0xffff, v36  }
0x94: {  	s10 =	simm.s32 @!p0 $0x3200;
	s4 =	sadd.s32 @!p0 s1, s4;
	[tilespmem:v63+s0+$0x0] =	vst.idx.msk $0xffff, v37  }
0x95: {  	[tilespmem:s10], [sflag:$0x4] =	stream.strided.gather @!p0 [hbm4b:s4+s29], $0x1000, s30, s29, $0x38;
	[tilespmem:$0x18200] =	vst v63  }
0x96: {  	_ =	swait.ge [sflag:s16], $0x1000  }
0x97: {  	(v2sf) =	vpush v34, $0x4;
	_ =	sdelay $0xa  }
0x98: {  	(v2sf) =	vpush @!p0 v35, $0x4;
	_ =	sdelay $0x3  }
0x99: {  	s10 =	spop (v2sf)  }
0x9a: {  	s4 =	sand.u32 $0x7F, s10  }
0x9b: {  	v40 =	vor.u32 s4, v10  }
0x9c: {  	v41 =	vor.u32 s4, v11;
	_ =	sdelay $0x1  }
0x9d: {  	[sflag:s16] =	ssyncset.done $0x0  }
0x9e: {  	[sflag:s16] =	ssyncadd.s32 $0xFFFFF000;
	s10 =	sadd.s32 $0xFFFFFA80, s28  }
0x9f: {  	v42 =	vor.u32 s10, v0;
	v36 =	vld.idx.msk [tilespmem:v40+s14+$0x0], $0xffff  }
0xa0: {  	v43 =	vor.u32 s10, v3;
	v37 =	vld.idx.msk [tilespmem:v41+s14+$0x0], $0xffff;
	_ =	sdelay $0x2  }
0xa1: {  	s4 =	spop @!p0 (v2sf)  }
0xa2: {  	s4 =	sand.u32 @!p0 $0xFFFFF80, s4;
	[tilespmem:v42+s0+$0x0] =	vst.idx.msk $0xffff, v36  }
0xa3: {  	s10 =	simm.s32 @!p0 $0x4200;
	s4 =	sadd.s32 @!p0 s1, s4;
	[tilespmem:v43+s0+$0x0] =	vst.idx.msk $0xffff, v37  }
0xa4: {  	[tilespmem:s10], [sflag:$0x5] =	stream.strided.gather @!p0 [hbm4b:s4+s29], $0x1000, s30, s29, $0x38;
	[tilespmem:$0x18200] =	vst v63  }
0xa5: {  	_ =	swait.ge [sflag:s17], $0x1000  }
0xa6: {  	(v2sf) =	vpush v34, $0x5;
	_ =	sdelay $0xa  }
0xa7: {  	(v2sf) =	vpush @!p0 v35, $0x5;
	_ =	sdelay $0x3  }
0xa8: {  	s10 =	spop (v2sf)  }
0xa9: {  	s4 =	sand.u32 $0x7F, s10  }
0xaa: {  	v44 =	vor.u32 s4, v12  }
0xab: {  	v45 =	vor.u32 s4, v13;
	_ =	sdelay $0x1  }
0xac: {  	[sflag:s17] =	ssyncset.done $0x0  }
0xad: {  	[sflag:s17] =	ssyncadd.s32 $0xFFFFF000;
	s10 =	sadd.s32 $0xFFFFFB00, s28  }
0xae: {  	v46 =	vor.u32 s10, v0;
	v36 =	vld.idx.msk [tilespmem:v44+s14+$0x0], $0xffff  }
0xaf: {  	v47 =	vor.u32 s10, v3;
	v37 =	vld.idx.msk [tilespmem:v45+s14+$0x0], $0xffff;
	_ =	sdelay $0x2  }
0xb0: {  	s4 =	spop @!p0 (v2sf)  }
0xb1: {  	s4 =	sand.u32 @!p0 $0xFFFFF80, s4;
	[tilespmem:v46+s0+$0x0] =	vst.idx.msk $0xffff, v36  }
0xb2: {  	s10 =	simm.s32 @!p0 $0x5200;
	s4 =	sadd.s32 @!p0 s1, s4;
	[tilespmem:v47+s0+$0x0] =	vst.idx.msk $0xffff, v37  }
0xb3: {  	[tilespmem:s10], [sflag:$0x6] =	stream.strided.gather @!p0 [hbm4b:s4+s29], $0x1000, s30, s29, $0x38;
	[tilespmem:$0x18200] =	vst v63  }
0xb4: {  	_ =	swait.ge [sflag:s5], $0x1000  }
0xb5: {  	(v2sf) =	vpush v34, $0x6;
	_ =	sdelay $0xa  }
0xb6: {  	(v2sf) =	vpush @!p0 v35, $0x6;
	_ =	sdelay $0x3  }
0xb7: {  	s10 =	spop (v2sf)  }
0xb8: {  	s4 =	sand.u32 $0x7F, s10  }
0xb9: {  	v48 =	vor.u32 s4, v14  }
0xba: {  	v49 =	vor.u32 s4, v15;
	_ =	sdelay $0x1  }
0xbb: {  	[sflag:s5] =	ssyncset.done $0x0  }
0xbc: {  	[sflag:s5] =	ssyncadd.s32 $0xFFFFF000;
	s10 =	sadd.s32 $0xFFFFFB80, s28  }
0xbd: {  	v50 =	vor.u32 s10, v0;
	v36 =	vld.idx.msk [tilespmem:v48+s14+$0x0], $0xffff  }
0xbe: {  	v51 =	vor.u32 s10, v3;
	v37 =	vld.idx.msk [tilespmem:v49+s14+$0x0], $0xffff;
	_ =	sdelay $0x2  }
0xbf: {  	s4 =	spop @!p0 (v2sf)  }
0xc0: {  	s4 =	sand.u32 @!p0 $0xFFFFF80, s4;
	[tilespmem:v50+s0+$0x0] =	vst.idx.msk $0xffff, v36  }
0xc1: {  	s10 =	simm.s32 @!p0 $0x6200;
	s4 =	sadd.s32 @!p0 s1, s4;
	[tilespmem:v51+s0+$0x0] =	vst.idx.msk $0xffff, v37  }
0xc2: {  	[tilespmem:s10], [sflag:$0x7] =	stream.strided.gather @!p0 [hbm4b:s4+s29], $0x1000, s30, s29, $0x38;
	[tilespmem:$0x18200] =	vst v63  }
0xc3: {  	_ =	swait.ge [sflag:s18], $0x1000  }
0xc4: {  	(v2sf) =	vpush v34, $0x7;
	_ =	sdelay $0xa  }
0xc5: {  	(v2sf) =	vpush @!p0 v35, $0x7;
	_ =	sdelay $0x3  }
0xc6: {  	s10 =	spop (v2sf)  }
0xc7: {  	s4 =	sand.u32 $0x7F, s10  }
0xc8: {  	v52 =	vor.u32 s4, v16  }
0xc9: {  	v53 =	vor.u32 s4, v17;
	_ =	sdelay $0x1  }
0xca: {  	[sflag:s18] =	ssyncset.done $0x0  }
0xcb: {  	[sflag:s18] =	ssyncadd.s32 $0xFFFFF000;
	s10 =	sadd.s32 $0xFFFFFC00, s28  }
0xcc: {  	v54 =	vor.u32 s10, v0;
	v36 =	vld.idx.msk [tilespmem:v52+s14+$0x0], $0xffff  }
0xcd: {  	v55 =	vor.u32 s10, v3;
	v37 =	vld.idx.msk [tilespmem:v53+s14+$0x0], $0xffff;
	_ =	sdelay $0x2  }
0xce: {  	s4 =	spop @!p0 (v2sf)  }
0xcf: {  	s4 =	sand.u32 @!p0 $0xFFFFF80, s4;
	[tilespmem:v54+s0+$0x0] =	vst.idx.msk $0xffff, v36  }
0xd0: {  	s10 =	simm.s32 @!p0 $0x7200;
	s4 =	sadd.s32 @!p0 s1, s4;
	[tilespmem:v55+s0+$0x0] =	vst.idx.msk $0xffff, v37  }
0xd1: {  	[tilespmem:s10], [sflag:$0x8] =	stream.strided.gather @!p0 [hbm4b:s4+s29], $0x1000, s30, s29, $0x38;
	[tilespmem:$0x18200] =	vst v63  }
0xd2: {  	_ =	swait.ge [sflag:s6], $0x1000  }
0xd3: {  	(v2sf) =	vpush v34, $0x8;
	_ =	sdelay $0xa  }
0xd4: {  	(v2sf) =	vpush @!p0 v35, $0x8;
	_ =	sdelay $0x3  }
0xd5: {  	s10 =	spop (v2sf)  }
0xd6: {  	s4 =	sand.u32 $0x7F, s10  }
0xd7: {  	v56 =	vor.u32 s4, v18  }
0xd8: {  	v57 =	vor.u32 s4, v19;
	_ =	sdelay $0x1  }
0xd9: {  	[sflag:s6] =	ssyncset.done $0x0  }
0xda: {  	[sflag:s6] =	ssyncadd.s32 $0xFFFFF000;
	s10 =	sadd.s32 $0xFFFFFC80, s28  }
0xdb: {  	v58 =	vor.u32 s10, v0;
	v36 =	vld.idx.msk [tilespmem:v56+s14+$0x0], $0xffff  }
0xdc: {  	v59 =	vor.u32 s10, v3;
	v37 =	vld.idx.msk [tilespmem:v57+s14+$0x0], $0xffff;
	_ =	sdelay $0x2  }
0xdd: {  	s4 =	spop @!p0 (v2sf)  }
0xde: {  	s4 =	sand.u32 @!p0 $0xFFFFF80, s4;
	[tilespmem:v58+s0+$0x0] =	vst.idx.msk $0xffff, v36  }
0xdf: {  	s10 =	simm.s32 @!p0 $0x8200;
	s4 =	sadd.s32 @!p0 s1, s4;
	[tilespmem:v59+s0+$0x0] =	vst.idx.msk $0xffff, v37  }
0xe0: {  	[tilespmem:s10], [sflag:$0x9] =	stream.strided.gather @!p0 [hbm4b:s4+s29], $0x1000, s30, s29, $0x38;
	[tilespmem:$0x18200] =	vst v63  }
0xe1: {  	_ =	swait.ge [sflag:s7], $0x1000  }
0xe2: {  	(v2sf) =	vpush v34, $0x9;
	_ =	sdelay $0xa  }
0xe3: {  	(v2sf) =	vpush @!p0 v35, $0x9;
	_ =	sdelay $0x3  }
0xe4: {  	s10 =	spop (v2sf)  }
0xe5: {  	s4 =	sand.u32 $0x7F, s10  }
0xe6: {  	v60 =	vor.u32 s4, v20  }
0xe7: {  	v61 =	vor.u32 s4, v21;
	_ =	sdelay $0x1  }
0xe8: {  	[sflag:s7] =	ssyncset.done $0x0  }
0xe9: {  	[sflag:s7] =	ssyncadd.s32 $0xFFFFF000;
	s10 =	sadd.s32 $0xFFFFFD00, s28  }
0xea: {  	v62 =	vor.u32 s10, v0;
	v36 =	vld.idx.msk [tilespmem:v60+s14+$0x0], $0xffff  }
0xeb: {  	v63 =	vor.u32 s10, v3;
	v37 =	vld.idx.msk [tilespmem:v61+s14+$0x0], $0xffff;
	_ =	sdelay $0x2  }
0xec: {  	s4 =	spop @!p0 (v2sf)  }
0xed: {  	s4 =	sand.u32 @!p0 $0xFFFFF80, s4;
	[tilespmem:v62+s0+$0x0] =	vst.idx.msk $0xffff, v36  }
0xee: {  	s10 =	simm.s32 @!p0 $0x9200;
	s4 =	sadd.s32 @!p0 s1, s4;
	[tilespmem:v63+s0+$0x0] =	vst.idx.msk $0xffff, v37  }
0xef: {  	[tilespmem:s10], [sflag:$0xA] =	stream.strided.gather @!p0 [hbm4b:s4+s29], $0x1000, s30, s29, $0x38;
	[tilespmem:$0x18200] =	vst v63  }
0xf0: {  	_ =	swait.ge [sflag:s8], $0x1000  }
0xf1: {  	(v2sf) =	vpush v34, $0xA;
	_ =	sdelay $0xa  }
0xf2: {  	(v2sf) =	vpush @!p0 v35, $0xA;
	_ =	sdelay $0x3  }
0xf3: {  	s10 =	spop (v2sf)  }
0xf4: {  	s4 =	sand.u32 $0x7F, s10  }
0xf5: {  	v40 =	vor.u32 s4, v22  }
0xf6: {  	v41 =	vor.u32 s4, v23;
	_ =	sdelay $0x1  }
0xf7: {  	[sflag:s8] =	ssyncset.done $0x0  }
0xf8: {  	[sflag:s8] =	ssyncadd.s32 $0xFFFFF000;
	s10 =	sadd.s32 $0xFFFFFD80, s28  }
0xf9: {  	v42 =	vor.u32 s10, v0;
	v36 =	vld.idx.msk [tilespmem:v40+s14+$0x0], $0xffff  }
0xfa: {  	v43 =	vor.u32 s10, v3;
	v37 =	vld.idx.msk [tilespmem:v41+s14+$0x0], $0xffff;
	_ =	sdelay $0x2  }
0xfb: {  	s4 =	spop @!p0 (v2sf)  }
0xfc: {  	s4 =	sand.u32 @!p0 $0xFFFFF80, s4;
	[tilespmem:v42+s0+$0x0] =	vst.idx.msk $0xffff, v36  }
0xfd: {  	s10 =	simm.s32 @!p0 $0xA200;
	s4 =	sadd.s32 @!p0 s1, s4;
	[tilespmem:v43+s0+$0x0] =	vst.idx.msk $0xffff, v37  }
0xfe: {  	[tilespmem:s10], [sflag:$0xB] =	stream.strided.gather @!p0 [hbm4b:s4+s29], $0x1000, s30, s29, $0x38;
	[tilespmem:$0x18200] =	vst v63  }
0xff: {  	_ =	swait.ge [sflag:s19], $0x1000  }
0x100: {  	(v2sf) =	vpush v34, $0xB;
	_ =	sdelay $0xa  }
0x101: {  	(v2sf) =	vpush @!p0 v35, $0xB;
	_ =	sdelay $0x3  }
0x102: {  	s10 =	spop (v2sf)  }
0x103: {  	s4 =	sand.u32 $0x7F, s10  }
0x104: {  	v44 =	vor.u32 s4, v24  }
0x105: {  	v45 =	vor.u32 s4, v25;
	_ =	sdelay $0x1  }
0x106: {  	[sflag:s19] =	ssyncset.done $0x0  }
0x107: {  	[sflag:s19] =	ssyncadd.s32 $0xFFFFF000;
	s10 =	sadd.s32 $0xFFFFFE00, s28  }
0x108: {  	v46 =	vor.u32 s10, v0;
	v36 =	vld.idx.msk [tilespmem:v44+s14+$0x0], $0xffff  }
0x109: {  	v47 =	vor.u32 s10, v3;
	v37 =	vld.idx.msk [tilespmem:v45+s14+$0x0], $0xffff;
	_ =	sdelay $0x2  }
0x10a: {  	s4 =	spop @!p0 (v2sf)  }
0x10b: {  	s4 =	sand.u32 @!p0 $0xFFFFF80, s4;
	[tilespmem:v46+s0+$0x0] =	vst.idx.msk $0xffff, v36  }
0x10c: {  	s10 =	simm.s32 @!p0 $0xB200;
	s4 =	sadd.s32 @!p0 s1, s4;
	[tilespmem:v47+s0+$0x0] =	vst.idx.msk $0xffff, v37  }
0x10d: {  	[tilespmem:s10], [sflag:$0xC] =	stream.strided.gather @!p0 [hbm4b:s4+s29], $0x1000, s30, s29, $0x38;
	[tilespmem:$0x18200] =	vst v63  }
0x10e: {  	_ =	swait.ge [sflag:s9], $0x1000  }
0x10f: {  	(v2sf) =	vpush v34, $0xC;
	_ =	sdelay $0xa  }
0x110: {  	(v2sf) =	vpush @!p0 v35, $0xC;
	_ =	sdelay $0x3  }
0x111: {  	s10 =	spop (v2sf)  }
0x112: {  	s4 =	sand.u32 $0x7F, s10  }
0x113: {  	v48 =	vor.u32 s4, v26  }
0x114: {  	v49 =	vor.u32 s4, v27;
	_ =	sdelay $0x1  }
0x115: {  	[sflag:s9] =	ssyncset.done $0x0  }
0x116: {  	[sflag:s9] =	ssyncadd.s32 $0xFFFFF000;
	s10 =	sadd.s32 $0xFFFFFE80, s28  }
0x117: {  	v50 =	vor.u32 s10, v0;
	v36 =	vld.idx.msk [tilespmem:v48+s14+$0x0], $0xffff  }
0x118: {  	v51 =	vor.u32 s10, v3;
	v37 =	vld.idx.msk [tilespmem:v49+s14+$0x0], $0xffff;
	_ =	sdelay $0x2  }
0x119: {  	s4 =	spop @!p0 (v2sf)  }
0x11a: {  	s4 =	sand.u32 @!p0 $0xFFFFF80, s4;
	[tilespmem:v50+s0+$0x0] =	vst.idx.msk $0xffff, v36  }
0x11b: {  	s10 =	simm.s32 @!p0 $0xC200;
	s4 =	sadd.s32 @!p0 s1, s4;
	[tilespmem:v51+s0+$0x0] =	vst.idx.msk $0xffff, v37  }
0x11c: {  	[tilespmem:s10], [sflag:$0xD] =	stream.strided.gather @!p0 [hbm4b:s4+s29], $0x1000, s30, s29, $0x38;
	[tilespmem:$0x18200] =	vst v63  }
0x11d: {  	_ =	swait.ge [sflag:s20], $0x1000  }
0x11e: {  	(v2sf) =	vpush v34, $0xD;
	_ =	sdelay $0xa  }
0x11f: {  	(v2sf) =	vpush @!p0 v35, $0xD;
	_ =	sdelay $0x3  }
0x120: {  	s10 =	spop (v2sf)  }
0x121: {  	s4 =	sand.u32 $0x7F, s10  }
0x122: {  	v52 =	vor.u32 s4, v28  }
0x123: {  	v53 =	vor.u32 s4, v29;
	_ =	sdelay $0x1  }
0x124: {  	[sflag:s20] =	ssyncset.done $0x0  }
0x125: {  	[sflag:s20] =	ssyncadd.s32 $0xFFFFF000;
	s10 =	sadd.s32 $0xFFFFFF00, s28  }
0x126: {  	v54 =	vor.u32 s10, v0;
	v36 =	vld.idx.msk [tilespmem:v52+s14+$0x0], $0xffff  }
0x127: {  	v55 =	vor.u32 s10, v3;
	v37 =	vld.idx.msk [tilespmem:v53+s14+$0x0], $0xffff;
	_ =	sdelay $0x2  }
0x128: {  	s4 =	spop @!p0 (v2sf)  }
0x129: {  	s4 =	sand.u32 @!p0 $0xFFFFF80, s4;
	[tilespmem:v54+s0+$0x0] =	vst.idx.msk $0xffff, v36  }
0x12a: {  	s10 =	simm.s32 @!p0 $0xD200;
	s4 =	sadd.s32 @!p0 s1, s4;
	[tilespmem:v55+s0+$0x0] =	vst.idx.msk $0xffff, v37  }
0x12b: {  	[tilespmem:s10], [sflag:$0xE] =	stream.strided.gather @!p0 [hbm4b:s4+s29], $0x1000, s30, s29, $0x38;
	[tilespmem:$0x18200] =	vst v63  }
0x12c: {  	_ =	swait.ge [sflag:s21], $0x1000  }
0x12d: {  	(v2sf) =	vpush v34, $0xE;
	_ =	sdelay $0xa  }
0x12e: {  	(v2sf) =	vpush @!p0 v35, $0xE;
	_ =	sdelay $0x3  }
0x12f: {  	s10 =	spop (v2sf)  }
0x130: {  	s4 =	sand.u32 $0x7F, s10  }
0x131: {  	v56 =	vor.u32 s4, v30  }
0x132: {  	v57 =	vor.u32 s4, v31;
	_ =	sdelay $0x1  }
0x133: {  	[sflag:s21] =	ssyncset.done $0x0  }
0x134: {  	[sflag:s21] =	ssyncadd.s32 $0xFFFFF000;
	s10 =	sadd.s32 $0xFFFFFF80, s28  }
0x135: {  	v58 =	vor.u32 s10, v0;
	v36 =	vld.idx.msk [tilespmem:v56+s14+$0x0], $0xffff  }
0x136: {  	v59 =	vor.u32 s10, v3;
	v37 =	vld.idx.msk [tilespmem:v57+s14+$0x0], $0xffff;
	_ =	sdelay $0x2  }
0x137: {  	s4 =	spop @!p0 (v2sf)  }
0x138: {  	s4 =	sand.u32 @!p0 $0xFFFFF80, s4;
	[tilespmem:v58+s0+$0x0] =	vst.idx.msk $0xffff, v36  }
0x139: {  	s10 =	simm.s32 @!p0 $0xE200;
	s4 =	sadd.s32 @!p0 s1, s4;
	[tilespmem:v59+s0+$0x0] =	vst.idx.msk $0xffff, v37  }
0x13a: {  	[tilespmem:s10], [sflag:$0xF] =	stream.strided.gather @!p0 [hbm4b:s4+s29], $0x1000, s30, s29, $0x38;
	[tilespmem:$0x18200] =	vst v63  }
0x13b: {  	_ =	swait.ge [sflag:s22], $0x1000  }
0x13c: {  	(v2sf) =	vpush v34, $0xF;
	_ =	sdelay $0xa  }
0x13d: {  	(v2sf) =	vpush @!p0 v35, $0xF;
	_ =	sdelay $0x3  }
0x13e: {  	s10 =	spop (v2sf)  }
0x13f: {  	s4 =	sand.u32 $0x7F, s10  }
0x140: {  	v60 =	vor.u32 s4, v32  }
0x141: {  	v61 =	vor.u32 s4, v33;
	_ =	sdelay $0x1  }
0x142: {  	[sflag:s22] =	ssyncset.done $0x0  }
0x143: {  	[sflag:s22] =	ssyncadd.s32 $0xFFFFF000  }
0x144: {  	s26 =	sadd.s32 @!p0 $0x10, s26;
	v62 =	vor.u32 s28, v0;
	v34 =	vld.idx.msk [tilespmem:v60+s14+$0x0], $0xffff  }
0x145: {  	p1 =	sne.s32 @!p0 s26, $0x8F;
	v63 =	vor.u32 s28, v3;
	v35 =	vld.idx.msk [tilespmem:v61+s14+$0x0], $0xffff  }
0x146: {  	p1 =	por p0, !p1  }
.Ltmp0:
0x147: {  	_ = 	snop;
	(pc) =	sbr.rel @!p1 .LBB2_2-.Ltmp0, $4  }
0x148: {  	s4 =	spop @!p0 (v2sf)  }
0x149: {  	s4 =	sand.u32 @!p0 $0xFFFFF80, s4;
	[tilespmem:v62+s0+$0x0] =	vst.idx.msk $0xffff, v34  }
0x14a: {  	s25 =	sadd.s32 @!p0 $0x10, s25;
	s10 =	simm.s32 @!p0 $0xF200;
	s4 =	sadd.s32 @!p0 s1, s4;
	[tilespmem:v63+s0+$0x0] =	vst.idx.msk $0xffff, v35  }
0x14b: {  	[tilespmem:s10], [sflag:$0x10] =	stream.strided.gather @!p0 [hbm4b:s4+s29], $0x1000, s30, s29, $0x38;
	[tilespmem:$0x18200] =	vst v63  }
0x14c: {  	v34 =	vld [tilespmem:$0x100];
	_ =	sdelay $0x4  }
0x14d: {  	(v2sf) =	vpush v34, $0x0  }
0x14e: {  	(v2sf) =	vpush v34, $0x1;
	_ =	sdelay $0x7  }
0x14f: {  	(v2sf) =	vpush v34, $0x2  }
0x150: {  	(v2sf) =	vpush v34, $0x3;
	_ =	sdelay $0x4  }
0x151: {  	s4 =	spop (v2sf);
	(v2sf) =	vpush v34, $0x4  }
0x152: {  	s30 =	spop (v2sf);
	(v2sf) =	vpush v34, $0x5;
	_ =	sdelay $0x1  }
0x153: {  	s4 =	sand.u32 $0xFFFFF80, s4  }
0x154: {  	s4 =	sadd.s32 s2, s4  }
0x155: {  	[tilespmem:s14], [sflag:$0x1] =	stream.strided.gather [hbm4b:s4+s12], $0x1000, s13, s12, $0x38;
	[tilespmem:$0x18200] =	vst v63  }
0x156: {  	s4 =	sand.u32 $0xFFFFF80, s30  }
0x157: {  	s10 =	simm.s32 $0x1200;
	(v2sf) =	vpush v34, $0x6;
	s4 =	sadd.s32 s2, s4  }
0x158: {  	[tilespmem:s10], [sflag:$0x2] =	stream.strided.gather [hbm4b:s4+s12], $0x1000, s13, s12, $0x38;
	[tilespmem:$0x18200] =	vst v63  }
0x159: {  	s10 =	spop (v2sf)  }
0x15a: {  	s26 =	spop (v2sf);
	(v2sf) =	vpush v34, $0x7;
	_ =	sdelay $0x1  }
0x15b: {  	s4 =	sand.u32 $0xFFFFF80, s10  }
0x15c: {  	s25 =	simm.s32 $0x2200;
	s4 =	sadd.s32 s2, s4  }
0x15d: {  	[tilespmem:s25], [sflag:$0x3] =	stream.strided.gather [hbm4b:s4+s12], $0x1000, s13, s12, $0x38;
	[tilespmem:$0x18200] =	vst v63  }
0x15e: {  	s4 =	sand.u32 $0xFFFFF80, s26;
	s29 =	spop (v2sf);
	(v2sf) =	vpush v34, $0x8  }
0x15f: {  	s28 =	simm.s32 $0x3200;
	s4 =	sadd.s32 s2, s4;
	s10 =	spop (v2sf);
	(v2sf) =	vpush v34, $0x9  }
0x160: {  	[tilespmem:s28], [sflag:$0x4] =	stream.strided.gather [hbm4b:s4+s12], $0x1000, s13, s12, $0x38;
	[tilespmem:$0x18200] =	vst v63  }
0x161: {  	s4 =	sand.u32 $0xFFFFF80, s29  }
0x162: {  	s30 =	simm.s32 $0x4200;
	s4 =	sadd.s32 s2, s4;
	(v2sf) =	vpush v34, $0xA  }
0x163: {  	[tilespmem:s30], [sflag:$0x5] =	stream.strided.gather [hbm4b:s4+s12], $0x1000, s13, s12, $0x38;
	[tilespmem:$0x18200] =	vst v63  }
0x164: {  	s4 =	sand.u32 $0xFFFFF80, s10  }
0x165: {  	s25 =	simm.s32 $0x5200;
	s26 =	spop (v2sf);
	s4 =	sadd.s32 s2, s4  }
0x166: {  	(v2sf) =	vpush v34, $0xB;
	[tilespmem:s25], [sflag:$0x6] =	stream.strided.gather [hbm4b:s4+s12], $0x1000, s13, s12, $0x38;
	[tilespmem:$0x18200] =	vst v63  }
0x167: {  	s4 =	sand.u32 $0xFFFFF80, s26  }
0x168: {  	s28 =	simm.s32 $0x6200;
	s4 =	sadd.s32 s2, s4;
	s29 =	spop (v2sf);
	(v2sf) =	vpush v34, $0xC  }
0x169: {  	[tilespmem:s28], [sflag:$0x7] =	stream.strided.gather [hbm4b:s4+s12], $0x1000, s13, s12, $0x38;
	[tilespmem:$0x18200] =	vst v63  }
0x16a: {  	s4 =	sand.u32 $0xFFFFF80, s29  }
0x16b: {  	s30 =	simm.s32 $0x7200;
	s4 =	sadd.s32 s2, s4  }
0x16c: {  	[tilespmem:s30], [sflag:$0x8] =	stream.strided.gather [hbm4b:s4+s12], $0x1000, s13, s12, $0x38;
	[tilespmem:$0x18200] =	vst v63  }
0x16d: {  	s10 =	spop (v2sf);
	(v2sf) =	vpush v34, $0xD  }
0x16e: {  	s4 =	sand.u32 $0xFFFFF80, s10;
	s26 =	spop (v2sf);
	(v2sf) =	vpush v34, $0xE  }
0x16f: {  	s25 =	simm.s32 $0x8200;
	s4 =	sadd.s32 s2, s4  }
0x170: {  	[tilespmem:s25], [sflag:$0x9] =	stream.strided.gather [hbm4b:s4+s12], $0x1000, s13, s12, $0x38;
	[tilespmem:$0x18200] =	vst v63  }
0x171: {  	s29 =	spop (v2sf);
	(v2sf) =	vpush v34, $0xF;
	s4 =	sand.u32 $0xFFFFF80, s26  }
0x172: {  	s28 =	simm.s32 $0x9200;
	s4 =	sadd.s32 s2, s4  }
0x173: {  	[tilespmem:s28], [sflag:$0xA] =	stream.strided.gather [hbm4b:s4+s12], $0x1000, s13, s12, $0x38;
	[tilespmem:$0x18200] =	vst v63  }
0x174: {  	s4 =	sand.u32 $0xFFFFF80, s29  }
0x175: {  	s30 =	spop (v2sf);
	s25 =	simm.s32 $0xA200;
	s4 =	sadd.s32 s2, s4  }
0x176: {  	[tilespmem:s25], [sflag:$0xB] =	stream.strided.gather [hbm4b:s4+s12], $0x1000, s13, s12, $0x38;
	[tilespmem:$0x18200] =	vst v63  }
0x177: {  	s26 =	spop (v2sf);
	s25 =	sand.u32 $0xFFFFF80, s30  }
0x178: {  	s28 =	simm.s32 $0xB200;
	s29 =	sand.u32 $0xFFFFF80, s26;
	s4 =	sadd.s32 s2, s25  }
0x179: {  	[tilespmem:s28], [sflag:$0xC] =	stream.strided.gather [hbm4b:s4+s12], $0x1000, s13, s12, $0x38;
	[tilespmem:$0x18200] =	vst v63  }
0x17a: {  	s26 =	simm.s32 $0xC200;
	s4 =	sadd.s32 s2, s29  }
0x17b: {  	[tilespmem:s26], [sflag:$0xD] =	stream.strided.gather [hbm4b:s4+s12], $0x1000, s13, s12, $0x38;
	[tilespmem:$0x18200] =	vst v63  }
0x17c: {  	s30 =	spop (v2sf)  }
0x17d: {  	s28 =	sand.u32 $0xFFFFF80, s30;
	s29 =	spop (v2sf)  }
0x17e: {  	s30 =	simm.s32 $0xD200;
	s4 =	sadd.s32 s2, s28;
	s26 =	sand.u32 $0xFFFFF80, s29  }
0x17f: {  	[tilespmem:s30], [sflag:$0xE] =	stream.strided.gather [hbm4b:s4+s12], $0x1000, s13, s12, $0x38;
	[tilespmem:$0x18200] =	vst v63  }
0x180: {  	s28 =	simm.s32 $0xE200;
	s29 =	spop (v2sf);
	s4 =	sadd.s32 s2, s26  }
0x181: {  	[tilespmem:s28], [sflag:$0xF] =	stream.strided.gather [hbm4b:s4+s12], $0x1000, s13, s12, $0x38;
	[tilespmem:$0x18200] =	vst v63  }
0x182: {  	s25 =	simm.s32 $0xF;
	s4 =	sand.u32 $0xFFFFF80, s29  }
0x183: {  	s30 =	simm.s32 $0xF200;
	s26 =	simm.s32 $0x110;
	s4 =	sadd.s32 s2, s4  }
0x184: {  	[tilespmem:s30], [sflag:$0x10] =	stream.strided.gather [hbm4b:s4+s12], $0x1000, s13, s12, $0x38;
	[tilespmem:$0x18200] =	vst v63  }
.LBB2_4:
0x185: {  	v34 =	vld [tilespmem:s26+$0xFFFFFFF0];
	_ =	sdelay $0x3  }
0x186: {  	v35 =	vld [tilespmem:s26+$0x0];
	_ =	swait.ge [sflag:s31], $0x1000  }
0x187: {  	(v2sf) =	vpush v34, $0x0;
	_ =	sdelay $0x9  }
0x188: {  	p0 =	seq.s32 s25, $0x7F  }
0x189: {  	(v2sf) =	vpush @!p0 v35, $0x0;
	_ =	sdelay $0x3  }
0x18a: {  	s4 =	spop (v2sf)  }
0x18b: {  	s4 =	sand.u32 $0x7F, s4  }
0x18c: {  	v36 =	vor.u32 s4, v1  }
0x18d: {  	v37 =	vor.u32 s4, v2;
	_ =	sdelay $0x1  }
0x18e: {  	s28 =	sshll.u32 s25, $0x7;
	[sflag:s31] =	ssyncset.done $0x0  }
0x18f: {  	s30 =	sadd.s32 $0xFFFFF880, s28;
	[sflag:s31] =	ssyncadd.s32 $0xFFFFF000  }
0x190: {  	v38 =	vor.u32 s30, v0;
	v36 =	vld.idx.msk [tilespmem:v36+s14+$0x0], $0xffff  }
0x191: {  	v39 =	vor.u32 s30, v3;
	v37 =	vld.idx.msk [tilespmem:v37+s14+$0x0], $0xffff;
	_ =	sdelay $0x2  }
0x192: {  	s4 =	spop @!p0 (v2sf)  }
0x193: {  	s29 =	simm.s32 @!p0 $0x400;
	s4 =	sand.u32 @!p0 $0xFFFFF80, s4;
	[tilespmem:v38+s23+$0x0] =	vst.idx.msk $0xffff, v36  }
0x194: {  	s10 =	simm.s32 @!p0 $0x200;
	s30 =	simm.s32 @!p0 $0x7A1400;
	s4 =	sadd.s32 @!p0 s2, s4;
	[tilespmem:v39+s23+$0x0] =	vst.idx.msk $0xffff, v37  }
0x195: {  	[tilespmem:s10], [sflag:$0x1] =	stream.strided.gather @!p0 [hbm4b:s4+s29], $0x1000, s30, s29, $0x38;
	[tilespmem:$0x18200] =	vst v63  }
0x196: {  	_ =	swait.ge [sflag:s3], $0x1000  }
0x197: {  	(v2sf) =	vpush v34, $0x1;
	_ =	sdelay $0xa  }
0x198: {  	(v2sf) =	vpush @!p0 v35, $0x1;
	_ =	sdelay $0x3  }
0x199: {  	s10 =	spop (v2sf)  }
0x19a: {  	s4 =	sand.u32 $0x7F, s10  }
0x19b: {  	v52 =	vor.u32 s4, v4  }
0x19c: {  	v53 =	vor.u32 s4, v5;
	_ =	sdelay $0x1  }
0x19d: {  	[sflag:s3] =	ssyncset.done $0x0  }
0x19e: {  	[sflag:s3] =	ssyncadd.s32 $0xFFFFF000;
	s10 =	sadd.s32 $0xFFFFF900, s28  }
0x19f: {  	v54 =	vor.u32 s10, v0;
	v36 =	vld.idx.msk [tilespmem:v52+s14+$0x0], $0xffff  }
0x1a0: {  	v55 =	vor.u32 s10, v3;
	v37 =	vld.idx.msk [tilespmem:v53+s14+$0x0], $0xffff;
	_ =	sdelay $0x2  }
0x1a1: {  	s4 =	spop @!p0 (v2sf)  }
0x1a2: {  	s4 =	sand.u32 @!p0 $0xFFFFF80, s4;
	[tilespmem:v54+s23+$0x0] =	vst.idx.msk $0xffff, v36  }
0x1a3: {  	s10 =	simm.s32 @!p0 $0x1200;
	s4 =	sadd.s32 @!p0 s2, s4;
	[tilespmem:v55+s23+$0x0] =	vst.idx.msk $0xffff, v37  }
0x1a4: {  	[tilespmem:s10], [sflag:$0x2] =	stream.strided.gather @!p0 [hbm4b:s4+s29], $0x1000, s30, s29, $0x38;
	[tilespmem:$0x18200] =	vst v63  }
0x1a5: {  	_ =	swait.ge [sflag:s11], $0x1000  }
0x1a6: {  	(v2sf) =	vpush v34, $0x2;
	_ =	sdelay $0xa  }
0x1a7: {  	(v2sf) =	vpush @!p0 v35, $0x2;
	_ =	sdelay $0x3  }
0x1a8: {  	s10 =	spop (v2sf)  }
0x1a9: {  	s4 =	sand.u32 $0x7F, s10  }
0x1aa: {  	v56 =	vor.u32 s4, v6  }
0x1ab: {  	v57 =	vor.u32 s4, v7;
	_ =	sdelay $0x1  }
0x1ac: {  	[sflag:s11] =	ssyncset.done $0x0  }
0x1ad: {  	[sflag:s11] =	ssyncadd.s32 $0xFFFFF000;
	s10 =	sadd.s32 $0xFFFFF980, s28  }
0x1ae: {  	v58 =	vor.u32 s10, v0;
	v36 =	vld.idx.msk [tilespmem:v56+s14+$0x0], $0xffff  }
0x1af: {  	v59 =	vor.u32 s10, v3;
	v37 =	vld.idx.msk [tilespmem:v57+s14+$0x0], $0xffff;
	_ =	sdelay $0x2  }
0x1b0: {  	s4 =	spop @!p0 (v2sf)  }
0x1b1: {  	s4 =	sand.u32 @!p0 $0xFFFFF80, s4;
	[tilespmem:v58+s23+$0x0] =	vst.idx.msk $0xffff, v36  }
0x1b2: {  	s10 =	simm.s32 @!p0 $0x2200;
	s4 =	sadd.s32 @!p0 s2, s4;
	[tilespmem:v59+s23+$0x0] =	vst.idx.msk $0xffff, v37  }
0x1b3: {  	[tilespmem:s10], [sflag:$0x3] =	stream.strided.gather @!p0 [hbm4b:s4+s29], $0x1000, s30, s29, $0x38;
	[tilespmem:$0x18200] =	vst v63  }
0x1b4: {  	_ =	swait.ge [sflag:s15], $0x1000  }
0x1b5: {  	(v2sf) =	vpush v34, $0x3;
	_ =	sdelay $0xa  }
0x1b6: {  	(v2sf) =	vpush @!p0 v35, $0x3;
	_ =	sdelay $0x3  }
0x1b7: {  	s10 =	spop (v2sf)  }
0x1b8: {  	s4 =	sand.u32 $0x7F, s10  }
0x1b9: {  	v60 =	vor.u32 s4, v8  }
0x1ba: {  	v61 =	vor.u32 s4, v9;
	_ =	sdelay $0x1  }
0x1bb: {  	[sflag:s15] =	ssyncset.done $0x0  }
0x1bc: {  	[sflag:s15] =	ssyncadd.s32 $0xFFFFF000;
	s10 =	sadd.s32 $0xFFFFFA00, s28  }
0x1bd: {  	v62 =	vor.u32 s10, v0;
	v36 =	vld.idx.msk [tilespmem:v60+s14+$0x0], $0xffff  }
0x1be: {  	v63 =	vor.u32 s10, v3;
	v37 =	vld.idx.msk [tilespmem:v61+s14+$0x0], $0xffff;
	_ =	sdelay $0x2  }
0x1bf: {  	s4 =	spop @!p0 (v2sf)  }
0x1c0: {  	s4 =	sand.u32 @!p0 $0xFFFFF80, s4;
	[tilespmem:v62+s23+$0x0] =	vst.idx.msk $0xffff, v36  }
0x1c1: {  	s10 =	simm.s32 @!p0 $0x3200;
	s4 =	sadd.s32 @!p0 s2, s4;
	[tilespmem:v63+s23+$0x0] =	vst.idx.msk $0xffff, v37  }
0x1c2: {  	[tilespmem:s10], [sflag:$0x4] =	stream.strided.gather @!p0 [hbm4b:s4+s29], $0x1000, s30, s29, $0x38;
	[tilespmem:$0x18200] =	vst v63  }
0x1c3: {  	_ =	swait.ge [sflag:s16], $0x1000  }
0x1c4: {  	(v2sf) =	vpush v34, $0x4;
	_ =	sdelay $0xa  }
0x1c5: {  	(v2sf) =	vpush @!p0 v35, $0x4;
	_ =	sdelay $0x3  }
0x1c6: {  	s10 =	spop (v2sf)  }
0x1c7: {  	s4 =	sand.u32 $0x7F, s10  }
0x1c8: {  	v40 =	vor.u32 s4, v10  }
0x1c9: {  	v41 =	vor.u32 s4, v11;
	_ =	sdelay $0x1  }
0x1ca: {  	[sflag:s16] =	ssyncset.done $0x0  }
0x1cb: {  	[sflag:s16] =	ssyncadd.s32 $0xFFFFF000;
	s10 =	sadd.s32 $0xFFFFFA80, s28  }
0x1cc: {  	v42 =	vor.u32 s10, v0;
	v36 =	vld.idx.msk [tilespmem:v40+s14+$0x0], $0xffff  }
0x1cd: {  	v43 =	vor.u32 s10, v3;
	v37 =	vld.idx.msk [tilespmem:v41+s14+$0x0], $0xffff;
	_ =	sdelay $0x2  }
0x1ce: {  	s4 =	spop @!p0 (v2sf)  }
0x1cf: {  	s4 =	sand.u32 @!p0 $0xFFFFF80, s4;
	[tilespmem:v42+s23+$0x0] =	vst.idx.msk $0xffff, v36  }
0x1d0: {  	s10 =	simm.s32 @!p0 $0x4200;
	s4 =	sadd.s32 @!p0 s2, s4;
	[tilespmem:v43+s23+$0x0] =	vst.idx.msk $0xffff, v37  }
0x1d1: {  	[tilespmem:s10], [sflag:$0x5] =	stream.strided.gather @!p0 [hbm4b:s4+s29], $0x1000, s30, s29, $0x38;
	[tilespmem:$0x18200] =	vst v63  }
0x1d2: {  	_ =	swait.ge [sflag:s17], $0x1000  }
0x1d3: {  	(v2sf) =	vpush v34, $0x5;
	_ =	sdelay $0xa  }
0x1d4: {  	(v2sf) =	vpush @!p0 v35, $0x5;
	_ =	sdelay $0x3  }
0x1d5: {  	s10 =	spop (v2sf)  }
0x1d6: {  	s4 =	sand.u32 $0x7F, s10  }
0x1d7: {  	v44 =	vor.u32 s4, v12  }
0x1d8: {  	v45 =	vor.u32 s4, v13;
	_ =	sdelay $0x1  }
0x1d9: {  	[sflag:s17] =	ssyncset.done $0x0  }
0x1da: {  	[sflag:s17] =	ssyncadd.s32 $0xFFFFF000;
	s10 =	sadd.s32 $0xFFFFFB00, s28  }
0x1db: {  	v46 =	vor.u32 s10, v0;
	v36 =	vld.idx.msk [tilespmem:v44+s14+$0x0], $0xffff  }
0x1dc: {  	v47 =	vor.u32 s10, v3;
	v37 =	vld.idx.msk [tilespmem:v45+s14+$0x0], $0xffff;
	_ =	sdelay $0x2  }
0x1dd: {  	s4 =	spop @!p0 (v2sf)  }
0x1de: {  	s4 =	sand.u32 @!p0 $0xFFFFF80, s4;
	[tilespmem:v46+s23+$0x0] =	vst.idx.msk $0xffff, v36  }
0x1df: {  	s10 =	simm.s32 @!p0 $0x5200;
	s4 =	sadd.s32 @!p0 s2, s4;
	[tilespmem:v47+s23+$0x0] =	vst.idx.msk $0xffff, v37  }
0x1e0: {  	[tilespmem:s10], [sflag:$0x6] =	stream.strided.gather @!p0 [hbm4b:s4+s29], $0x1000, s30, s29, $0x38;
	[tilespmem:$0x18200] =	vst v63  }
0x1e1: {  	_ =	swait.ge [sflag:s5], $0x1000  }
0x1e2: {  	(v2sf) =	vpush v34, $0x6;
	_ =	sdelay $0xa  }
0x1e3: {  	(v2sf) =	vpush @!p0 v35, $0x6;
	_ =	sdelay $0x3  }
0x1e4: {  	s10 =	spop (v2sf)  }
0x1e5: {  	s4 =	sand.u32 $0x7F, s10  }
0x1e6: {  	v48 =	vor.u32 s4, v14  }
0x1e7: {  	v49 =	vor.u32 s4, v15;
	_ =	sdelay $0x1  }
0x1e8: {  	[sflag:s5] =	ssyncset.done $0x0  }
0x1e9: {  	[sflag:s5] =	ssyncadd.s32 $0xFFFFF000;
	s10 =	sadd.s32 $0xFFFFFB80, s28  }
0x1ea: {  	v50 =	vor.u32 s10, v0;
	v36 =	vld.idx.msk [tilespmem:v48+s14+$0x0], $0xffff  }
0x1eb: {  	v51 =	vor.u32 s10, v3;
	v37 =	vld.idx.msk [tilespmem:v49+s14+$0x0], $0xffff;
	_ =	sdelay $0x2  }
0x1ec: {  	s4 =	spop @!p0 (v2sf)  }
0x1ed: {  	s4 =	sand.u32 @!p0 $0xFFFFF80, s4;
	[tilespmem:v50+s23+$0x0] =	vst.idx.msk $0xffff, v36  }
0x1ee: {  	s10 =	simm.s32 @!p0 $0x6200;
	s4 =	sadd.s32 @!p0 s2, s4;
	[tilespmem:v51+s23+$0x0] =	vst.idx.msk $0xffff, v37  }
0x1ef: {  	[tilespmem:s10], [sflag:$0x7] =	stream.strided.gather @!p0 [hbm4b:s4+s29], $0x1000, s30, s29, $0x38;
	[tilespmem:$0x18200] =	vst v63  }
0x1f0: {  	_ =	swait.ge [sflag:s18], $0x1000  }
0x1f1: {  	(v2sf) =	vpush v34, $0x7;
	_ =	sdelay $0xa  }
0x1f2: {  	(v2sf) =	vpush @!p0 v35, $0x7;
	_ =	sdelay $0x3  }
0x1f3: {  	s10 =	spop (v2sf)  }
0x1f4: {  	s4 =	sand.u32 $0x7F, s10  }
0x1f5: {  	v52 =	vor.u32 s4, v16  }
0x1f6: {  	v53 =	vor.u32 s4, v17;
	_ =	sdelay $0x1  }
0x1f7: {  	[sflag:s18] =	ssyncset.done $0x0  }
0x1f8: {  	[sflag:s18] =	ssyncadd.s32 $0xFFFFF000;
	s10 =	sadd.s32 $0xFFFFFC00, s28  }
0x1f9: {  	v54 =	vor.u32 s10, v0;
	v36 =	vld.idx.msk [tilespmem:v52+s14+$0x0], $0xffff  }
0x1fa: {  	v55 =	vor.u32 s10, v3;
	v37 =	vld.idx.msk [tilespmem:v53+s14+$0x0], $0xffff;
	_ =	sdelay $0x2  }
0x1fb: {  	s4 =	spop @!p0 (v2sf)  }
0x1fc: {  	s4 =	sand.u32 @!p0 $0xFFFFF80, s4;
	[tilespmem:v54+s23+$0x0] =	vst.idx.msk $0xffff, v36  }
0x1fd: {  	s10 =	simm.s32 @!p0 $0x7200;
	s4 =	sadd.s32 @!p0 s2, s4;
	[tilespmem:v55+s23+$0x0] =	vst.idx.msk $0xffff, v37  }
0x1fe: {  	[tilespmem:s10], [sflag:$0x8] =	stream.strided.gather @!p0 [hbm4b:s4+s29], $0x1000, s30, s29, $0x38;
	[tilespmem:$0x18200] =	vst v63  }
0x1ff: {  	_ =	swait.ge [sflag:s6], $0x1000  }
0x200: {  	(v2sf) =	vpush v34, $0x8;
	_ =	sdelay $0xa  }
0x201: {  	(v2sf) =	vpush @!p0 v35, $0x8;
	_ =	sdelay $0x3  }
0x202: {  	s10 =	spop (v2sf)  }
0x203: {  	s4 =	sand.u32 $0x7F, s10  }
0x204: {  	v56 =	vor.u32 s4, v18  }
0x205: {  	v57 =	vor.u32 s4, v19;
	_ =	sdelay $0x1  }
0x206: {  	[sflag:s6] =	ssyncset.done $0x0  }
0x207: {  	[sflag:s6] =	ssyncadd.s32 $0xFFFFF000;
	s10 =	sadd.s32 $0xFFFFFC80, s28  }
0x208: {  	v58 =	vor.u32 s10, v0;
	v36 =	vld.idx.msk [tilespmem:v56+s14+$0x0], $0xffff  }
0x209: {  	v59 =	vor.u32 s10, v3;
	v37 =	vld.idx.msk [tilespmem:v57+s14+$0x0], $0xffff;
	_ =	sdelay $0x2  }
0x20a: {  	s4 =	spop @!p0 (v2sf)  }
0x20b: {  	s4 =	sand.u32 @!p0 $0xFFFFF80, s4;
	[tilespmem:v58+s23+$0x0] =	vst.idx.msk $0xffff, v36  }
0x20c: {  	s10 =	simm.s32 @!p0 $0x8200;
	s4 =	sadd.s32 @!p0 s2, s4;
	[tilespmem:v59+s23+$0x0] =	vst.idx.msk $0xffff, v37  }
0x20d: {  	[tilespmem:s10], [sflag:$0x9] =	stream.strided.gather @!p0 [hbm4b:s4+s29], $0x1000, s30, s29, $0x38;
	[tilespmem:$0x18200] =	vst v63  }
0x20e: {  	_ =	swait.ge [sflag:s7], $0x1000  }
0x20f: {  	(v2sf) =	vpush v34, $0x9;
	_ =	sdelay $0xa  }
0x210: {  	(v2sf) =	vpush @!p0 v35, $0x9;
	_ =	sdelay $0x3  }
0x211: {  	s10 =	spop (v2sf)  }
0x212: {  	s4 =	sand.u32 $0x7F, s10  }
0x213: {  	v60 =	vor.u32 s4, v20  }
0x214: {  	v61 =	vor.u32 s4, v21;
	_ =	sdelay $0x1  }
0x215: {  	[sflag:s7] =	ssyncset.done $0x0  }
0x216: {  	[sflag:s7] =	ssyncadd.s32 $0xFFFFF000;
	s10 =	sadd.s32 $0xFFFFFD00, s28  }
0x217: {  	v62 =	vor.u32 s10, v0;
	v36 =	vld.idx.msk [tilespmem:v60+s14+$0x0], $0xffff  }
0x218: {  	v63 =	vor.u32 s10, v3;
	v37 =	vld.idx.msk [tilespmem:v61+s14+$0x0], $0xffff;
	_ =	sdelay $0x2  }
0x219: {  	s4 =	spop @!p0 (v2sf)  }
0x21a: {  	s4 =	sand.u32 @!p0 $0xFFFFF80, s4;
	[tilespmem:v62+s23+$0x0] =	vst.idx.msk $0xffff, v36  }
0x21b: {  	s10 =	simm.s32 @!p0 $0x9200;
	s4 =	sadd.s32 @!p0 s2, s4;
	[tilespmem:v63+s23+$0x0] =	vst.idx.msk $0xffff, v37  }
0x21c: {  	[tilespmem:s10], [sflag:$0xA] =	stream.strided.gather @!p0 [hbm4b:s4+s29], $0x1000, s30, s29, $0x38;
	[tilespmem:$0x18200] =	vst v63  }
0x21d: {  	_ =	swait.ge [sflag:s8], $0x1000  }
0x21e: {  	(v2sf) =	vpush v34, $0xA;
	_ =	sdelay $0xa  }
0x21f: {  	(v2sf) =	vpush @!p0 v35, $0xA;
	_ =	sdelay $0x3  }
0x220: {  	s10 =	spop (v2sf)  }
0x221: {  	s4 =	sand.u32 $0x7F, s10  }
0x222: {  	v40 =	vor.u32 s4, v22  }
0x223: {  	v41 =	vor.u32 s4, v23;
	_ =	sdelay $0x1  }
0x224: {  	[sflag:s8] =	ssyncset.done $0x0  }
0x225: {  	[sflag:s8] =	ssyncadd.s32 $0xFFFFF000;
	s10 =	sadd.s32 $0xFFFFFD80, s28  }
0x226: {  	v42 =	vor.u32 s10, v0;
	v36 =	vld.idx.msk [tilespmem:v40+s14+$0x0], $0xffff  }
0x227: {  	v43 =	vor.u32 s10, v3;
	v37 =	vld.idx.msk [tilespmem:v41+s14+$0x0], $0xffff;
	_ =	sdelay $0x2  }
0x228: {  	s4 =	spop @!p0 (v2sf)  }
0x229: {  	s4 =	sand.u32 @!p0 $0xFFFFF80, s4;
	[tilespmem:v42+s23+$0x0] =	vst.idx.msk $0xffff, v36  }
0x22a: {  	s10 =	simm.s32 @!p0 $0xA200;
	s4 =	sadd.s32 @!p0 s2, s4;
	[tilespmem:v43+s23+$0x0] =	vst.idx.msk $0xffff, v37  }
0x22b: {  	[tilespmem:s10], [sflag:$0xB] =	stream.strided.gather @!p0 [hbm4b:s4+s29], $0x1000, s30, s29, $0x38;
	[tilespmem:$0x18200] =	vst v63  }
0x22c: {  	_ =	swait.ge [sflag:s19], $0x1000  }
0x22d: {  	(v2sf) =	vpush v34, $0xB;
	_ =	sdelay $0xa  }
0x22e: {  	(v2sf) =	vpush @!p0 v35, $0xB;
	_ =	sdelay $0x3  }
0x22f: {  	s10 =	spop (v2sf)  }
0x230: {  	s4 =	sand.u32 $0x7F, s10  }
0x231: {  	v44 =	vor.u32 s4, v24  }
0x232: {  	v45 =	vor.u32 s4, v25;
	_ =	sdelay $0x1  }
0x233: {  	[sflag:s19] =	ssyncset.done $0x0  }
0x234: {  	[sflag:s19] =	ssyncadd.s32 $0xFFFFF000;
	s10 =	sadd.s32 $0xFFFFFE00, s28  }
0x235: {  	v46 =	vor.u32 s10, v0;
	v36 =	vld.idx.msk [tilespmem:v44+s14+$0x0], $0xffff  }
0x236: {  	v47 =	vor.u32 s10, v3;
	v37 =	vld.idx.msk [tilespmem:v45+s14+$0x0], $0xffff;
	_ =	sdelay $0x2  }
0x237: {  	s4 =	spop @!p0 (v2sf)  }
0x238: {  	s4 =	sand.u32 @!p0 $0xFFFFF80, s4;
	[tilespmem:v46+s23+$0x0] =	vst.idx.msk $0xffff, v36  }
0x239: {  	s10 =	simm.s32 @!p0 $0xB200;
	s4 =	sadd.s32 @!p0 s2, s4;
	[tilespmem:v47+s23+$0x0] =	vst.idx.msk $0xffff, v37  }
0x23a: {  	[tilespmem:s10], [sflag:$0xC] =	stream.strided.gather @!p0 [hbm4b:s4+s29], $0x1000, s30, s29, $0x38;
	[tilespmem:$0x18200] =	vst v63  }
0x23b: {  	_ =	swait.ge [sflag:s9], $0x1000  }
0x23c: {  	(v2sf) =	vpush v34, $0xC;
	_ =	sdelay $0xa  }
0x23d: {  	(v2sf) =	vpush @!p0 v35, $0xC;
	_ =	sdelay $0x3  }
0x23e: {  	s10 =	spop (v2sf)  }
0x23f: {  	s4 =	sand.u32 $0x7F, s10  }
0x240: {  	v48 =	vor.u32 s4, v26  }
0x241: {  	v49 =	vor.u32 s4, v27;
	_ =	sdelay $0x1  }
0x242: {  	[sflag:s9] =	ssyncset.done $0x0  }
0x243: {  	[sflag:s9] =	ssyncadd.s32 $0xFFFFF000;
	s10 =	sadd.s32 $0xFFFFFE80, s28  }
0x244: {  	v50 =	vor.u32 s10, v0;
	v36 =	vld.idx.msk [tilespmem:v48+s14+$0x0], $0xffff  }
0x245: {  	v51 =	vor.u32 s10, v3;
	v37 =	vld.idx.msk [tilespmem:v49+s14+$0x0], $0xffff;
	_ =	sdelay $0x2  }
0x246: {  	s4 =	spop @!p0 (v2sf)  }
0x247: {  	s4 =	sand.u32 @!p0 $0xFFFFF80, s4;
	[tilespmem:v50+s23+$0x0] =	vst.idx.msk $0xffff, v36  }
0x248: {  	s10 =	simm.s32 @!p0 $0xC200;
	s4 =	sadd.s32 @!p0 s2, s4;
	[tilespmem:v51+s23+$0x0] =	vst.idx.msk $0xffff, v37  }
0x249: {  	[tilespmem:s10], [sflag:$0xD] =	stream.strided.gather @!p0 [hbm4b:s4+s29], $0x1000, s30, s29, $0x38;
	[tilespmem:$0x18200] =	vst v63  }
0x24a: {  	_ =	swait.ge [sflag:s20], $0x1000  }
0x24b: {  	(v2sf) =	vpush v34, $0xD;
	_ =	sdelay $0xa  }
0x24c: {  	(v2sf) =	vpush @!p0 v35, $0xD;
	_ =	sdelay $0x3  }
0x24d: {  	s10 =	spop (v2sf)  }
0x24e: {  	s4 =	sand.u32 $0x7F, s10  }
0x24f: {  	v52 =	vor.u32 s4, v28  }
0x250: {  	v53 =	vor.u32 s4, v29;
	_ =	sdelay $0x1  }
0x251: {  	[sflag:s20] =	ssyncset.done $0x0  }
0x252: {  	[sflag:s20] =	ssyncadd.s32 $0xFFFFF000;
	s10 =	sadd.s32 $0xFFFFFF00, s28  }
0x253: {  	v54 =	vor.u32 s10, v0;
	v36 =	vld.idx.msk [tilespmem:v52+s14+$0x0], $0xffff  }
0x254: {  	v55 =	vor.u32 s10, v3;
	v37 =	vld.idx.msk [tilespmem:v53+s14+$0x0], $0xffff;
	_ =	sdelay $0x2  }
0x255: {  	s4 =	spop @!p0 (v2sf)  }
0x256: {  	s4 =	sand.u32 @!p0 $0xFFFFF80, s4;
	[tilespmem:v54+s23+$0x0] =	vst.idx.msk $0xffff, v36  }
0x257: {  	s10 =	simm.s32 @!p0 $0xD200;
	s4 =	sadd.s32 @!p0 s2, s4;
	[tilespmem:v55+s23+$0x0] =	vst.idx.msk $0xffff, v37  }
0x258: {  	[tilespmem:s10], [sflag:$0xE] =	stream.strided.gather @!p0 [hbm4b:s4+s29], $0x1000, s30, s29, $0x38;
	[tilespmem:$0x18200] =	vst v63  }
0x259: {  	_ =	swait.ge [sflag:s21], $0x1000  }
0x25a: {  	(v2sf) =	vpush v34, $0xE;
	_ =	sdelay $0xa  }
0x25b: {  	(v2sf) =	vpush @!p0 v35, $0xE;
	_ =	sdelay $0x3  }
0x25c: {  	s10 =	spop (v2sf)  }
0x25d: {  	s4 =	sand.u32 $0x7F, s10  }
0x25e: {  	v56 =	vor.u32 s4, v30  }
0x25f: {  	v57 =	vor.u32 s4, v31;
	_ =	sdelay $0x1  }
0x260: {  	[sflag:s21] =	ssyncset.done $0x0  }
0x261: {  	[sflag:s21] =	ssyncadd.s32 $0xFFFFF000;
	s10 =	sadd.s32 $0xFFFFFF80, s28  }
0x262: {  	v58 =	vor.u32 s10, v0;
	v36 =	vld.idx.msk [tilespmem:v56+s14+$0x0], $0xffff  }
0x263: {  	v59 =	vor.u32 s10, v3;
	v37 =	vld.idx.msk [tilespmem:v57+s14+$0x0], $0xffff;
	_ =	sdelay $0x2  }
0x264: {  	s4 =	spop @!p0 (v2sf)  }
0x265: {  	s4 =	sand.u32 @!p0 $0xFFFFF80, s4;
	[tilespmem:v58+s23+$0x0] =	vst.idx.msk $0xffff, v36  }
0x266: {  	s10 =	simm.s32 @!p0 $0xE200;
	s4 =	sadd.s32 @!p0 s2, s4;
	[tilespmem:v59+s23+$0x0] =	vst.idx.msk $0xffff, v37  }
0x267: {  	[tilespmem:s10], [sflag:$0xF] =	stream.strided.gather @!p0 [hbm4b:s4+s29], $0x1000, s30, s29, $0x38;
	[tilespmem:$0x18200] =	vst v63  }
0x268: {  	_ =	swait.ge [sflag:s22], $0x1000  }
0x269: {  	(v2sf) =	vpush v34, $0xF;
	_ =	sdelay $0xa  }
0x26a: {  	(v2sf) =	vpush @!p0 v35, $0xF;
	_ =	sdelay $0x3  }
0x26b: {  	s10 =	spop (v2sf)  }
0x26c: {  	s4 =	sand.u32 $0x7F, s10  }
0x26d: {  	v60 =	vor.u32 s4, v32  }
0x26e: {  	v61 =	vor.u32 s4, v33;
	_ =	sdelay $0x1  }
0x26f: {  	[sflag:s22] =	ssyncset.done $0x0  }
0x270: {  	[sflag:s22] =	ssyncadd.s32 $0xFFFFF000  }
0x271: {  	s25 =	sadd.s32 @!p0 $0x10, s25;
	v62 =	vor.u32 s28, v0;
	v34 =	vld.idx.msk [tilespmem:v60+s14+$0x0], $0xffff  }
0x272: {  	p1 =	sne.s32 @!p0 s25, $0x8F;
	v63 =	vor.u32 s28, v3;
	v35 =	vld.idx.msk [tilespmem:v61+s14+$0x0], $0xffff  }
0x273: {  	p1 =	por p0, !p1  }
.Ltmp1:
0x274: {  	_ = 	snop;
	(pc) =	sbr.rel @!p1 .LBB2_4-.Ltmp1, $4  }
0x275: {  	s4 =	spop @!p0 (v2sf)  }
0x276: {  	s4 =	sand.u32 @!p0 $0xFFFFF80, s4;
	[tilespmem:v62+s23+$0x0] =	vst.idx.msk $0xffff, v34  }
0x277: {  	s26 =	sadd.s32 @!p0 $0x10, s26;
	s10 =	simm.s32 @!p0 $0xF200;
	s4 =	sadd.s32 @!p0 s2, s4;
	[tilespmem:v63+s23+$0x0] =	vst.idx.msk $0xffff, v35  }
0x278: {  	[tilespmem:s10], [sflag:$0x10] =	stream.strided.gather @!p0 [hbm4b:s4+s29], $0x1000, s30, s29, $0x38;
	[tilespmem:$0x18200] =	vst v63  }
0x279: {  	s4 =	simm.s32 $0x0;
	s10 =	rddreg [dreg:$0x9];
	s25 =	simm.s32 $0x11  }
0x27a: {  	[hbm4b:s10+s4] =	stream.linear.scatter [tilespmem:s0], [sflag:$0x11], $0x4000, $0x38;
	[tilespmem:$0x18200] =	vst v63  }
0x27b: {  	_ =	swait.ge [sflag:s25], $0x4000  }
0x27c: {  	[sflag:s25] =	ssyncset.done $0x0  }
0x27d: {  	s29 =	rddreg [dreg:$0xa];
	[sflag:s25] =	ssyncadd.s32 $0xFFFFC000  }
0x27e: {  	[hbm4b:s29+s4] =	stream.linear.scatter [tilespmem:s23], [sflag:$0x11], $0x4000, $0x38;
	[tilespmem:$0x18200] =	vst v63  }
0x27f: {  	_ =	swait.ge [sflag:s25], $0x4000  }
0x280: {  	s24 =	sadd.s32 $0x1, s24;
	s30 =	rddreg [dreg:$0xb]  }
0x281: {  	p0 =	sne.s32 s24, s30  }
.Ltmp2:
0x282: {  	_ = 	snop;
	(pc) =	sbr.rel @p0 .LBB2_1-.Ltmp2, $3  }
0x283: {  	_ =	sdelay $0x1  }
0x284: {  	[sflag:s25] =	ssyncset.done $0x0  }
0x285: {  	[sflag:s25] =	ssyncadd.s32 $0xFFFFC000  }
0x286: {  	_ =	sfence.sel $0x180000  }
0x287: {  	[bflag:$0x0] =	sbarrier.arrive $0xFFFF  }
0x288: {  	_ =	strace $0x90000047  }
0x289: {  	s0 =	stileid.u32;
	[bflag:$0x2] =	sbarrier.arrive $0xFFFF  }
0x28a: {  	p0 =	sne.s32 s0, $0x0;
	s0 =	rddreg [dreg:$0x6]  }
0x28b: {  	s0 =	sadd.s32 @!p0 $0x100000, s0  }
0x28c: {  	[sflag:s0] =	ssyncadd.tile.s32 @!p0 $0x1;
	_ =	shalt  }
.Lfunc_end2:
_tile_overlayer_lowered:
.L_overlay_start_2:
0x28d: {  	(tag) =	ssettag $0x2  }
0x28e: {  	s0 =	rddreg [dreg:$0x0];
	s2 =	stileid.u32  }
0x28f: {  	s1 =	rddreg [dreg:$0x1];
	p0 =	sne.s32 s2, $0x0  }
0x290: {  	s3 =	rddreg [dreg:$0x2];
	[bflag:$0x3] =	sbarrier.arrive $0xFFFF;
	s2 =	simm.s32 @!p0 $0x1C11  }
0x291: {  	[timem:s3], [sflag:s2] =	dma.local @!p0 [hbm:s0], s1  }
0x292: {  	s0 =	simm.s32 @!p0 $0x11  }
0x293: {  	_ =	swait.ge @!p0 [sflag:s0], s1  }
0x294: {  	s1 =	ssub.s32 @!p0 $0x0, s1;
	[sflag:s0] =	ssyncset.done @!p0 $0x0  }
0x295: {  	[sflag:s0] =	ssyncadd.s32 @!p0 s1  }
0x296: {  	[bflag:$0x3] =	sbarrier.arrive $0xFFFF  }
0x297: {  	_ =	shalt  }

</sc_bundles>
